<compile_context>
chip_gen: v7x
topology: tpu7x:2x2x1
jax: 0.10.2.dev20260603
libtpu: 0.0.44.dev20260713+nightly
codegen_flags: <defaults>
</compile_context>

<pallas_src>
import jax
import jax.numpy as jnp
from jax import lax
from jax.experimental import pallas as pl
from jax.experimental.pallas import tpu as pltpu
from jax.experimental.pallas import tpu_sc as plsc

N = 10
E = 30
F = 4
NF = N * F
H = 24
TL = 16384
C1 = E - 16


def _sc_adjacency(ei_hbm, a_hbm, ei_v, dinv_v, a_v):
    i32 = jnp.int32
    f32 = jnp.float32

    @pl.when((lax.axis_index("c") == 0) & (lax.axis_index("s") == 0))
    def _():
        pltpu.sync_copy(ei_hbm, ei_v)
        lanes = lax.iota(i32, 16)
        src0 = ei_v[0, pl.ds(0, 16)]
        dst0 = ei_v[1, pl.ds(0, 16)]
        src1 = ei_v[0, pl.ds(E - 16, 16)]
        dst1 = ei_v[1, pl.ds(E - 16, 16)]
        valid1 = lanes >= (16 - C1)

        ones = jnp.full((16,), 1.0, f32)
        zero = jnp.zeros((16,), f32)
        deg = ones
        for n in range(N):
            c0 = jnp.sum(jnp.where(dst0 == n, ones, zero))
            c1 = jnp.sum(jnp.where((dst1 == n) & valid1, ones, zero))
            deg = deg + jnp.where(lanes == n, c0 + c1, 0.0)
        deg = jnp.where(lanes < N, deg, 1.0)

        y = plsc.bitcast(jnp.int32(0x5F3759DF) - (plsc.bitcast(deg, i32) >> 1),
                         f32)
        for _ in range(3):
            y = y * (1.5 - 0.5 * deg * y * y)
        dinv_v[...] = y

        for m in range(N):
            dm = jnp.sum(jnp.where(lanes == m, y, 0.0))
            row = jnp.where(lanes == m, 1.0, 0.0)
            hit0 = dst0 == m
            hit1 = (dst1 == m) & valid1
            for n in range(N):
                k0 = jnp.sum(jnp.where(hit0 & (src0 == n), ones, zero))
                k1 = jnp.sum(jnp.where(hit1 & (src1 == n), ones, zero))
                row = row + jnp.where(lanes == n, k0 + k1, 0.0)
            a_v[m, :] = row * y * dm
        for m in range(N, 16):
            a_v[m, :] = jnp.zeros((16,), f32)
        pltpu.sync_copy(a_v, a_hbm)


def _fused_kernel(a_ref, w1_ref, w2_ref, w3_ref, b1_ref, b2_ref, b3_ref,
                  wl1_ref, bl1_ref, wl2_ref, bl2_ref, x_ref, out_ref,
                  m1t_ref, m2t_ref, m3t_ref, b123c_ref,
                  wl1t_ref, blc_ref, wl2t_ref):
    f32 = jnp.float32
    cdim = lambda a, b: (((a,), (b,)), ((), ()))
    dg = lambda a, b, c: lax.dot_general(a, b, c, preferred_element_type=f32)
    dot = lambda a, b: jnp.dot(a, b, preferred_element_type=f32)

    @pl.when(pl.program_id(0) == 0)
    def _prep():
        A = a_ref[...]
        mi = lax.broadcasted_iota(jnp.int32, (16, NF), 0)
        ji = lax.broadcasted_iota(jnp.int32, (16, NF), 1)
        Ecol = (ji // F == mi).astype(f32)
        fi = lax.broadcasted_iota(jnp.int32, (F, NF), 0)
        gi = lax.broadcasted_iota(jnp.int32, (F, NF), 1)
        T4 = (gi % F == fi).astype(f32)

        R = dg(Ecol, A, cdim(0, 0))
        w1c = dg(T4, w1_ref[...], cdim(0, 1))
        m1t_ref[...] = R[:, :N] * w1c

        ATeeT = dg(R, Ecol, cdim(1, 0))
        U2 = dg(T4, w2_ref[...], cdim(0, 1))
        m2t_ref[...] = ATeeT * dot(U2, T4)
        U3 = dg(T4, w3_ref[...], cdim(0, 1))
        m3t_ref[...] = ATeeT * dot(U3, T4)

        b123c_ref[:, 0:1] = dg(T4, b1_ref[...], cdim(0, 1))
        b123c_ref[:, 1:2] = dg(T4, b2_ref[...], cdim(0, 1))
        b123c_ref[:, 2:3] = dg(T4, b3_ref[...], cdim(0, 1))

        i40a = lax.broadcasted_iota(jnp.int32, (NF, NF), 0)
        i40b = lax.broadcasted_iota(jnp.int32, (NF, NF), 1)
        I40 = (i40a == i40b).astype(f32)
        wl1t_ref[...] = dg(wl1_ref[...], I40, cdim(0, 0))
        i24a = lax.broadcasted_iota(jnp.int32, (H, H), 0)
        i24b = lax.broadcasted_iota(jnp.int32, (H, H), 1)
        I24 = (i24a == i24b).astype(f32)
        blc_ref[...] = dg(I24, bl1_ref[...], cdim(0, 1))
        wl2t_ref[...] = dg(wl2_ref[...], I24, cdim(0, 0))

    xT = x_ref[:, 0, :]
    h1 = jnp.maximum(dot(m1t_ref[...], xT) + b123c_ref[:, 0:1], 0.0)
    h2 = jnp.maximum(dot(m2t_ref[...], h1) + b123c_ref[:, 1:2], 0.0)
    h3 = jnp.maximum(dot(m3t_ref[...], h2) + b123c_ref[:, 2:3] + h1, 0.0)
    z = jnp.maximum(dot(wl1t_ref[...], h3) + blc_ref[...], 0.0)
    out_ref[...] = dot(wl2t_ref[...], z) + bl2_ref[...]


def kernel(x1, edge_index, W1, b1, W2, b2, W3, b3, Wl1, bl1, Wl2, bl2):
    B = x1.shape[0]
    ei = edge_index.astype(jnp.int32)
    x3 = jnp.transpose(x1, (1, 2, 0))

    f32 = jnp.float32
    mesh = plsc.VectorSubcoreMesh(core_axis_name="c", subcore_axis_name="s")
    A16 = pl.kernel(
        _sc_adjacency,
        mesh=mesh,
        compiler_params=pltpu.CompilerParams(needs_layout_passes=False),
        out_type=jax.ShapeDtypeStruct((16, 16), f32),
        scratch_types=[
            pltpu.VMEM((2, E), jnp.int32),
            pltpu.VMEM((16,), f32),
            pltpu.VMEM((16, 16), f32),
        ],
    )(ei)

    full = lambda shape: pl.BlockSpec(shape, lambda i: tuple(0 for _ in shape))
    outT = pl.pallas_call(
        _fused_kernel,
        grid=(B // TL,),
        in_specs=[
            full((16, 16)), full((1, F)), full((F, F)), full((F, F)),
            full((1, F)), full((1, F)), full((1, F)),
            full((NF, H)), full((1, H)), full((H, 1)), full((1, 1)),
            pl.BlockSpec((N, 1, TL), lambda i: (0, 0, i)),
        ],
        out_specs=pl.BlockSpec((1, TL), lambda i: (0, i)),
        out_shape=jax.ShapeDtypeStruct((1, B), f32),
        scratch_shapes=[
            pltpu.VMEM((NF, N), f32), pltpu.VMEM((NF, NF), f32),
            pltpu.VMEM((NF, NF), f32), pltpu.VMEM((NF, 3), f32),
            pltpu.VMEM((H, NF), f32), pltpu.VMEM((H, 1), f32),
            pltpu.VMEM((1, H), f32),
        ],
    )(A16, W1, W2, W3, b1[None, :], b2[None, :], b3[None, :],
      Wl1, bl1[None, :], Wl2, bl2[None, :], x3)
    return outT.reshape(B, 1)

# --- scband reference (transcript-rebuilt; emitter-appended) ---
"""Pipeline reference for scband-gcn-54889682043437 (READ-ONLY COPY).

The authoritative reference and input builder live on the scoring server;
editing this copy changes nothing except your own understanding.
"""

import jax, jax.numpy as jnp
import numpy as np

B = 65536
N = 10
E = 30

def setup_inputs(seed: int = 0) -> dict:
    key = jax.random.key(seed)
    ks = jax.random.split(key, 12)
    x1 = jax.random.normal(ks[0], (B, N, 1), dtype=jnp.float32)
    edge_index = jax.random.randint(ks[1], (2, E), 0, N, dtype=jnp.int64)
    W1 = jax.random.normal(ks[2], (1, 4), dtype=jnp.float32) * 0.5
    b1 = jnp.zeros((4,), dtype=jnp.float32)
    W2 = jax.random.normal(ks[3], (4, 4), dtype=jnp.float32) * 0.5
    b2 = jnp.zeros((4,), dtype=jnp.float32)
    W3 = jax.random.normal(ks[4], (4, 4), dtype=jnp.float32) * 0.5
    b3 = jnp.zeros((4,), dtype=jnp.float32)
    Wl1 = jax.random.normal(ks[5], (40, 24), dtype=jnp.float32) * (1.0 / np.sqrt(40))
    bl1 = jnp.zeros((24,), dtype=jnp.float32)
    Wl2 = jax.random.normal(ks[6], (24, 1), dtype=jnp.float32) * (1.0 / np.sqrt(24))
    bl2 = jnp.zeros((1,), dtype=jnp.float32)
    return {"x1": x1, "edge_index": edge_index, "W1": W1, "b1": b1, "W2": W2, "b2": b2, "W3": W3, "b3": b3, "Wl1": Wl1, "bl1": bl1, "Wl2": Wl2, "bl2": bl2}

def _gcn_norm(edge_index, num_nodes):
    # PyG GCNConv default: add self-loops, symmetric normalization
    loop = jnp.arange(num_nodes, dtype=edge_index.dtype)
    src = jnp.concatenate([edge_index[0], loop])
    dst = jnp.concatenate([edge_index[1], loop])
    deg = jnp.zeros((num_nodes,), dtype=jnp.float32).at[dst].add(1.0)
    dinv = jnp.where(deg > 0, deg ** -0.5, 0.0)
    norm = dinv[src] * dinv[dst]
    return src, dst, norm

def _gcn_conv(x, src, dst, norm, W, b):
    # x: [B, N, Fin]; node_dim = -2 (PyG MessagePassing default)
    h = x @ W
    msgs = h[:, src, :] * norm[None, :, None]
    out = jnp.zeros_like(h).at[:, dst, :].add(msgs)
    return out + b

def reference(x1, edge_index, W1, b1, W2, b2, W3, b3, Wl1, bl1, Wl2, bl2):
    src, dst, norm = _gcn_norm(edge_index, N)
    h1 = jax.nn.relu(_gcn_conv(x1, src, dst, norm, W1, b1))
    h2 = jax.nn.relu(_gcn_conv(h1, src, dst, norm, W2, b2))
    h3 = jax.nn.relu(_gcn_conv(h2, src, dst, norm, W3, b3) + h1)
    flat = h3.reshape(h3.shape[0], -1)  # [B, 40]
    out = jax.nn.relu(flat @ Wl1 + bl1) @ Wl2 + bl2
    return out

if __name__ == "__main__":
    import jax
    _d = setup_inputs()
    print(jax.jit(kernel)(*tuple(_d.values())))

</pallas_src>

<mosaic_0001>
#map = affine_map<(d0, d1) -> (0, 0)>
module attributes {stable_mosaic.version = 14 : i64} {
  func.func @_sc_adjacency(%arg0: i32, %arg1: i32, %arg2: memref<2x30xi32, #tpu.memory_space<hbm>>, %arg3: memref<16x16xf32, #tpu.memory_space<hbm>>, %arg4: memref<2x30xi32, #tpu.memory_space<vmem>>, %arg5: memref<16xf32, #tpu.memory_space<vmem>>, %arg6: memref<16x16xf32, #tpu.memory_space<vmem>>) attributes {dimension_semantics = [#tpu.dimension_semantics<core_parallel>, #tpu.dimension_semantics<subcore_parallel>], iteration_bounds = array<i64: 2, 16>, scalar_prefetch = 0 : i64, scratch_operands = 3 : i64, tpu.core_type = #tpu.core_type<sc_vector_subcore>, window_params = [{transform_indices = #map}, {transform_indices = #map}]} {
    %eq3A = arith.constant 0 : i32
    %eq3A_0 = arith.cmpi eq, %arg0, %eq3A : i32
    %eq3A_1 = arith.constant 0 : i32
    %eq3A_2 = arith.cmpi eq, %arg1, %eq3A_1 : i32
    %and3A = arith.andi %eq3A_0, %eq3A_2 : i1
    %convert_element_type3A = arith.extui %and3A : i1 to i32
    %cond3A = arith.constant 0 : i32
    %cond3A_3 = arith.cmpi ne, %convert_element_type3A, %cond3A : i32
    scf.if %cond3A_3 {
      "tpu.region"() ({
        %run_scoped3A = tpu.sem_alloc : memref<!tpu.dma_semaphore, #tpu.memory_space<semaphore_mem>>
        tpu.enqueue_dma source(%arg2 : memref<2x30xi32, #tpu.memory_space<hbm>>) target(%arg4 : memref<2x30xi32, #tpu.memory_space<vmem>>) target_semaphore(%run_scoped3A : memref<!tpu.dma_semaphore, #tpu.memory_space<semaphore_mem>>)
        tpu.wait_dma2 semaphore(%run_scoped3A : memref<!tpu.dma_semaphore, #tpu.memory_space<semaphore_mem>>) src(%arg2 : memref<2x30xi32, #tpu.memory_space<hbm>>) dst(%arg4 : memref<2x30xi32, #tpu.memory_space<vmem>>)
        tpu.yield
      }) : () -> ()
      %iota3A = tpu.iota {dimensions = array<i32: 0>} : vector<16xi32>
      %get3A = arith.constant 0 : i32
      %get3A_4 = arith.index_cast %get3A : i32 to index
      %get3A_5 = arith.constant 0 : index
      %get3A_6 = tpu.vector_load %arg4[%get3A_4, %get3A_5] {strides = array<i32>} : memref<2x30xi32, #tpu.memory_space<vmem>>, vector<16xi32>,
      %get3A_7 = arith.constant 1 : i32
      %get3A_8 = arith.index_cast %get3A_7 : i32 to index
      %get3A_9 = arith.constant 0 : index
      %get3A_10 = tpu.vector_load %arg4[%get3A_8, %get3A_9] {strides = array<i32>} : memref<2x30xi32, #tpu.memory_space<vmem>>, vector<16xi32>,
      %get3A_11 = arith.constant 0 : i32
      %get3A_12 = arith.index_cast %get3A_11 : i32 to index
      %get3A_13 = arith.constant 14 : index
      %get3A_14 = tpu.vector_load %arg4[%get3A_12, %get3A_13] {strides = array<i32>} : memref<2x30xi32, #tpu.memory_space<vmem>>, vector<16xi32>,
      %get3A_15 = arith.constant 1 : i32
      %get3A_16 = arith.index_cast %get3A_15 : i32 to index
      %get3A_17 = arith.constant 14 : index
      %get3A_18 = tpu.vector_load %arg4[%get3A_16, %get3A_17] {strides = array<i32>} : memref<2x30xi32, #tpu.memory_space<vmem>>, vector<16xi32>,
      %ge3A = arith.constant 2 : i32
      %ge3A_19 = vector.broadcast %ge3A : i32 to vector<16xi32>
      %ge3A_20 = arith.cmpi sge, %iota3A, %ge3A_19 : vector<16xi32>
      %broadcast_in_dim3A = arith.constant 1.000000e+00 : f32
      %broadcast_in_dim3A_21 = vector.broadcast %broadcast_in_dim3A : f32 to vector<16xf32>
      %broadcast_in_dim3A_22 = arith.constant 0.000000e+00 : f32
      %broadcast_in_dim3A_23 = vector.broadcast %broadcast_in_dim3A_22 : f32 to vector<16xf32>
      %eq3A_24 = arith.constant 0 : i32
      %eq3A_25 = vector.broadcast %eq3A_24 : i32 to vector<16xi32>
      %eq3A_26 = arith.cmpi eq, %get3A_10, %eq3A_25 : vector<16xi32>
      %select_n3A = arith.select %eq3A_26, %broadcast_in_dim3A_21, %broadcast_in_dim3A_23 : vector<16xi1>, vector<16xf32>
      %reduce_sum3A = arith.constant true
      %reduce_sum3A_27 = vector.broadcast %reduce_sum3A : i1 to vector<16xi1>
      %reduce_sum3A_28 = tpu.scan <sum>, %select_n3A masked %reduce_sum3A_27 : vector<16xf32>, vector<16xi1> -> vector<16xf32>
      %reduce_sum3A_29 = vector.extract %reduce_sum3A_28[15] : f32 from vector<16xf32>
      %eq3A_30 = arith.constant 0 : i32
      %eq3A_31 = vector.broadcast %eq3A_30 : i32 to vector<16xi32>
      %eq3A_32 = arith.cmpi eq, %get3A_18, %eq3A_31 : vector<16xi32>
      %and3A_33 = arith.andi %eq3A_32, %ge3A_20 : vector<16xi1>
      %select_n3A_34 = arith.select %and3A_33, %broadcast_in_dim3A_21, %broadcast_in_dim3A_23 : vector<16xi1>, vector<16xf32>
      %reduce_sum3A_35 = arith.constant true
      %reduce_sum3A_36 = vector.broadcast %reduce_sum3A_35 : i1 to vector<16xi1>
      %reduce_sum3A_37 = tpu.scan <sum>, %select_n3A_34 masked %reduce_sum3A_36 : vector<16xf32>, vector<16xi1> -> vector<16xf32>
      %reduce_sum3A_38 = vector.extract %reduce_sum3A_37[15] : f32 from vector<16xf32>
      %eq3A_39 = arith.constant 0 : i32
      %eq3A_40 = vector.broadcast %eq3A_39 : i32 to vector<16xi32>
      %eq3A_41 = arith.cmpi eq, %iota3A, %eq3A_40 : vector<16xi32>
      %add3A = arith.addf %reduce_sum3A_29, %reduce_sum3A_38 : f32
      %jit3A = arith.constant 0.000000e+00 : f32
      %broadcast_in_dim3A_42 = vector.broadcast %add3A : f32 to vector<16xf32>
      %broadcast_in_dim3A_43 = vector.broadcast %jit3A : f32 to vector<16xf32>
      %select_n3A_44 = arith.select %eq3A_41, %broadcast_in_dim3A_42, %broadcast_in_dim3A_43 : vector<16xi1>, vector<16xf32>
      %add3A_45 = arith.addf %broadcast_in_dim3A_21, %select_n3A_44 : vector<16xf32>
      %eq3A_46 = arith.constant 1 : i32
      %eq3A_47 = vector.broadcast %eq3A_46 : i32 to vector<16xi32>
      %eq3A_48 = arith.cmpi eq, %get3A_10, %eq3A_47 : vector<16xi32>
      %select_n3A_49 = arith.select %eq3A_48, %broadcast_in_dim3A_21, %broadcast_in_dim3A_23 : vector<16xi1>, vector<16xf32>
      %reduce_sum3A_50 = arith.constant true
      %reduce_sum3A_51 = vector.broadcast %reduce_sum3A_50 : i1 to vector<16xi1>
      %reduce_sum3A_52 = tpu.scan <sum>, %select_n3A_49 masked %reduce_sum3A_51 : vector<16xf32>, vector<16xi1> -> vector<16xf32>
      %reduce_sum3A_53 = vector.extract %reduce_sum3A_52[15] : f32 from vector<16xf32>
      %eq3A_54 = arith.constant 1 : i32
      %eq3A_55 = vector.broadcast %eq3A_54 : i32 to vector<16xi32>
      %eq3A_56 = arith.cmpi eq, %get3A_18, %eq3A_55 : vector<16xi32>
      %and3A_57 = arith.andi %eq3A_56, %ge3A_20 : vector<16xi1>
      %select_n3A_58 = arith.select %and3A_57, %broadcast_in_dim3A_21, %broadcast_in_dim3A_23 : vector<16xi1>, vector<16xf32>
      %reduce_sum3A_59 = arith.constant true
      %reduce_sum3A_60 = vector.broadcast %reduce_sum3A_59 : i1 to vector<16xi1>
      %reduce_sum3A_61 = tpu.scan <sum>, %select_n3A_58 masked %reduce_sum3A_60 : vector<16xf32>, vector<16xi1> -> vector<16xf32>
      %reduce_sum3A_62 = vector.extract %reduce_sum3A_61[15] : f32 from vector<16xf32>
      %eq3A_63 = arith.constant 1 : i32
      %eq3A_64 = vector.broadcast %eq3A_63 : i32 to vector<16xi32>
      %eq3A_65 = arith.cmpi eq, %iota3A, %eq3A_64 : vector<16xi32>
      %add3A_66 = arith.addf %reduce_sum3A_53, %reduce_sum3A_62 : f32
      %jit3A_67 = arith.constant 0.000000e+00 : f32
      %broadcast_in_dim3A_68 = vector.broadcast %add3A_66 : f32 to vector<16xf32>
      %broadcast_in_dim3A_69 = vector.broadcast %jit3A_67 : f32 to vector<16xf32>
      %select_n3A_70 = arith.select %eq3A_65, %broadcast_in_dim3A_68, %broadcast_in_dim3A_69 : vector<16xi1>, vector<16xf32>
      %add3A_71 = arith.addf %add3A_45, %select_n3A_70 : vector<16xf32>
      %eq3A_72 = arith.constant 2 : i32
      %eq3A_73 = vector.broadcast %eq3A_72 : i32 to vector<16xi32>
      %eq3A_74 = arith.cmpi eq, %get3A_10, %eq3A_73 : vector<16xi32>
      %select_n3A_75 = arith.select %eq3A_74, %broadcast_in_dim3A_21, %broadcast_in_dim3A_23 : vector<16xi1>, vector<16xf32>
      %reduce_sum3A_76 = arith.constant true
      %reduce_sum3A_77 = vector.broadcast %reduce_sum3A_76 : i1 to vector<16xi1>
      %reduce_sum3A_78 = tpu.scan <sum>, %select_n3A_75 masked %reduce_sum3A_77 : vector<16xf32>, vector<16xi1> -> vector<16xf32>
      %reduce_sum3A_79 = vector.extract %reduce_sum3A_78[15] : f32 from vector<16xf32>
      %eq3A_80 = arith.constant 2 : i32
      %eq3A_81 = vector.broadcast %eq3A_80 : i32 to vector<16xi32>
      %eq3A_82 = arith.cmpi eq, %get3A_18, %eq3A_81 : vector<16xi32>
      %and3A_83 = arith.andi %eq3A_82, %ge3A_20 : vector<16xi1>
      %select_n3A_84 = arith.select %and3A_83, %broadcast_in_dim3A_21, %broadcast_in_dim3A_23 : vector<16xi1>, vector<16xf32>
      %reduce_sum3A_85 = arith.constant true
      %reduce_sum3A_86 = vector.broadcast %reduce_sum3A_85 : i1 to vector<16xi1>
      %reduce_sum3A_87 = tpu.scan <sum>, %select_n3A_84 masked %reduce_sum3A_86 : vector<16xf32>, vector<16xi1> -> vector<16xf32>
      %reduce_sum3A_88 = vector.extract %reduce_sum3A_87[15] : f32 from vector<16xf32>
      %eq3A_89 = arith.constant 2 : i32
      %eq3A_90 = vector.broadcast %eq3A_89 : i32 to vector<16xi32>
      %eq3A_91 = arith.cmpi eq, %iota3A, %eq3A_90 : vector<16xi32>
      %add3A_92 = arith.addf %reduce_sum3A_79, %reduce_sum3A_88 : f32
      %jit3A_93 = arith.constant 0.000000e+00 : f32
      %broadcast_in_dim3A_94 = vector.broadcast %add3A_92 : f32 to vector<16xf32>
      %broadcast_in_dim3A_95 = vector.broadcast %jit3A_93 : f32 to vector<16xf32>
      %select_n3A_96 = arith.select %eq3A_91, %broadcast_in_dim3A_94, %broadcast_in_dim3A_95 : vector<16xi1>, vector<16xf32>
      %add3A_97 = arith.addf %add3A_71, %select_n3A_96 : vector<16xf32>
      %eq3A_98 = arith.constant 3 : i32
      %eq3A_99 = vector.broadcast %eq3A_98 : i32 to vector<16xi32>
      %eq3A_100 = arith.cmpi eq, %get3A_10, %eq3A_99 : vector<16xi32>
      %select_n3A_101 = arith.select %eq3A_100, %broadcast_in_dim3A_21, %broadcast_in_dim3A_23 : vector<16xi1>, vector<16xf32>
      %reduce_sum3A_102 = arith.constant true
      %reduce_sum3A_103 = vector.broadcast %reduce_sum3A_102 : i1 to vector<16xi1>
      %reduce_sum3A_104 = tpu.scan <sum>, %select_n3A_101 masked %reduce_sum3A_103 : vector<16xf32>, vector<16xi1> -> vector<16xf32>
      %reduce_sum3A_105 = vector.extract %reduce_sum3A_104[15] : f32 from vector<16xf32>
      %eq3A_106 = arith.constant 3 : i32
      %eq3A_107 = vector.broadcast %eq3A_106 : i32 to vector<16xi32>
      %eq3A_108 = arith.cmpi eq, %get3A_18, %eq3A_107 : vector<16xi32>
      %and3A_109 = arith.andi %eq3A_108, %ge3A_20 : vector<16xi1>
      %select_n3A_110 = arith.select %and3A_109, %broadcast_in_dim3A_21, %broadcast_in_dim3A_23 : vector<16xi1>, vector<16xf32>
      %reduce_sum3A_111 = arith.constant true
      %reduce_sum3A_112 = vector.broadcast %reduce_sum3A_111 : i1 to vector<16xi1>
      %reduce_sum3A_113 = tpu.scan <sum>, %select_n3A_110 masked %reduce_sum3A_112 : vector<16xf32>, vector<16xi1> -> vector<16xf32>
      %reduce_sum3A_114 = vector.extract %reduce_sum3A_113[15] : f32 from vector<16xf32>
      %eq3A_115 = arith.constant 3 : i32
      %eq3A_116 = vector.broadcast %eq3A_115 : i32 to vector<16xi32>
      %eq3A_117 = arith.cmpi eq, %iota3A, %eq3A_116 : vector<16xi32>
      %add3A_118 = arith.addf %reduce_sum3A_105, %reduce_sum3A_114 : f32
      %jit3A_119 = arith.constant 0.000000e+00 : f32
      %broadcast_in_dim3A_120 = vector.broadcast %add3A_118 : f32 to vector<16xf32>
      %broadcast_in_dim3A_121 = vector.broadcast %jit3A_119 : f32 to vector<16xf32>
      %select_n3A_122 = arith.select %eq3A_117, %broadcast_in_dim3A_120, %broadcast_in_dim3A_121 : vector<16xi1>, vector<16xf32>
      %add3A_123 = arith.addf %add3A_97, %select_n3A_122 : vector<16xf32>
      %eq3A_124 = arith.constant 4 : i32
      %eq3A_125 = vector.broadcast %eq3A_124 : i32 to vector<16xi32>
      %eq3A_126 = arith.cmpi eq, %get3A_10, %eq3A_125 : vector<16xi32>
      %select_n3A_127 = arith.select %eq3A_126, %broadcast_in_dim3A_21, %broadcast_in_dim3A_23 : vector<16xi1>, vector<16xf32>
      %reduce_sum3A_128 = arith.constant true
      %reduce_sum3A_129 = vector.broadcast %reduce_sum3A_128 : i1 to vector<16xi1>
      %reduce_sum3A_130 = tpu.scan <sum>, %select_n3A_127 masked %reduce_sum3A_129 : vector<16xf32>, vector<16xi1> -> vector<16xf32>
      %reduce_sum3A_131 = vector.extract %reduce_sum3A_130[15] : f32 from vector<16xf32>
      %eq3A_132 = arith.constant 4 : i32
      %eq3A_133 = vector.broadcast %eq3A_132 : i32 to vector<16xi32>
      %eq3A_134 = arith.cmpi eq, %get3A_18, %eq3A_133 : vector<16xi32>
      %and3A_135 = arith.andi %eq3A_134, %ge3A_20 : vector<16xi1>
      %select_n3A_136 = arith.select %and3A_135, %broadcast_in_dim3A_21, %broadcast_in_dim3A_23 : vector<16xi1>, vector<16xf32>
      %reduce_sum3A_137 = arith.constant true
      %reduce_sum3A_138 = vector.broadcast %reduce_sum3A_137 : i1 to vector<16xi1>
      %reduce_sum3A_139 = tpu.scan <sum>, %select_n3A_136 masked %reduce_sum3A_138 : vector<16xf32>, vector<16xi1> -> vector<16xf32>
      %reduce_sum3A_140 = vector.extract %reduce_sum3A_139[15] : f32 from vector<16xf32>
      %eq3A_141 = arith.constant 4 : i32
      %eq3A_142 = vector.broadcast %eq3A_141 : i32 to vector<16xi32>
      %eq3A_143 = arith.cmpi eq, %iota3A, %eq3A_142 : vector<16xi32>
      %add3A_144 = arith.addf %reduce_sum3A_131, %reduce_sum3A_140 : f32
      %jit3A_145 = arith.constant 0.000000e+00 : f32
      %broadcast_in_dim3A_146 = vector.broadcast %add3A_144 : f32 to vector<16xf32>
      %broadcast_in_dim3A_147 = vector.broadcast %jit3A_145 : f32 to vector<16xf32>
      %select_n3A_148 = arith.select %eq3A_143, %broadcast_in_dim3A_146, %broadcast_in_dim3A_147 : vector<16xi1>, vector<16xf32>
      %add3A_149 = arith.addf %add3A_123, %select_n3A_148 : vector<16xf32>
      %eq3A_150 = arith.constant 5 : i32
      %eq3A_151 = vector.broadcast %eq3A_150 : i32 to vector<16xi32>
      %eq3A_152 = arith.cmpi eq, %get3A_10, %eq3A_151 : vector<16xi32>
      %select_n3A_153 = arith.select %eq3A_152, %broadcast_in_dim3A_21, %broadcast_in_dim3A_23 : vector<16xi1>, vector<16xf32>
      %reduce_sum3A_154 = arith.constant true
      %reduce_sum3A_155 = vector.broadcast %reduce_sum3A_154 : i1 to vector<16xi1>
      %reduce_sum3A_156 = tpu.scan <sum>, %select_n3A_153 masked %reduce_sum3A_155 : vector<16xf32>, vector<16xi1> -> vector<16xf32>
      %reduce_sum3A_157 = vector.extract %reduce_sum3A_156[15] : f32 from vector<16xf32>
      %eq3A_158 = arith.constant 5 : i32
      %eq3A_159 = vector.broadcast %eq3A_158 : i32 to vector<16xi32>
      %eq3A_160 = arith.cmpi eq, %get3A_18, %eq3A_159 : vector<16xi32>
      %and3A_161 = arith.andi %eq3A_160, %ge3A_20 : vector<16xi1>
      %select_n3A_162 = arith.select %and3A_161, %broadcast_in_dim3A_21, %broadcast_in_dim3A_23 : vector<16xi1>, vector<16xf32>
      %reduce_sum3A_163 = arith.constant true
      %reduce_sum3A_164 = vector.broadcast %reduce_sum3A_163 : i1 to vector<16xi1>
      %reduce_sum3A_165 = tpu.scan <sum>, %select_n3A_162 masked %reduce_sum3A_164 : vector<16xf32>, vector<16xi1> -> vector<16xf32>
      %reduce_sum3A_166 = vector.extract %reduce_sum3A_165[15] : f32 from vector<16xf32>
      %eq3A_167 = arith.constant 5 : i32
      %eq3A_168 = vector.broadcast %eq3A_167 : i32 to vector<16xi32>
      %eq3A_169 = arith.cmpi eq, %iota3A, %eq3A_168 : vector<16xi32>
      %add3A_170 = arith.addf %reduce_sum3A_157, %reduce_sum3A_166 : f32
      %jit3A_171 = arith.constant 0.000000e+00 : f32
      %broadcast_in_dim3A_172 = vector.broadcast %add3A_170 : f32 to vector<16xf32>
      %broadcast_in_dim3A_173 = vector.broadcast %jit3A_171 : f32 to vector<16xf32>
      %select_n3A_174 = arith.select %eq3A_169, %broadcast_in_dim3A_172, %broadcast_in_dim3A_173 : vector<16xi1>, vector<16xf32>
      %add3A_175 = arith.addf %add3A_149, %select_n3A_174 : vector<16xf32>
      %eq3A_176 = arith.constant 6 : i32
      %eq3A_177 = vector.broadcast %eq3A_176 : i32 to vector<16xi32>
      %eq3A_178 = arith.cmpi eq, %get3A_10, %eq3A_177 : vector<16xi32>
      %select_n3A_179 = arith.select %eq3A_178, %broadcast_in_dim3A_21, %broadcast_in_dim3A_23 : vector<16xi1>, vector<16xf32>
      %reduce_sum3A_180 = arith.constant true
      %reduce_sum3A_181 = vector.broadcast %reduce_sum3A_180 : i1 to vector<16xi1>
      %reduce_sum3A_182 = tpu.scan <sum>, %select_n3A_179 masked %reduce_sum3A_181 : vector<16xf32>, vector<16xi1> -> vector<16xf32>
      %reduce_sum3A_183 = vector.extract %reduce_sum3A_182[15] : f32 from vector<16xf32>
      %eq3A_184 = arith.constant 6 : i32
      %eq3A_185 = vector.broadcast %eq3A_184 : i32 to vector<16xi32>
      %eq3A_186 = arith.cmpi eq, %get3A_18, %eq3A_185 : vector<16xi32>
      %and3A_187 = arith.andi %eq3A_186, %ge3A_20 : vector<16xi1>
      %select_n3A_188 = arith.select %and3A_187, %broadcast_in_dim3A_21, %broadcast_in_dim3A_23 : vector<16xi1>, vector<16xf32>
      %reduce_sum3A_189 = arith.constant true
      %reduce_sum3A_190 = vector.broadcast %reduce_sum3A_189 : i1 to vector<16xi1>
      %reduce_sum3A_191 = tpu.scan <sum>, %select_n3A_188 masked %reduce_sum3A_190 : vector<16xf32>, vector<16xi1> -> vector<16xf32>
      %reduce_sum3A_192 = vector.extract %reduce_sum3A_191[15] : f32 from vector<16xf32>
      %eq3A_193 = arith.constant 6 : i32
      %eq3A_194 = vector.broadcast %eq3A_193 : i32 to vector<16xi32>
      %eq3A_195 = arith.cmpi eq, %iota3A, %eq3A_194 : vector<16xi32>
      %add3A_196 = arith.addf %reduce_sum3A_183, %reduce_sum3A_192 : f32
      %jit3A_197 = arith.constant 0.000000e+00 : f32
      %broadcast_in_dim3A_198 = vector.broadcast %add3A_196 : f32 to vector<16xf32>
      %broadcast_in_dim3A_199 = vector.broadcast %jit3A_197 : f32 to vector<16xf32>
      %select_n3A_200 = arith.select %eq3A_195, %broadcast_in_dim3A_198, %broadcast_in_dim3A_199 : vector<16xi1>, vector<16xf32>
      %add3A_201 = arith.addf %add3A_175, %select_n3A_200 : vector<16xf32>
      %eq3A_202 = arith.constant 7 : i32
      %eq3A_203 = vector.broadcast %eq3A_202 : i32 to vector<16xi32>
      %eq3A_204 = arith.cmpi eq, %get3A_10, %eq3A_203 : vector<16xi32>
      %select_n3A_205 = arith.select %eq3A_204, %broadcast_in_dim3A_21, %broadcast_in_dim3A_23 : vector<16xi1>, vector<16xf32>
      %reduce_sum3A_206 = arith.constant true
      %reduce_sum3A_207 = vector.broadcast %reduce_sum3A_206 : i1 to vector<16xi1>
      %reduce_sum3A_208 = tpu.scan <sum>, %select_n3A_205 masked %reduce_sum3A_207 : vector<16xf32>, vector<16xi1> -> vector<16xf32>
      %reduce_sum3A_209 = vector.extract %reduce_sum3A_208[15] : f32 from vector<16xf32>
      %eq3A_210 = arith.constant 7 : i32
      %eq3A_211 = vector.broadcast %eq3A_210 : i32 to vector<16xi32>
      %eq3A_212 = arith.cmpi eq, %get3A_18, %eq3A_211 : vector<16xi32>
      %and3A_213 = arith.andi %eq3A_212, %ge3A_20 : vector<16xi1>
      %select_n3A_214 = arith.select %and3A_213, %broadcast_in_dim3A_21, %broadcast_in_dim3A_23 : vector<16xi1>, vector<16xf32>
      %reduce_sum3A_215 = arith.constant true
      %reduce_sum3A_216 = vector.broadcast %reduce_sum3A_215 : i1 to vector<16xi1>
      %reduce_sum3A_217 = tpu.scan <sum>, %select_n3A_214 masked %reduce_sum3A_216 : vector<16xf32>, vector<16xi1> -> vector<16xf32>
      %reduce_sum3A_218 = vector.extract %reduce_sum3A_217[15] : f32 from vector<16xf32>
      %eq3A_219 = arith.constant 7 : i32
      %eq3A_220 = vector.broadcast %eq3A_219 : i32 to vector<16xi32>
      %eq3A_221 = arith.cmpi eq, %iota3A, %eq3A_220 : vector<16xi32>
      %add3A_222 = arith.addf %reduce_sum3A_209, %reduce_sum3A_218 : f32
      %jit3A_223 = arith.constant 0.000000e+00 : f32
      %broadcast_in_dim3A_224 = vector.broadcast %add3A_222 : f32 to vector<16xf32>
      %broadcast_in_dim3A_225 = vector.broadcast %jit3A_223 : f32 to vector<16xf32>
      %select_n3A_226 = arith.select %eq3A_221, %broadcast_in_dim3A_224, %broadcast_in_dim3A_225 : vector<16xi1>, vector<16xf32>
      %add3A_227 = arith.addf %add3A_201, %select_n3A_226 : vector<16xf32>
      %eq3A_228 = arith.constant 8 : i32
      %eq3A_229 = vector.broadcast %eq3A_228 : i32 to vector<16xi32>
      %eq3A_230 = arith.cmpi eq, %get3A_10, %eq3A_229 : vector<16xi32>
      %select_n3A_231 = arith.select %eq3A_230, %broadcast_in_dim3A_21, %broadcast_in_dim3A_23 : vector<16xi1>, vector<16xf32>
      %reduce_sum3A_232 = arith.constant true
      %reduce_sum3A_233 = vector.broadcast %reduce_sum3A_232 : i1 to vector<16xi1>
      %reduce_sum3A_234 = tpu.scan <sum>, %select_n3A_231 masked %reduce_sum3A_233 : vector<16xf32>, vector<16xi1> -> vector<16xf32>
      %reduce_sum3A_235 = vector.extract %reduce_sum3A_234[15] : f32 from vector<16xf32>
      %eq3A_236 = arith.constant 8 : i32
      %eq3A_237 = vector.broadcast %eq3A_236 : i32 to vector<16xi32>
      %eq3A_238 = arith.cmpi eq, %get3A_18, %eq3A_237 : vector<16xi32>
      %and3A_239 = arith.andi %eq3A_238, %ge3A_20 : vector<16xi1>
      %select_n3A_240 = arith.select %and3A_239, %broadcast_in_dim3A_21, %broadcast_in_dim3A_23 : vector<16xi1>, vector<16xf32>
      %reduce_sum3A_241 = arith.constant true
      %reduce_sum3A_242 = vector.broadcast %reduce_sum3A_241 : i1 to vector<16xi1>
      %reduce_sum3A_243 = tpu.scan <sum>, %select_n3A_240 masked %reduce_sum3A_242 : vector<16xf32>, vector<16xi1> -> vector<16xf32>
      %reduce_sum3A_244 = vector.extract %reduce_sum3A_243[15] : f32 from vector<16xf32>
      %eq3A_245 = arith.constant 8 : i32
      %eq3A_246 = vector.broadcast %eq3A_245 : i32 to vector<16xi32>
      %eq3A_247 = arith.cmpi eq, %iota3A, %eq3A_246 : vector<16xi32>
      %add3A_248 = arith.addf %reduce_sum3A_235, %reduce_sum3A_244 : f32
      %jit3A_249 = arith.constant 0.000000e+00 : f32
      %broadcast_in_dim3A_250 = vector.broadcast %add3A_248 : f32 to vector<16xf32>
      %broadcast_in_dim3A_251 = vector.broadcast %jit3A_249 : f32 to vector<16xf32>
      %select_n3A_252 = arith.select %eq3A_247, %broadcast_in_dim3A_250, %broadcast_in_dim3A_251 : vector<16xi1>, vector<16xf32>
      %add3A_253 = arith.addf %add3A_227, %select_n3A_252 : vector<16xf32>
      %eq3A_254 = arith.constant 9 : i32
      %eq3A_255 = vector.broadcast %eq3A_254 : i32 to vector<16xi32>
      %eq3A_256 = arith.cmpi eq, %get3A_10, %eq3A_255 : vector<16xi32>
      %select_n3A_257 = arith.select %eq3A_256, %broadcast_in_dim3A_21, %broadcast_in_dim3A_23 : vector<16xi1>, vector<16xf32>
      %reduce_sum3A_258 = arith.constant true
      %reduce_sum3A_259 = vector.broadcast %reduce_sum3A_258 : i1 to vector<16xi1>
      %reduce_sum3A_260 = tpu.scan <sum>, %select_n3A_257 masked %reduce_sum3A_259 : vector<16xf32>, vector<16xi1> -> vector<16xf32>
      %reduce_sum3A_261 = vector.extract %reduce_sum3A_260[15] : f32 from vector<16xf32>
      %eq3A_262 = arith.constant 9 : i32
      %eq3A_263 = vector.broadcast %eq3A_262 : i32 to vector<16xi32>
      %eq3A_264 = arith.cmpi eq, %get3A_18, %eq3A_263 : vector<16xi32>
      %and3A_265 = arith.andi %eq3A_264, %ge3A_20 : vector<16xi1>
      %select_n3A_266 = arith.select %and3A_265, %broadcast_in_dim3A_21, %broadcast_in_dim3A_23 : vector<16xi1>, vector<16xf32>
      %reduce_sum3A_267 = arith.constant true
      %reduce_sum3A_268 = vector.broadcast %reduce_sum3A_267 : i1 to vector<16xi1>
      %reduce_sum3A_269 = tpu.scan <sum>, %select_n3A_266 masked %reduce_sum3A_268 : vector<16xf32>, vector<16xi1> -> vector<16xf32>
      %reduce_sum3A_270 = vector.extract %reduce_sum3A_269[15] : f32 from vector<16xf32>
      %eq3A_271 = arith.constant 9 : i32
      %eq3A_272 = vector.broadcast %eq3A_271 : i32 to vector<16xi32>
      %eq3A_273 = arith.cmpi eq, %iota3A, %eq3A_272 : vector<16xi32>
      %add3A_274 = arith.addf %reduce_sum3A_261, %reduce_sum3A_270 : f32
      %jit3A_275 = arith.constant 0.000000e+00 : f32
      %broadcast_in_dim3A_276 = vector.broadcast %add3A_274 : f32 to vector<16xf32>
      %broadcast_in_dim3A_277 = vector.broadcast %jit3A_275 : f32 to vector<16xf32>
      %select_n3A_278 = arith.select %eq3A_273, %broadcast_in_dim3A_276, %broadcast_in_dim3A_277 : vector<16xi1>, vector<16xf32>
      %add3A_279 = arith.addf %add3A_253, %select_n3A_278 : vector<16xf32>
      %lt3A = arith.constant 10 : i32
      %lt3A_280 = vector.broadcast %lt3A : i32 to vector<16xi32>
      %lt3A_281 = arith.cmpi slt, %iota3A, %lt3A_280 : vector<16xi32>
      %jit3A_282 = arith.constant 1.000000e+00 : f32
      %broadcast_in_dim3A_283 = vector.broadcast %jit3A_282 : f32 to vector<16xf32>
      %select_n3A_284 = arith.select %lt3A_281, %add3A_279, %broadcast_in_dim3A_283 : vector<16xi1>, vector<16xf32>
      %bitcast3A = vector.bitcast %select_n3A_284 : vector<16xf32> to vector<16xi32>
      %shift_right_arithmetic3A = arith.constant 1 : i32
      %shift_right_arithmetic3A_285 = vector.broadcast %shift_right_arithmetic3A : i32 to vector<16xi32>
      %shift_right_arithmetic3A_286 = arith.shrsi %bitcast3A, %shift_right_arithmetic3A_285 : vector<16xi32>
      %sub3A = arith.constant 1597463007 : i32
      %sub3A_287 = vector.broadcast %sub3A : i32 to vector<16xi32>
      %sub3A_288 = arith.subi %sub3A_287, %shift_right_arithmetic3A_286 : vector<16xi32>
      %bitcast3A_289 = vector.bitcast %sub3A_288 : vector<16xi32> to vector<16xf32>
      %mul3A = arith.constant 5.000000e-01 : f32
      %mul3A_290 = vector.broadcast %mul3A : f32 to vector<16xf32>
      %mul3A_291 = arith.mulf %mul3A_290, %select_n3A_284 : vector<16xf32>
      %mul3A_292 = arith.mulf %mul3A_291, %bitcast3A_289 : vector<16xf32>
      %mul3A_293 = arith.mulf %mul3A_292, %bitcast3A_289 : vector<16xf32>
      %sub3A_294 = arith.constant 1.500000e+00 : f32
      %sub3A_295 = vector.broadcast %sub3A_294 : f32 to vector<16xf32>
      %sub3A_296 = arith.subf %sub3A_295, %mul3A_293 : vector<16xf32>
      %mul3A_297 = arith.mulf %bitcast3A_289, %sub3A_296 : vector<16xf32>
      %mul3A_298 = arith.constant 5.000000e-01 : f32
      %mul3A_299 = vector.broadcast %mul3A_298 : f32 to vector<16xf32>
      %mul3A_300 = arith.mulf %mul3A_299, %select_n3A_284 : vector<16xf32>
      %mul3A_301 = arith.mulf %mul3A_300, %mul3A_297 : vector<16xf32>
      %mul3A_302 = arith.mulf %mul3A_301, %mul3A_297 : vector<16xf32>
      %sub3A_303 = arith.constant 1.500000e+00 : f32
      %sub3A_304 = vector.broadcast %sub3A_303 : f32 to vector<16xf32>
      %sub3A_305 = arith.subf %sub3A_304, %mul3A_302 : vector<16xf32>
      %mul3A_306 = arith.mulf %mul3A_297, %sub3A_305 : vector<16xf32>
      %mul3A_307 = arith.constant 5.000000e-01 : f32
      %mul3A_308 = vector.broadcast %mul3A_307 : f32 to vector<16xf32>
      %mul3A_309 = arith.mulf %mul3A_308, %select_n3A_284 : vector<16xf32>
      %mul3A_310 = arith.mulf %mul3A_309, %mul3A_306 : vector<16xf32>
      %mul3A_311 = arith.mulf %mul3A_310, %mul3A_306 : vector<16xf32>
      %sub3A_312 = arith.constant 1.500000e+00 : f32
      %sub3A_313 = vector.broadcast %sub3A_312 : f32 to vector<16xf32>
      %sub3A_314 = arith.subf %sub3A_313, %mul3A_311 : vector<16xf32>
      %mul3A_315 = arith.mulf %mul3A_306, %sub3A_314 : vector<16xf32>
      %swap3A = arith.constant 0 : index
      %swap3A_316 = tpu.vector_load %arg5[%swap3A] {strides = array<i32>} : memref<16xf32, #tpu.memory_space<vmem>>, vector<16xf32>,
      tpu.vector_store %arg5[%swap3A], %mul3A_315 {strides = array<i32>} : memref<16xf32, #tpu.memory_space<vmem>>, vector<16xf32>,
      %eq3A_317 = arith.constant 0 : i32
      %eq3A_318 = vector.broadcast %eq3A_317 : i32 to vector<16xi32>
      %eq3A_319 = arith.cmpi eq, %iota3A, %eq3A_318 : vector<16xi32>
      %jit3A_320 = arith.constant 0.000000e+00 : f32
      %broadcast_in_dim3A_321 = vector.broadcast %jit3A_320 : f32 to vector<16xf32>
      %select_n3A_322 = arith.select %eq3A_319, %mul3A_315, %broadcast_in_dim3A_321 : vector<16xi1>, vector<16xf32>
      %reduce_sum3A_323 = arith.constant true
      %reduce_sum3A_324 = vector.broadcast %reduce_sum3A_323 : i1 to vector<16xi1>
      %reduce_sum3A_325 = tpu.scan <sum>, %select_n3A_322 masked %reduce_sum3A_324 : vector<16xf32>, vector<16xi1> -> vector<16xf32>
      %reduce_sum3A_326 = vector.extract %reduce_sum3A_325[15] : f32 from vector<16xf32>
      %eq3A_327 = arith.constant 0 : i32
      %eq3A_328 = vector.broadcast %eq3A_327 : i32 to vector<16xi32>
      %eq3A_329 = arith.cmpi eq, %iota3A, %eq3A_328 : vector<16xi32>
      %jit3A_330 = arith.constant 1.000000e+00 : f32
      %jit3A_331 = arith.constant 0.000000e+00 : f32
      %broadcast_in_dim3A_332 = vector.broadcast %jit3A_330 : f32 to vector<16xf32>
      %broadcast_in_dim3A_333 = vector.broadcast %jit3A_331 : f32 to vector<16xf32>
      %select_n3A_334 = arith.select %eq3A_329, %broadcast_in_dim3A_332, %broadcast_in_dim3A_333 : vector<16xi1>, vector<16xf32>
      %eq3A_335 = arith.constant 0 : i32
      %eq3A_336 = vector.broadcast %eq3A_335 : i32 to vector<16xi32>
      %eq3A_337 = arith.cmpi eq, %get3A_10, %eq3A_336 : vector<16xi32>
      %eq3A_338 = arith.constant 0 : i32
      %eq3A_339 = vector.broadcast %eq3A_338 : i32 to vector<16xi32>
      %eq3A_340 = arith.cmpi eq, %get3A_18, %eq3A_339 : vector<16xi32>
      %and3A_341 = arith.andi %eq3A_340, %ge3A_20 : vector<16xi1>
      %eq3A_342 = arith.constant 0 : i32
      %eq3A_343 = vector.broadcast %eq3A_342 : i32 to vector<16xi32>
      %eq3A_344 = arith.cmpi eq, %get3A_6, %eq3A_343 : vector<16xi32>
      %and3A_345 = arith.andi %eq3A_337, %eq3A_344 : vector<16xi1>
      %select_n3A_346 = arith.select %and3A_345, %broadcast_in_dim3A_21, %broadcast_in_dim3A_23 : vector<16xi1>, vector<16xf32>
      %reduce_sum3A_347 = arith.constant true
      %reduce_sum3A_348 = vector.broadcast %reduce_sum3A_347 : i1 to vector<16xi1>
      %reduce_sum3A_349 = tpu.scan <sum>, %select_n3A_346 masked %reduce_sum3A_348 : vector<16xf32>, vector<16xi1> -> vector<16xf32>
      %reduce_sum3A_350 = vector.extract %reduce_sum3A_349[15] : f32 from vector<16xf32>
      %eq3A_351 = arith.constant 0 : i32
      %eq3A_352 = vector.broadcast %eq3A_351 : i32 to vector<16xi32>
      %eq3A_353 = arith.cmpi eq, %get3A_14, %eq3A_352 : vector<16xi32>
      %and3A_354 = arith.andi %and3A_341, %eq3A_353 : vector<16xi1>
      %select_n3A_355 = arith.select %and3A_354, %broadcast_in_dim3A_21, %broadcast_in_dim3A_23 : vector<16xi1>, vector<16xf32>
      %reduce_sum3A_356 = arith.constant true
      %reduce_sum3A_357 = vector.broadcast %reduce_sum3A_356 : i1 to vector<16xi1>
      %reduce_sum3A_358 = tpu.scan <sum>, %select_n3A_355 masked %reduce_sum3A_357 : vector<16xf32>, vector<16xi1> -> vector<16xf32>
      %reduce_sum3A_359 = vector.extract %reduce_sum3A_358[15] : f32 from vector<16xf32>
      %eq3A_360 = arith.constant 0 : i32
      %eq3A_361 = vector.broadcast %eq3A_360 : i32 to vector<16xi32>
      %eq3A_362 = arith.cmpi eq, %iota3A, %eq3A_361 : vector<16xi32>
      %add3A_363 = arith.addf %reduce_sum3A_350, %reduce_sum3A_359 : f32
      %jit3A_364 = arith.constant 0.000000e+00 : f32
      %broadcast_in_dim3A_365 = vector.broadcast %add3A_363 : f32 to vector<16xf32>
      %broadcast_in_dim3A_366 = vector.broadcast %jit3A_364 : f32 to vector<16xf32>
      %select_n3A_367 = arith.select %eq3A_362, %broadcast_in_dim3A_365, %broadcast_in_dim3A_366 : vector<16xi1>, vector<16xf32>
      %add3A_368 = arith.addf %select_n3A_334, %select_n3A_367 : vector<16xf32>
      %eq3A_369 = arith.constant 1 : i32
      %eq3A_370 = vector.broadcast %eq3A_369 : i32 to vector<16xi32>
      %eq3A_371 = arith.cmpi eq, %get3A_6, %eq3A_370 : vector<16xi32>
      %and3A_372 = arith.andi %eq3A_337, %eq3A_371 : vector<16xi1>
      %select_n3A_373 = arith.select %and3A_372, %broadcast_in_dim3A_21, %broadcast_in_dim3A_23 : vector<16xi1>, vector<16xf32>
      %reduce_sum3A_374 = arith.constant true
      %reduce_sum3A_375 = vector.broadcast %reduce_sum3A_374 : i1 to vector<16xi1>
      %reduce_sum3A_376 = tpu.scan <sum>, %select_n3A_373 masked %reduce_sum3A_375 : vector<16xf32>, vector<16xi1> -> vector<16xf32>
      %reduce_sum3A_377 = vector.extract %reduce_sum3A_376[15] : f32 from vector<16xf32>
      %eq3A_378 = arith.constant 1 : i32
      %eq3A_379 = vector.broadcast %eq3A_378 : i32 to vector<16xi32>
      %eq3A_380 = arith.cmpi eq, %get3A_14, %eq3A_379 : vector<16xi32>
      %and3A_381 = arith.andi %and3A_341, %eq3A_380 : vector<16xi1>
      %select_n3A_382 = arith.select %and3A_381, %broadcast_in_dim3A_21, %broadcast_in_dim3A_23 : vector<16xi1>, vector<16xf32>
      %reduce_sum3A_383 = arith.constant true
      %reduce_sum3A_384 = vector.broadcast %reduce_sum3A_383 : i1 to vector<16xi1>
      %reduce_sum3A_385 = tpu.scan <sum>, %select_n3A_382 masked %reduce_sum3A_384 : vector<16xf32>, vector<16xi1> -> vector<16xf32>
      %reduce_sum3A_386 = vector.extract %reduce_sum3A_385[15] : f32 from vector<16xf32>
      %eq3A_387 = arith.constant 1 : i32
      %eq3A_388 = vector.broadcast %eq3A_387 : i32 to vector<16xi32>
      %eq3A_389 = arith.cmpi eq, %iota3A, %eq3A_388 : vector<16xi32>
      %add3A_390 = arith.addf %reduce_sum3A_377, %reduce_sum3A_386 : f32
      %jit3A_391 = arith.constant 0.000000e+00 : f32
      %broadcast_in_dim3A_392 = vector.broadcast %add3A_390 : f32 to vector<16xf32>
      %broadcast_in_dim3A_393 = vector.broadcast %jit3A_391 : f32 to vector<16xf32>
      %select_n3A_394 = arith.select %eq3A_389, %broadcast_in_dim3A_392, %broadcast_in_dim3A_393 : vector<16xi1>, vector<16xf32>
      %add3A_395 = arith.addf %add3A_368, %select_n3A_394 : vector<16xf32>
      %eq3A_396 = arith.constant 2 : i32
      %eq3A_397 = vector.broadcast %eq3A_396 : i32 to vector<16xi32>
      %eq3A_398 = arith.cmpi eq, %get3A_6, %eq3A_397 : vector<16xi32>
      %and3A_399 = arith.andi %eq3A_337, %eq3A_398 : vector<16xi1>
      %select_n3A_400 = arith.select %and3A_399, %broadcast_in_dim3A_21, %broadcast_in_dim3A_23 : vector<16xi1>, vector<16xf32>
      %reduce_sum3A_401 = arith.constant true
      %reduce_sum3A_402 = vector.broadcast %reduce_sum3A_401 : i1 to vector<16xi1>
      %reduce_sum3A_403 = tpu.scan <sum>, %select_n3A_400 masked %reduce_sum3A_402 : vector<16xf32>, vector<16xi1> -> vector<16xf32>
      %reduce_sum3A_404 = vector.extract %reduce_sum3A_403[15] : f32 from vector<16xf32>
      %eq3A_405 = arith.constant 2 : i32
      %eq3A_406 = vector.broadcast %eq3A_405 : i32 to vector<16xi32>
      %eq3A_407 = arith.cmpi eq, %get3A_14, %eq3A_406 : vector<16xi32>
      %and3A_408 = arith.andi %and3A_341, %eq3A_407 : vector<16xi1>
      %select_n3A_409 = arith.select %and3A_408, %broadcast_in_dim3A_21, %broadcast_in_dim3A_23 : vector<16xi1>, vector<16xf32>
      %reduce_sum3A_410 = arith.constant true
      %reduce_sum3A_411 = vector.broadcast %reduce_sum3A_410 : i1 to vector<16xi1>
      %reduce_sum3A_412 = tpu.scan <sum>, %select_n3A_409 masked %reduce_sum3A_411 : vector<16xf32>, vector<16xi1> -> vector<16xf32>
      %reduce_sum3A_413 = vector.extract %reduce_sum3A_412[15] : f32 from vector<16xf32>
      %eq3A_414 = arith.constant 2 : i32
      %eq3A_415 = vector.broadcast %eq3A_414 : i32 to vector<16xi32>
      %eq3A_416 = arith.cmpi eq, %iota3A, %eq3A_415 : vector<16xi32>
      %add3A_417 = arith.addf %reduce_sum3A_404, %reduce_sum3A_413 : f32
      %jit3A_418 = arith.constant 0.000000e+00 : f32
      %broadcast_in_dim3A_419 = vector.broadcast %add3A_417 : f32 to vector<16xf32>
      %broadcast_in_dim3A_420 = vector.broadcast %jit3A_418 : f32 to vector<16xf32>
      %select_n3A_421 = arith.select %eq3A_416, %broadcast_in_dim3A_419, %broadcast_in_dim3A_420 : vector<16xi1>, vector<16xf32>
      %add3A_422 = arith.addf %add3A_395, %select_n3A_421 : vector<16xf32>
      %eq3A_423 = arith.constant 3 : i32
      %eq3A_424 = vector.broadcast %eq3A_423 : i32 to vector<16xi32>
      %eq3A_425 = arith.cmpi eq, %get3A_6, %eq3A_424 : vector<16xi32>
      %and3A_426 = arith.andi %eq3A_337, %eq3A_425 : vector<16xi1>
      %select_n3A_427 = arith.select %and3A_426, %broadcast_in_dim3A_21, %broadcast_in_dim3A_23 : vector<16xi1>, vector<16xf32>
      %reduce_sum3A_428 = arith.constant true
      %reduce_sum3A_429 = vector.broadcast %reduce_sum3A_428 : i1 to vector<16xi1>
      %reduce_sum3A_430 = tpu.scan <sum>, %select_n3A_427 masked %reduce_sum3A_429 : vector<16xf32>, vector<16xi1> -> vector<16xf32>
      %reduce_sum3A_431 = vector.extract %reduce_sum3A_430[15] : f32 from vector<16xf32>
      %eq3A_432 = arith.constant 3 : i32
      %eq3A_433 = vector.broadcast %eq3A_432 : i32 to vector<16xi32>
      %eq3A_434 = arith.cmpi eq, %get3A_14, %eq3A_433 : vector<16xi32>
      %and3A_435 = arith.andi %and3A_341, %eq3A_434 : vector<16xi1>
      %select_n3A_436 = arith.select %and3A_435, %broadcast_in_dim3A_21, %broadcast_in_dim3A_23 : vector<16xi1>, vector<16xf32>
      %reduce_sum3A_437 = arith.constant true
      %reduce_sum3A_438 = vector.broadcast %reduce_sum3A_437 : i1 to vector<16xi1>
      %reduce_sum3A_439 = tpu.scan <sum>, %select_n3A_436 masked %reduce_sum3A_438 : vector<16xf32>, vector<16xi1> -> vector<16xf32>
      %reduce_sum3A_440 = vector.extract %reduce_sum3A_439[15] : f32 from vector<16xf32>
      %eq3A_441 = arith.constant 3 : i32
      %eq3A_442 = vector.broadcast %eq3A_441 : i32 to vector<16xi32>
      %eq3A_443 = arith.cmpi eq, %iota3A, %eq3A_442 : vector<16xi32>
      %add3A_444 = arith.addf %reduce_sum3A_431, %reduce_sum3A_440 : f32
      %jit3A_445 = arith.constant 0.000000e+00 : f32
      %broadcast_in_dim3A_446 = vector.broadcast %add3A_444 : f32 to vector<16xf32>
      %broadcast_in_dim3A_447 = vector.broadcast %jit3A_445 : f32 to vector<16xf32>
      %select_n3A_448 = arith.select %eq3A_443, %broadcast_in_dim3A_446, %broadcast_in_dim3A_447 : vector<16xi1>, vector<16xf32>
      %add3A_449 = arith.addf %add3A_422, %select_n3A_448 : vector<16xf32>
      %eq3A_450 = arith.constant 4 : i32
      %eq3A_451 = vector.broadcast %eq3A_450 : i32 to vector<16xi32>
      %eq3A_452 = arith.cmpi eq, %get3A_6, %eq3A_451 : vector<16xi32>
      %and3A_453 = arith.andi %eq3A_337, %eq3A_452 : vector<16xi1>
      %select_n3A_454 = arith.select %and3A_453, %broadcast_in_dim3A_21, %broadcast_in_dim3A_23 : vector<16xi1>, vector<16xf32>
      %reduce_sum3A_455 = arith.constant true
      %reduce_sum3A_456 = vector.broadcast %reduce_sum3A_455 : i1 to vector<16xi1>
      %reduce_sum3A_457 = tpu.scan <sum>, %select_n3A_454 masked %reduce_sum3A_456 : vector<16xf32>, vector<16xi1> -> vector<16xf32>
      %reduce_sum3A_458 = vector.extract %reduce_sum3A_457[15] : f32 from vector<16xf32>
      %eq3A_459 = arith.constant 4 : i32
      %eq3A_460 = vector.broadcast %eq3A_459 : i32 to vector<16xi32>
      %eq3A_461 = arith.cmpi eq, %get3A_14, %eq3A_460 : vector<16xi32>
      %and3A_462 = arith.andi %and3A_341, %eq3A_461 : vector<16xi1>
      %select_n3A_463 = arith.select %and3A_462, %broadcast_in_dim3A_21, %broadcast_in_dim3A_23 : vector<16xi1>, vector<16xf32>
      %reduce_sum3A_464 = arith.constant true
      %reduce_sum3A_465 = vector.broadcast %reduce_sum3A_464 : i1 to vector<16xi1>
      %reduce_sum3A_466 = tpu.scan <sum>, %select_n3A_463 masked %reduce_sum3A_465 : vector<16xf32>, vector<16xi1> -> vector<16xf32>
      %reduce_sum3A_467 = vector.extract %reduce_sum3A_466[15] : f32 from vector<16xf32>
      %eq3A_468 = arith.constant 4 : i32
      %eq3A_469 = vector.broadcast %eq3A_468 : i32 to vector<16xi32>
      %eq3A_470 = arith.cmpi eq, %iota3A, %eq3A_469 : vector<16xi32>
      %add3A_471 = arith.addf %reduce_sum3A_458, %reduce_sum3A_467 : f32
      %jit3A_472 = arith.constant 0.000000e+00 : f32
      %broadcast_in_dim3A_473 = vector.broadcast %add3A_471 : f32 to vector<16xf32>
      %broadcast_in_dim3A_474 = vector.broadcast %jit3A_472 : f32 to vector<16xf32>
      %select_n3A_475 = arith.select %eq3A_470, %broadcast_in_dim3A_473, %broadcast_in_dim3A_474 : vector<16xi1>, vector<16xf32>
      %add3A_476 = arith.addf %add3A_449, %select_n3A_475 : vector<16xf32>
      %eq3A_477 = arith.constant 5 : i32
      %eq3A_478 = vector.broadcast %eq3A_477 : i32 to vector<16xi32>
      %eq3A_479 = arith.cmpi eq, %get3A_6, %eq3A_478 : vector<16xi32>
      %and3A_480 = arith.andi %eq3A_337, %eq3A_479 : vector<16xi1>
      %select_n3A_481 = arith.select %and3A_480, %broadcast_in_dim3A_21, %broadcast_in_dim3A_23 : vector<16xi1>, vector<16xf32>
      %reduce_sum3A_482 = arith.constant true
      %reduce_sum3A_483 = vector.broadcast %reduce_sum3A_482 : i1 to vector<16xi1>
      %reduce_sum3A_484 = tpu.scan <sum>, %select_n3A_481 masked %reduce_sum3A_483 : vector<16xf32>, vector<16xi1> -> vector<16xf32>
      %reduce_sum3A_485 = vector.extract %reduce_sum3A_484[15] : f32 from vector<16xf32>
      %eq3A_486 = arith.constant 5 : i32
      %eq3A_487 = vector.broadcast %eq3A_486 : i32 to vector<16xi32>
      %eq3A_488 = arith.cmpi eq, %get3A_14, %eq3A_487 : vector<16xi32>
      %and3A_489 = arith.andi %and3A_341, %eq3A_488 : vector<16xi1>
      %select_n3A_490 = arith.select %and3A_489, %broadcast_in_dim3A_21, %broadcast_in_dim3A_23 : vector<16xi1>, vector<16xf32>
      %reduce_sum3A_491 = arith.constant true
      %reduce_sum3A_492 = vector.broadcast %reduce_sum3A_491 : i1 to vector<16xi1>
      %reduce_sum3A_493 = tpu.scan <sum>, %select_n3A_490 masked %reduce_sum3A_492 : vector<16xf32>, vector<16xi1> -> vector<16xf32>
      %reduce_sum3A_494 = vector.extract %reduce_sum3A_493[15] : f32 from vector<16xf32>
      %eq3A_495 = arith.constant 5 : i32
      %eq3A_496 = vector.broadcast %eq3A_495 : i32 to vector<16xi32>
      %eq3A_497 = arith.cmpi eq, %iota3A, %eq3A_496 : vector<16xi32>
      %add3A_498 = arith.addf %reduce_sum3A_485, %reduce_sum3A_494 : f32
      %jit3A_499 = arith.constant 0.000000e+00 : f32
      %broadcast_in_dim3A_500 = vector.broadcast %add3A_498 : f32 to vector<16xf32>
      %broadcast_in_dim3A_501 = vector.broadcast %jit3A_499 : f32 to vector<16xf32>
      %select_n3A_502 = arith.select %eq3A_497, %broadcast_in_dim3A_500, %broadcast_in_dim3A_501 : vector<16xi1>, vector<16xf32>
      %add3A_503 = arith.addf %add3A_476, %select_n3A_502 : vector<16xf32>
      %eq3A_504 = arith.constant 6 : i32
      %eq3A_505 = vector.broadcast %eq3A_504 : i32 to vector<16xi32>
      %eq3A_506 = arith.cmpi eq, %get3A_6, %eq3A_505 : vector<16xi32>
      %and3A_507 = arith.andi %eq3A_337, %eq3A_506 : vector<16xi1>
      %select_n3A_508 = arith.select %and3A_507, %broadcast_in_dim3A_21, %broadcast_in_dim3A_23 : vector<16xi1>, vector<16xf32>
      %reduce_sum3A_509 = arith.constant true
      %reduce_sum3A_510 = vector.broadcast %reduce_sum3A_509 : i1 to vector<16xi1>
      %reduce_sum3A_511 = tpu.scan <sum>, %select_n3A_508 masked %reduce_sum3A_510 : vector<16xf32>, vector<16xi1> -> vector<16xf32>
      %reduce_sum3A_512 = vector.extract %reduce_sum3A_511[15] : f32 from vector<16xf32>
      %eq3A_513 = arith.constant 6 : i32
      %eq3A_514 = vector.broadcast %eq3A_513 : i32 to vector<16xi32>
      %eq3A_515 = arith.cmpi eq, %get3A_14, %eq3A_514 : vector<16xi32>
      %and3A_516 = arith.andi %and3A_341, %eq3A_515 : vector<16xi1>
      %select_n3A_517 = arith.select %and3A_516, %broadcast_in_dim3A_21, %broadcast_in_dim3A_23 : vector<16xi1>, vector<16xf32>
      %reduce_sum3A_518 = arith.constant true
      %reduce_sum3A_519 = vector.broadcast %reduce_sum3A_518 : i1 to vector<16xi1>
      %reduce_sum3A_520 = tpu.scan <sum>, %select_n3A_517 masked %reduce_sum3A_519 : vector<16xf32>, vector<16xi1> -> vector<16xf32>
      %reduce_sum3A_521 = vector.extract %reduce_sum3A_520[15] : f32 from vector<16xf32>
      %eq3A_522 = arith.constant 6 : i32
      %eq3A_523 = vector.broadcast %eq3A_522 : i32 to vector<16xi32>
      %eq3A_524 = arith.cmpi eq, %iota3A, %eq3A_523 : vector<16xi32>
      %add3A_525 = arith.addf %reduce_sum3A_512, %reduce_sum3A_521 : f32
      %jit3A_526 = arith.constant 0.000000e+00 : f32
      %broadcast_in_dim3A_527 = vector.broadcast %add3A_525 : f32 to vector<16xf32>
      %broadcast_in_dim3A_528 = vector.broadcast %jit3A_526 : f32 to vector<16xf32>
      %select_n3A_529 = arith.select %eq3A_524, %broadcast_in_dim3A_527, %broadcast_in_dim3A_528 : vector<16xi1>, vector<16xf32>
      %add3A_530 = arith.addf %add3A_503, %select_n3A_529 : vector<16xf32>
      %eq3A_531 = arith.constant 7 : i32
      %eq3A_532 = vector.broadcast %eq3A_531 : i32 to vector<16xi32>
      %eq3A_533 = arith.cmpi eq, %get3A_6, %eq3A_532 : vector<16xi32>
      %and3A_534 = arith.andi %eq3A_337, %eq3A_533 : vector<16xi1>
      %select_n3A_535 = arith.select %and3A_534, %broadcast_in_dim3A_21, %broadcast_in_dim3A_23 : vector<16xi1>, vector<16xf32>
      %reduce_sum3A_536 = arith.constant true
      %reduce_sum3A_537 = vector.broadcast %reduce_sum3A_536 : i1 to vector<16xi1>
      %reduce_sum3A_538 = tpu.scan <sum>, %select_n3A_535 masked %reduce_sum3A_537 : vector<16xf32>, vector<16xi1> -> vector<16xf32>
      %reduce_sum3A_539 = vector.extract %reduce_sum3A_538[15] : f32 from vector<16xf32>
      %eq3A_540 = arith.constant 7 : i32
      %eq3A_541 = vector.broadcast %eq3A_540 : i32 to vector<16xi32>
      %eq3A_542 = arith.cmpi eq, %get3A_14, %eq3A_541 : vector<16xi32>
      %and3A_543 = arith.andi %and3A_341, %eq3A_542 : vector<16xi1>
      %select_n3A_544 = arith.select %and3A_543, %broadcast_in_dim3A_21, %broadcast_in_dim3A_23 : vector<16xi1>, vector<16xf32>
      %reduce_sum3A_545 = arith.constant true
      %reduce_sum3A_546 = vector.broadcast %reduce_sum3A_545 : i1 to vector<16xi1>
      %reduce_sum3A_547 = tpu.scan <sum>, %select_n3A_544 masked %reduce_sum3A_546 : vector<16xf32>, vector<16xi1> -> vector<16xf32>
      %reduce_sum3A_548 = vector.extract %reduce_sum3A_547[15] : f32 from vector<16xf32>
      %eq3A_549 = arith.constant 7 : i32
      %eq3A_550 = vector.broadcast %eq3A_549 : i32 to vector<16xi32>
      %eq3A_551 = arith.cmpi eq, %iota3A, %eq3A_550 : vector<16xi32>
      %add3A_552 = arith.addf %reduce_sum3A_539, %reduce_sum3A_548 : f32
      %jit3A_553 = arith.constant 0.000000e+00 : f32
      %broadcast_in_dim3A_554 = vector.broadcast %add3A_552 : f32 to vector<16xf32>
      %broadcast_in_dim3A_555 = vector.broadcast %jit3A_553 : f32 to vector<16xf32>
      %select_n3A_556 = arith.select %eq3A_551, %broadcast_in_dim3A_554, %broadcast_in_dim3A_555 : vector<16xi1>, vector<16xf32>
      %add3A_557 = arith.addf %add3A_530, %select_n3A_556 : vector<16xf32>
      %eq3A_558 = arith.constant 8 : i32
      %eq3A_559 = vector.broadcast %eq3A_558 : i32 to vector<16xi32>
      %eq3A_560 = arith.cmpi eq, %get3A_6, %eq3A_559 : vector<16xi32>
      %and3A_561 = arith.andi %eq3A_337, %eq3A_560 : vector<16xi1>
      %select_n3A_562 = arith.select %and3A_561, %broadcast_in_dim3A_21, %broadcast_in_dim3A_23 : vector<16xi1>, vector<16xf32>
      %reduce_sum3A_563 = arith.constant true
      %reduce_sum3A_564 = vector.broadcast %reduce_sum3A_563 : i1 to vector<16xi1>
      %reduce_sum3A_565 = tpu.scan <sum>, %select_n3A_562 masked %reduce_sum3A_564 : vector<16xf32>, vector<16xi1> -> vector<16xf32>
      %reduce_sum3A_566 = vector.extract %reduce_sum3A_565[15] : f32 from vector<16xf32>
      %eq3A_567 = arith.constant 8 : i32
      %eq3A_568 = vector.broadcast %eq3A_567 : i32 to vector<16xi32>
      %eq3A_569 = arith.cmpi eq, %get3A_14, %eq3A_568 : vector<16xi32>
      %and3A_570 = arith.andi %and3A_341, %eq3A_569 : vector<16xi1>
      %select_n3A_571 = arith.select %and3A_570, %broadcast_in_dim3A_21, %broadcast_in_dim3A_23 : vector<16xi1>, vector<16xf32>
      %reduce_sum3A_572 = arith.constant true
      %reduce_sum3A_573 = vector.broadcast %reduce_sum3A_572 : i1 to vector<16xi1>
      %reduce_sum3A_574 = tpu.scan <sum>, %select_n3A_571 masked %reduce_sum3A_573 : vector<16xf32>, vector<16xi1> -> vector<16xf32>
      %reduce_sum3A_575 = vector.extract %reduce_sum3A_574[15] : f32 from vector<16xf32>
      %eq3A_576 = arith.constant 8 : i32
      %eq3A_577 = vector.broadcast %eq3A_576 : i32 to vector<16xi32>
      %eq3A_578 = arith.cmpi eq, %iota3A, %eq3A_577 : vector<16xi32>
      %add3A_579 = arith.addf %reduce_sum3A_566, %reduce_sum3A_575 : f32
      %jit3A_580 = arith.constant 0.000000e+00 : f32
      %broadcast_in_dim3A_581 = vector.broadcast %add3A_579 : f32 to vector<16xf32>
      %broadcast_in_dim3A_582 = vector.broadcast %jit3A_580 : f32 to vector<16xf32>
      %select_n3A_583 = arith.select %eq3A_578, %broadcast_in_dim3A_581, %broadcast_in_dim3A_582 : vector<16xi1>, vector<16xf32>
      %add3A_584 = arith.addf %add3A_557, %select_n3A_583 : vector<16xf32>
      %eq3A_585 = arith.constant 9 : i32
      %eq3A_586 = vector.broadcast %eq3A_585 : i32 to vector<16xi32>
      %eq3A_587 = arith.cmpi eq, %get3A_6, %eq3A_586 : vector<16xi32>
      %and3A_588 = arith.andi %eq3A_337, %eq3A_587 : vector<16xi1>
      %select_n3A_589 = arith.select %and3A_588, %broadcast_in_dim3A_21, %broadcast_in_dim3A_23 : vector<16xi1>, vector<16xf32>
      %reduce_sum3A_590 = arith.constant true
      %reduce_sum3A_591 = vector.broadcast %reduce_sum3A_590 : i1 to vector<16xi1>
      %reduce_sum3A_592 = tpu.scan <sum>, %select_n3A_589 masked %reduce_sum3A_591 : vector<16xf32>, vector<16xi1> -> vector<16xf32>
      %reduce_sum3A_593 = vector.extract %reduce_sum3A_592[15] : f32 from vector<16xf32>
      %eq3A_594 = arith.constant 9 : i32
      %eq3A_595 = vector.broadcast %eq3A_594 : i32 to vector<16xi32>
      %eq3A_596 = arith.cmpi eq, %get3A_14, %eq3A_595 : vector<16xi32>
      %and3A_597 = arith.andi %and3A_341, %eq3A_596 : vector<16xi1>
      %select_n3A_598 = arith.select %and3A_597, %broadcast_in_dim3A_21, %broadcast_in_dim3A_23 : vector<16xi1>, vector<16xf32>
      %reduce_sum3A_599 = arith.constant true
      %reduce_sum3A_600 = vector.broadcast %reduce_sum3A_599 : i1 to vector<16xi1>
      %reduce_sum3A_601 = tpu.scan <sum>, %select_n3A_598 masked %reduce_sum3A_600 : vector<16xf32>, vector<16xi1> -> vector<16xf32>
      %reduce_sum3A_602 = vector.extract %reduce_sum3A_601[15] : f32 from vector<16xf32>
      %eq3A_603 = arith.constant 9 : i32
      %eq3A_604 = vector.broadcast %eq3A_603 : i32 to vector<16xi32>
      %eq3A_605 = arith.cmpi eq, %iota3A, %eq3A_604 : vector<16xi32>
      %add3A_606 = arith.addf %reduce_sum3A_593, %reduce_sum3A_602 : f32
      %jit3A_607 = arith.constant 0.000000e+00 : f32
      %broadcast_in_dim3A_608 = vector.broadcast %add3A_606 : f32 to vector<16xf32>
      %broadcast_in_dim3A_609 = vector.broadcast %jit3A_607 : f32 to vector<16xf32>
      %select_n3A_610 = arith.select %eq3A_605, %broadcast_in_dim3A_608, %broadcast_in_dim3A_609 : vector<16xi1>, vector<16xf32>
      %add3A_611 = arith.addf %add3A_584, %select_n3A_610 : vector<16xf32>
      %mul3A_612 = arith.mulf %add3A_611, %mul3A_315 : vector<16xf32>
      %mul3A_613 = vector.broadcast %reduce_sum3A_326 : f32 to vector<16xf32>
      %mul3A_614 = arith.mulf %mul3A_612, %mul3A_613 : vector<16xf32>
      %swap3A_615 = arith.constant 0 : i32
      %swap3A_616 = arith.index_cast %swap3A_615 : i32 to index
      %swap3A_617 = arith.constant 0 : index
      %swap3A_618 = tpu.vector_load %arg6[%swap3A_616, %swap3A_617] {strides = array<i32>} : memref<16x16xf32, #tpu.memory_space<vmem>>, vector<16xf32>,
      tpu.vector_store %arg6[%swap3A_616, %swap3A_617], %mul3A_614 {strides = array<i32>} : memref<16x16xf32, #tpu.memory_space<vmem>>, vector<16xf32>,
      %eq3A_619 = arith.constant 1 : i32
      %eq3A_620 = vector.broadcast %eq3A_619 : i32 to vector<16xi32>
      %eq3A_621 = arith.cmpi eq, %iota3A, %eq3A_620 : vector<16xi32>
      %jit3A_622 = arith.constant 0.000000e+00 : f32
      %broadcast_in_dim3A_623 = vector.broadcast %jit3A_622 : f32 to vector<16xf32>
      %select_n3A_624 = arith.select %eq3A_621, %mul3A_315, %broadcast_in_dim3A_623 : vector<16xi1>, vector<16xf32>
      %reduce_sum3A_625 = arith.constant true
      %reduce_sum3A_626 = vector.broadcast %reduce_sum3A_625 : i1 to vector<16xi1>
      %reduce_sum3A_627 = tpu.scan <sum>, %select_n3A_624 masked %reduce_sum3A_626 : vector<16xf32>, vector<16xi1> -> vector<16xf32>
      %reduce_sum3A_628 = vector.extract %reduce_sum3A_627[15] : f32 from vector<16xf32>
      %eq3A_629 = arith.constant 1 : i32
      %eq3A_630 = vector.broadcast %eq3A_629 : i32 to vector<16xi32>
      %eq3A_631 = arith.cmpi eq, %iota3A, %eq3A_630 : vector<16xi32>
      %jit3A_632 = arith.constant 1.000000e+00 : f32
      %jit3A_633 = arith.constant 0.000000e+00 : f32
      %broadcast_in_dim3A_634 = vector.broadcast %jit3A_632 : f32 to vector<16xf32>
      %broadcast_in_dim3A_635 = vector.broadcast %jit3A_633 : f32 to vector<16xf32>
      %select_n3A_636 = arith.select %eq3A_631, %broadcast_in_dim3A_634, %broadcast_in_dim3A_635 : vector<16xi1>, vector<16xf32>
      %eq3A_637 = arith.constant 1 : i32
      %eq3A_638 = vector.broadcast %eq3A_637 : i32 to vector<16xi32>
      %eq3A_639 = arith.cmpi eq, %get3A_10, %eq3A_638 : vector<16xi32>
      %eq3A_640 = arith.constant 1 : i32
      %eq3A_641 = vector.broadcast %eq3A_640 : i32 to vector<16xi32>
      %eq3A_642 = arith.cmpi eq, %get3A_18, %eq3A_641 : vector<16xi32>
      %and3A_643 = arith.andi %eq3A_642, %ge3A_20 : vector<16xi1>
      %eq3A_644 = arith.constant 0 : i32
      %eq3A_645 = vector.broadcast %eq3A_644 : i32 to vector<16xi32>
      %eq3A_646 = arith.cmpi eq, %get3A_6, %eq3A_645 : vector<16xi32>
      %and3A_647 = arith.andi %eq3A_639, %eq3A_646 : vector<16xi1>
      %select_n3A_648 = arith.select %and3A_647, %broadcast_in_dim3A_21, %broadcast_in_dim3A_23 : vector<16xi1>, vector<16xf32>
      %reduce_sum3A_649 = arith.constant true
      %reduce_sum3A_650 = vector.broadcast %reduce_sum3A_649 : i1 to vector<16xi1>
      %reduce_sum3A_651 = tpu.scan <sum>, %select_n3A_648 masked %reduce_sum3A_650 : vector<16xf32>, vector<16xi1> -> vector<16xf32>
      %reduce_sum3A_652 = vector.extract %reduce_sum3A_651[15] : f32 from vector<16xf32>
      %eq3A_653 = arith.constant 0 : i32
      %eq3A_654 = vector.broadcast %eq3A_653 : i32 to vector<16xi32>
      %eq3A_655 = arith.cmpi eq, %get3A_14, %eq3A_654 : vector<16xi32>
      %and3A_656 = arith.andi %and3A_643, %eq3A_655 : vector<16xi1>
      %select_n3A_657 = arith.select %and3A_656, %broadcast_in_dim3A_21, %broadcast_in_dim3A_23 : vector<16xi1>, vector<16xf32>
      %reduce_sum3A_658 = arith.constant true
      %reduce_sum3A_659 = vector.broadcast %reduce_sum3A_658 : i1 to vector<16xi1>
      %reduce_sum3A_660 = tpu.scan <sum>, %select_n3A_657 masked %reduce_sum3A_659 : vector<16xf32>, vector<16xi1> -> vector<16xf32>
      %reduce_sum3A_661 = vector.extract %reduce_sum3A_660[15] : f32 from vector<16xf32>
      %eq3A_662 = arith.constant 0 : i32
      %eq3A_663 = vector.broadcast %eq3A_662 : i32 to vector<16xi32>
      %eq3A_664 = arith.cmpi eq, %iota3A, %eq3A_663 : vector<16xi32>
      %add3A_665 = arith.addf %reduce_sum3A_652, %reduce_sum3A_661 : f32
      %jit3A_666 = arith.constant 0.000000e+00 : f32
      %broadcast_in_dim3A_667 = vector.broadcast %add3A_665 : f32 to vector<16xf32>
      %broadcast_in_dim3A_668 = vector.broadcast %jit3A_666 : f32 to vector<16xf32>
      %select_n3A_669 = arith.select %eq3A_664, %broadcast_in_dim3A_667, %broadcast_in_dim3A_668 : vector<16xi1>, vector<16xf32>
      %add3A_670 = arith.addf %select_n3A_636, %select_n3A_669 : vector<16xf32>
      %eq3A_671 = arith.constant 1 : i32
      %eq3A_672 = vector.broadcast %eq3A_671 : i32 to vector<16xi32>
      %eq3A_673 = arith.cmpi eq, %get3A_6, %eq3A_672 : vector<16xi32>
      %and3A_674 = arith.andi %eq3A_639, %eq3A_673 : vector<16xi1>
      %select_n3A_675 = arith.select %and3A_674, %broadcast_in_dim3A_21, %broadcast_in_dim3A_23 : vector<16xi1>, vector<16xf32>
      %reduce_sum3A_676 = arith.constant true
      %reduce_sum3A_677 = vector.broadcast %reduce_sum3A_676 : i1 to vector<16xi1>
      %reduce_sum3A_678 = tpu.scan <sum>, %select_n3A_675 masked %reduce_sum3A_677 : vector<16xf32>, vector<16xi1> -> vector<16xf32>
      %reduce_sum3A_679 = vector.extract %reduce_sum3A_678[15] : f32 from vector<16xf32>
      %eq3A_680 = arith.constant 1 : i32
      %eq3A_681 = vector.broadcast %eq3A_680 : i32 to vector<16xi32>
      %eq3A_682 = arith.cmpi eq, %get3A_14, %eq3A_681 : vector<16xi32>
      %and3A_683 = arith.andi %and3A_643, %eq3A_682 : vector<16xi1>
      %select_n3A_684 = arith.select %and3A_683, %broadcast_in_dim3A_21, %broadcast_in_dim3A_23 : vector<16xi1>, vector<16xf32>
      %reduce_sum3A_685 = arith.constant true
      %reduce_sum3A_686 = vector.broadcast %reduce_sum3A_685 : i1 to vector<16xi1>
      %reduce_sum3A_687 = tpu.scan <sum>, %select_n3A_684 masked %reduce_sum3A_686 : vector<16xf32>, vector<16xi1> -> vector<16xf32>
      %reduce_sum3A_688 = vector.extract %reduce_sum3A_687[15] : f32 from vector<16xf32>
      %eq3A_689 = arith.constant 1 : i32
      %eq3A_690 = vector.broadcast %eq3A_689 : i32 to vector<16xi32>
      %eq3A_691 = arith.cmpi eq, %iota3A, %eq3A_690 : vector<16xi32>
      %add3A_692 = arith.addf %reduce_sum3A_679, %reduce_sum3A_688 : f32
      %jit3A_693 = arith.constant 0.000000e+00 : f32
      %broadcast_in_dim3A_694 = vector.broadcast %add3A_692 : f32 to vector<16xf32>
      %broadcast_in_dim3A_695 = vector.broadcast %jit3A_693 : f32 to vector<16xf32>
      %select_n3A_696 = arith.select %eq3A_691, %broadcast_in_dim3A_694, %broadcast_in_dim3A_695 : vector<16xi1>, vector<16xf32>
      %add3A_697 = arith.addf %add3A_670, %select_n3A_696 : vector<16xf32>
      %eq3A_698 = arith.constant 2 : i32
      %eq3A_699 = vector.broadcast %eq3A_698 : i32 to vector<16xi32>
      %eq3A_700 = arith.cmpi eq, %get3A_6, %eq3A_699 : vector<16xi32>
      %and3A_701 = arith.andi %eq3A_639, %eq3A_700 : vector<16xi1>
      %select_n3A_702 = arith.select %and3A_701, %broadcast_in_dim3A_21, %broadcast_in_dim3A_23 : vector<16xi1>, vector<16xf32>
      %reduce_sum3A_703 = arith.constant true
      %reduce_sum3A_704 = vector.broadcast %reduce_sum3A_703 : i1 to vector<16xi1>
      %reduce_sum3A_705 = tpu.scan <sum>, %select_n3A_702 masked %reduce_sum3A_704 : vector<16xf32>, vector<16xi1> -> vector<16xf32>
      %reduce_sum3A_706 = vector.extract %reduce_sum3A_705[15] : f32 from vector<16xf32>
      %eq3A_707 = arith.constant 2 : i32
      %eq3A_708 = vector.broadcast %eq3A_707 : i32 to vector<16xi32>
      %eq3A_709 = arith.cmpi eq, %get3A_14, %eq3A_708 : vector<16xi32>
      %and3A_710 = arith.andi %and3A_643, %eq3A_709 : vector<16xi1>
      %select_n3A_711 = arith.select %and3A_710, %broadcast_in_dim3A_21, %broadcast_in_dim3A_23 : vector<16xi1>, vector<16xf32>
      %reduce_sum3A_712 = arith.constant true
      %reduce_sum3A_713 = vector.broadcast %reduce_sum3A_712 : i1 to vector<16xi1>
      %reduce_sum3A_714 = tpu.scan <sum>, %select_n3A_711 masked %reduce_sum3A_713 : vector<16xf32>, vector<16xi1> -> vector<16xf32>
      %reduce_sum3A_715 = vector.extract %reduce_sum3A_714[15] : f32 from vector<16xf32>
      %eq3A_716 = arith.constant 2 : i32
      %eq3A_717 = vector.broadcast %eq3A_716 : i32 to vector<16xi32>
      %eq3A_718 = arith.cmpi eq, %iota3A, %eq3A_717 : vector<16xi32>
      %add3A_719 = arith.addf %reduce_sum3A_706, %reduce_sum3A_715 : f32
      %jit3A_720 = arith.constant 0.000000e+00 : f32
      %broadcast_in_dim3A_721 = vector.broadcast %add3A_719 : f32 to vector<16xf32>
      %broadcast_in_dim3A_722 = vector.broadcast %jit3A_720 : f32 to vector<16xf32>
      %select_n3A_723 = arith.select %eq3A_718, %broadcast_in_dim3A_721, %broadcast_in_dim3A_722 : vector<16xi1>, vector<16xf32>
      %add3A_724 = arith.addf %add3A_697, %select_n3A_723 : vector<16xf32>
      %eq3A_725 = arith.constant 3 : i32
      %eq3A_726 = vector.broadcast %eq3A_725 : i32 to vector<16xi32>
      %eq3A_727 = arith.cmpi eq, %get3A_6, %eq3A_726 : vector<16xi32>
      %and3A_728 = arith.andi %eq3A_639, %eq3A_727 : vector<16xi1>
      %select_n3A_729 = arith.select %and3A_728, %broadcast_in_dim3A_21, %broadcast_in_dim3A_23 : vector<16xi1>, vector<16xf32>
      %reduce_sum3A_730 = arith.constant true
      %reduce_sum3A_731 = vector.broadcast %reduce_sum3A_730 : i1 to vector<16xi1>
      %reduce_sum3A_732 = tpu.scan <sum>, %select_n3A_729 masked %reduce_sum3A_731 : vector<16xf32>, vector<16xi1> -> vector<16xf32>
      %reduce_sum3A_733 = vector.extract %reduce_sum3A_732[15] : f32 from vector<16xf32>
      %eq3A_734 = arith.constant 3 : i32
      %eq3A_735 = vector.broadcast %eq3A_734 : i32 to vector<16xi32>
      %eq3A_736 = arith.cmpi eq, %get3A_14, %eq3A_735 : vector<16xi32>
      %and3A_737 = arith.andi %and3A_643, %eq3A_736 : vector<16xi1>
      %select_n3A_738 = arith.select %and3A_737, %broadcast_in_dim3A_21, %broadcast_in_dim3A_23 : vector<16xi1>, vector<16xf32>
      %reduce_sum3A_739 = arith.constant true
      %reduce_sum3A_740 = vector.broadcast %reduce_sum3A_739 : i1 to vector<16xi1>
      %reduce_sum3A_741 = tpu.scan <sum>, %select_n3A_738 masked %reduce_sum3A_740 : vector<16xf32>, vector<16xi1> -> vector<16xf32>
      %reduce_sum3A_742 = vector.extract %reduce_sum3A_741[15] : f32 from vector<16xf32>
      %eq3A_743 = arith.constant 3 : i32
      %eq3A_744 = vector.broadcast %eq3A_743 : i32 to vector<16xi32>
      %eq3A_745 = arith.cmpi eq, %iota3A, %eq3A_744 : vector<16xi32>
      %add3A_746 = arith.addf %reduce_sum3A_733, %reduce_sum3A_742 : f32
      %jit3A_747 = arith.constant 0.000000e+00 : f32
      %broadcast_in_dim3A_748 = vector.broadcast %add3A_746 : f32 to vector<16xf32>
      %broadcast_in_dim3A_749 = vector.broadcast %jit3A_747 : f32 to vector<16xf32>
      %select_n3A_750 = arith.select %eq3A_745, %broadcast_in_dim3A_748, %broadcast_in_dim3A_749 : vector<16xi1>, vector<16xf32>
      %add3A_751 = arith.addf %add3A_724, %select_n3A_750 : vector<16xf32>
      %eq3A_752 = arith.constant 4 : i32
      %eq3A_753 = vector.broadcast %eq3A_752 : i32 to vector<16xi32>
      %eq3A_754 = arith.cmpi eq, %get3A_6, %eq3A_753 : vector<16xi32>
      %and3A_755 = arith.andi %eq3A_639, %eq3A_754 : vector<16xi1>
      %select_n3A_756 = arith.select %and3A_755, %broadcast_in_dim3A_21, %broadcast_in_dim3A_23 : vector<16xi1>, vector<16xf32>
      %reduce_sum3A_757 = arith.constant true
      %reduce_sum3A_758 = vector.broadcast %reduce_sum3A_757 : i1 to vector<16xi1>
      %reduce_sum3A_759 = tpu.scan <sum>, %select_n3A_756 masked %reduce_sum3A_758 : vector<16xf32>, vector<16xi1> -> vector<16xf32>
      %reduce_sum3A_760 = vector.extract %reduce_sum3A_759[15] : f32 from vector<16xf32>
      %eq3A_761 = arith.constant 4 : i32
      %eq3A_762 = vector.broadcast %eq3A_761 : i32 to vector<16xi32>
      %eq3A_763 = arith.cmpi eq, %get3A_14, %eq3A_762 : vector<16xi32>
      %and3A_764 = arith.andi %and3A_643, %eq3A_763 : vector<16xi1>
      %select_n3A_765 = arith.select %and3A_764, %broadcast_in_dim3A_21, %broadcast_in_dim3A_23 : vector<16xi1>, vector<16xf32>
      %reduce_sum3A_766 = arith.constant true
      %reduce_sum3A_767 = vector.broadcast %reduce_sum3A_766 : i1 to vector<16xi1>
      %reduce_sum3A_768 = tpu.scan <sum>, %select_n3A_765 masked %reduce_sum3A_767 : vector<16xf32>, vector<16xi1> -> vector<16xf32>
      %reduce_sum3A_769 = vector.extract %reduce_sum3A_768[15] : f32 from vector<16xf32>
      %eq3A_770 = arith.constant 4 : i32
      %eq3A_771 = vector.broadcast %eq3A_770 : i32 to vector<16xi32>
      %eq3A_772 = arith.cmpi eq, %iota3A, %eq3A_771 : vector<16xi32>
      %add3A_773 = arith.addf %reduce_sum3A_760, %reduce_sum3A_769 : f32
      %jit3A_774 = arith.constant 0.000000e+00 : f32
      %broadcast_in_dim3A_775 = vector.broadcast %add3A_773 : f32 to vector<16xf32>
      %broadcast_in_dim3A_776 = vector.broadcast %jit3A_774 : f32 to vector<16xf32>
      %select_n3A_777 = arith.select %eq3A_772, %broadcast_in_dim3A_775, %broadcast_in_dim3A_776 : vector<16xi1>, vector<16xf32>
      %add3A_778 = arith.addf %add3A_751, %select_n3A_777 : vector<16xf32>
      %eq3A_779 = arith.constant 5 : i32
      %eq3A_780 = vector.broadcast %eq3A_779 : i32 to vector<16xi32>
      %eq3A_781 = arith.cmpi eq, %get3A_6, %eq3A_780 : vector<16xi32>
      %and3A_782 = arith.andi %eq3A_639, %eq3A_781 : vector<16xi1>
      %select_n3A_783 = arith.select %and3A_782, %broadcast_in_dim3A_21, %broadcast_in_dim3A_23 : vector<16xi1>, vector<16xf32>
      %reduce_sum3A_784 = arith.constant true
      %reduce_sum3A_785 = vector.broadcast %reduce_sum3A_784 : i1 to vector<16xi1>
      %reduce_sum3A_786 = tpu.scan <sum>, %select_n3A_783 masked %reduce_sum3A_785 : vector<16xf32>, vector<16xi1> -> vector<16xf32>
      %reduce_sum3A_787 = vector.extract %reduce_sum3A_786[15] : f32 from vector<16xf32>
      %eq3A_788 = arith.constant 5 : i32
      %eq3A_789 = vector.broadcast %eq3A_788 : i32 to vector<16xi32>
      %eq3A_790 = arith.cmpi eq, %get3A_14, %eq3A_789 : vector<16xi32>
      %and3A_791 = arith.andi %and3A_643, %eq3A_790 : vector<16xi1>
      %select_n3A_792 = arith.select %and3A_791, %broadcast_in_dim3A_21, %broadcast_in_dim3A_23 : vector<16xi1>, vector<16xf32>
      %reduce_sum3A_793 = arith.constant true
      %reduce_sum3A_794 = vector.broadcast %reduce_sum3A_793 : i1 to vector<16xi1>
      %reduce_sum3A_795 = tpu.scan <sum>, %select_n3A_792 masked %reduce_sum3A_794 : vector<16xf32>, vector<16xi1> -> vector<16xf32>
      %reduce_sum3A_796 = vector.extract %reduce_sum3A_795[15] : f32 from vector<16xf32>
      %eq3A_797 = arith.constant 5 : i32
      %eq3A_798 = vector.broadcast %eq3A_797 : i32 to vector<16xi32>
      %eq3A_799 = arith.cmpi eq, %iota3A, %eq3A_798 : vector<16xi32>
      %add3A_800 = arith.addf %reduce_sum3A_787, %reduce_sum3A_796 : f32
      %jit3A_801 = arith.constant 0.000000e+00 : f32
      %broadcast_in_dim3A_802 = vector.broadcast %add3A_800 : f32 to vector<16xf32>
      %broadcast_in_dim3A_803 = vector.broadcast %jit3A_801 : f32 to vector<16xf32>
      %select_n3A_804 = arith.select %eq3A_799, %broadcast_in_dim3A_802, %broadcast_in_dim3A_803 : vector<16xi1>, vector<16xf32>
      %add3A_805 = arith.addf %add3A_778, %select_n3A_804 : vector<16xf32>
      %eq3A_806 = arith.constant 6 : i32
      %eq3A_807 = vector.broadcast %eq3A_806 : i32 to vector<16xi32>
      %eq3A_808 = arith.cmpi eq, %get3A_6, %eq3A_807 : vector<16xi32>
      %and3A_809 = arith.andi %eq3A_639, %eq3A_808 : vector<16xi1>
      %select_n3A_810 = arith.select %and3A_809, %broadcast_in_dim3A_21, %broadcast_in_dim3A_23 : vector<16xi1>, vector<16xf32>
      %reduce_sum3A_811 = arith.constant true
      %reduce_sum3A_812 = vector.broadcast %reduce_sum3A_811 : i1 to vector<16xi1>
      %reduce_sum3A_813 = tpu.scan <sum>, %select_n3A_810 masked %reduce_sum3A_812 : vector<16xf32>, vector<16xi1> -> vector<16xf32>
      %reduce_sum3A_814 = vector.extract %reduce_sum3A_813[15] : f32 from vector<16xf32>
      %eq3A_815 = arith.constant 6 : i32
      %eq3A_816 = vector.broadcast %eq3A_815 : i32 to vector<16xi32>
      %eq3A_817 = arith.cmpi eq, %get3A_14, %eq3A_816 : vector<16xi32>
      %and3A_818 = arith.andi %and3A_643, %eq3A_817 : vector<16xi1>
      %select_n3A_819 = arith.select %and3A_818, %broadcast_in_dim3A_21, %broadcast_in_dim3A_23 : vector<16xi1>, vector<16xf32>
      %reduce_sum3A_820 = arith.constant true
      %reduce_sum3A_821 = vector.broadcast %reduce_sum3A_820 : i1 to vector<16xi1>
      %reduce_sum3A_822 = tpu.scan <sum>, %select_n3A_819 masked %reduce_sum3A_821 : vector<16xf32>, vector<16xi1> -> vector<16xf32>
      %reduce_sum3A_823 = vector.extract %reduce_sum3A_822[15] : f32 from vector<16xf32>
      %eq3A_824 = arith.constant 6 : i32
      %eq3A_825 = vector.broadcast %eq3A_824 : i32 to vector<16xi32>
      %eq3A_826 = arith.cmpi eq, %iota3A, %eq3A_825 : vector<16xi32>
      %add3A_827 = arith.addf %reduce_sum3A_814, %reduce_sum3A_823 : f32
      %jit3A_828 = arith.constant 0.000000e+00 : f32
      %broadcast_in_dim3A_829 = vector.broadcast %add3A_827 : f32 to vector<16xf32>
      %broadcast_in_dim3A_830 = vector.broadcast %jit3A_828 : f32 to vector<16xf32>
      %select_n3A_831 = arith.select %eq3A_826, %broadcast_in_dim3A_829, %broadcast_in_dim3A_830 : vector<16xi1>, vector<16xf32>
      %add3A_832 = arith.addf %add3A_805, %select_n3A_831 : vector<16xf32>
      %eq3A_833 = arith.constant 7 : i32
      %eq3A_834 = vector.broadcast %eq3A_833 : i32 to vector<16xi32>
      %eq3A_835 = arith.cmpi eq, %get3A_6, %eq3A_834 : vector<16xi32>
      %and3A_836 = arith.andi %eq3A_639, %eq3A_835 : vector<16xi1>
      %select_n3A_837 = arith.select %and3A_836, %broadcast_in_dim3A_21, %broadcast_in_dim3A_23 : vector<16xi1>, vector<16xf32>
      %reduce_sum3A_838 = arith.constant true
      %reduce_sum3A_839 = vector.broadcast %reduce_sum3A_838 : i1 to vector<16xi1>
      %reduce_sum3A_840 = tpu.scan <sum>, %select_n3A_837 masked %reduce_sum3A_839 : vector<16xf32>, vector<16xi1> -> vector<16xf32>
      %reduce_sum3A_841 = vector.extract %reduce_sum3A_840[15] : f32 from vector<16xf32>
      %eq3A_842 = arith.constant 7 : i32
      %eq3A_843 = vector.broadcast %eq3A_842 : i32 to vector<16xi32>
      %eq3A_844 = arith.cmpi eq, %get3A_14, %eq3A_843 : vector<16xi32>
      %and3A_845 = arith.andi %and3A_643, %eq3A_844 : vector<16xi1>
      %select_n3A_846 = arith.select %and3A_845, %broadcast_in_dim3A_21, %broadcast_in_dim3A_23 : vector<16xi1>, vector<16xf32>
      %reduce_sum3A_847 = arith.constant true
      %reduce_sum3A_848 = vector.broadcast %reduce_sum3A_847 : i1 to vector<16xi1>
      %reduce_sum3A_849 = tpu.scan <sum>, %select_n3A_846 masked %reduce_sum3A_848 : vector<16xf32>, vector<16xi1> -> vector<16xf32>
      %reduce_sum3A_850 = vector.extract %reduce_sum3A_849[15] : f32 from vector<16xf32>
      %eq3A_851 = arith.constant 7 : i32
      %eq3A_852 = vector.broadcast %eq3A_851 : i32 to vector<16xi32>
      %eq3A_853 = arith.cmpi eq, %iota3A, %eq3A_852 : vector<16xi32>
      %add3A_854 = arith.addf %reduce_sum3A_841, %reduce_sum3A_850 : f32
      %jit3A_855 = arith.constant 0.000000e+00 : f32
      %broadcast_in_dim3A_856 = vector.broadcast %add3A_854 : f32 to vector<16xf32>
      %broadcast_in_dim3A_857 = vector.broadcast %jit3A_855 : f32 to vector<16xf32>
      %select_n3A_858 = arith.select %eq3A_853, %broadcast_in_dim3A_856, %broadcast_in_dim3A_857 : vector<16xi1>, vector<16xf32>
      %add3A_859 = arith.addf %add3A_832, %select_n3A_858 : vector<16xf32>
      %eq3A_860 = arith.constant 8 : i32
      %eq3A_861 = vector.broadcast %eq3A_860 : i32 to vector<16xi32>
      %eq3A_862 = arith.cmpi eq, %get3A_6, %eq3A_861 : vector<16xi32>
      %and3A_863 = arith.andi %eq3A_639, %eq3A_862 : vector<16xi1>
      %select_n3A_864 = arith.select %and3A_863, %broadcast_in_dim3A_21, %broadcast_in_dim3A_23 : vector<16xi1>, vector<16xf32>
      %reduce_sum3A_865 = arith.constant true
      %reduce_sum3A_866 = vector.broadcast %reduce_sum3A_865 : i1 to vector<16xi1>
      %reduce_sum3A_867 = tpu.scan <sum>, %select_n3A_864 masked %reduce_sum3A_866 : vector<16xf32>, vector<16xi1> -> vector<16xf32>
      %reduce_sum3A_868 = vector.extract %reduce_sum3A_867[15] : f32 from vector<16xf32>
      %eq3A_869 = arith.constant 8 : i32
      %eq3A_870 = vector.broadcast %eq3A_869 : i32 to vector<16xi32>
      %eq3A_871 = arith.cmpi eq, %get3A_14, %eq3A_870 : vector<16xi32>
      %and3A_872 = arith.andi %and3A_643, %eq3A_871 : vector<16xi1>
      %select_n3A_873 = arith.select %and3A_872, %broadcast_in_dim3A_21, %broadcast_in_dim3A_23 : vector<16xi1>, vector<16xf32>
      %reduce_sum3A_874 = arith.constant true
      %reduce_sum3A_875 = vector.broadcast %reduce_sum3A_874 : i1 to vector<16xi1>
      %reduce_sum3A_876 = tpu.scan <sum>, %select_n3A_873 masked %reduce_sum3A_875 : vector<16xf32>, vector<16xi1> -> vector<16xf32>
      %reduce_sum3A_877 = vector.extract %reduce_sum3A_876[15] : f32 from vector<16xf32>
      %eq3A_878 = arith.constant 8 : i32
      %eq3A_879 = vector.broadcast %eq3A_878 : i32 to vector<16xi32>
      %eq3A_880 = arith.cmpi eq, %iota3A, %eq3A_879 : vector<16xi32>
      %add3A_881 = arith.addf %reduce_sum3A_868, %reduce_sum3A_877 : f32
      %jit3A_882 = arith.constant 0.000000e+00 : f32
      %broadcast_in_dim3A_883 = vector.broadcast %add3A_881 : f32 to vector<16xf32>
      %broadcast_in_dim3A_884 = vector.broadcast %jit3A_882 : f32 to vector<16xf32>
      %select_n3A_885 = arith.select %eq3A_880, %broadcast_in_dim3A_883, %broadcast_in_dim3A_884 : vector<16xi1>, vector<16xf32>
      %add3A_886 = arith.addf %add3A_859, %select_n3A_885 : vector<16xf32>
      %eq3A_887 = arith.constant 9 : i32
      %eq3A_888 = vector.broadcast %eq3A_887 : i32 to vector<16xi32>
      %eq3A_889 = arith.cmpi eq, %get3A_6, %eq3A_888 : vector<16xi32>
      %and3A_890 = arith.andi %eq3A_639, %eq3A_889 : vector<16xi1>
      %select_n3A_891 = arith.select %and3A_890, %broadcast_in_dim3A_21, %broadcast_in_dim3A_23 : vector<16xi1>, vector<16xf32>
      %reduce_sum3A_892 = arith.constant true
      %reduce_sum3A_893 = vector.broadcast %reduce_sum3A_892 : i1 to vector<16xi1>
      %reduce_sum3A_894 = tpu.scan <sum>, %select_n3A_891 masked %reduce_sum3A_893 : vector<16xf32>, vector<16xi1> -> vector<16xf32>
      %reduce_sum3A_895 = vector.extract %reduce_sum3A_894[15] : f32 from vector<16xf32>
      %eq3A_896 = arith.constant 9 : i32
      %eq3A_897 = vector.broadcast %eq3A_896 : i32 to vector<16xi32>
      %eq3A_898 = arith.cmpi eq, %get3A_14, %eq3A_897 : vector<16xi32>
      %and3A_899 = arith.andi %and3A_643, %eq3A_898 : vector<16xi1>
      %select_n3A_900 = arith.select %and3A_899, %broadcast_in_dim3A_21, %broadcast_in_dim3A_23 : vector<16xi1>, vector<16xf32>
      %reduce_sum3A_901 = arith.constant true
      %reduce_sum3A_902 = vector.broadcast %reduce_sum3A_901 : i1 to vector<16xi1>
      %reduce_sum3A_903 = tpu.scan <sum>, %select_n3A_900 masked %reduce_sum3A_902 : vector<16xf32>, vector<16xi1> -> vector<16xf32>
      %reduce_sum3A_904 = vector.extract %reduce_sum3A_903[15] : f32 from vector<16xf32>
      %eq3A_905 = arith.constant 9 : i32
      %eq3A_906 = vector.broadcast %eq3A_905 : i32 to vector<16xi32>
      %eq3A_907 = arith.cmpi eq, %iota3A, %eq3A_906 : vector<16xi32>
      %add3A_908 = arith.addf %reduce_sum3A_895, %reduce_sum3A_904 : f32
      %jit3A_909 = arith.constant 0.000000e+00 : f32
      %broadcast_in_dim3A_910 = vector.broadcast %add3A_908 : f32 to vector<16xf32>
      %broadcast_in_dim3A_911 = vector.broadcast %jit3A_909 : f32 to vector<16xf32>
      %select_n3A_912 = arith.select %eq3A_907, %broadcast_in_dim3A_910, %broadcast_in_dim3A_911 : vector<16xi1>, vector<16xf32>
      %add3A_913 = arith.addf %add3A_886, %select_n3A_912 : vector<16xf32>
      %mul3A_914 = arith.mulf %add3A_913, %mul3A_315 : vector<16xf32>
      %mul3A_915 = vector.broadcast %reduce_sum3A_628 : f32 to vector<16xf32>
      %mul3A_916 = arith.mulf %mul3A_914, %mul3A_915 : vector<16xf32>
      %swap3A_917 = arith.constant 1 : i32
      %swap3A_918 = arith.index_cast %swap3A_917 : i32 to index
      %swap3A_919 = arith.constant 0 : index
      %swap3A_920 = tpu.vector_load %arg6[%swap3A_918, %swap3A_919] {strides = array<i32>} : memref<16x16xf32, #tpu.memory_space<vmem>>, vector<16xf32>,
      tpu.vector_store %arg6[%swap3A_918, %swap3A_919], %mul3A_916 {strides = array<i32>} : memref<16x16xf32, #tpu.memory_space<vmem>>, vector<16xf32>,
      %eq3A_921 = arith.constant 2 : i32
      %eq3A_922 = vector.broadcast %eq3A_921 : i32 to vector<16xi32>
      %eq3A_923 = arith.cmpi eq, %iota3A, %eq3A_922 : vector<16xi32>
      %jit3A_924 = arith.constant 0.000000e+00 : f32
      %broadcast_in_dim3A_925 = vector.broadcast %jit3A_924 : f32 to vector<16xf32>
      %select_n3A_926 = arith.select %eq3A_923, %mul3A_315, %broadcast_in_dim3A_925 : vector<16xi1>, vector<16xf32>
      %reduce_sum3A_927 = arith.constant true
      %reduce_sum3A_928 = vector.broadcast %reduce_sum3A_927 : i1 to vector<16xi1>
      %reduce_sum3A_929 = tpu.scan <sum>, %select_n3A_926 masked %reduce_sum3A_928 : vector<16xf32>, vector<16xi1> -> vector<16xf32>
      %reduce_sum3A_930 = vector.extract %reduce_sum3A_929[15] : f32 from vector<16xf32>
      %eq3A_931 = arith.constant 2 : i32
      %eq3A_932 = vector.broadcast %eq3A_931 : i32 to vector<16xi32>
      %eq3A_933 = arith.cmpi eq, %iota3A, %eq3A_932 : vector<16xi32>
      %jit3A_934 = arith.constant 1.000000e+00 : f32
      %jit3A_935 = arith.constant 0.000000e+00 : f32
      %broadcast_in_dim3A_936 = vector.broadcast %jit3A_934 : f32 to vector<16xf32>
      %broadcast_in_dim3A_937 = vector.broadcast %jit3A_935 : f32 to vector<16xf32>
      %select_n3A_938 = arith.select %eq3A_933, %broadcast_in_dim3A_936, %broadcast_in_dim3A_937 : vector<16xi1>, vector<16xf32>
      %eq3A_939 = arith.constant 2 : i32
      %eq3A_940 = vector.broadcast %eq3A_939 : i32 to vector<16xi32>
      %eq3A_941 = arith.cmpi eq, %get3A_10, %eq3A_940 : vector<16xi32>
      %eq3A_942 = arith.constant 2 : i32
      %eq3A_943 = vector.broadcast %eq3A_942 : i32 to vector<16xi32>
      %eq3A_944 = arith.cmpi eq, %get3A_18, %eq3A_943 : vector<16xi32>
      %and3A_945 = arith.andi %eq3A_944, %ge3A_20 : vector<16xi1>
      %eq3A_946 = arith.constant 0 : i32
      %eq3A_947 = vector.broadcast %eq3A_946 : i32 to vector<16xi32>
      %eq3A_948 = arith.cmpi eq, %get3A_6, %eq3A_947 : vector<16xi32>
      %and3A_949 = arith.andi %eq3A_941, %eq3A_948 : vector<16xi1>
      %select_n3A_950 = arith.select %and3A_949, %broadcast_in_dim3A_21, %broadcast_in_dim3A_23 : vector<16xi1>, vector<16xf32>
      %reduce_sum3A_951 = arith.constant true
      %reduce_sum3A_952 = vector.broadcast %reduce_sum3A_951 : i1 to vector<16xi1>
      %reduce_sum3A_953 = tpu.scan <sum>, %select_n3A_950 masked %reduce_sum3A_952 : vector<16xf32>, vector<16xi1> -> vector<16xf32>
      %reduce_sum3A_954 = vector.extract %reduce_sum3A_953[15] : f32 from vector<16xf32>
      %eq3A_955 = arith.constant 0 : i32
      %eq3A_956 = vector.broadcast %eq3A_955 : i32 to vector<16xi32>
      %eq3A_957 = arith.cmpi eq, %get3A_14, %eq3A_956 : vector<16xi32>
      %and3A_958 = arith.andi %and3A_945, %eq3A_957 : vector<16xi1>
      %select_n3A_959 = arith.select %and3A_958, %broadcast_in_dim3A_21, %broadcast_in_dim3A_23 : vector<16xi1>, vector<16xf32>
      %reduce_sum3A_960 = arith.constant true
      %reduce_sum3A_961 = vector.broadcast %reduce_sum3A_960 : i1 to vector<16xi1>
      %reduce_sum3A_962 = tpu.scan <sum>, %select_n3A_959 masked %reduce_sum3A_961 : vector<16xf32>, vector<16xi1> -> vector<16xf32>
      %reduce_sum3A_963 = vector.extract %reduce_sum3A_962[15] : f32 from vector<16xf32>
      %eq3A_964 = arith.constant 0 : i32
      %eq3A_965 = vector.broadcast %eq3A_964 : i32 to vector<16xi32>
      %eq3A_966 = arith.cmpi eq, %iota3A, %eq3A_965 : vector<16xi32>
      %add3A_967 = arith.addf %reduce_sum3A_954, %reduce_sum3A_963 : f32
      %jit3A_968 = arith.constant 0.000000e+00 : f32
      %broadcast_in_dim3A_969 = vector.broadcast %add3A_967 : f32 to vector<16xf32>
      %broadcast_in_dim3A_970 = vector.broadcast %jit3A_968 : f32 to vector<16xf32>
      %select_n3A_971 = arith.select %eq3A_966, %broadcast_in_dim3A_969, %broadcast_in_dim3A_970 : vector<16xi1>, vector<16xf32>
      %add3A_972 = arith.addf %select_n3A_938, %select_n3A_971 : vector<16xf32>
      %eq3A_973 = arith.constant 1 : i32
      %eq3A_974 = vector.broadcast %eq3A_973 : i32 to vector<16xi32>
      %eq3A_975 = arith.cmpi eq, %get3A_6, %eq3A_974 : vector<16xi32>
      %and3A_976 = arith.andi %eq3A_941, %eq3A_975 : vector<16xi1>
      %select_n3A_977 = arith.select %and3A_976, %broadcast_in_dim3A_21, %broadcast_in_dim3A_23 : vector<16xi1>, vector<16xf32>
      %reduce_sum3A_978 = arith.constant true
      %reduce_sum3A_979 = vector.broadcast %reduce_sum3A_978 : i1 to vector<16xi1>
      %reduce_sum3A_980 = tpu.scan <sum>, %select_n3A_977 masked %reduce_sum3A_979 : vector<16xf32>, vector<16xi1> -> vector<16xf32>
      %reduce_sum3A_981 = vector.extract %reduce_sum3A_980[15] : f32 from vector<16xf32>
      %eq3A_982 = arith.constant 1 : i32
      %eq3A_983 = vector.broadcast %eq3A_982 : i32 to vector<16xi32>
      %eq3A_984 = arith.cmpi eq, %get3A_14, %eq3A_983 : vector<16xi32>
      %and3A_985 = arith.andi %and3A_945, %eq3A_984 : vector<16xi1>
      %select_n3A_986 = arith.select %and3A_985, %broadcast_in_dim3A_21, %broadcast_in_dim3A_23 : vector<16xi1>, vector<16xf32>
      %reduce_sum3A_987 = arith.constant true
      %reduce_sum3A_988 = vector.broadcast %reduce_sum3A_987 : i1 to vector<16xi1>
      %reduce_sum3A_989 = tpu.scan <sum>, %select_n3A_986 masked %reduce_sum3A_988 : vector<16xf32>, vector<16xi1> -> vector<16xf32>
      %reduce_sum3A_990 = vector.extract %reduce_sum3A_989[15] : f32 from vector<16xf32>
      %eq3A_991 = arith.constant 1 : i32
      %eq3A_992 = vector.broadcast %eq3A_991 : i32 to vector<16xi32>
      %eq3A_993 = arith.cmpi eq, %iota3A, %eq3A_992 : vector<16xi32>
      %add3A_994 = arith.addf %reduce_sum3A_981, %reduce_sum3A_990 : f32
      %jit3A_995 = arith.constant 0.000000e+00 : f32
      %broadcast_in_dim3A_996 = vector.broadcast %add3A_994 : f32 to vector<16xf32>
      %broadcast_in_dim3A_997 = vector.broadcast %jit3A_995 : f32 to vector<16xf32>
      %select_n3A_998 = arith.select %eq3A_993, %broadcast_in_dim3A_996, %broadcast_in_dim3A_997 : vector<16xi1>, vector<16xf32>
      %add3A_999 = arith.addf %add3A_972, %select_n3A_998 : vector<16xf32>
      %eq3A_1000 = arith.constant 2 : i32
      %eq3A_1001 = vector.broadcast %eq3A_1000 : i32 to vector<16xi32>
      %eq3A_1002 = arith.cmpi eq, %get3A_6, %eq3A_1001 : vector<16xi32>
      %and3A_1003 = arith.andi %eq3A_941, %eq3A_1002 : vector<16xi1>
      %select_n3A_1004 = arith.select %and3A_1003, %broadcast_in_dim3A_21, %broadcast_in_dim3A_23 : vector<16xi1>, vector<16xf32>
      %reduce_sum3A_1005 = arith.constant true
      %reduce_sum3A_1006 = vector.broadcast %reduce_sum3A_1005 : i1 to vector<16xi1>
      %reduce_sum3A_1007 = tpu.scan <sum>, %select_n3A_1004 masked %reduce_sum3A_1006 : vector<16xf32>, vector<16xi1> -> vector<16xf32>
      %reduce_sum3A_1008 = vector.extract %reduce_sum3A_1007[15] : f32 from vector<16xf32>
      %eq3A_1009 = arith.constant 2 : i32
      %eq3A_1010 = vector.broadcast %eq3A_1009 : i32 to vector<16xi32>
      %eq3A_1011 = arith.cmpi eq, %get3A_14, %eq3A_1010 : vector<16xi32>
      %and3A_1012 = arith.andi %and3A_945, %eq3A_1011 : vector<16xi1>
      %select_n3A_1013 = arith.select %and3A_1012, %broadcast_in_dim3A_21, %broadcast_in_dim3A_23 : vector<16xi1>, vector<16xf32>
      %reduce_sum3A_1014 = arith.constant true
      %reduce_sum3A_1015 = vector.broadcast %reduce_sum3A_1014 : i1 to vector<16xi1>
      %reduce_sum3A_1016 = tpu.scan <sum>, %select_n3A_1013 masked %reduce_sum3A_1015 : vector<16xf32>, vector<16xi1> -> vector<16xf32>
      %reduce_sum3A_1017 = vector.extract %reduce_sum3A_1016[15] : f32 from vector<16xf32>
      %eq3A_1018 = arith.constant 2 : i32
      %eq3A_1019 = vector.broadcast %eq3A_1018 : i32 to vector<16xi32>
      %eq3A_1020 = arith.cmpi eq, %iota3A, %eq3A_1019 : vector<16xi32>
      %add3A_1021 = arith.addf %reduce_sum3A_1008, %reduce_sum3A_1017 : f32
      %jit3A_1022 = arith.constant 0.000000e+00 : f32
      %broadcast_in_dim3A_1023 = vector.broadcast %add3A_1021 : f32 to vector<16xf32>
      %broadcast_in_dim3A_1024 = vector.broadcast %jit3A_1022 : f32 to vector<16xf32>
      %select_n3A_1025 = arith.select %eq3A_1020, %broadcast_in_dim3A_1023, %broadcast_in_dim3A_1024 : vector<16xi1>, vector<16xf32>
      %add3A_1026 = arith.addf %add3A_999, %select_n3A_1025 : vector<16xf32>
      %eq3A_1027 = arith.constant 3 : i32
      %eq3A_1028 = vector.broadcast %eq3A_1027 : i32 to vector<16xi32>
      %eq3A_1029 = arith.cmpi eq, %get3A_6, %eq3A_1028 : vector<16xi32>
      %and3A_1030 = arith.andi %eq3A_941, %eq3A_1029 : vector<16xi1>
      %select_n3A_1031 = arith.select %and3A_1030, %broadcast_in_dim3A_21, %broadcast_in_dim3A_23 : vector<16xi1>, vector<16xf32>
      %reduce_sum3A_1032 = arith.constant true
      %reduce_sum3A_1033 = vector.broadcast %reduce_sum3A_1032 : i1 to vector<16xi1>
      %reduce_sum3A_1034 = tpu.scan <sum>, %select_n3A_1031 masked %reduce_sum3A_1033 : vector<16xf32>, vector<16xi1> -> vector<16xf32>
      %reduce_sum3A_1035 = vector.extract %reduce_sum3A_1034[15] : f32 from vector<16xf32>
      %eq3A_1036 = arith.constant 3 : i32
      %eq3A_1037 = vector.broadcast %eq3A_1036 : i32 to vector<16xi32>
      %eq3A_1038 = arith.cmpi eq, %get3A_14, %eq3A_1037 : vector<16xi32>
      %and3A_1039 = arith.andi %and3A_945, %eq3A_1038 : vector<16xi1>
      %select_n3A_1040 = arith.select %and3A_1039, %broadcast_in_dim3A_21, %broadcast_in_dim3A_23 : vector<16xi1>, vector<16xf32>
      %reduce_sum3A_1041 = arith.constant true
      %reduce_sum3A_1042 = vector.broadcast %reduce_sum3A_1041 : i1 to vector<16xi1>
      %reduce_sum3A_1043 = tpu.scan <sum>, %select_n3A_1040 masked %reduce_sum3A_1042 : vector<16xf32>, vector<16xi1> -> vector<16xf32>
      %reduce_sum3A_1044 = vector.extract %reduce_sum3A_1043[15] : f32 from vector<16xf32>
      %eq3A_1045 = arith.constant 3 : i32
      %eq3A_1046 = vector.broadcast %eq3A_1045 : i32 to vector<16xi32>
      %eq3A_1047 = arith.cmpi eq, %iota3A, %eq3A_1046 : vector<16xi32>
      %add3A_1048 = arith.addf %reduce_sum3A_1035, %reduce_sum3A_1044 : f32
      %jit3A_1049 = arith.constant 0.000000e+00 : f32
      %broadcast_in_dim3A_1050 = vector.broadcast %add3A_1048 : f32 to vector<16xf32>
      %broadcast_in_dim3A_1051 = vector.broadcast %jit3A_1049 : f32 to vector<16xf32>
      %select_n3A_1052 = arith.select %eq3A_1047, %broadcast_in_dim3A_1050, %broadcast_in_dim3A_1051 : vector<16xi1>, vector<16xf32>
      %add3A_1053 = arith.addf %add3A_1026, %select_n3A_1052 : vector<16xf32>
      %eq3A_1054 = arith.constant 4 : i32
      %eq3A_1055 = vector.broadcast %eq3A_1054 : i32 to vector<16xi32>
      %eq3A_1056 = arith.cmpi eq, %get3A_6, %eq3A_1055 : vector<16xi32>
      %and3A_1057 = arith.andi %eq3A_941, %eq3A_1056 : vector<16xi1>
      %select_n3A_1058 = arith.select %and3A_1057, %broadcast_in_dim3A_21, %broadcast_in_dim3A_23 : vector<16xi1>, vector<16xf32>
      %reduce_sum3A_1059 = arith.constant true
      %reduce_sum3A_1060 = vector.broadcast %reduce_sum3A_1059 : i1 to vector<16xi1>
      %reduce_sum3A_1061 = tpu.scan <sum>, %select_n3A_1058 masked %reduce_sum3A_1060 : vector<16xf32>, vector<16xi1> -> vector<16xf32>
      %reduce_sum3A_1062 = vector.extract %reduce_sum3A_1061[15] : f32 from vector<16xf32>
      %eq3A_1063 = arith.constant 4 : i32
      %eq3A_1064 = vector.broadcast %eq3A_1063 : i32 to vector<16xi32>
      %eq3A_1065 = arith.cmpi eq, %get3A_14, %eq3A_1064 : vector<16xi32>
      %and3A_1066 = arith.andi %and3A_945, %eq3A_1065 : vector<16xi1>
      %select_n3A_1067 = arith.select %and3A_1066, %broadcast_in_dim3A_21, %broadcast_in_dim3A_23 : vector<16xi1>, vector<16xf32>
      %reduce_sum3A_1068 = arith.constant true
      %reduce_sum3A_1069 = vector.broadcast %reduce_sum3A_1068 : i1 to vector<16xi1>
      %reduce_sum3A_1070 = tpu.scan <sum>, %select_n3A_1067 masked %reduce_sum3A_1069 : vector<16xf32>, vector<16xi1> -> vector<16xf32>
      %reduce_sum3A_1071 = vector.extract %reduce_sum3A_1070[15] : f32 from vector<16xf32>
      %eq3A_1072 = arith.constant 4 : i32
      %eq3A_1073 = vector.broadcast %eq3A_1072 : i32 to vector<16xi32>
      %eq3A_1074 = arith.cmpi eq, %iota3A, %eq3A_1073 : vector<16xi32>
      %add3A_1075 = arith.addf %reduce_sum3A_1062, %reduce_sum3A_1071 : f32
      %jit3A_1076 = arith.constant 0.000000e+00 : f32
      %broadcast_in_dim3A_1077 = vector.broadcast %add3A_1075 : f32 to vector<16xf32>
      %broadcast_in_dim3A_1078 = vector.broadcast %jit3A_1076 : f32 to vector<16xf32>
      %select_n3A_1079 = arith.select %eq3A_1074, %broadcast_in_dim3A_1077, %broadcast_in_dim3A_1078 : vector<16xi1>, vector<16xf32>
      %add3A_1080 = arith.addf %add3A_1053, %select_n3A_1079 : vector<16xf32>
      %eq3A_1081 = arith.constant 5 : i32
      %eq3A_1082 = vector.broadcast %eq3A_1081 : i32 to vector<16xi32>
      %eq3A_1083 = arith.cmpi eq, %get3A_6, %eq3A_1082 : vector<16xi32>
      %and3A_1084 = arith.andi %eq3A_941, %eq3A_1083 : vector<16xi1>
      %select_n3A_1085 = arith.select %and3A_1084, %broadcast_in_dim3A_21, %broadcast_in_dim3A_23 : vector<16xi1>, vector<16xf32>
      %reduce_sum3A_1086 = arith.constant true
      %reduce_sum3A_1087 = vector.broadcast %reduce_sum3A_1086 : i1 to vector<16xi1>
      %reduce_sum3A_1088 = tpu.scan <sum>, %select_n3A_1085 masked %reduce_sum3A_1087 : vector<16xf32>, vector<16xi1> -> vector<16xf32>
      %reduce_sum3A_1089 = vector.extract %reduce_sum3A_1088[15] : f32 from vector<16xf32>
      %eq3A_1090 = arith.constant 5 : i32
      %eq3A_1091 = vector.broadcast %eq3A_1090 : i32 to vector<16xi32>
      %eq3A_1092 = arith.cmpi eq, %get3A_14, %eq3A_1091 : vector<16xi32>
      %and3A_1093 = arith.andi %and3A_945, %eq3A_1092 : vector<16xi1>
      %select_n3A_1094 = arith.select %and3A_1093, %broadcast_in_dim3A_21, %broadcast_in_dim3A_23 : vector<16xi1>, vector<16xf32>
      %reduce_sum3A_1095 = arith.constant true
      %reduce_sum3A_1096 = vector.broadcast %reduce_sum3A_1095 : i1 to vector<16xi1>
      %reduce_sum3A_1097 = tpu.scan <sum>, %select_n3A_1094 masked %reduce_sum3A_1096 : vector<16xf32>, vector<16xi1> -> vector<16xf32>
      %reduce_sum3A_1098 = vector.extract %reduce_sum3A_1097[15] : f32 from vector<16xf32>
      %eq3A_1099 = arith.constant 5 : i32
      %eq3A_1100 = vector.broadcast %eq3A_1099 : i32 to vector<16xi32>
      %eq3A_1101 = arith.cmpi eq, %iota3A, %eq3A_1100 : vector<16xi32>
      %add3A_1102 = arith.addf %reduce_sum3A_1089, %reduce_sum3A_1098 : f32
      %jit3A_1103 = arith.constant 0.000000e+00 : f32
      %broadcast_in_dim3A_1104 = vector.broadcast %add3A_1102 : f32 to vector<16xf32>
      %broadcast_in_dim3A_1105 = vector.broadcast %jit3A_1103 : f32 to vector<16xf32>
      %select_n3A_1106 = arith.select %eq3A_1101, %broadcast_in_dim3A_1104, %broadcast_in_dim3A_1105 : vector<16xi1>, vector<16xf32>
      %add3A_1107 = arith.addf %add3A_1080, %select_n3A_1106 : vector<16xf32>
      %eq3A_1108 = arith.constant 6 : i32
      %eq3A_1109 = vector.broadcast %eq3A_1108 : i32 to vector<16xi32>
      %eq3A_1110 = arith.cmpi eq, %get3A_6, %eq3A_1109 : vector<16xi32>
      %and3A_1111 = arith.andi %eq3A_941, %eq3A_1110 : vector<16xi1>
      %select_n3A_1112 = arith.select %and3A_1111, %broadcast_in_dim3A_21, %broadcast_in_dim3A_23 : vector<16xi1>, vector<16xf32>
      %reduce_sum3A_1113 = arith.constant true
      %reduce_sum3A_1114 = vector.broadcast %reduce_sum3A_1113 : i1 to vector<16xi1>
      %reduce_sum3A_1115 = tpu.scan <sum>, %select_n3A_1112 masked %reduce_sum3A_1114 : vector<16xf32>, vector<16xi1> -> vector<16xf32>
      %reduce_sum3A_1116 = vector.extract %reduce_sum3A_1115[15] : f32 from vector<16xf32>
      %eq3A_1117 = arith.constant 6 : i32
      %eq3A_1118 = vector.broadcast %eq3A_1117 : i32 to vector<16xi32>
      %eq3A_1119 = arith.cmpi eq, %get3A_14, %eq3A_1118 : vector<16xi32>
      %and3A_1120 = arith.andi %and3A_945, %eq3A_1119 : vector<16xi1>
      %select_n3A_1121 = arith.select %and3A_1120, %broadcast_in_dim3A_21, %broadcast_in_dim3A_23 : vector<16xi1>, vector<16xf32>
      %reduce_sum3A_1122 = arith.constant true
      %reduce_sum3A_1123 = vector.broadcast %reduce_sum3A_1122 : i1 to vector<16xi1>
      %reduce_sum3A_1124 = tpu.scan <sum>, %select_n3A_1121 masked %reduce_sum3A_1123 : vector<16xf32>, vector<16xi1> -> vector<16xf32>
      %reduce_sum3A_1125 = vector.extract %reduce_sum3A_1124[15] : f32 from vector<16xf32>
      %eq3A_1126 = arith.constant 6 : i32
      %eq3A_1127 = vector.broadcast %eq3A_1126 : i32 to vector<16xi32>
      %eq3A_1128 = arith.cmpi eq, %iota3A, %eq3A_1127 : vector<16xi32>
      %add3A_1129 = arith.addf %reduce_sum3A_1116, %reduce_sum3A_1125 : f32
      %jit3A_1130 = arith.constant 0.000000e+00 : f32
      %broadcast_in_dim3A_1131 = vector.broadcast %add3A_1129 : f32 to vector<16xf32>
      %broadcast_in_dim3A_1132 = vector.broadcast %jit3A_1130 : f32 to vector<16xf32>
      %select_n3A_1133 = arith.select %eq3A_1128, %broadcast_in_dim3A_1131, %broadcast_in_dim3A_1132 : vector<16xi1>, vector<16xf32>
      %add3A_1134 = arith.addf %add3A_1107, %select_n3A_1133 : vector<16xf32>
      %eq3A_1135 = arith.constant 7 : i32
      %eq3A_1136 = vector.broadcast %eq3A_1135 : i32 to vector<16xi32>
      %eq3A_1137 = arith.cmpi eq, %get3A_6, %eq3A_1136 : vector<16xi32>
      %and3A_1138 = arith.andi %eq3A_941, %eq3A_1137 : vector<16xi1>
      %select_n3A_1139 = arith.select %and3A_1138, %broadcast_in_dim3A_21, %broadcast_in_dim3A_23 : vector<16xi1>, vector<16xf32>
      %reduce_sum3A_1140 = arith.constant true
      %reduce_sum3A_1141 = vector.broadcast %reduce_sum3A_1140 : i1 to vector<16xi1>
      %reduce_sum3A_1142 = tpu.scan <sum>, %select_n3A_1139 masked %reduce_sum3A_1141 : vector<16xf32>, vector<16xi1> -> vector<16xf32>
      %reduce_sum3A_1143 = vector.extract %reduce_sum3A_1142[15] : f32 from vector<16xf32>
      %eq3A_1144 = arith.constant 7 : i32
      %eq3A_1145 = vector.broadcast %eq3A_1144 : i32 to vector<16xi32>
      %eq3A_1146 = arith.cmpi eq, %get3A_14, %eq3A_1145 : vector<16xi32>
      %and3A_1147 = arith.andi %and3A_945, %eq3A_1146 : vector<16xi1>
      %select_n3A_1148 = arith.select %and3A_1147, %broadcast_in_dim3A_21, %broadcast_in_dim3A_23 : vector<16xi1>, vector<16xf32>
      %reduce_sum3A_1149 = arith.constant true
      %reduce_sum3A_1150 = vector.broadcast %reduce_sum3A_1149 : i1 to vector<16xi1>
      %reduce_sum3A_1151 = tpu.scan <sum>, %select_n3A_1148 masked %reduce_sum3A_1150 : vector<16xf32>, vector<16xi1> -> vector<16xf32>
      %reduce_sum3A_1152 = vector.extract %reduce_sum3A_1151[15] : f32 from vector<16xf32>
      %eq3A_1153 = arith.constant 7 : i32
      %eq3A_1154 = vector.broadcast %eq3A_1153 : i32 to vector<16xi32>
      %eq3A_1155 = arith.cmpi eq, %iota3A, %eq3A_1154 : vector<16xi32>
      %add3A_1156 = arith.addf %reduce_sum3A_1143, %reduce_sum3A_1152 : f32
      %jit3A_1157 = arith.constant 0.000000e+00 : f32
      %broadcast_in_dim3A_1158 = vector.broadcast %add3A_1156 : f32 to vector<16xf32>
      %broadcast_in_dim3A_1159 = vector.broadcast %jit3A_1157 : f32 to vector<16xf32>
      %select_n3A_1160 = arith.select %eq3A_1155, %broadcast_in_dim3A_1158, %broadcast_in_dim3A_1159 : vector<16xi1>, vector<16xf32>
      %add3A_1161 = arith.addf %add3A_1134, %select_n3A_1160 : vector<16xf32>
      %eq3A_1162 = arith.constant 8 : i32
      %eq3A_1163 = vector.broadcast %eq3A_1162 : i32 to vector<16xi32>
      %eq3A_1164 = arith.cmpi eq, %get3A_6, %eq3A_1163 : vector<16xi32>
      %and3A_1165 = arith.andi %eq3A_941, %eq3A_1164 : vector<16xi1>
      %select_n3A_1166 = arith.select %and3A_1165, %broadcast_in_dim3A_21, %broadcast_in_dim3A_23 : vector<16xi1>, vector<16xf32>
      %reduce_sum3A_1167 = arith.constant true
      %reduce_sum3A_1168 = vector.broadcast %reduce_sum3A_1167 : i1 to vector<16xi1>
      %reduce_sum3A_1169 = tpu.scan <sum>, %select_n3A_1166 masked %reduce_sum3A_1168 : vector<16xf32>, vector<16xi1> -> vector<16xf32>
      %reduce_sum3A_1170 = vector.extract %reduce_sum3A_1169[15] : f32 from vector<16xf32>
      %eq3A_1171 = arith.constant 8 : i32
      %eq3A_1172 = vector.broadcast %eq3A_1171 : i32 to vector<16xi32>
      %eq3A_1173 = arith.cmpi eq, %get3A_14, %eq3A_1172 : vector<16xi32>
      %and3A_1174 = arith.andi %and3A_945, %eq3A_1173 : vector<16xi1>
      %select_n3A_1175 = arith.select %and3A_1174, %broadcast_in_dim3A_21, %broadcast_in_dim3A_23 : vector<16xi1>, vector<16xf32>
      %reduce_sum3A_1176 = arith.constant true
      %reduce_sum3A_1177 = vector.broadcast %reduce_sum3A_1176 : i1 to vector<16xi1>
      %reduce_sum3A_1178 = tpu.scan <sum>, %select_n3A_1175 masked %reduce_sum3A_1177 : vector<16xf32>, vector<16xi1> -> vector<16xf32>
      %reduce_sum3A_1179 = vector.extract %reduce_sum3A_1178[15] : f32 from vector<16xf32>
      %eq3A_1180 = arith.constant 8 : i32
      %eq3A_1181 = vector.broadcast %eq3A_1180 : i32 to vector<16xi32>
      %eq3A_1182 = arith.cmpi eq, %iota3A, %eq3A_1181 : vector<16xi32>
      %add3A_1183 = arith.addf %reduce_sum3A_1170, %reduce_sum3A_1179 : f32
      %jit3A_1184 = arith.constant 0.000000e+00 : f32
      %broadcast_in_dim3A_1185 = vector.broadcast %add3A_1183 : f32 to vector<16xf32>
      %broadcast_in_dim3A_1186 = vector.broadcast %jit3A_1184 : f32 to vector<16xf32>
      %select_n3A_1187 = arith.select %eq3A_1182, %broadcast_in_dim3A_1185, %broadcast_in_dim3A_1186 : vector<16xi1>, vector<16xf32>
      %add3A_1188 = arith.addf %add3A_1161, %select_n3A_1187 : vector<16xf32>
      %eq3A_1189 = arith.constant 9 : i32
      %eq3A_1190 = vector.broadcast %eq3A_1189 : i32 to vector<16xi32>
      %eq3A_1191 = arith.cmpi eq, %get3A_6, %eq3A_1190 : vector<16xi32>
      %and3A_1192 = arith.andi %eq3A_941, %eq3A_1191 : vector<16xi1>
      %select_n3A_1193 = arith.select %and3A_1192, %broadcast_in_dim3A_21, %broadcast_in_dim3A_23 : vector<16xi1>, vector<16xf32>
      %reduce_sum3A_1194 = arith.constant true
      %reduce_sum3A_1195 = vector.broadcast %reduce_sum3A_1194 : i1 to vector<16xi1>
      %reduce_sum3A_1196 = tpu.scan <sum>, %select_n3A_1193 masked %reduce_sum3A_1195 : vector<16xf32>, vector<16xi1> -> vector<16xf32>
      %reduce_sum3A_1197 = vector.extract %reduce_sum3A_1196[15] : f32 from vector<16xf32>
      %eq3A_1198 = arith.constant 9 : i32
      %eq3A_1199 = vector.broadcast %eq3A_1198 : i32 to vector<16xi32>
      %eq3A_1200 = arith.cmpi eq, %get3A_14, %eq3A_1199 : vector<16xi32>
      %and3A_1201 = arith.andi %and3A_945, %eq3A_1200 : vector<16xi1>
      %select_n3A_1202 = arith.select %and3A_1201, %broadcast_in_dim3A_21, %broadcast_in_dim3A_23 : vector<16xi1>, vector<16xf32>
      %reduce_sum3A_1203 = arith.constant true
      %reduce_sum3A_1204 = vector.broadcast %reduce_sum3A_1203 : i1 to vector<16xi1>
      %reduce_sum3A_1205 = tpu.scan <sum>, %select_n3A_1202 masked %reduce_sum3A_1204 : vector<16xf32>, vector<16xi1> -> vector<16xf32>
      %reduce_sum3A_1206 = vector.extract %reduce_sum3A_1205[15] : f32 from vector<16xf32>
      %eq3A_1207 = arith.constant 9 : i32
      %eq3A_1208 = vector.broadcast %eq3A_1207 : i32 to vector<16xi32>
      %eq3A_1209 = arith.cmpi eq, %iota3A, %eq3A_1208 : vector<16xi32>
      %add3A_1210 = arith.addf %reduce_sum3A_1197, %reduce_sum3A_1206 : f32
      %jit3A_1211 = arith.constant 0.000000e+00 : f32
      %broadcast_in_dim3A_1212 = vector.broadcast %add3A_1210 : f32 to vector<16xf32>
      %broadcast_in_dim3A_1213 = vector.broadcast %jit3A_1211 : f32 to vector<16xf32>
      %select_n3A_1214 = arith.select %eq3A_1209, %broadcast_in_dim3A_1212, %broadcast_in_dim3A_1213 : vector<16xi1>, vector<16xf32>
      %add3A_1215 = arith.addf %add3A_1188, %select_n3A_1214 : vector<16xf32>
      %mul3A_1216 = arith.mulf %add3A_1215, %mul3A_315 : vector<16xf32>
      %mul3A_1217 = vector.broadcast %reduce_sum3A_930 : f32 to vector<16xf32>
      %mul3A_1218 = arith.mulf %mul3A_1216, %mul3A_1217 : vector<16xf32>
      %swap3A_1219 = arith.constant 2 : i32
      %swap3A_1220 = arith.index_cast %swap3A_1219 : i32 to index
      %swap3A_1221 = arith.constant 0 : index
      %swap3A_1222 = tpu.vector_load %arg6[%swap3A_1220, %swap3A_1221] {strides = array<i32>} : memref<16x16xf32, #tpu.memory_space<vmem>>, vector<16xf32>,
      tpu.vector_store %arg6[%swap3A_1220, %swap3A_1221], %mul3A_1218 {strides = array<i32>} : memref<16x16xf32, #tpu.memory_space<vmem>>, vector<16xf32>,
      %eq3A_1223 = arith.constant 3 : i32
      %eq3A_1224 = vector.broadcast %eq3A_1223 : i32 to vector<16xi32>
      %eq3A_1225 = arith.cmpi eq, %iota3A, %eq3A_1224 : vector<16xi32>
      %jit3A_1226 = arith.constant 0.000000e+00 : f32
      %broadcast_in_dim3A_1227 = vector.broadcast %jit3A_1226 : f32 to vector<16xf32>
      %select_n3A_1228 = arith.select %eq3A_1225, %mul3A_315, %broadcast_in_dim3A_1227 : vector<16xi1>, vector<16xf32>
      %reduce_sum3A_1229 = arith.constant true
      %reduce_sum3A_1230 = vector.broadcast %reduce_sum3A_1229 : i1 to vector<16xi1>
      %reduce_sum3A_1231 = tpu.scan <sum>, %select_n3A_1228 masked %reduce_sum3A_1230 : vector<16xf32>, vector<16xi1> -> vector<16xf32>
      %reduce_sum3A_1232 = vector.extract %reduce_sum3A_1231[15] : f32 from vector<16xf32>
      %eq3A_1233 = arith.constant 3 : i32
      %eq3A_1234 = vector.broadcast %eq3A_1233 : i32 to vector<16xi32>
      %eq3A_1235 = arith.cmpi eq, %iota3A, %eq3A_1234 : vector<16xi32>
      %jit3A_1236 = arith.constant 1.000000e+00 : f32
      %jit3A_1237 = arith.constant 0.000000e+00 : f32
      %broadcast_in_dim3A_1238 = vector.broadcast %jit3A_1236 : f32 to vector<16xf32>
      %broadcast_in_dim3A_1239 = vector.broadcast %jit3A_1237 : f32 to vector<16xf32>
      %select_n3A_1240 = arith.select %eq3A_1235, %broadcast_in_dim3A_1238, %broadcast_in_dim3A_1239 : vector<16xi1>, vector<16xf32>
      %eq3A_1241 = arith.constant 3 : i32
      %eq3A_1242 = vector.broadcast %eq3A_1241 : i32 to vector<16xi32>
      %eq3A_1243 = arith.cmpi eq, %get3A_10, %eq3A_1242 : vector<16xi32>
      %eq3A_1244 = arith.constant 3 : i32
      %eq3A_1245 = vector.broadcast %eq3A_1244 : i32 to vector<16xi32>
      %eq3A_1246 = arith.cmpi eq, %get3A_18, %eq3A_1245 : vector<16xi32>
      %and3A_1247 = arith.andi %eq3A_1246, %ge3A_20 : vector<16xi1>
      %eq3A_1248 = arith.constant 0 : i32
      %eq3A_1249 = vector.broadcast %eq3A_1248 : i32 to vector<16xi32>
      %eq3A_1250 = arith.cmpi eq, %get3A_6, %eq3A_1249 : vector<16xi32>
      %and3A_1251 = arith.andi %eq3A_1243, %eq3A_1250 : vector<16xi1>
      %select_n3A_1252 = arith.select %and3A_1251, %broadcast_in_dim3A_21, %broadcast_in_dim3A_23 : vector<16xi1>, vector<16xf32>
      %reduce_sum3A_1253 = arith.constant true
      %reduce_sum3A_1254 = vector.broadcast %reduce_sum3A_1253 : i1 to vector<16xi1>
      %reduce_sum3A_1255 = tpu.scan <sum>, %select_n3A_1252 masked %reduce_sum3A_1254 : vector<16xf32>, vector<16xi1> -> vector<16xf32>
      %reduce_sum3A_1256 = vector.extract %reduce_sum3A_1255[15] : f32 from vector<16xf32>
      %eq3A_1257 = arith.constant 0 : i32
      %eq3A_1258 = vector.broadcast %eq3A_1257 : i32 to vector<16xi32>
      %eq3A_1259 = arith.cmpi eq, %get3A_14, %eq3A_1258 : vector<16xi32>
      %and3A_1260 = arith.andi %and3A_1247, %eq3A_1259 : vector<16xi1>
      %select_n3A_1261 = arith.select %and3A_1260, %broadcast_in_dim3A_21, %broadcast_in_dim3A_23 : vector<16xi1>, vector<16xf32>
      %reduce_sum3A_1262 = arith.constant true
      %reduce_sum3A_1263 = vector.broadcast %reduce_sum3A_1262 : i1 to vector<16xi1>
      %reduce_sum3A_1264 = tpu.scan <sum>, %select_n3A_1261 masked %reduce_sum3A_1263 : vector<16xf32>, vector<16xi1> -> vector<16xf32>
      %reduce_sum3A_1265 = vector.extract %reduce_sum3A_1264[15] : f32 from vector<16xf32>
      %eq3A_1266 = arith.constant 0 : i32
      %eq3A_1267 = vector.broadcast %eq3A_1266 : i32 to vector<16xi32>
      %eq3A_1268 = arith.cmpi eq, %iota3A, %eq3A_1267 : vector<16xi32>
      %add3A_1269 = arith.addf %reduce_sum3A_1256, %reduce_sum3A_1265 : f32
      %jit3A_1270 = arith.constant 0.000000e+00 : f32
      %broadcast_in_dim3A_1271 = vector.broadcast %add3A_1269 : f32 to vector<16xf32>
      %broadcast_in_dim3A_1272 = vector.broadcast %jit3A_1270 : f32 to vector<16xf32>
      %select_n3A_1273 = arith.select %eq3A_1268, %broadcast_in_dim3A_1271, %broadcast_in_dim3A_1272 : vector<16xi1>, vector<16xf32>
      %add3A_1274 = arith.addf %select_n3A_1240, %select_n3A_1273 : vector<16xf32>
      %eq3A_1275 = arith.constant 1 : i32
      %eq3A_1276 = vector.broadcast %eq3A_1275 : i32 to vector<16xi32>
      %eq3A_1277 = arith.cmpi eq, %get3A_6, %eq3A_1276 : vector<16xi32>
      %and3A_1278 = arith.andi %eq3A_1243, %eq3A_1277 : vector<16xi1>
      %select_n3A_1279 = arith.select %and3A_1278, %broadcast_in_dim3A_21, %broadcast_in_dim3A_23 : vector<16xi1>, vector<16xf32>
      %reduce_sum3A_1280 = arith.constant true
      %reduce_sum3A_1281 = vector.broadcast %reduce_sum3A_1280 : i1 to vector<16xi1>
      %reduce_sum3A_1282 = tpu.scan <sum>, %select_n3A_1279 masked %reduce_sum3A_1281 : vector<16xf32>, vector<16xi1> -> vector<16xf32>
      %reduce_sum3A_1283 = vector.extract %reduce_sum3A_1282[15] : f32 from vector<16xf32>
      %eq3A_1284 = arith.constant 1 : i32
      %eq3A_1285 = vector.broadcast %eq3A_1284 : i32 to vector<16xi32>
      %eq3A_1286 = arith.cmpi eq, %get3A_14, %eq3A_1285 : vector<16xi32>
      %and3A_1287 = arith.andi %and3A_1247, %eq3A_1286 : vector<16xi1>
      %select_n3A_1288 = arith.select %and3A_1287, %broadcast_in_dim3A_21, %broadcast_in_dim3A_23 : vector<16xi1>, vector<16xf32>
      %reduce_sum3A_1289 = arith.constant true
      %reduce_sum3A_1290 = vector.broadcast %reduce_sum3A_1289 : i1 to vector<16xi1>
      %reduce_sum3A_1291 = tpu.scan <sum>, %select_n3A_1288 masked %reduce_sum3A_1290 : vector<16xf32>, vector<16xi1> -> vector<16xf32>
      %reduce_sum3A_1292 = vector.extract %reduce_sum3A_1291[15] : f32 from vector<16xf32>
      %eq3A_1293 = arith.constant 1 : i32
      %eq3A_1294 = vector.broadcast %eq3A_1293 : i32 to vector<16xi32>
      %eq3A_1295 = arith.cmpi eq, %iota3A, %eq3A_1294 : vector<16xi32>
      %add3A_1296 = arith.addf %reduce_sum3A_1283, %reduce_sum3A_1292 : f32
      %jit3A_1297 = arith.constant 0.000000e+00 : f32
      %broadcast_in_dim3A_1298 = vector.broadcast %add3A_1296 : f32 to vector<16xf32>
      %broadcast_in_dim3A_1299 = vector.broadcast %jit3A_1297 : f32 to vector<16xf32>
      %select_n3A_1300 = arith.select %eq3A_1295, %broadcast_in_dim3A_1298, %broadcast_in_dim3A_1299 : vector<16xi1>, vector<16xf32>
      %add3A_1301 = arith.addf %add3A_1274, %select_n3A_1300 : vector<16xf32>
      %eq3A_1302 = arith.constant 2 : i32
      %eq3A_1303 = vector.broadcast %eq3A_1302 : i32 to vector<16xi32>
      %eq3A_1304 = arith.cmpi eq, %get3A_6, %eq3A_1303 : vector<16xi32>
      %and3A_1305 = arith.andi %eq3A_1243, %eq3A_1304 : vector<16xi1>
      %select_n3A_1306 = arith.select %and3A_1305, %broadcast_in_dim3A_21, %broadcast_in_dim3A_23 : vector<16xi1>, vector<16xf32>
      %reduce_sum3A_1307 = arith.constant true
      %reduce_sum3A_1308 = vector.broadcast %reduce_sum3A_1307 : i1 to vector<16xi1>
      %reduce_sum3A_1309 = tpu.scan <sum>, %select_n3A_1306 masked %reduce_sum3A_1308 : vector<16xf32>, vector<16xi1> -> vector<16xf32>
      %reduce_sum3A_1310 = vector.extract %reduce_sum3A_1309[15] : f32 from vector<16xf32>
      %eq3A_1311 = arith.constant 2 : i32
      %eq3A_1312 = vector.broadcast %eq3A_1311 : i32 to vector<16xi32>
      %eq3A_1313 = arith.cmpi eq, %get3A_14, %eq3A_1312 : vector<16xi32>
      %and3A_1314 = arith.andi %and3A_1247, %eq3A_1313 : vector<16xi1>
      %select_n3A_1315 = arith.select %and3A_1314, %broadcast_in_dim3A_21, %broadcast_in_dim3A_23 : vector<16xi1>, vector<16xf32>
      %reduce_sum3A_1316 = arith.constant true
      %reduce_sum3A_1317 = vector.broadcast %reduce_sum3A_1316 : i1 to vector<16xi1>
      %reduce_sum3A_1318 = tpu.scan <sum>, %select_n3A_1315 masked %reduce_sum3A_1317 : vector<16xf32>, vector<16xi1> -> vector<16xf32>
      %reduce_sum3A_1319 = vector.extract %reduce_sum3A_1318[15] : f32 from vector<16xf32>
      %eq3A_1320 = arith.constant 2 : i32
      %eq3A_1321 = vector.broadcast %eq3A_1320 : i32 to vector<16xi32>
      %eq3A_1322 = arith.cmpi eq, %iota3A, %eq3A_1321 : vector<16xi32>
      %add3A_1323 = arith.addf %reduce_sum3A_1310, %reduce_sum3A_1319 : f32
      %jit3A_1324 = arith.constant 0.000000e+00 : f32
      %broadcast_in_dim3A_1325 = vector.broadcast %add3A_1323 : f32 to vector<16xf32>
      %broadcast_in_dim3A_1326 = vector.broadcast %jit3A_1324 : f32 to vector<16xf32>
      %select_n3A_1327 = arith.select %eq3A_1322, %broadcast_in_dim3A_1325, %broadcast_in_dim3A_1326 : vector<16xi1>, vector<16xf32>
      %add3A_1328 = arith.addf %add3A_1301, %select_n3A_1327 : vector<16xf32>
      %eq3A_1329 = arith.constant 3 : i32
      %eq3A_1330 = vector.broadcast %eq3A_1329 : i32 to vector<16xi32>
      %eq3A_1331 = arith.cmpi eq, %get3A_6, %eq3A_1330 : vector<16xi32>
      %and3A_1332 = arith.andi %eq3A_1243, %eq3A_1331 : vector<16xi1>
      %select_n3A_1333 = arith.select %and3A_1332, %broadcast_in_dim3A_21, %broadcast_in_dim3A_23 : vector<16xi1>, vector<16xf32>
      %reduce_sum3A_1334 = arith.constant true
      %reduce_sum3A_1335 = vector.broadcast %reduce_sum3A_1334 : i1 to vector<16xi1>
      %reduce_sum3A_1336 = tpu.scan <sum>, %select_n3A_1333 masked %reduce_sum3A_1335 : vector<16xf32>, vector<16xi1> -> vector<16xf32>
      %reduce_sum3A_1337 = vector.extract %reduce_sum3A_1336[15] : f32 from vector<16xf32>
      %eq3A_1338 = arith.constant 3 : i32
      %eq3A_1339 = vector.broadcast %eq3A_1338 : i32 to vector<16xi32>
      %eq3A_1340 = arith.cmpi eq, %get3A_14, %eq3A_1339 : vector<16xi32>
      %and3A_1341 = arith.andi %and3A_1247, %eq3A_1340 : vector<16xi1>
      %select_n3A_1342 = arith.select %and3A_1341, %broadcast_in_dim3A_21, %broadcast_in_dim3A_23 : vector<16xi1>, vector<16xf32>
      %reduce_sum3A_1343 = arith.constant true
      %reduce_sum3A_1344 = vector.broadcast %reduce_sum3A_1343 : i1 to vector<16xi1>
      %reduce_sum3A_1345 = tpu.scan <sum>, %select_n3A_1342 masked %reduce_sum3A_1344 : vector<16xf32>, vector<16xi1> -> vector<16xf32>
      %reduce_sum3A_1346 = vector.extract %reduce_sum3A_1345[15] : f32 from vector<16xf32>
      %eq3A_1347 = arith.constant 3 : i32
      %eq3A_1348 = vector.broadcast %eq3A_1347 : i32 to vector<16xi32>
      %eq3A_1349 = arith.cmpi eq, %iota3A, %eq3A_1348 : vector<16xi32>
      %add3A_1350 = arith.addf %reduce_sum3A_1337, %reduce_sum3A_1346 : f32
      %jit3A_1351 = arith.constant 0.000000e+00 : f32
      %broadcast_in_dim3A_1352 = vector.broadcast %add3A_1350 : f32 to vector<16xf32>
      %broadcast_in_dim3A_1353 = vector.broadcast %jit3A_1351 : f32 to vector<16xf32>
      %select_n3A_1354 = arith.select %eq3A_1349, %broadcast_in_dim3A_1352, %broadcast_in_dim3A_1353 : vector<16xi1>, vector<16xf32>
      %add3A_1355 = arith.addf %add3A_1328, %select_n3A_1354 : vector<16xf32>
      %eq3A_1356 = arith.constant 4 : i32
      %eq3A_1357 = vector.broadcast %eq3A_1356 : i32 to vector<16xi32>
      %eq3A_1358 = arith.cmpi eq, %get3A_6, %eq3A_1357 : vector<16xi32>
      %and3A_1359 = arith.andi %eq3A_1243, %eq3A_1358 : vector<16xi1>
      %select_n3A_1360 = arith.select %and3A_1359, %broadcast_in_dim3A_21, %broadcast_in_dim3A_23 : vector<16xi1>, vector<16xf32>
      %reduce_sum3A_1361 = arith.constant true
      %reduce_sum3A_1362 = vector.broadcast %reduce_sum3A_1361 : i1 to vector<16xi1>
      %reduce_sum3A_1363 = tpu.scan <sum>, %select_n3A_1360 masked %reduce_sum3A_1362 : vector<16xf32>, vector<16xi1> -> vector<16xf32>
      %reduce_sum3A_1364 = vector.extract %reduce_sum3A_1363[15] : f32 from vector<16xf32>
      %eq3A_1365 = arith.constant 4 : i32
      %eq3A_1366 = vector.broadcast %eq3A_1365 : i32 to vector<16xi32>
      %eq3A_1367 = arith.cmpi eq, %get3A_14, %eq3A_1366 : vector<16xi32>
      %and3A_1368 = arith.andi %and3A_1247, %eq3A_1367 : vector<16xi1>
      %select_n3A_1369 = arith.select %and3A_1368, %broadcast_in_dim3A_21, %broadcast_in_dim3A_23 : vector<16xi1>, vector<16xf32>
      %reduce_sum3A_1370 = arith.constant true
      %reduce_sum3A_1371 = vector.broadcast %reduce_sum3A_1370 : i1 to vector<16xi1>
      %reduce_sum3A_1372 = tpu.scan <sum>, %select_n3A_1369 masked %reduce_sum3A_1371 : vector<16xf32>, vector<16xi1> -> vector<16xf32>
      %reduce_sum3A_1373 = vector.extract %reduce_sum3A_1372[15] : f32 from vector<16xf32>
      %eq3A_1374 = arith.constant 4 : i32
      %eq3A_1375 = vector.broadcast %eq3A_1374 : i32 to vector<16xi32>
      %eq3A_1376 = arith.cmpi eq, %iota3A, %eq3A_1375 : vector<16xi32>
      %add3A_1377 = arith.addf %reduce_sum3A_1364, %reduce_sum3A_1373 : f32
      %jit3A_1378 = arith.constant 0.000000e+00 : f32
      %broadcast_in_dim3A_1379 = vector.broadcast %add3A_1377 : f32 to vector<16xf32>
      %broadcast_in_dim3A_1380 = vector.broadcast %jit3A_1378 : f32 to vector<16xf32>
      %select_n3A_1381 = arith.select %eq3A_1376, %broadcast_in_dim3A_1379, %broadcast_in_dim3A_1380 : vector<16xi1>, vector<16xf32>
      %add3A_1382 = arith.addf %add3A_1355, %select_n3A_1381 : vector<16xf32>
      %eq3A_1383 = arith.constant 5 : i32
      %eq3A_1384 = vector.broadcast %eq3A_1383 : i32 to vector<16xi32>
      %eq3A_1385 = arith.cmpi eq, %get3A_6, %eq3A_1384 : vector<16xi32>
      %and3A_1386 = arith.andi %eq3A_1243, %eq3A_1385 : vector<16xi1>
      %select_n3A_1387 = arith.select %and3A_1386, %broadcast_in_dim3A_21, %broadcast_in_dim3A_23 : vector<16xi1>, vector<16xf32>
      %reduce_sum3A_1388 = arith.constant true
      %reduce_sum3A_1389 = vector.broadcast %reduce_sum3A_1388 : i1 to vector<16xi1>
      %reduce_sum3A_1390 = tpu.scan <sum>, %select_n3A_1387 masked %reduce_sum3A_1389 : vector<16xf32>, vector<16xi1> -> vector<16xf32>
      %reduce_sum3A_1391 = vector.extract %reduce_sum3A_1390[15] : f32 from vector<16xf32>
      %eq3A_1392 = arith.constant 5 : i32
      %eq3A_1393 = vector.broadcast %eq3A_1392 : i32 to vector<16xi32>
      %eq3A_1394 = arith.cmpi eq, %get3A_14, %eq3A_1393 : vector<16xi32>
      %and3A_1395 = arith.andi %and3A_1247, %eq3A_1394 : vector<16xi1>
      %select_n3A_1396 = arith.select %and3A_1395, %broadcast_in_dim3A_21, %broadcast_in_dim3A_23 : vector<16xi1>, vector<16xf32>
      %reduce_sum3A_1397 = arith.constant true
      %reduce_sum3A_1398 = vector.broadcast %reduce_sum3A_1397 : i1 to vector<16xi1>
      %reduce_sum3A_1399 = tpu.scan <sum>, %select_n3A_1396 masked %reduce_sum3A_1398 : vector<16xf32>, vector<16xi1> -> vector<16xf32>
      %reduce_sum3A_1400 = vector.extract %reduce_sum3A_1399[15] : f32 from vector<16xf32>
      %eq3A_1401 = arith.constant 5 : i32
      %eq3A_1402 = vector.broadcast %eq3A_1401 : i32 to vector<16xi32>
      %eq3A_1403 = arith.cmpi eq, %iota3A, %eq3A_1402 : vector<16xi32>
      %add3A_1404 = arith.addf %reduce_sum3A_1391, %reduce_sum3A_1400 : f32
      %jit3A_1405 = arith.constant 0.000000e+00 : f32
      %broadcast_in_dim3A_1406 = vector.broadcast %add3A_1404 : f32 to vector<16xf32>
      %broadcast_in_dim3A_1407 = vector.broadcast %jit3A_1405 : f32 to vector<16xf32>
      %select_n3A_1408 = arith.select %eq3A_1403, %broadcast_in_dim3A_1406, %broadcast_in_dim3A_1407 : vector<16xi1>, vector<16xf32>
      %add3A_1409 = arith.addf %add3A_1382, %select_n3A_1408 : vector<16xf32>
      %eq3A_1410 = arith.constant 6 : i32
      %eq3A_1411 = vector.broadcast %eq3A_1410 : i32 to vector<16xi32>
      %eq3A_1412 = arith.cmpi eq, %get3A_6, %eq3A_1411 : vector<16xi32>
      %and3A_1413 = arith.andi %eq3A_1243, %eq3A_1412 : vector<16xi1>
      %select_n3A_1414 = arith.select %and3A_1413, %broadcast_in_dim3A_21, %broadcast_in_dim3A_23 : vector<16xi1>, vector<16xf32>
      %reduce_sum3A_1415 = arith.constant true
      %reduce_sum3A_1416 = vector.broadcast %reduce_sum3A_1415 : i1 to vector<16xi1>
      %reduce_sum3A_1417 = tpu.scan <sum>, %select_n3A_1414 masked %reduce_sum3A_1416 : vector<16xf32>, vector<16xi1> -> vector<16xf32>
      %reduce_sum3A_1418 = vector.extract %reduce_sum3A_1417[15] : f32 from vector<16xf32>
      %eq3A_1419 = arith.constant 6 : i32
      %eq3A_1420 = vector.broadcast %eq3A_1419 : i32 to vector<16xi32>
      %eq3A_1421 = arith.cmpi eq, %get3A_14, %eq3A_1420 : vector<16xi32>
      %and3A_1422 = arith.andi %and3A_1247, %eq3A_1421 : vector<16xi1>
      %select_n3A_1423 = arith.select %and3A_1422, %broadcast_in_dim3A_21, %broadcast_in_dim3A_23 : vector<16xi1>, vector<16xf32>
      %reduce_sum3A_1424 = arith.constant true
      %reduce_sum3A_1425 = vector.broadcast %reduce_sum3A_1424 : i1 to vector<16xi1>
      %reduce_sum3A_1426 = tpu.scan <sum>, %select_n3A_1423 masked %reduce_sum3A_1425 : vector<16xf32>, vector<16xi1> -> vector<16xf32>
      %reduce_sum3A_1427 = vector.extract %reduce_sum3A_1426[15] : f32 from vector<16xf32>
      %eq3A_1428 = arith.constant 6 : i32
      %eq3A_1429 = vector.broadcast %eq3A_1428 : i32 to vector<16xi32>
      %eq3A_1430 = arith.cmpi eq, %iota3A, %eq3A_1429 : vector<16xi32>
      %add3A_1431 = arith.addf %reduce_sum3A_1418, %reduce_sum3A_1427 : f32
      %jit3A_1432 = arith.constant 0.000000e+00 : f32
      %broadcast_in_dim3A_1433 = vector.broadcast %add3A_1431 : f32 to vector<16xf32>
      %broadcast_in_dim3A_1434 = vector.broadcast %jit3A_1432 : f32 to vector<16xf32>
      %select_n3A_1435 = arith.select %eq3A_1430, %broadcast_in_dim3A_1433, %broadcast_in_dim3A_1434 : vector<16xi1>, vector<16xf32>
      %add3A_1436 = arith.addf %add3A_1409, %select_n3A_1435 : vector<16xf32>
      %eq3A_1437 = arith.constant 7 : i32
      %eq3A_1438 = vector.broadcast %eq3A_1437 : i32 to vector<16xi32>
      %eq3A_1439 = arith.cmpi eq, %get3A_6, %eq3A_1438 : vector<16xi32>
      %and3A_1440 = arith.andi %eq3A_1243, %eq3A_1439 : vector<16xi1>
      %select_n3A_1441 = arith.select %and3A_1440, %broadcast_in_dim3A_21, %broadcast_in_dim3A_23 : vector<16xi1>, vector<16xf32>
      %reduce_sum3A_1442 = arith.constant true
      %reduce_sum3A_1443 = vector.broadcast %reduce_sum3A_1442 : i1 to vector<16xi1>
      %reduce_sum3A_1444 = tpu.scan <sum>, %select_n3A_1441 masked %reduce_sum3A_1443 : vector<16xf32>, vector<16xi1> -> vector<16xf32>
      %reduce_sum3A_1445 = vector.extract %reduce_sum3A_1444[15] : f32 from vector<16xf32>
      %eq3A_1446 = arith.constant 7 : i32
      %eq3A_1447 = vector.broadcast %eq3A_1446 : i32 to vector<16xi32>
      %eq3A_1448 = arith.cmpi eq, %get3A_14, %eq3A_1447 : vector<16xi32>
      %and3A_1449 = arith.andi %and3A_1247, %eq3A_1448 : vector<16xi1>
      %select_n3A_1450 = arith.select %and3A_1449, %broadcast_in_dim3A_21, %broadcast_in_dim3A_23 : vector<16xi1>, vector<16xf32>
      %reduce_sum3A_1451 = arith.constant true
      %reduce_sum3A_1452 = vector.broadcast %reduce_sum3A_1451 : i1 to vector<16xi1>
      %reduce_sum3A_1453 = tpu.scan <sum>, %select_n3A_1450 masked %reduce_sum3A_1452 : vector<16xf32>, vector<16xi1> -> vector<16xf32>
      %reduce_sum3A_1454 = vector.extract %reduce_sum3A_1453[15] : f32 from vector<16xf32>
      %eq3A_1455 = arith.constant 7 : i32
      %eq3A_1456 = vector.broadcast %eq3A_1455 : i32 to vector<16xi32>
      %eq3A_1457 = arith.cmpi eq, %iota3A, %eq3A_1456 : vector<16xi32>
      %add3A_1458 = arith.addf %reduce_sum3A_1445, %reduce_sum3A_1454 : f32
      %jit3A_1459 = arith.constant 0.000000e+00 : f32
      %broadcast_in_dim3A_1460 = vector.broadcast %add3A_1458 : f32 to vector<16xf32>
      %broadcast_in_dim3A_1461 = vector.broadcast %jit3A_1459 : f32 to vector<16xf32>
      %select_n3A_1462 = arith.select %eq3A_1457, %broadcast_in_dim3A_1460, %broadcast_in_dim3A_1461 : vector<16xi1>, vector<16xf32>
      %add3A_1463 = arith.addf %add3A_1436, %select_n3A_1462 : vector<16xf32>
      %eq3A_1464 = arith.constant 8 : i32
      %eq3A_1465 = vector.broadcast %eq3A_1464 : i32 to vector<16xi32>
      %eq3A_1466 = arith.cmpi eq, %get3A_6, %eq3A_1465 : vector<16xi32>
      %and3A_1467 = arith.andi %eq3A_1243, %eq3A_1466 : vector<16xi1>
      %select_n3A_1468 = arith.select %and3A_1467, %broadcast_in_dim3A_21, %broadcast_in_dim3A_23 : vector<16xi1>, vector<16xf32>
      %reduce_sum3A_1469 = arith.constant true
      %reduce_sum3A_1470 = vector.broadcast %reduce_sum3A_1469 : i1 to vector<16xi1>
      %reduce_sum3A_1471 = tpu.scan <sum>, %select_n3A_1468 masked %reduce_sum3A_1470 : vector<16xf32>, vector<16xi1> -> vector<16xf32>
      %reduce_sum3A_1472 = vector.extract %reduce_sum3A_1471[15] : f32 from vector<16xf32>
      %eq3A_1473 = arith.constant 8 : i32
      %eq3A_1474 = vector.broadcast %eq3A_1473 : i32 to vector<16xi32>
      %eq3A_1475 = arith.cmpi eq, %get3A_14, %eq3A_1474 : vector<16xi32>
      %and3A_1476 = arith.andi %and3A_1247, %eq3A_1475 : vector<16xi1>
      %select_n3A_1477 = arith.select %and3A_1476, %broadcast_in_dim3A_21, %broadcast_in_dim3A_23 : vector<16xi1>, vector<16xf32>
      %reduce_sum3A_1478 = arith.constant true
      %reduce_sum3A_1479 = vector.broadcast %reduce_sum3A_1478 : i1 to vector<16xi1>
      %reduce_sum3A_1480 = tpu.scan <sum>, %select_n3A_1477 masked %reduce_sum3A_1479 : vector<16xf32>, vector<16xi1> -> vector<16xf32>
      %reduce_sum3A_1481 = vector.extract %reduce_sum3A_1480[15] : f32 from vector<16xf32>
      %eq3A_1482 = arith.constant 8 : i32
      %eq3A_1483 = vector.broadcast %eq3A_1482 : i32 to vector<16xi32>
      %eq3A_1484 = arith.cmpi eq, %iota3A, %eq3A_1483 : vector<16xi32>
      %add3A_1485 = arith.addf %reduce_sum3A_1472, %reduce_sum3A_1481 : f32
      %jit3A_1486 = arith.constant 0.000000e+00 : f32
      %broadcast_in_dim3A_1487 = vector.broadcast %add3A_1485 : f32 to vector<16xf32>
      %broadcast_in_dim3A_1488 = vector.broadcast %jit3A_1486 : f32 to vector<16xf32>
      %select_n3A_1489 = arith.select %eq3A_1484, %broadcast_in_dim3A_1487, %broadcast_in_dim3A_1488 : vector<16xi1>, vector<16xf32>
      %add3A_1490 = arith.addf %add3A_1463, %select_n3A_1489 : vector<16xf32>
      %eq3A_1491 = arith.constant 9 : i32
      %eq3A_1492 = vector.broadcast %eq3A_1491 : i32 to vector<16xi32>
      %eq3A_1493 = arith.cmpi eq, %get3A_6, %eq3A_1492 : vector<16xi32>
      %and3A_1494 = arith.andi %eq3A_1243, %eq3A_1493 : vector<16xi1>
      %select_n3A_1495 = arith.select %and3A_1494, %broadcast_in_dim3A_21, %broadcast_in_dim3A_23 : vector<16xi1>, vector<16xf32>
      %reduce_sum3A_1496 = arith.constant true
      %reduce_sum3A_1497 = vector.broadcast %reduce_sum3A_1496 : i1 to vector<16xi1>
      %reduce_sum3A_1498 = tpu.scan <sum>, %select_n3A_1495 masked %reduce_sum3A_1497 : vector<16xf32>, vector<16xi1> -> vector<16xf32>
      %reduce_sum3A_1499 = vector.extract %reduce_sum3A_1498[15] : f32 from vector<16xf32>
      %eq3A_1500 = arith.constant 9 : i32
      %eq3A_1501 = vector.broadcast %eq3A_1500 : i32 to vector<16xi32>
      %eq3A_1502 = arith.cmpi eq, %get3A_14, %eq3A_1501 : vector<16xi32>
      %and3A_1503 = arith.andi %and3A_1247, %eq3A_1502 : vector<16xi1>
      %select_n3A_1504 = arith.select %and3A_1503, %broadcast_in_dim3A_21, %broadcast_in_dim3A_23 : vector<16xi1>, vector<16xf32>
      %reduce_sum3A_1505 = arith.constant true
      %reduce_sum3A_1506 = vector.broadcast %reduce_sum3A_1505 : i1 to vector<16xi1>
      %reduce_sum3A_1507 = tpu.scan <sum>, %select_n3A_1504 masked %reduce_sum3A_1506 : vector<16xf32>, vector<16xi1> -> vector<16xf32>
      %reduce_sum3A_1508 = vector.extract %reduce_sum3A_1507[15] : f32 from vector<16xf32>
      %eq3A_1509 = arith.constant 9 : i32
      %eq3A_1510 = vector.broadcast %eq3A_1509 : i32 to vector<16xi32>
      %eq3A_1511 = arith.cmpi eq, %iota3A, %eq3A_1510 : vector<16xi32>
      %add3A_1512 = arith.addf %reduce_sum3A_1499, %reduce_sum3A_1508 : f32
      %jit3A_1513 = arith.constant 0.000000e+00 : f32
      %broadcast_in_dim3A_1514 = vector.broadcast %add3A_1512 : f32 to vector<16xf32>
      %broadcast_in_dim3A_1515 = vector.broadcast %jit3A_1513 : f32 to vector<16xf32>
      %select_n3A_1516 = arith.select %eq3A_1511, %broadcast_in_dim3A_1514, %broadcast_in_dim3A_1515 : vector<16xi1>, vector<16xf32>
      %add3A_1517 = arith.addf %add3A_1490, %select_n3A_1516 : vector<16xf32>
      %mul3A_1518 = arith.mulf %add3A_1517, %mul3A_315 : vector<16xf32>
      %mul3A_1519 = vector.broadcast %reduce_sum3A_1232 : f32 to vector<16xf32>
      %mul3A_1520 = arith.mulf %mul3A_1518, %mul3A_1519 : vector<16xf32>
      %swap3A_1521 = arith.constant 3 : i32
      %swap3A_1522 = arith.index_cast %swap3A_1521 : i32 to index
      %swap3A_1523 = arith.constant 0 : index
      %swap3A_1524 = tpu.vector_load %arg6[%swap3A_1522, %swap3A_1523] {strides = array<i32>} : memref<16x16xf32, #tpu.memory_space<vmem>>, vector<16xf32>,
      tpu.vector_store %arg6[%swap3A_1522, %swap3A_1523], %mul3A_1520 {strides = array<i32>} : memref<16x16xf32, #tpu.memory_space<vmem>>, vector<16xf32>,
      %eq3A_1525 = arith.constant 4 : i32
      %eq3A_1526 = vector.broadcast %eq3A_1525 : i32 to vector<16xi32>
      %eq3A_1527 = arith.cmpi eq, %iota3A, %eq3A_1526 : vector<16xi32>
      %jit3A_1528 = arith.constant 0.000000e+00 : f32
      %broadcast_in_dim3A_1529 = vector.broadcast %jit3A_1528 : f32 to vector<16xf32>
      %select_n3A_1530 = arith.select %eq3A_1527, %mul3A_315, %broadcast_in_dim3A_1529 : vector<16xi1>, vector<16xf32>
      %reduce_sum3A_1531 = arith.constant true
      %reduce_sum3A_1532 = vector.broadcast %reduce_sum3A_1531 : i1 to vector<16xi1>
      %reduce_sum3A_1533 = tpu.scan <sum>, %select_n3A_1530 masked %reduce_sum3A_1532 : vector<16xf32>, vector<16xi1> -> vector<16xf32>
      %reduce_sum3A_1534 = vector.extract %reduce_sum3A_1533[15] : f32 from vector<16xf32>
      %eq3A_1535 = arith.constant 4 : i32
      %eq3A_1536 = vector.broadcast %eq3A_1535 : i32 to vector<16xi32>
      %eq3A_1537 = arith.cmpi eq, %iota3A, %eq3A_1536 : vector<16xi32>
      %jit3A_1538 = arith.constant 1.000000e+00 : f32
      %jit3A_1539 = arith.constant 0.000000e+00 : f32
      %broadcast_in_dim3A_1540 = vector.broadcast %jit3A_1538 : f32 to vector<16xf32>
      %broadcast_in_dim3A_1541 = vector.broadcast %jit3A_1539 : f32 to vector<16xf32>
      %select_n3A_1542 = arith.select %eq3A_1537, %broadcast_in_dim3A_1540, %broadcast_in_dim3A_1541 : vector<16xi1>, vector<16xf32>
      %eq3A_1543 = arith.constant 4 : i32
      %eq3A_1544 = vector.broadcast %eq3A_1543 : i32 to vector<16xi32>
      %eq3A_1545 = arith.cmpi eq, %get3A_10, %eq3A_1544 : vector<16xi32>
      %eq3A_1546 = arith.constant 4 : i32
      %eq3A_1547 = vector.broadcast %eq3A_1546 : i32 to vector<16xi32>
      %eq3A_1548 = arith.cmpi eq, %get3A_18, %eq3A_1547 : vector<16xi32>
      %and3A_1549 = arith.andi %eq3A_1548, %ge3A_20 : vector<16xi1>
      %eq3A_1550 = arith.constant 0 : i32
      %eq3A_1551 = vector.broadcast %eq3A_1550 : i32 to vector<16xi32>
      %eq3A_1552 = arith.cmpi eq, %get3A_6, %eq3A_1551 : vector<16xi32>
      %and3A_1553 = arith.andi %eq3A_1545, %eq3A_1552 : vector<16xi1>
      %select_n3A_1554 = arith.select %and3A_1553, %broadcast_in_dim3A_21, %broadcast_in_dim3A_23 : vector<16xi1>, vector<16xf32>
      %reduce_sum3A_1555 = arith.constant true
      %reduce_sum3A_1556 = vector.broadcast %reduce_sum3A_1555 : i1 to vector<16xi1>
      %reduce_sum3A_1557 = tpu.scan <sum>, %select_n3A_1554 masked %reduce_sum3A_1556 : vector<16xf32>, vector<16xi1> -> vector<16xf32>
      %reduce_sum3A_1558 = vector.extract %reduce_sum3A_1557[15] : f32 from vector<16xf32>
      %eq3A_1559 = arith.constant 0 : i32
      %eq3A_1560 = vector.broadcast %eq3A_1559 : i32 to vector<16xi32>
      %eq3A_1561 = arith.cmpi eq, %get3A_14, %eq3A_1560 : vector<16xi32>
      %and3A_1562 = arith.andi %and3A_1549, %eq3A_1561 : vector<16xi1>
      %select_n3A_1563 = arith.select %and3A_1562, %broadcast_in_dim3A_21, %broadcast_in_dim3A_23 : vector<16xi1>, vector<16xf32>
      %reduce_sum3A_1564 = arith.constant true
      %reduce_sum3A_1565 = vector.broadcast %reduce_sum3A_1564 : i1 to vector<16xi1>
      %reduce_sum3A_1566 = tpu.scan <sum>, %select_n3A_1563 masked %reduce_sum3A_1565 : vector<16xf32>, vector<16xi1> -> vector<16xf32>
      %reduce_sum3A_1567 = vector.extract %reduce_sum3A_1566[15] : f32 from vector<16xf32>
      %eq3A_1568 = arith.constant 0 : i32
      %eq3A_1569 = vector.broadcast %eq3A_1568 : i32 to vector<16xi32>
      %eq3A_1570 = arith.cmpi eq, %iota3A, %eq3A_1569 : vector<16xi32>
      %add3A_1571 = arith.addf %reduce_sum3A_1558, %reduce_sum3A_1567 : f32
      %jit3A_1572 = arith.constant 0.000000e+00 : f32
      %broadcast_in_dim3A_1573 = vector.broadcast %add3A_1571 : f32 to vector<16xf32>
      %broadcast_in_dim3A_1574 = vector.broadcast %jit3A_1572 : f32 to vector<16xf32>
      %select_n3A_1575 = arith.select %eq3A_1570, %broadcast_in_dim3A_1573, %broadcast_in_dim3A_1574 : vector<16xi1>, vector<16xf32>
      %add3A_1576 = arith.addf %select_n3A_1542, %select_n3A_1575 : vector<16xf32>
      %eq3A_1577 = arith.constant 1 : i32
      %eq3A_1578 = vector.broadcast %eq3A_1577 : i32 to vector<16xi32>
      %eq3A_1579 = arith.cmpi eq, %get3A_6, %eq3A_1578 : vector<16xi32>
      %and3A_1580 = arith.andi %eq3A_1545, %eq3A_1579 : vector<16xi1>
      %select_n3A_1581 = arith.select %and3A_1580, %broadcast_in_dim3A_21, %broadcast_in_dim3A_23 : vector<16xi1>, vector<16xf32>
      %reduce_sum3A_1582 = arith.constant true
      %reduce_sum3A_1583 = vector.broadcast %reduce_sum3A_1582 : i1 to vector<16xi1>
      %reduce_sum3A_1584 = tpu.scan <sum>, %select_n3A_1581 masked %reduce_sum3A_1583 : vector<16xf32>, vector<16xi1> -> vector<16xf32>
      %reduce_sum3A_1585 = vector.extract %reduce_sum3A_1584[15] : f32 from vector<16xf32>
      %eq3A_1586 = arith.constant 1 : i32
      %eq3A_1587 = vector.broadcast %eq3A_1586 : i32 to vector<16xi32>
      %eq3A_1588 = arith.cmpi eq, %get3A_14, %eq3A_1587 : vector<16xi32>
      %and3A_1589 = arith.andi %and3A_1549, %eq3A_1588 : vector<16xi1>
      %select_n3A_1590 = arith.select %and3A_1589, %broadcast_in_dim3A_21, %broadcast_in_dim3A_23 : vector<16xi1>, vector<16xf32>
      %reduce_sum3A_1591 = arith.constant true
      %reduce_sum3A_1592 = vector.broadcast %reduce_sum3A_1591 : i1 to vector<16xi1>
      %reduce_sum3A_1593 = tpu.scan <sum>, %select_n3A_1590 masked %reduce_sum3A_1592 : vector<16xf32>, vector<16xi1> -> vector<16xf32>
      %reduce_sum3A_1594 = vector.extract %reduce_sum3A_1593[15] : f32 from vector<16xf32>
      %eq3A_1595 = arith.constant 1 : i32
      %eq3A_1596 = vector.broadcast %eq3A_1595 : i32 to vector<16xi32>
      %eq3A_1597 = arith.cmpi eq, %iota3A, %eq3A_1596 : vector<16xi32>
      %add3A_1598 = arith.addf %reduce_sum3A_1585, %reduce_sum3A_1594 : f32
      %jit3A_1599 = arith.constant 0.000000e+00 : f32
      %broadcast_in_dim3A_1600 = vector.broadcast %add3A_1598 : f32 to vector<16xf32>
      %broadcast_in_dim3A_1601 = vector.broadcast %jit3A_1599 : f32 to vector<16xf32>
      %select_n3A_1602 = arith.select %eq3A_1597, %broadcast_in_dim3A_1600, %broadcast_in_dim3A_1601 : vector<16xi1>, vector<16xf32>
      %add3A_1603 = arith.addf %add3A_1576, %select_n3A_1602 : vector<16xf32>
      %eq3A_1604 = arith.constant 2 : i32
      %eq3A_1605 = vector.broadcast %eq3A_1604 : i32 to vector<16xi32>
      %eq3A_1606 = arith.cmpi eq, %get3A_6, %eq3A_1605 : vector<16xi32>
      %and3A_1607 = arith.andi %eq3A_1545, %eq3A_1606 : vector<16xi1>
      %select_n3A_1608 = arith.select %and3A_1607, %broadcast_in_dim3A_21, %broadcast_in_dim3A_23 : vector<16xi1>, vector<16xf32>
      %reduce_sum3A_1609 = arith.constant true
      %reduce_sum3A_1610 = vector.broadcast %reduce_sum3A_1609 : i1 to vector<16xi1>
      %reduce_sum3A_1611 = tpu.scan <sum>, %select_n3A_1608 masked %reduce_sum3A_1610 : vector<16xf32>, vector<16xi1> -> vector<16xf32>
      %reduce_sum3A_1612 = vector.extract %reduce_sum3A_1611[15] : f32 from vector<16xf32>
      %eq3A_1613 = arith.constant 2 : i32
      %eq3A_1614 = vector.broadcast %eq3A_1613 : i32 to vector<16xi32>
      %eq3A_1615 = arith.cmpi eq, %get3A_14, %eq3A_1614 : vector<16xi32>
      %and3A_1616 = arith.andi %and3A_1549, %eq3A_1615 : vector<16xi1>
      %select_n3A_1617 = arith.select %and3A_1616, %broadcast_in_dim3A_21, %broadcast_in_dim3A_23 : vector<16xi1>, vector<16xf32>
      %reduce_sum3A_1618 = arith.constant true
      %reduce_sum3A_1619 = vector.broadcast %reduce_sum3A_1618 : i1 to vector<16xi1>
      %reduce_sum3A_1620 = tpu.scan <sum>, %select_n3A_1617 masked %reduce_sum3A_1619 : vector<16xf32>, vector<16xi1> -> vector<16xf32>
      %reduce_sum3A_1621 = vector.extract %reduce_sum3A_1620[15] : f32 from vector<16xf32>
      %eq3A_1622 = arith.constant 2 : i32
      %eq3A_1623 = vector.broadcast %eq3A_1622 : i32 to vector<16xi32>
      %eq3A_1624 = arith.cmpi eq, %iota3A, %eq3A_1623 : vector<16xi32>
      %add3A_1625 = arith.addf %reduce_sum3A_1612, %reduce_sum3A_1621 : f32
      %jit3A_1626 = arith.constant 0.000000e+00 : f32
      %broadcast_in_dim3A_1627 = vector.broadcast %add3A_1625 : f32 to vector<16xf32>
      %broadcast_in_dim3A_1628 = vector.broadcast %jit3A_1626 : f32 to vector<16xf32>
      %select_n3A_1629 = arith.select %eq3A_1624, %broadcast_in_dim3A_1627, %broadcast_in_dim3A_1628 : vector<16xi1>, vector<16xf32>
      %add3A_1630 = arith.addf %add3A_1603, %select_n3A_1629 : vector<16xf32>
      %eq3A_1631 = arith.constant 3 : i32
      %eq3A_1632 = vector.broadcast %eq3A_1631 : i32 to vector<16xi32>
      %eq3A_1633 = arith.cmpi eq, %get3A_6, %eq3A_1632 : vector<16xi32>
      %and3A_1634 = arith.andi %eq3A_1545, %eq3A_1633 : vector<16xi1>
      %select_n3A_1635 = arith.select %and3A_1634, %broadcast_in_dim3A_21, %broadcast_in_dim3A_23 : vector<16xi1>, vector<16xf32>
      %reduce_sum3A_1636 = arith.constant true
      %reduce_sum3A_1637 = vector.broadcast %reduce_sum3A_1636 : i1 to vector<16xi1>
      %reduce_sum3A_1638 = tpu.scan <sum>, %select_n3A_1635 masked %reduce_sum3A_1637 : vector<16xf32>, vector<16xi1> -> vector<16xf32>
      %reduce_sum3A_1639 = vector.extract %reduce_sum3A_1638[15] : f32 from vector<16xf32>
      %eq3A_1640 = arith.constant 3 : i32
      %eq3A_1641 = vector.broadcast %eq3A_1640 : i32 to vector<16xi32>
      %eq3A_1642 = arith.cmpi eq, %get3A_14, %eq3A_1641 : vector<16xi32>
      %and3A_1643 = arith.andi %and3A_1549, %eq3A_1642 : vector<16xi1>
      %select_n3A_1644 = arith.select %and3A_1643, %broadcast_in_dim3A_21, %broadcast_in_dim3A_23 : vector<16xi1>, vector<16xf32>
      %reduce_sum3A_1645 = arith.constant true
      %reduce_sum3A_1646 = vector.broadcast %reduce_sum3A_1645 : i1 to vector<16xi1>
      %reduce_sum3A_1647 = tpu.scan <sum>, %select_n3A_1644 masked %reduce_sum3A_1646 : vector<16xf32>, vector<16xi1> -> vector<16xf32>
      %reduce_sum3A_1648 = vector.extract %reduce_sum3A_1647[15] : f32 from vector<16xf32>
      %eq3A_1649 = arith.constant 3 : i32
      %eq3A_1650 = vector.broadcast %eq3A_1649 : i32 to vector<16xi32>
      %eq3A_1651 = arith.cmpi eq, %iota3A, %eq3A_1650 : vector<16xi32>
      %add3A_1652 = arith.addf %reduce_sum3A_1639, %reduce_sum3A_1648 : f32
      %jit3A_1653 = arith.constant 0.000000e+00 : f32
      %broadcast_in_dim3A_1654 = vector.broadcast %add3A_1652 : f32 to vector<16xf32>
      %broadcast_in_dim3A_1655 = vector.broadcast %jit3A_1653 : f32 to vector<16xf32>
      %select_n3A_1656 = arith.select %eq3A_1651, %broadcast_in_dim3A_1654, %broadcast_in_dim3A_1655 : vector<16xi1>, vector<16xf32>
      %add3A_1657 = arith.addf %add3A_1630, %select_n3A_1656 : vector<16xf32>
      %eq3A_1658 = arith.constant 4 : i32
      %eq3A_1659 = vector.broadcast %eq3A_1658 : i32 to vector<16xi32>
      %eq3A_1660 = arith.cmpi eq, %get3A_6, %eq3A_1659 : vector<16xi32>
      %and3A_1661 = arith.andi %eq3A_1545, %eq3A_1660 : vector<16xi1>
      %select_n3A_1662 = arith.select %and3A_1661, %broadcast_in_dim3A_21, %broadcast_in_dim3A_23 : vector<16xi1>, vector<16xf32>
      %reduce_sum3A_1663 = arith.constant true
      %reduce_sum3A_1664 = vector.broadcast %reduce_sum3A_1663 : i1 to vector<16xi1>
      %reduce_sum3A_1665 = tpu.scan <sum>, %select_n3A_1662 masked %reduce_sum3A_1664 : vector<16xf32>, vector<16xi1> -> vector<16xf32>
      %reduce_sum3A_1666 = vector.extract %reduce_sum3A_1665[15] : f32 from vector<16xf32>
      %eq3A_1667 = arith.constant 4 : i32
      %eq3A_1668 = vector.broadcast %eq3A_1667 : i32 to vector<16xi32>
      %eq3A_1669 = arith.cmpi eq, %get3A_14, %eq3A_1668 : vector<16xi32>
      %and3A_1670 = arith.andi %and3A_1549, %eq3A_1669 : vector<16xi1>
      %select_n3A_1671 = arith.select %and3A_1670, %broadcast_in_dim3A_21, %broadcast_in_dim3A_23 : vector<16xi1>, vector<16xf32>
      %reduce_sum3A_1672 = arith.constant true
      %reduce_sum3A_1673 = vector.broadcast %reduce_sum3A_1672 : i1 to vector<16xi1>
      %reduce_sum3A_1674 = tpu.scan <sum>, %select_n3A_1671 masked %reduce_sum3A_1673 : vector<16xf32>, vector<16xi1> -> vector<16xf32>
      %reduce_sum3A_1675 = vector.extract %reduce_sum3A_1674[15] : f32 from vector<16xf32>
      %eq3A_1676 = arith.constant 4 : i32
      %eq3A_1677 = vector.broadcast %eq3A_1676 : i32 to vector<16xi32>
      %eq3A_1678 = arith.cmpi eq, %iota3A, %eq3A_1677 : vector<16xi32>
      %add3A_1679 = arith.addf %reduce_sum3A_1666, %reduce_sum3A_1675 : f32
      %jit3A_1680 = arith.constant 0.000000e+00 : f32
      %broadcast_in_dim3A_1681 = vector.broadcast %add3A_1679 : f32 to vector<16xf32>
      %broadcast_in_dim3A_1682 = vector.broadcast %jit3A_1680 : f32 to vector<16xf32>
      %select_n3A_1683 = arith.select %eq3A_1678, %broadcast_in_dim3A_1681, %broadcast_in_dim3A_1682 : vector<16xi1>, vector<16xf32>
      %add3A_1684 = arith.addf %add3A_1657, %select_n3A_1683 : vector<16xf32>
      %eq3A_1685 = arith.constant 5 : i32
      %eq3A_1686 = vector.broadcast %eq3A_1685 : i32 to vector<16xi32>
      %eq3A_1687 = arith.cmpi eq, %get3A_6, %eq3A_1686 : vector<16xi32>
      %and3A_1688 = arith.andi %eq3A_1545, %eq3A_1687 : vector<16xi1>
      %select_n3A_1689 = arith.select %and3A_1688, %broadcast_in_dim3A_21, %broadcast_in_dim3A_23 : vector<16xi1>, vector<16xf32>
      %reduce_sum3A_1690 = arith.constant true
      %reduce_sum3A_1691 = vector.broadcast %reduce_sum3A_1690 : i1 to vector<16xi1>
      %reduce_sum3A_1692 = tpu.scan <sum>, %select_n3A_1689 masked %reduce_sum3A_1691 : vector<16xf32>, vector<16xi1> -> vector<16xf32>
      %reduce_sum3A_1693 = vector.extract %reduce_sum3A_1692[15] : f32 from vector<16xf32>
      %eq3A_1694 = arith.constant 5 : i32
      %eq3A_1695 = vector.broadcast %eq3A_1694 : i32 to vector<16xi32>
      %eq3A_1696 = arith.cmpi eq, %get3A_14, %eq3A_1695 : vector<16xi32>
      %and3A_1697 = arith.andi %and3A_1549, %eq3A_1696 : vector<16xi1>
      %select_n3A_1698 = arith.select %and3A_1697, %broadcast_in_dim3A_21, %broadcast_in_dim3A_23 : vector<16xi1>, vector<16xf32>
      %reduce_sum3A_1699 = arith.constant true
      %reduce_sum3A_1700 = vector.broadcast %reduce_sum3A_1699 : i1 to vector<16xi1>
      %reduce_sum3A_1701 = tpu.scan <sum>, %select_n3A_1698 masked %reduce_sum3A_1700 : vector<16xf32>, vector<16xi1> -> vector<16xf32>
      %reduce_sum3A_1702 = vector.extract %reduce_sum3A_1701[15] : f32 from vector<16xf32>
      %eq3A_1703 = arith.constant 5 : i32
      %eq3A_1704 = vector.broadcast %eq3A_1703 : i32 to vector<16xi32>
      %eq3A_1705 = arith.cmpi eq, %iota3A, %eq3A_1704 : vector<16xi32>
      %add3A_1706 = arith.addf %reduce_sum3A_1693, %reduce_sum3A_1702 : f32
      %jit3A_1707 = arith.constant 0.000000e+00 : f32
      %broadcast_in_dim3A_1708 = vector.broadcast %add3A_1706 : f32 to vector<16xf32>
      %broadcast_in_dim3A_1709 = vector.broadcast %jit3A_1707 : f32 to vector<16xf32>
      %select_n3A_1710 = arith.select %eq3A_1705, %broadcast_in_dim3A_1708, %broadcast_in_dim3A_1709 : vector<16xi1>, vector<16xf32>
      %add3A_1711 = arith.addf %add3A_1684, %select_n3A_1710 : vector<16xf32>
      %eq3A_1712 = arith.constant 6 : i32
      %eq3A_1713 = vector.broadcast %eq3A_1712 : i32 to vector<16xi32>
      %eq3A_1714 = arith.cmpi eq, %get3A_6, %eq3A_1713 : vector<16xi32>
      %and3A_1715 = arith.andi %eq3A_1545, %eq3A_1714 : vector<16xi1>
      %select_n3A_1716 = arith.select %and3A_1715, %broadcast_in_dim3A_21, %broadcast_in_dim3A_23 : vector<16xi1>, vector<16xf32>
      %reduce_sum3A_1717 = arith.constant true
      %reduce_sum3A_1718 = vector.broadcast %reduce_sum3A_1717 : i1 to vector<16xi1>
      %reduce_sum3A_1719 = tpu.scan <sum>, %select_n3A_1716 masked %reduce_sum3A_1718 : vector<16xf32>, vector<16xi1> -> vector<16xf32>
      %reduce_sum3A_1720 = vector.extract %reduce_sum3A_1719[15] : f32 from vector<16xf32>
      %eq3A_1721 = arith.constant 6 : i32
      %eq3A_1722 = vector.broadcast %eq3A_1721 : i32 to vector<16xi32>
      %eq3A_1723 = arith.cmpi eq, %get3A_14, %eq3A_1722 : vector<16xi32>
      %and3A_1724 = arith.andi %and3A_1549, %eq3A_1723 : vector<16xi1>
      %select_n3A_1725 = arith.select %and3A_1724, %broadcast_in_dim3A_21, %broadcast_in_dim3A_23 : vector<16xi1>, vector<16xf32>
      %reduce_sum3A_1726 = arith.constant true
      %reduce_sum3A_1727 = vector.broadcast %reduce_sum3A_1726 : i1 to vector<16xi1>
      %reduce_sum3A_1728 = tpu.scan <sum>, %select_n3A_1725 masked %reduce_sum3A_1727 : vector<16xf32>, vector<16xi1> -> vector<16xf32>
      %reduce_sum3A_1729 = vector.extract %reduce_sum3A_1728[15] : f32 from vector<16xf32>
      %eq3A_1730 = arith.constant 6 : i32
      %eq3A_1731 = vector.broadcast %eq3A_1730 : i32 to vector<16xi32>
      %eq3A_1732 = arith.cmpi eq, %iota3A, %eq3A_1731 : vector<16xi32>
      %add3A_1733 = arith.addf %reduce_sum3A_1720, %reduce_sum3A_1729 : f32
      %jit3A_1734 = arith.constant 0.000000e+00 : f32
      %broadcast_in_dim3A_1735 = vector.broadcast %add3A_1733 : f32 to vector<16xf32>
      %broadcast_in_dim3A_1736 = vector.broadcast %jit3A_1734 : f32 to vector<16xf32>
      %select_n3A_1737 = arith.select %eq3A_1732, %broadcast_in_dim3A_1735, %broadcast_in_dim3A_1736 : vector<16xi1>, vector<16xf32>
      %add3A_1738 = arith.addf %add3A_1711, %select_n3A_1737 : vector<16xf32>
      %eq3A_1739 = arith.constant 7 : i32
      %eq3A_1740 = vector.broadcast %eq3A_1739 : i32 to vector<16xi32>
      %eq3A_1741 = arith.cmpi eq, %get3A_6, %eq3A_1740 : vector<16xi32>
      %and3A_1742 = arith.andi %eq3A_1545, %eq3A_1741 : vector<16xi1>
      %select_n3A_1743 = arith.select %and3A_1742, %broadcast_in_dim3A_21, %broadcast_in_dim3A_23 : vector<16xi1>, vector<16xf32>
      %reduce_sum3A_1744 = arith.constant true
      %reduce_sum3A_1745 = vector.broadcast %reduce_sum3A_1744 : i1 to vector<16xi1>
      %reduce_sum3A_1746 = tpu.scan <sum>, %select_n3A_1743 masked %reduce_sum3A_1745 : vector<16xf32>, vector<16xi1> -> vector<16xf32>
      %reduce_sum3A_1747 = vector.extract %reduce_sum3A_1746[15] : f32 from vector<16xf32>
      %eq3A_1748 = arith.constant 7 : i32
      %eq3A_1749 = vector.broadcast %eq3A_1748 : i32 to vector<16xi32>
      %eq3A_1750 = arith.cmpi eq, %get3A_14, %eq3A_1749 : vector<16xi32>
      %and3A_1751 = arith.andi %and3A_1549, %eq3A_1750 : vector<16xi1>
      %select_n3A_1752 = arith.select %and3A_1751, %broadcast_in_dim3A_21, %broadcast_in_dim3A_23 : vector<16xi1>, vector<16xf32>
      %reduce_sum3A_1753 = arith.constant true
      %reduce_sum3A_1754 = vector.broadcast %reduce_sum3A_1753 : i1 to vector<16xi1>
      %reduce_sum3A_1755 = tpu.scan <sum>, %select_n3A_1752 masked %reduce_sum3A_1754 : vector<16xf32>, vector<16xi1> -> vector<16xf32>
      %reduce_sum3A_1756 = vector.extract %reduce_sum3A_1755[15] : f32 from vector<16xf32>
      %eq3A_1757 = arith.constant 7 : i32
      %eq3A_1758 = vector.broadcast %eq3A_1757 : i32 to vector<16xi32>
      %eq3A_1759 = arith.cmpi eq, %iota3A, %eq3A_1758 : vector<16xi32>
      %add3A_1760 = arith.addf %reduce_sum3A_1747, %reduce_sum3A_1756 : f32
      %jit3A_1761 = arith.constant 0.000000e+00 : f32
      %broadcast_in_dim3A_1762 = vector.broadcast %add3A_1760 : f32 to vector<16xf32>
      %broadcast_in_dim3A_1763 = vector.broadcast %jit3A_1761 : f32 to vector<16xf32>
      %select_n3A_1764 = arith.select %eq3A_1759, %broadcast_in_dim3A_1762, %broadcast_in_dim3A_1763 : vector<16xi1>, vector<16xf32>
      %add3A_1765 = arith.addf %add3A_1738, %select_n3A_1764 : vector<16xf32>
      %eq3A_1766 = arith.constant 8 : i32
      %eq3A_1767 = vector.broadcast %eq3A_1766 : i32 to vector<16xi32>
      %eq3A_1768 = arith.cmpi eq, %get3A_6, %eq3A_1767 : vector<16xi32>
      %and3A_1769 = arith.andi %eq3A_1545, %eq3A_1768 : vector<16xi1>
      %select_n3A_1770 = arith.select %and3A_1769, %broadcast_in_dim3A_21, %broadcast_in_dim3A_23 : vector<16xi1>, vector<16xf32>
      %reduce_sum3A_1771 = arith.constant true
      %reduce_sum3A_1772 = vector.broadcast %reduce_sum3A_1771 : i1 to vector<16xi1>
      %reduce_sum3A_1773 = tpu.scan <sum>, %select_n3A_1770 masked %reduce_sum3A_1772 : vector<16xf32>, vector<16xi1> -> vector<16xf32>
      %reduce_sum3A_1774 = vector.extract %reduce_sum3A_1773[15] : f32 from vector<16xf32>
      %eq3A_1775 = arith.constant 8 : i32
      %eq3A_1776 = vector.broadcast %eq3A_1775 : i32 to vector<16xi32>
      %eq3A_1777 = arith.cmpi eq, %get3A_14, %eq3A_1776 : vector<16xi32>
      %and3A_1778 = arith.andi %and3A_1549, %eq3A_1777 : vector<16xi1>
      %select_n3A_1779 = arith.select %and3A_1778, %broadcast_in_dim3A_21, %broadcast_in_dim3A_23 : vector<16xi1>, vector<16xf32>
      %reduce_sum3A_1780 = arith.constant true
      %reduce_sum3A_1781 = vector.broadcast %reduce_sum3A_1780 : i1 to vector<16xi1>
      %reduce_sum3A_1782 = tpu.scan <sum>, %select_n3A_1779 masked %reduce_sum3A_1781 : vector<16xf32>, vector<16xi1> -> vector<16xf32>
      %reduce_sum3A_1783 = vector.extract %reduce_sum3A_1782[15] : f32 from vector<16xf32>
      %eq3A_1784 = arith.constant 8 : i32
      %eq3A_1785 = vector.broadcast %eq3A_1784 : i32 to vector<16xi32>
      %eq3A_1786 = arith.cmpi eq, %iota3A, %eq3A_1785 : vector<16xi32>
      %add3A_1787 = arith.addf %reduce_sum3A_1774, %reduce_sum3A_1783 : f32
      %jit3A_1788 = arith.constant 0.000000e+00 : f32
      %broadcast_in_dim3A_1789 = vector.broadcast %add3A_1787 : f32 to vector<16xf32>
      %broadcast_in_dim3A_1790 = vector.broadcast %jit3A_1788 : f32 to vector<16xf32>
      %select_n3A_1791 = arith.select %eq3A_1786, %broadcast_in_dim3A_1789, %broadcast_in_dim3A_1790 : vector<16xi1>, vector<16xf32>
      %add3A_1792 = arith.addf %add3A_1765, %select_n3A_1791 : vector<16xf32>
      %eq3A_1793 = arith.constant 9 : i32
      %eq3A_1794 = vector.broadcast %eq3A_1793 : i32 to vector<16xi32>
      %eq3A_1795 = arith.cmpi eq, %get3A_6, %eq3A_1794 : vector<16xi32>
      %and3A_1796 = arith.andi %eq3A_1545, %eq3A_1795 : vector<16xi1>
      %select_n3A_1797 = arith.select %and3A_1796, %broadcast_in_dim3A_21, %broadcast_in_dim3A_23 : vector<16xi1>, vector<16xf32>
      %reduce_sum3A_1798 = arith.constant true
      %reduce_sum3A_1799 = vector.broadcast %reduce_sum3A_1798 : i1 to vector<16xi1>
      %reduce_sum3A_1800 = tpu.scan <sum>, %select_n3A_1797 masked %reduce_sum3A_1799 : vector<16xf32>, vector<16xi1> -> vector<16xf32>
      %reduce_sum3A_1801 = vector.extract %reduce_sum3A_1800[15] : f32 from vector<16xf32>
      %eq3A_1802 = arith.constant 9 : i32
      %eq3A_1803 = vector.broadcast %eq3A_1802 : i32 to vector<16xi32>
      %eq3A_1804 = arith.cmpi eq, %get3A_14, %eq3A_1803 : vector<16xi32>
      %and3A_1805 = arith.andi %and3A_1549, %eq3A_1804 : vector<16xi1>
      %select_n3A_1806 = arith.select %and3A_1805, %broadcast_in_dim3A_21, %broadcast_in_dim3A_23 : vector<16xi1>, vector<16xf32>
      %reduce_sum3A_1807 = arith.constant true
      %reduce_sum3A_1808 = vector.broadcast %reduce_sum3A_1807 : i1 to vector<16xi1>
      %reduce_sum3A_1809 = tpu.scan <sum>, %select_n3A_1806 masked %reduce_sum3A_1808 : vector<16xf32>, vector<16xi1> -> vector<16xf32>
      %reduce_sum3A_1810 = vector.extract %reduce_sum3A_1809[15] : f32 from vector<16xf32>
      %eq3A_1811 = arith.constant 9 : i32
      %eq3A_1812 = vector.broadcast %eq3A_1811 : i32 to vector<16xi32>
      %eq3A_1813 = arith.cmpi eq, %iota3A, %eq3A_1812 : vector<16xi32>
      %add3A_1814 = arith.addf %reduce_sum3A_1801, %reduce_sum3A_1810 : f32
      %jit3A_1815 = arith.constant 0.000000e+00 : f32
      %broadcast_in_dim3A_1816 = vector.broadcast %add3A_1814 : f32 to vector<16xf32>
      %broadcast_in_dim3A_1817 = vector.broadcast %jit3A_1815 : f32 to vector<16xf32>
      %select_n3A_1818 = arith.select %eq3A_1813, %broadcast_in_dim3A_1816, %broadcast_in_dim3A_1817 : vector<16xi1>, vector<16xf32>
      %add3A_1819 = arith.addf %add3A_1792, %select_n3A_1818 : vector<16xf32>
      %mul3A_1820 = arith.mulf %add3A_1819, %mul3A_315 : vector<16xf32>
      %mul3A_1821 = vector.broadcast %reduce_sum3A_1534 : f32 to vector<16xf32>
      %mul3A_1822 = arith.mulf %mul3A_1820, %mul3A_1821 : vector<16xf32>
      %swap3A_1823 = arith.constant 4 : i32
      %swap3A_1824 = arith.index_cast %swap3A_1823 : i32 to index
      %swap3A_1825 = arith.constant 0 : index
      %swap3A_1826 = tpu.vector_load %arg6[%swap3A_1824, %swap3A_1825] {strides = array<i32>} : memref<16x16xf32, #tpu.memory_space<vmem>>, vector<16xf32>,
      tpu.vector_store %arg6[%swap3A_1824, %swap3A_1825], %mul3A_1822 {strides = array<i32>} : memref<16x16xf32, #tpu.memory_space<vmem>>, vector<16xf32>,
      %eq3A_1827 = arith.constant 5 : i32
      %eq3A_1828 = vector.broadcast %eq3A_1827 : i32 to vector<16xi32>
      %eq3A_1829 = arith.cmpi eq, %iota3A, %eq3A_1828 : vector<16xi32>
      %jit3A_1830 = arith.constant 0.000000e+00 : f32
      %broadcast_in_dim3A_1831 = vector.broadcast %jit3A_1830 : f32 to vector<16xf32>
      %select_n3A_1832 = arith.select %eq3A_1829, %mul3A_315, %broadcast_in_dim3A_1831 : vector<16xi1>, vector<16xf32>
      %reduce_sum3A_1833 = arith.constant true
      %reduce_sum3A_1834 = vector.broadcast %reduce_sum3A_1833 : i1 to vector<16xi1>
      %reduce_sum3A_1835 = tpu.scan <sum>, %select_n3A_1832 masked %reduce_sum3A_1834 : vector<16xf32>, vector<16xi1> -> vector<16xf32>
      %reduce_sum3A_1836 = vector.extract %reduce_sum3A_1835[15] : f32 from vector<16xf32>
      %eq3A_1837 = arith.constant 5 : i32
      %eq3A_1838 = vector.broadcast %eq3A_1837 : i32 to vector<16xi32>
      %eq3A_1839 = arith.cmpi eq, %iota3A, %eq3A_1838 : vector<16xi32>
      %jit3A_1840 = arith.constant 1.000000e+00 : f32
      %jit3A_1841 = arith.constant 0.000000e+00 : f32
      %broadcast_in_dim3A_1842 = vector.broadcast %jit3A_1840 : f32 to vector<16xf32>
      %broadcast_in_dim3A_1843 = vector.broadcast %jit3A_1841 : f32 to vector<16xf32>
      %select_n3A_1844 = arith.select %eq3A_1839, %broadcast_in_dim3A_1842, %broadcast_in_dim3A_1843 : vector<16xi1>, vector<16xf32>
      %eq3A_1845 = arith.constant 5 : i32
      %eq3A_1846 = vector.broadcast %eq3A_1845 : i32 to vector<16xi32>
      %eq3A_1847 = arith.cmpi eq, %get3A_10, %eq3A_1846 : vector<16xi32>
      %eq3A_1848 = arith.constant 5 : i32
      %eq3A_1849 = vector.broadcast %eq3A_1848 : i32 to vector<16xi32>
      %eq3A_1850 = arith.cmpi eq, %get3A_18, %eq3A_1849 : vector<16xi32>
      %and3A_1851 = arith.andi %eq3A_1850, %ge3A_20 : vector<16xi1>
      %eq3A_1852 = arith.constant 0 : i32
      %eq3A_1853 = vector.broadcast %eq3A_1852 : i32 to vector<16xi32>
      %eq3A_1854 = arith.cmpi eq, %get3A_6, %eq3A_1853 : vector<16xi32>
      %and3A_1855 = arith.andi %eq3A_1847, %eq3A_1854 : vector<16xi1>
      %select_n3A_1856 = arith.select %and3A_1855, %broadcast_in_dim3A_21, %broadcast_in_dim3A_23 : vector<16xi1>, vector<16xf32>
      %reduce_sum3A_1857 = arith.constant true
      %reduce_sum3A_1858 = vector.broadcast %reduce_sum3A_1857 : i1 to vector<16xi1>
      %reduce_sum3A_1859 = tpu.scan <sum>, %select_n3A_1856 masked %reduce_sum3A_1858 : vector<16xf32>, vector<16xi1> -> vector<16xf32>
      %reduce_sum3A_1860 = vector.extract %reduce_sum3A_1859[15] : f32 from vector<16xf32>
      %eq3A_1861 = arith.constant 0 : i32
      %eq3A_1862 = vector.broadcast %eq3A_1861 : i32 to vector<16xi32>
      %eq3A_1863 = arith.cmpi eq, %get3A_14, %eq3A_1862 : vector<16xi32>
      %and3A_1864 = arith.andi %and3A_1851, %eq3A_1863 : vector<16xi1>
      %select_n3A_1865 = arith.select %and3A_1864, %broadcast_in_dim3A_21, %broadcast_in_dim3A_23 : vector<16xi1>, vector<16xf32>
      %reduce_sum3A_1866 = arith.constant true
      %reduce_sum3A_1867 = vector.broadcast %reduce_sum3A_1866 : i1 to vector<16xi1>
      %reduce_sum3A_1868 = tpu.scan <sum>, %select_n3A_1865 masked %reduce_sum3A_1867 : vector<16xf32>, vector<16xi1> -> vector<16xf32>
      %reduce_sum3A_1869 = vector.extract %reduce_sum3A_1868[15] : f32 from vector<16xf32>
      %eq3A_1870 = arith.constant 0 : i32
      %eq3A_1871 = vector.broadcast %eq3A_1870 : i32 to vector<16xi32>
      %eq3A_1872 = arith.cmpi eq, %iota3A, %eq3A_1871 : vector<16xi32>
      %add3A_1873 = arith.addf %reduce_sum3A_1860, %reduce_sum3A_1869 : f32
      %jit3A_1874 = arith.constant 0.000000e+00 : f32
      %broadcast_in_dim3A_1875 = vector.broadcast %add3A_1873 : f32 to vector<16xf32>
      %broadcast_in_dim3A_1876 = vector.broadcast %jit3A_1874 : f32 to vector<16xf32>
      %select_n3A_1877 = arith.select %eq3A_1872, %broadcast_in_dim3A_1875, %broadcast_in_dim3A_1876 : vector<16xi1>, vector<16xf32>
      %add3A_1878 = arith.addf %select_n3A_1844, %select_n3A_1877 : vector<16xf32>
      %eq3A_1879 = arith.constant 1 : i32
      %eq3A_1880 = vector.broadcast %eq3A_1879 : i32 to vector<16xi32>
      %eq3A_1881 = arith.cmpi eq, %get3A_6, %eq3A_1880 : vector<16xi32>
      %and3A_1882 = arith.andi %eq3A_1847, %eq3A_1881 : vector<16xi1>
      %select_n3A_1883 = arith.select %and3A_1882, %broadcast_in_dim3A_21, %broadcast_in_dim3A_23 : vector<16xi1>, vector<16xf32>
      %reduce_sum3A_1884 = arith.constant true
      %reduce_sum3A_1885 = vector.broadcast %reduce_sum3A_1884 : i1 to vector<16xi1>
      %reduce_sum3A_1886 = tpu.scan <sum>, %select_n3A_1883 masked %reduce_sum3A_1885 : vector<16xf32>, vector<16xi1> -> vector<16xf32>
      %reduce_sum3A_1887 = vector.extract %reduce_sum3A_1886[15] : f32 from vector<16xf32>
      %eq3A_1888 = arith.constant 1 : i32
      %eq3A_1889 = vector.broadcast %eq3A_1888 : i32 to vector<16xi32>
      %eq3A_1890 = arith.cmpi eq, %get3A_14, %eq3A_1889 : vector<16xi32>
      %and3A_1891 = arith.andi %and3A_1851, %eq3A_1890 : vector<16xi1>
      %select_n3A_1892 = arith.select %and3A_1891, %broadcast_in_dim3A_21, %broadcast_in_dim3A_23 : vector<16xi1>, vector<16xf32>
      %reduce_sum3A_1893 = arith.constant true
      %reduce_sum3A_1894 = vector.broadcast %reduce_sum3A_1893 : i1 to vector<16xi1>
      %reduce_sum3A_1895 = tpu.scan <sum>, %select_n3A_1892 masked %reduce_sum3A_1894 : vector<16xf32>, vector<16xi1> -> vector<16xf32>
      %reduce_sum3A_1896 = vector.extract %reduce_sum3A_1895[15] : f32 from vector<16xf32>
      %eq3A_1897 = arith.constant 1 : i32
      %eq3A_1898 = vector.broadcast %eq3A_1897 : i32 to vector<16xi32>
      %eq3A_1899 = arith.cmpi eq, %iota3A, %eq3A_1898 : vector<16xi32>
      %add3A_1900 = arith.addf %reduce_sum3A_1887, %reduce_sum3A_1896 : f32
      %jit3A_1901 = arith.constant 0.000000e+00 : f32
      %broadcast_in_dim3A_1902 = vector.broadcast %add3A_1900 : f32 to vector<16xf32>
      %broadcast_in_dim3A_1903 = vector.broadcast %jit3A_1901 : f32 to vector<16xf32>
      %select_n3A_1904 = arith.select %eq3A_1899, %broadcast_in_dim3A_1902, %broadcast_in_dim3A_1903 : vector<16xi1>, vector<16xf32>
      %add3A_1905 = arith.addf %add3A_1878, %select_n3A_1904 : vector<16xf32>
      %eq3A_1906 = arith.constant 2 : i32
      %eq3A_1907 = vector.broadcast %eq3A_1906 : i32 to vector<16xi32>
      %eq3A_1908 = arith.cmpi eq, %get3A_6, %eq3A_1907 : vector<16xi32>
      %and3A_1909 = arith.andi %eq3A_1847, %eq3A_1908 : vector<16xi1>
      %select_n3A_1910 = arith.select %and3A_1909, %broadcast_in_dim3A_21, %broadcast_in_dim3A_23 : vector<16xi1>, vector<16xf32>
      %reduce_sum3A_1911 = arith.constant true
      %reduce_sum3A_1912 = vector.broadcast %reduce_sum3A_1911 : i1 to vector<16xi1>
      %reduce_sum3A_1913 = tpu.scan <sum>, %select_n3A_1910 masked %reduce_sum3A_1912 : vector<16xf32>, vector<16xi1> -> vector<16xf32>
      %reduce_sum3A_1914 = vector.extract %reduce_sum3A_1913[15] : f32 from vector<16xf32>
      %eq3A_1915 = arith.constant 2 : i32
      %eq3A_1916 = vector.broadcast %eq3A_1915 : i32 to vector<16xi32>
      %eq3A_1917 = arith.cmpi eq, %get3A_14, %eq3A_1916 : vector<16xi32>
      %and3A_1918 = arith.andi %and3A_1851, %eq3A_1917 : vector<16xi1>
      %select_n3A_1919 = arith.select %and3A_1918, %broadcast_in_dim3A_21, %broadcast_in_dim3A_23 : vector<16xi1>, vector<16xf32>
      %reduce_sum3A_1920 = arith.constant true
      %reduce_sum3A_1921 = vector.broadcast %reduce_sum3A_1920 : i1 to vector<16xi1>
      %reduce_sum3A_1922 = tpu.scan <sum>, %select_n3A_1919 masked %reduce_sum3A_1921 : vector<16xf32>, vector<16xi1> -> vector<16xf32>
      %reduce_sum3A_1923 = vector.extract %reduce_sum3A_1922[15] : f32 from vector<16xf32>
      %eq3A_1924 = arith.constant 2 : i32
      %eq3A_1925 = vector.broadcast %eq3A_1924 : i32 to vector<16xi32>
      %eq3A_1926 = arith.cmpi eq, %iota3A, %eq3A_1925 : vector<16xi32>
      %add3A_1927 = arith.addf %reduce_sum3A_1914, %reduce_sum3A_1923 : f32
      %jit3A_1928 = arith.constant 0.000000e+00 : f32
      %broadcast_in_dim3A_1929 = vector.broadcast %add3A_1927 : f32 to vector<16xf32>
      %broadcast_in_dim3A_1930 = vector.broadcast %jit3A_1928 : f32 to vector<16xf32>
      %select_n3A_1931 = arith.select %eq3A_1926, %broadcast_in_dim3A_1929, %broadcast_in_dim3A_1930 : vector<16xi1>, vector<16xf32>
      %add3A_1932 = arith.addf %add3A_1905, %select_n3A_1931 : vector<16xf32>
      %eq3A_1933 = arith.constant 3 : i32
      %eq3A_1934 = vector.broadcast %eq3A_1933 : i32 to vector<16xi32>
      %eq3A_1935 = arith.cmpi eq, %get3A_6, %eq3A_1934 : vector<16xi32>
      %and3A_1936 = arith.andi %eq3A_1847, %eq3A_1935 : vector<16xi1>
      %select_n3A_1937 = arith.select %and3A_1936, %broadcast_in_dim3A_21, %broadcast_in_dim3A_23 : vector<16xi1>, vector<16xf32>
      %reduce_sum3A_1938 = arith.constant true
      %reduce_sum3A_1939 = vector.broadcast %reduce_sum3A_1938 : i1 to vector<16xi1>
      %reduce_sum3A_1940 = tpu.scan <sum>, %select_n3A_1937 masked %reduce_sum3A_1939 : vector<16xf32>, vector<16xi1> -> vector<16xf32>
      %reduce_sum3A_1941 = vector.extract %reduce_sum3A_1940[15] : f32 from vector<16xf32>
      %eq3A_1942 = arith.constant 3 : i32
      %eq3A_1943 = vector.broadcast %eq3A_1942 : i32 to vector<16xi32>
      %eq3A_1944 = arith.cmpi eq, %get3A_14, %eq3A_1943 : vector<16xi32>
      %and3A_1945 = arith.andi %and3A_1851, %eq3A_1944 : vector<16xi1>
      %select_n3A_1946 = arith.select %and3A_1945, %broadcast_in_dim3A_21, %broadcast_in_dim3A_23 : vector<16xi1>, vector<16xf32>
      %reduce_sum3A_1947 = arith.constant true
      %reduce_sum3A_1948 = vector.broadcast %reduce_sum3A_1947 : i1 to vector<16xi1>
      %reduce_sum3A_1949 = tpu.scan <sum>, %select_n3A_1946 masked %reduce_sum3A_1948 : vector<16xf32>, vector<16xi1> -> vector<16xf32>
      %reduce_sum3A_1950 = vector.extract %reduce_sum3A_1949[15] : f32 from vector<16xf32>
      %eq3A_1951 = arith.constant 3 : i32
      %eq3A_1952 = vector.broadcast %eq3A_1951 : i32 to vector<16xi32>
      %eq3A_1953 = arith.cmpi eq, %iota3A, %eq3A_1952 : vector<16xi32>
      %add3A_1954 = arith.addf %reduce_sum3A_1941, %reduce_sum3A_1950 : f32
      %jit3A_1955 = arith.constant 0.000000e+00 : f32
      %broadcast_in_dim3A_1956 = vector.broadcast %add3A_1954 : f32 to vector<16xf32>
      %broadcast_in_dim3A_1957 = vector.broadcast %jit3A_1955 : f32 to vector<16xf32>
      %select_n3A_1958 = arith.select %eq3A_1953, %broadcast_in_dim3A_1956, %broadcast_in_dim3A_1957 : vector<16xi1>, vector<16xf32>
      %add3A_1959 = arith.addf %add3A_1932, %select_n3A_1958 : vector<16xf32>
      %eq3A_1960 = arith.constant 4 : i32
      %eq3A_1961 = vector.broadcast %eq3A_1960 : i32 to vector<16xi32>
      %eq3A_1962 = arith.cmpi eq, %get3A_6, %eq3A_1961 : vector<16xi32>
      %and3A_1963 = arith.andi %eq3A_1847, %eq3A_1962 : vector<16xi1>
      %select_n3A_1964 = arith.select %and3A_1963, %broadcast_in_dim3A_21, %broadcast_in_dim3A_23 : vector<16xi1>, vector<16xf32>
      %reduce_sum3A_1965 = arith.constant true
      %reduce_sum3A_1966 = vector.broadcast %reduce_sum3A_1965 : i1 to vector<16xi1>
      %reduce_sum3A_1967 = tpu.scan <sum>, %select_n3A_1964 masked %reduce_sum3A_1966 : vector<16xf32>, vector<16xi1> -> vector<16xf32>
      %reduce_sum3A_1968 = vector.extract %reduce_sum3A_1967[15] : f32 from vector<16xf32>
      %eq3A_1969 = arith.constant 4 : i32
      %eq3A_1970 = vector.broadcast %eq3A_1969 : i32 to vector<16xi32>
      %eq3A_1971 = arith.cmpi eq, %get3A_14, %eq3A_1970 : vector<16xi32>
      %and3A_1972 = arith.andi %and3A_1851, %eq3A_1971 : vector<16xi1>
      %select_n3A_1973 = arith.select %and3A_1972, %broadcast_in_dim3A_21, %broadcast_in_dim3A_23 : vector<16xi1>, vector<16xf32>
      %reduce_sum3A_1974 = arith.constant true
      %reduce_sum3A_1975 = vector.broadcast %reduce_sum3A_1974 : i1 to vector<16xi1>
      %reduce_sum3A_1976 = tpu.scan <sum>, %select_n3A_1973 masked %reduce_sum3A_1975 : vector<16xf32>, vector<16xi1> -> vector<16xf32>
      %reduce_sum3A_1977 = vector.extract %reduce_sum3A_1976[15] : f32 from vector<16xf32>
      %eq3A_1978 = arith.constant 4 : i32
      %eq3A_1979 = vector.broadcast %eq3A_1978 : i32 to vector<16xi32>
      %eq3A_1980 = arith.cmpi eq, %iota3A, %eq3A_1979 : vector<16xi32>
      %add3A_1981 = arith.addf %reduce_sum3A_1968, %reduce_sum3A_1977 : f32
      %jit3A_1982 = arith.constant 0.000000e+00 : f32
      %broadcast_in_dim3A_1983 = vector.broadcast %add3A_1981 : f32 to vector<16xf32>
      %broadcast_in_dim3A_1984 = vector.broadcast %jit3A_1982 : f32 to vector<16xf32>
      %select_n3A_1985 = arith.select %eq3A_1980, %broadcast_in_dim3A_1983, %broadcast_in_dim3A_1984 : vector<16xi1>, vector<16xf32>
      %add3A_1986 = arith.addf %add3A_1959, %select_n3A_1985 : vector<16xf32>
      %eq3A_1987 = arith.constant 5 : i32
      %eq3A_1988 = vector.broadcast %eq3A_1987 : i32 to vector<16xi32>
      %eq3A_1989 = arith.cmpi eq, %get3A_6, %eq3A_1988 : vector<16xi32>
      %and3A_1990 = arith.andi %eq3A_1847, %eq3A_1989 : vector<16xi1>
      %select_n3A_1991 = arith.select %and3A_1990, %broadcast_in_dim3A_21, %broadcast_in_dim3A_23 : vector<16xi1>, vector<16xf32>
      %reduce_sum3A_1992 = arith.constant true
      %reduce_sum3A_1993 = vector.broadcast %reduce_sum3A_1992 : i1 to vector<16xi1>
      %reduce_sum3A_1994 = tpu.scan <sum>, %select_n3A_1991 masked %reduce_sum3A_1993 : vector<16xf32>, vector<16xi1> -> vector<16xf32>
      %reduce_sum3A_1995 = vector.extract %reduce_sum3A_1994[15] : f32 from vector<16xf32>
      %eq3A_1996 = arith.constant 5 : i32
      %eq3A_1997 = vector.broadcast %eq3A_1996 : i32 to vector<16xi32>
      %eq3A_1998 = arith.cmpi eq, %get3A_14, %eq3A_1997 : vector<16xi32>
      %and3A_1999 = arith.andi %and3A_1851, %eq3A_1998 : vector<16xi1>
      %select_n3A_2000 = arith.select %and3A_1999, %broadcast_in_dim3A_21, %broadcast_in_dim3A_23 : vector<16xi1>, vector<16xf32>
      %reduce_sum3A_2001 = arith.constant true
      %reduce_sum3A_2002 = vector.broadcast %reduce_sum3A_2001 : i1 to vector<16xi1>
      %reduce_sum3A_2003 = tpu.scan <sum>, %select_n3A_2000 masked %reduce_sum3A_2002 : vector<16xf32>, vector<16xi1> -> vector<16xf32>
      %reduce_sum3A_2004 = vector.extract %reduce_sum3A_2003[15] : f32 from vector<16xf32>
      %eq3A_2005 = arith.constant 5 : i32
      %eq3A_2006 = vector.broadcast %eq3A_2005 : i32 to vector<16xi32>
      %eq3A_2007 = arith.cmpi eq, %iota3A, %eq3A_2006 : vector<16xi32>
      %add3A_2008 = arith.addf %reduce_sum3A_1995, %reduce_sum3A_2004 : f32
      %jit3A_2009 = arith.constant 0.000000e+00 : f32
      %broadcast_in_dim3A_2010 = vector.broadcast %add3A_2008 : f32 to vector<16xf32>
      %broadcast_in_dim3A_2011 = vector.broadcast %jit3A_2009 : f32 to vector<16xf32>
      %select_n3A_2012 = arith.select %eq3A_2007, %broadcast_in_dim3A_2010, %broadcast_in_dim3A_2011 : vector<16xi1>, vector<16xf32>
      %add3A_2013 = arith.addf %add3A_1986, %select_n3A_2012 : vector<16xf32>
      %eq3A_2014 = arith.constant 6 : i32
      %eq3A_2015 = vector.broadcast %eq3A_2014 : i32 to vector<16xi32>
      %eq3A_2016 = arith.cmpi eq, %get3A_6, %eq3A_2015 : vector<16xi32>
      %and3A_2017 = arith.andi %eq3A_1847, %eq3A_2016 : vector<16xi1>
      %select_n3A_2018 = arith.select %and3A_2017, %broadcast_in_dim3A_21, %broadcast_in_dim3A_23 : vector<16xi1>, vector<16xf32>
      %reduce_sum3A_2019 = arith.constant true
      %reduce_sum3A_2020 = vector.broadcast %reduce_sum3A_2019 : i1 to vector<16xi1>
      %reduce_sum3A_2021 = tpu.scan <sum>, %select_n3A_2018 masked %reduce_sum3A_2020 : vector<16xf32>, vector<16xi1> -> vector<16xf32>
      %reduce_sum3A_2022 = vector.extract %reduce_sum3A_2021[15] : f32 from vector<16xf32>
      %eq3A_2023 = arith.constant 6 : i32
      %eq3A_2024 = vector.broadcast %eq3A_2023 : i32 to vector<16xi32>
      %eq3A_2025 = arith.cmpi eq, %get3A_14, %eq3A_2024 : vector<16xi32>
      %and3A_2026 = arith.andi %and3A_1851, %eq3A_2025 : vector<16xi1>
      %select_n3A_2027 = arith.select %and3A_2026, %broadcast_in_dim3A_21, %broadcast_in_dim3A_23 : vector<16xi1>, vector<16xf32>
      %reduce_sum3A_2028 = arith.constant true
      %reduce_sum3A_2029 = vector.broadcast %reduce_sum3A_2028 : i1 to vector<16xi1>
      %reduce_sum3A_2030 = tpu.scan <sum>, %select_n3A_2027 masked %reduce_sum3A_2029 : vector<16xf32>, vector<16xi1> -> vector<16xf32>
      %reduce_sum3A_2031 = vector.extract %reduce_sum3A_2030[15] : f32 from vector<16xf32>
      %eq3A_2032 = arith.constant 6 : i32
      %eq3A_2033 = vector.broadcast %eq3A_2032 : i32 to vector<16xi32>
      %eq3A_2034 = arith.cmpi eq, %iota3A, %eq3A_2033 : vector<16xi32>
      %add3A_2035 = arith.addf %reduce_sum3A_2022, %reduce_sum3A_2031 : f32
      %jit3A_2036 = arith.constant 0.000000e+00 : f32
      %broadcast_in_dim3A_2037 = vector.broadcast %add3A_2035 : f32 to vector<16xf32>
      %broadcast_in_dim3A_2038 = vector.broadcast %jit3A_2036 : f32 to vector<16xf32>
      %select_n3A_2039 = arith.select %eq3A_2034, %broadcast_in_dim3A_2037, %broadcast_in_dim3A_2038 : vector<16xi1>, vector<16xf32>
      %add3A_2040 = arith.addf %add3A_2013, %select_n3A_2039 : vector<16xf32>
      %eq3A_2041 = arith.constant 7 : i32
      %eq3A_2042 = vector.broadcast %eq3A_2041 : i32 to vector<16xi32>
      %eq3A_2043 = arith.cmpi eq, %get3A_6, %eq3A_2042 : vector<16xi32>
      %and3A_2044 = arith.andi %eq3A_1847, %eq3A_2043 : vector<16xi1>
      %select_n3A_2045 = arith.select %and3A_2044, %broadcast_in_dim3A_21, %broadcast_in_dim3A_23 : vector<16xi1>, vector<16xf32>
      %reduce_sum3A_2046 = arith.constant true
      %reduce_sum3A_2047 = vector.broadcast %reduce_sum3A_2046 : i1 to vector<16xi1>
      %reduce_sum3A_2048 = tpu.scan <sum>, %select_n3A_2045 masked %reduce_sum3A_2047 : vector<16xf32>, vector<16xi1> -> vector<16xf32>
      %reduce_sum3A_2049 = vector.extract %reduce_sum3A_2048[15] : f32 from vector<16xf32>
      %eq3A_2050 = arith.constant 7 : i32
      %eq3A_2051 = vector.broadcast %eq3A_2050 : i32 to vector<16xi32>
      %eq3A_2052 = arith.cmpi eq, %get3A_14, %eq3A_2051 : vector<16xi32>
      %and3A_2053 = arith.andi %and3A_1851, %eq3A_2052 : vector<16xi1>
      %select_n3A_2054 = arith.select %and3A_2053, %broadcast_in_dim3A_21, %broadcast_in_dim3A_23 : vector<16xi1>, vector<16xf32>
      %reduce_sum3A_2055 = arith.constant true
      %reduce_sum3A_2056 = vector.broadcast %reduce_sum3A_2055 : i1 to vector<16xi1>
      %reduce_sum3A_2057 = tpu.scan <sum>, %select_n3A_2054 masked %reduce_sum3A_2056 : vector<16xf32>, vector<16xi1> -> vector<16xf32>
      %reduce_sum3A_2058 = vector.extract %reduce_sum3A_2057[15] : f32 from vector<16xf32>
      %eq3A_2059 = arith.constant 7 : i32
      %eq3A_2060 = vector.broadcast %eq3A_2059 : i32 to vector<16xi32>
      %eq3A_2061 = arith.cmpi eq, %iota3A, %eq3A_2060 : vector<16xi32>
      %add3A_2062 = arith.addf %reduce_sum3A_2049, %reduce_sum3A_2058 : f32
      %jit3A_2063 = arith.constant 0.000000e+00 : f32
      %broadcast_in_dim3A_2064 = vector.broadcast %add3A_2062 : f32 to vector<16xf32>
      %broadcast_in_dim3A_2065 = vector.broadcast %jit3A_2063 : f32 to vector<16xf32>
      %select_n3A_2066 = arith.select %eq3A_2061, %broadcast_in_dim3A_2064, %broadcast_in_dim3A_2065 : vector<16xi1>, vector<16xf32>
      %add3A_2067 = arith.addf %add3A_2040, %select_n3A_2066 : vector<16xf32>
      %eq3A_2068 = arith.constant 8 : i32
      %eq3A_2069 = vector.broadcast %eq3A_2068 : i32 to vector<16xi32>
      %eq3A_2070 = arith.cmpi eq, %get3A_6, %eq3A_2069 : vector<16xi32>
      %and3A_2071 = arith.andi %eq3A_1847, %eq3A_2070 : vector<16xi1>
      %select_n3A_2072 = arith.select %and3A_2071, %broadcast_in_dim3A_21, %broadcast_in_dim3A_23 : vector<16xi1>, vector<16xf32>
      %reduce_sum3A_2073 = arith.constant true
      %reduce_sum3A_2074 = vector.broadcast %reduce_sum3A_2073 : i1 to vector<16xi1>
      %reduce_sum3A_2075 = tpu.scan <sum>, %select_n3A_2072 masked %reduce_sum3A_2074 : vector<16xf32>, vector<16xi1> -> vector<16xf32>
      %reduce_sum3A_2076 = vector.extract %reduce_sum3A_2075[15] : f32 from vector<16xf32>
      %eq3A_2077 = arith.constant 8 : i32
      %eq3A_2078 = vector.broadcast %eq3A_2077 : i32 to vector<16xi32>
      %eq3A_2079 = arith.cmpi eq, %get3A_14, %eq3A_2078 : vector<16xi32>
      %and3A_2080 = arith.andi %and3A_1851, %eq3A_2079 : vector<16xi1>
      %select_n3A_2081 = arith.select %and3A_2080, %broadcast_in_dim3A_21, %broadcast_in_dim3A_23 : vector<16xi1>, vector<16xf32>
      %reduce_sum3A_2082 = arith.constant true
      %reduce_sum3A_2083 = vector.broadcast %reduce_sum3A_2082 : i1 to vector<16xi1>
      %reduce_sum3A_2084 = tpu.scan <sum>, %select_n3A_2081 masked %reduce_sum3A_2083 : vector<16xf32>, vector<16xi1> -> vector<16xf32>
      %reduce_sum3A_2085 = vector.extract %reduce_sum3A_2084[15] : f32 from vector<16xf32>
      %eq3A_2086 = arith.constant 8 : i32
      %eq3A_2087 = vector.broadcast %eq3A_2086 : i32 to vector<16xi32>
      %eq3A_2088 = arith.cmpi eq, %iota3A, %eq3A_2087 : vector<16xi32>
      %add3A_2089 = arith.addf %reduce_sum3A_2076, %reduce_sum3A_2085 : f32
      %jit3A_2090 = arith.constant 0.000000e+00 : f32
      %broadcast_in_dim3A_2091 = vector.broadcast %add3A_2089 : f32 to vector<16xf32>
      %broadcast_in_dim3A_2092 = vector.broadcast %jit3A_2090 : f32 to vector<16xf32>
      %select_n3A_2093 = arith.select %eq3A_2088, %broadcast_in_dim3A_2091, %broadcast_in_dim3A_2092 : vector<16xi1>, vector<16xf32>
      %add3A_2094 = arith.addf %add3A_2067, %select_n3A_2093 : vector<16xf32>
      %eq3A_2095 = arith.constant 9 : i32
      %eq3A_2096 = vector.broadcast %eq3A_2095 : i32 to vector<16xi32>
      %eq3A_2097 = arith.cmpi eq, %get3A_6, %eq3A_2096 : vector<16xi32>
      %and3A_2098 = arith.andi %eq3A_1847, %eq3A_2097 : vector<16xi1>
      %select_n3A_2099 = arith.select %and3A_2098, %broadcast_in_dim3A_21, %broadcast_in_dim3A_23 : vector<16xi1>, vector<16xf32>
      %reduce_sum3A_2100 = arith.constant true
      %reduce_sum3A_2101 = vector.broadcast %reduce_sum3A_2100 : i1 to vector<16xi1>
      %reduce_sum3A_2102 = tpu.scan <sum>, %select_n3A_2099 masked %reduce_sum3A_2101 : vector<16xf32>, vector<16xi1> -> vector<16xf32>
      %reduce_sum3A_2103 = vector.extract %reduce_sum3A_2102[15] : f32 from vector<16xf32>
      %eq3A_2104 = arith.constant 9 : i32
      %eq3A_2105 = vector.broadcast %eq3A_2104 : i32 to vector<16xi32>
      %eq3A_2106 = arith.cmpi eq, %get3A_14, %eq3A_2105 : vector<16xi32>
      %and3A_2107 = arith.andi %and3A_1851, %eq3A_2106 : vector<16xi1>
      %select_n3A_2108 = arith.select %and3A_2107, %broadcast_in_dim3A_21, %broadcast_in_dim3A_23 : vector<16xi1>, vector<16xf32>
      %reduce_sum3A_2109 = arith.constant true
      %reduce_sum3A_2110 = vector.broadcast %reduce_sum3A_2109 : i1 to vector<16xi1>
      %reduce_sum3A_2111 = tpu.scan <sum>, %select_n3A_2108 masked %reduce_sum3A_2110 : vector<16xf32>, vector<16xi1> -> vector<16xf32>
      %reduce_sum3A_2112 = vector.extract %reduce_sum3A_2111[15] : f32 from vector<16xf32>
      %eq3A_2113 = arith.constant 9 : i32
      %eq3A_2114 = vector.broadcast %eq3A_2113 : i32 to vector<16xi32>
      %eq3A_2115 = arith.cmpi eq, %iota3A, %eq3A_2114 : vector<16xi32>
      %add3A_2116 = arith.addf %reduce_sum3A_2103, %reduce_sum3A_2112 : f32
      %jit3A_2117 = arith.constant 0.000000e+00 : f32
      %broadcast_in_dim3A_2118 = vector.broadcast %add3A_2116 : f32 to vector<16xf32>
      %broadcast_in_dim3A_2119 = vector.broadcast %jit3A_2117 : f32 to vector<16xf32>
      %select_n3A_2120 = arith.select %eq3A_2115, %broadcast_in_dim3A_2118, %broadcast_in_dim3A_2119 : vector<16xi1>, vector<16xf32>
      %add3A_2121 = arith.addf %add3A_2094, %select_n3A_2120 : vector<16xf32>
      %mul3A_2122 = arith.mulf %add3A_2121, %mul3A_315 : vector<16xf32>
      %mul3A_2123 = vector.broadcast %reduce_sum3A_1836 : f32 to vector<16xf32>
      %mul3A_2124 = arith.mulf %mul3A_2122, %mul3A_2123 : vector<16xf32>
      %swap3A_2125 = arith.constant 5 : i32
      %swap3A_2126 = arith.index_cast %swap3A_2125 : i32 to index
      %swap3A_2127 = arith.constant 0 : index
      %swap3A_2128 = tpu.vector_load %arg6[%swap3A_2126, %swap3A_2127] {strides = array<i32>} : memref<16x16xf32, #tpu.memory_space<vmem>>, vector<16xf32>,
      tpu.vector_store %arg6[%swap3A_2126, %swap3A_2127], %mul3A_2124 {strides = array<i32>} : memref<16x16xf32, #tpu.memory_space<vmem>>, vector<16xf32>,
      %eq3A_2129 = arith.constant 6 : i32
      %eq3A_2130 = vector.broadcast %eq3A_2129 : i32 to vector<16xi32>
      %eq3A_2131 = arith.cmpi eq, %iota3A, %eq3A_2130 : vector<16xi32>
      %jit3A_2132 = arith.constant 0.000000e+00 : f32
      %broadcast_in_dim3A_2133 = vector.broadcast %jit3A_2132 : f32 to vector<16xf32>
      %select_n3A_2134 = arith.select %eq3A_2131, %mul3A_315, %broadcast_in_dim3A_2133 : vector<16xi1>, vector<16xf32>
      %reduce_sum3A_2135 = arith.constant true
      %reduce_sum3A_2136 = vector.broadcast %reduce_sum3A_2135 : i1 to vector<16xi1>
      %reduce_sum3A_2137 = tpu.scan <sum>, %select_n3A_2134 masked %reduce_sum3A_2136 : vector<16xf32>, vector<16xi1> -> vector<16xf32>
      %reduce_sum3A_2138 = vector.extract %reduce_sum3A_2137[15] : f32 from vector<16xf32>
      %eq3A_2139 = arith.constant 6 : i32
      %eq3A_2140 = vector.broadcast %eq3A_2139 : i32 to vector<16xi32>
      %eq3A_2141 = arith.cmpi eq, %iota3A, %eq3A_2140 : vector<16xi32>
      %jit3A_2142 = arith.constant 1.000000e+00 : f32
      %jit3A_2143 = arith.constant 0.000000e+00 : f32
      %broadcast_in_dim3A_2144 = vector.broadcast %jit3A_2142 : f32 to vector<16xf32>
      %broadcast_in_dim3A_2145 = vector.broadcast %jit3A_2143 : f32 to vector<16xf32>
      %select_n3A_2146 = arith.select %eq3A_2141, %broadcast_in_dim3A_2144, %broadcast_in_dim3A_2145 : vector<16xi1>, vector<16xf32>
      %eq3A_2147 = arith.constant 6 : i32
      %eq3A_2148 = vector.broadcast %eq3A_2147 : i32 to vector<16xi32>
      %eq3A_2149 = arith.cmpi eq, %get3A_10, %eq3A_2148 : vector<16xi32>
      %eq3A_2150 = arith.constant 6 : i32
      %eq3A_2151 = vector.broadcast %eq3A_2150 : i32 to vector<16xi32>
      %eq3A_2152 = arith.cmpi eq, %get3A_18, %eq3A_2151 : vector<16xi32>
      %and3A_2153 = arith.andi %eq3A_2152, %ge3A_20 : vector<16xi1>
      %eq3A_2154 = arith.constant 0 : i32
      %eq3A_2155 = vector.broadcast %eq3A_2154 : i32 to vector<16xi32>
      %eq3A_2156 = arith.cmpi eq, %get3A_6, %eq3A_2155 : vector<16xi32>
      %and3A_2157 = arith.andi %eq3A_2149, %eq3A_2156 : vector<16xi1>
      %select_n3A_2158 = arith.select %and3A_2157, %broadcast_in_dim3A_21, %broadcast_in_dim3A_23 : vector<16xi1>, vector<16xf32>
      %reduce_sum3A_2159 = arith.constant true
      %reduce_sum3A_2160 = vector.broadcast %reduce_sum3A_2159 : i1 to vector<16xi1>
      %reduce_sum3A_2161 = tpu.scan <sum>, %select_n3A_2158 masked %reduce_sum3A_2160 : vector<16xf32>, vector<16xi1> -> vector<16xf32>
      %reduce_sum3A_2162 = vector.extract %reduce_sum3A_2161[15] : f32 from vector<16xf32>
      %eq3A_2163 = arith.constant 0 : i32
      %eq3A_2164 = vector.broadcast %eq3A_2163 : i32 to vector<16xi32>
      %eq3A_2165 = arith.cmpi eq, %get3A_14, %eq3A_2164 : vector<16xi32>
      %and3A_2166 = arith.andi %and3A_2153, %eq3A_2165 : vector<16xi1>
      %select_n3A_2167 = arith.select %and3A_2166, %broadcast_in_dim3A_21, %broadcast_in_dim3A_23 : vector<16xi1>, vector<16xf32>
      %reduce_sum3A_2168 = arith.constant true
      %reduce_sum3A_2169 = vector.broadcast %reduce_sum3A_2168 : i1 to vector<16xi1>
      %reduce_sum3A_2170 = tpu.scan <sum>, %select_n3A_2167 masked %reduce_sum3A_2169 : vector<16xf32>, vector<16xi1> -> vector<16xf32>
      %reduce_sum3A_2171 = vector.extract %reduce_sum3A_2170[15] : f32 from vector<16xf32>
      %eq3A_2172 = arith.constant 0 : i32
      %eq3A_2173 = vector.broadcast %eq3A_2172 : i32 to vector<16xi32>
      %eq3A_2174 = arith.cmpi eq, %iota3A, %eq3A_2173 : vector<16xi32>
      %add3A_2175 = arith.addf %reduce_sum3A_2162, %reduce_sum3A_2171 : f32
      %jit3A_2176 = arith.constant 0.000000e+00 : f32
      %broadcast_in_dim3A_2177 = vector.broadcast %add3A_2175 : f32 to vector<16xf32>
      %broadcast_in_dim3A_2178 = vector.broadcast %jit3A_2176 : f32 to vector<16xf32>
      %select_n3A_2179 = arith.select %eq3A_2174, %broadcast_in_dim3A_2177, %broadcast_in_dim3A_2178 : vector<16xi1>, vector<16xf32>
      %add3A_2180 = arith.addf %select_n3A_2146, %select_n3A_2179 : vector<16xf32>
      %eq3A_2181 = arith.constant 1 : i32
      %eq3A_2182 = vector.broadcast %eq3A_2181 : i32 to vector<16xi32>
      %eq3A_2183 = arith.cmpi eq, %get3A_6, %eq3A_2182 : vector<16xi32>
      %and3A_2184 = arith.andi %eq3A_2149, %eq3A_2183 : vector<16xi1>
      %select_n3A_2185 = arith.select %and3A_2184, %broadcast_in_dim3A_21, %broadcast_in_dim3A_23 : vector<16xi1>, vector<16xf32>
      %reduce_sum3A_2186 = arith.constant true
      %reduce_sum3A_2187 = vector.broadcast %reduce_sum3A_2186 : i1 to vector<16xi1>
      %reduce_sum3A_2188 = tpu.scan <sum>, %select_n3A_2185 masked %reduce_sum3A_2187 : vector<16xf32>, vector<16xi1> -> vector<16xf32>
      %reduce_sum3A_2189 = vector.extract %reduce_sum3A_2188[15] : f32 from vector<16xf32>
      %eq3A_2190 = arith.constant 1 : i32
      %eq3A_2191 = vector.broadcast %eq3A_2190 : i32 to vector<16xi32>
      %eq3A_2192 = arith.cmpi eq, %get3A_14, %eq3A_2191 : vector<16xi32>
      %and3A_2193 = arith.andi %and3A_2153, %eq3A_2192 : vector<16xi1>
      %select_n3A_2194 = arith.select %and3A_2193, %broadcast_in_dim3A_21, %broadcast_in_dim3A_23 : vector<16xi1>, vector<16xf32>
      %reduce_sum3A_2195 = arith.constant true
      %reduce_sum3A_2196 = vector.broadcast %reduce_sum3A_2195 : i1 to vector<16xi1>
      %reduce_sum3A_2197 = tpu.scan <sum>, %select_n3A_2194 masked %reduce_sum3A_2196 : vector<16xf32>, vector<16xi1> -> vector<16xf32>
      %reduce_sum3A_2198 = vector.extract %reduce_sum3A_2197[15] : f32 from vector<16xf32>
      %eq3A_2199 = arith.constant 1 : i32
      %eq3A_2200 = vector.broadcast %eq3A_2199 : i32 to vector<16xi32>
      %eq3A_2201 = arith.cmpi eq, %iota3A, %eq3A_2200 : vector<16xi32>
      %add3A_2202 = arith.addf %reduce_sum3A_2189, %reduce_sum3A_2198 : f32
      %jit3A_2203 = arith.constant 0.000000e+00 : f32
      %broadcast_in_dim3A_2204 = vector.broadcast %add3A_2202 : f32 to vector<16xf32>
      %broadcast_in_dim3A_2205 = vector.broadcast %jit3A_2203 : f32 to vector<16xf32>
      %select_n3A_2206 = arith.select %eq3A_2201, %broadcast_in_dim3A_2204, %broadcast_in_dim3A_2205 : vector<16xi1>, vector<16xf32>
      %add3A_2207 = arith.addf %add3A_2180, %select_n3A_2206 : vector<16xf32>
      %eq3A_2208 = arith.constant 2 : i32
      %eq3A_2209 = vector.broadcast %eq3A_2208 : i32 to vector<16xi32>
      %eq3A_2210 = arith.cmpi eq, %get3A_6, %eq3A_2209 : vector<16xi32>
      %and3A_2211 = arith.andi %eq3A_2149, %eq3A_2210 : vector<16xi1>
      %select_n3A_2212 = arith.select %and3A_2211, %broadcast_in_dim3A_21, %broadcast_in_dim3A_23 : vector<16xi1>, vector<16xf32>
      %reduce_sum3A_2213 = arith.constant true
      %reduce_sum3A_2214 = vector.broadcast %reduce_sum3A_2213 : i1 to vector<16xi1>
      %reduce_sum3A_2215 = tpu.scan <sum>, %select_n3A_2212 masked %reduce_sum3A_2214 : vector<16xf32>, vector<16xi1> -> vector<16xf32>
      %reduce_sum3A_2216 = vector.extract %reduce_sum3A_2215[15] : f32 from vector<16xf32>
      %eq3A_2217 = arith.constant 2 : i32
      %eq3A_2218 = vector.broadcast %eq3A_2217 : i32 to vector<16xi32>
      %eq3A_2219 = arith.cmpi eq, %get3A_14, %eq3A_2218 : vector<16xi32>
      %and3A_2220 = arith.andi %and3A_2153, %eq3A_2219 : vector<16xi1>
      %select_n3A_2221 = arith.select %and3A_2220, %broadcast_in_dim3A_21, %broadcast_in_dim3A_23 : vector<16xi1>, vector<16xf32>
      %reduce_sum3A_2222 = arith.constant true
      %reduce_sum3A_2223 = vector.broadcast %reduce_sum3A_2222 : i1 to vector<16xi1>
      %reduce_sum3A_2224 = tpu.scan <sum>, %select_n3A_2221 masked %reduce_sum3A_2223 : vector<16xf32>, vector<16xi1> -> vector<16xf32>
      %reduce_sum3A_2225 = vector.extract %reduce_sum3A_2224[15] : f32 from vector<16xf32>
      %eq3A_2226 = arith.constant 2 : i32
      %eq3A_2227 = vector.broadcast %eq3A_2226 : i32 to vector<16xi32>
      %eq3A_2228 = arith.cmpi eq, %iota3A, %eq3A_2227 : vector<16xi32>
      %add3A_2229 = arith.addf %reduce_sum3A_2216, %reduce_sum3A_2225 : f32
      %jit3A_2230 = arith.constant 0.000000e+00 : f32
      %broadcast_in_dim3A_2231 = vector.broadcast %add3A_2229 : f32 to vector<16xf32>
      %broadcast_in_dim3A_2232 = vector.broadcast %jit3A_2230 : f32 to vector<16xf32>
      %select_n3A_2233 = arith.select %eq3A_2228, %broadcast_in_dim3A_2231, %broadcast_in_dim3A_2232 : vector<16xi1>, vector<16xf32>
      %add3A_2234 = arith.addf %add3A_2207, %select_n3A_2233 : vector<16xf32>
      %eq3A_2235 = arith.constant 3 : i32
      %eq3A_2236 = vector.broadcast %eq3A_2235 : i32 to vector<16xi32>
      %eq3A_2237 = arith.cmpi eq, %get3A_6, %eq3A_2236 : vector<16xi32>
      %and3A_2238 = arith.andi %eq3A_2149, %eq3A_2237 : vector<16xi1>
      %select_n3A_2239 = arith.select %and3A_2238, %broadcast_in_dim3A_21, %broadcast_in_dim3A_23 : vector<16xi1>, vector<16xf32>
      %reduce_sum3A_2240 = arith.constant true
      %reduce_sum3A_2241 = vector.broadcast %reduce_sum3A_2240 : i1 to vector<16xi1>
      %reduce_sum3A_2242 = tpu.scan <sum>, %select_n3A_2239 masked %reduce_sum3A_2241 : vector<16xf32>, vector<16xi1> -> vector<16xf32>
      %reduce_sum3A_2243 = vector.extract %reduce_sum3A_2242[15] : f32 from vector<16xf32>
      %eq3A_2244 = arith.constant 3 : i32
      %eq3A_2245 = vector.broadcast %eq3A_2244 : i32 to vector<16xi32>
      %eq3A_2246 = arith.cmpi eq, %get3A_14, %eq3A_2245 : vector<16xi32>
      %and3A_2247 = arith.andi %and3A_2153, %eq3A_2246 : vector<16xi1>
      %select_n3A_2248 = arith.select %and3A_2247, %broadcast_in_dim3A_21, %broadcast_in_dim3A_23 : vector<16xi1>, vector<16xf32>
      %reduce_sum3A_2249 = arith.constant true
      %reduce_sum3A_2250 = vector.broadcast %reduce_sum3A_2249 : i1 to vector<16xi1>
      %reduce_sum3A_2251 = tpu.scan <sum>, %select_n3A_2248 masked %reduce_sum3A_2250 : vector<16xf32>, vector<16xi1> -> vector<16xf32>
      %reduce_sum3A_2252 = vector.extract %reduce_sum3A_2251[15] : f32 from vector<16xf32>
      %eq3A_2253 = arith.constant 3 : i32
      %eq3A_2254 = vector.broadcast %eq3A_2253 : i32 to vector<16xi32>
      %eq3A_2255 = arith.cmpi eq, %iota3A, %eq3A_2254 : vector<16xi32>
      %add3A_2256 = arith.addf %reduce_sum3A_2243, %reduce_sum3A_2252 : f32
      %jit3A_2257 = arith.constant 0.000000e+00 : f32
      %broadcast_in_dim3A_2258 = vector.broadcast %add3A_2256 : f32 to vector<16xf32>
      %broadcast_in_dim3A_2259 = vector.broadcast %jit3A_2257 : f32 to vector<16xf32>
      %select_n3A_2260 = arith.select %eq3A_2255, %broadcast_in_dim3A_2258, %broadcast_in_dim3A_2259 : vector<16xi1>, vector<16xf32>
      %add3A_2261 = arith.addf %add3A_2234, %select_n3A_2260 : vector<16xf32>
      %eq3A_2262 = arith.constant 4 : i32
      %eq3A_2263 = vector.broadcast %eq3A_2262 : i32 to vector<16xi32>
      %eq3A_2264 = arith.cmpi eq, %get3A_6, %eq3A_2263 : vector<16xi32>
      %and3A_2265 = arith.andi %eq3A_2149, %eq3A_2264 : vector<16xi1>
      %select_n3A_2266 = arith.select %and3A_2265, %broadcast_in_dim3A_21, %broadcast_in_dim3A_23 : vector<16xi1>, vector<16xf32>
      %reduce_sum3A_2267 = arith.constant true
      %reduce_sum3A_2268 = vector.broadcast %reduce_sum3A_2267 : i1 to vector<16xi1>
      %reduce_sum3A_2269 = tpu.scan <sum>, %select_n3A_2266 masked %reduce_sum3A_2268 : vector<16xf32>, vector<16xi1> -> vector<16xf32>
      %reduce_sum3A_2270 = vector.extract %reduce_sum3A_2269[15] : f32 from vector<16xf32>
      %eq3A_2271 = arith.constant 4 : i32
      %eq3A_2272 = vector.broadcast %eq3A_2271 : i32 to vector<16xi32>
      %eq3A_2273 = arith.cmpi eq, %get3A_14, %eq3A_2272 : vector<16xi32>
      %and3A_2274 = arith.andi %and3A_2153, %eq3A_2273 : vector<16xi1>
      %select_n3A_2275 = arith.select %and3A_2274, %broadcast_in_dim3A_21, %broadcast_in_dim3A_23 : vector<16xi1>, vector<16xf32>
      %reduce_sum3A_2276 = arith.constant true
      %reduce_sum3A_2277 = vector.broadcast %reduce_sum3A_2276 : i1 to vector<16xi1>
      %reduce_sum3A_2278 = tpu.scan <sum>, %select_n3A_2275 masked %reduce_sum3A_2277 : vector<16xf32>, vector<16xi1> -> vector<16xf32>
      %reduce_sum3A_2279 = vector.extract %reduce_sum3A_2278[15] : f32 from vector<16xf32>
      %eq3A_2280 = arith.constant 4 : i32
      %eq3A_2281 = vector.broadcast %eq3A_2280 : i32 to vector<16xi32>
      %eq3A_2282 = arith.cmpi eq, %iota3A, %eq3A_2281 : vector<16xi32>
      %add3A_2283 = arith.addf %reduce_sum3A_2270, %reduce_sum3A_2279 : f32
      %jit3A_2284 = arith.constant 0.000000e+00 : f32
      %broadcast_in_dim3A_2285 = vector.broadcast %add3A_2283 : f32 to vector<16xf32>
      %broadcast_in_dim3A_2286 = vector.broadcast %jit3A_2284 : f32 to vector<16xf32>
      %select_n3A_2287 = arith.select %eq3A_2282, %broadcast_in_dim3A_2285, %broadcast_in_dim3A_2286 : vector<16xi1>, vector<16xf32>
      %add3A_2288 = arith.addf %add3A_2261, %select_n3A_2287 : vector<16xf32>
      %eq3A_2289 = arith.constant 5 : i32
      %eq3A_2290 = vector.broadcast %eq3A_2289 : i32 to vector<16xi32>
      %eq3A_2291 = arith.cmpi eq, %get3A_6, %eq3A_2290 : vector<16xi32>
      %and3A_2292 = arith.andi %eq3A_2149, %eq3A_2291 : vector<16xi1>
      %select_n3A_2293 = arith.select %and3A_2292, %broadcast_in_dim3A_21, %broadcast_in_dim3A_23 : vector<16xi1>, vector<16xf32>
      %reduce_sum3A_2294 = arith.constant true
      %reduce_sum3A_2295 = vector.broadcast %reduce_sum3A_2294 : i1 to vector<16xi1>
      %reduce_sum3A_2296 = tpu.scan <sum>, %select_n3A_2293 masked %reduce_sum3A_2295 : vector<16xf32>, vector<16xi1> -> vector<16xf32>
      %reduce_sum3A_2297 = vector.extract %reduce_sum3A_2296[15] : f32 from vector<16xf32>
      %eq3A_2298 = arith.constant 5 : i32
      %eq3A_2299 = vector.broadcast %eq3A_2298 : i32 to vector<16xi32>
      %eq3A_2300 = arith.cmpi eq, %get3A_14, %eq3A_2299 : vector<16xi32>
      %and3A_2301 = arith.andi %and3A_2153, %eq3A_2300 : vector<16xi1>
      %select_n3A_2302 = arith.select %and3A_2301, %broadcast_in_dim3A_21, %broadcast_in_dim3A_23 : vector<16xi1>, vector<16xf32>
      %reduce_sum3A_2303 = arith.constant true
      %reduce_sum3A_2304 = vector.broadcast %reduce_sum3A_2303 : i1 to vector<16xi1>
      %reduce_sum3A_2305 = tpu.scan <sum>, %select_n3A_2302 masked %reduce_sum3A_2304 : vector<16xf32>, vector<16xi1> -> vector<16xf32>
      %reduce_sum3A_2306 = vector.extract %reduce_sum3A_2305[15] : f32 from vector<16xf32>
      %eq3A_2307 = arith.constant 5 : i32
      %eq3A_2308 = vector.broadcast %eq3A_2307 : i32 to vector<16xi32>
      %eq3A_2309 = arith.cmpi eq, %iota3A, %eq3A_2308 : vector<16xi32>
      %add3A_2310 = arith.addf %reduce_sum3A_2297, %reduce_sum3A_2306 : f32
      %jit3A_2311 = arith.constant 0.000000e+00 : f32
      %broadcast_in_dim3A_2312 = vector.broadcast %add3A_2310 : f32 to vector<16xf32>
      %broadcast_in_dim3A_2313 = vector.broadcast %jit3A_2311 : f32 to vector<16xf32>
      %select_n3A_2314 = arith.select %eq3A_2309, %broadcast_in_dim3A_2312, %broadcast_in_dim3A_2313 : vector<16xi1>, vector<16xf32>
      %add3A_2315 = arith.addf %add3A_2288, %select_n3A_2314 : vector<16xf32>
      %eq3A_2316 = arith.constant 6 : i32
      %eq3A_2317 = vector.broadcast %eq3A_2316 : i32 to vector<16xi32>
      %eq3A_2318 = arith.cmpi eq, %get3A_6, %eq3A_2317 : vector<16xi32>
      %and3A_2319 = arith.andi %eq3A_2149, %eq3A_2318 : vector<16xi1>
      %select_n3A_2320 = arith.select %and3A_2319, %broadcast_in_dim3A_21, %broadcast_in_dim3A_23 : vector<16xi1>, vector<16xf32>
      %reduce_sum3A_2321 = arith.constant true
      %reduce_sum3A_2322 = vector.broadcast %reduce_sum3A_2321 : i1 to vector<16xi1>
      %reduce_sum3A_2323 = tpu.scan <sum>, %select_n3A_2320 masked %reduce_sum3A_2322 : vector<16xf32>, vector<16xi1> -> vector<16xf32>
      %reduce_sum3A_2324 = vector.extract %reduce_sum3A_2323[15] : f32 from vector<16xf32>
      %eq3A_2325 = arith.constant 6 : i32
      %eq3A_2326 = vector.broadcast %eq3A_2325 : i32 to vector<16xi32>
      %eq3A_2327 = arith.cmpi eq, %get3A_14, %eq3A_2326 : vector<16xi32>
      %and3A_2328 = arith.andi %and3A_2153, %eq3A_2327 : vector<16xi1>
      %select_n3A_2329 = arith.select %and3A_2328, %broadcast_in_dim3A_21, %broadcast_in_dim3A_23 : vector<16xi1>, vector<16xf32>
      %reduce_sum3A_2330 = arith.constant true
      %reduce_sum3A_2331 = vector.broadcast %reduce_sum3A_2330 : i1 to vector<16xi1>
      %reduce_sum3A_2332 = tpu.scan <sum>, %select_n3A_2329 masked %reduce_sum3A_2331 : vector<16xf32>, vector<16xi1> -> vector<16xf32>
      %reduce_sum3A_2333 = vector.extract %reduce_sum3A_2332[15] : f32 from vector<16xf32>
      %eq3A_2334 = arith.constant 6 : i32
      %eq3A_2335 = vector.broadcast %eq3A_2334 : i32 to vector<16xi32>
      %eq3A_2336 = arith.cmpi eq, %iota3A, %eq3A_2335 : vector<16xi32>
      %add3A_2337 = arith.addf %reduce_sum3A_2324, %reduce_sum3A_2333 : f32
      %jit3A_2338 = arith.constant 0.000000e+00 : f32
      %broadcast_in_dim3A_2339 = vector.broadcast %add3A_2337 : f32 to vector<16xf32>
      %broadcast_in_dim3A_2340 = vector.broadcast %jit3A_2338 : f32 to vector<16xf32>
      %select_n3A_2341 = arith.select %eq3A_2336, %broadcast_in_dim3A_2339, %broadcast_in_dim3A_2340 : vector<16xi1>, vector<16xf32>
      %add3A_2342 = arith.addf %add3A_2315, %select_n3A_2341 : vector<16xf32>
      %eq3A_2343 = arith.constant 7 : i32
      %eq3A_2344 = vector.broadcast %eq3A_2343 : i32 to vector<16xi32>
      %eq3A_2345 = arith.cmpi eq, %get3A_6, %eq3A_2344 : vector<16xi32>
      %and3A_2346 = arith.andi %eq3A_2149, %eq3A_2345 : vector<16xi1>
      %select_n3A_2347 = arith.select %and3A_2346, %broadcast_in_dim3A_21, %broadcast_in_dim3A_23 : vector<16xi1>, vector<16xf32>
      %reduce_sum3A_2348 = arith.constant true
      %reduce_sum3A_2349 = vector.broadcast %reduce_sum3A_2348 : i1 to vector<16xi1>
      %reduce_sum3A_2350 = tpu.scan <sum>, %select_n3A_2347 masked %reduce_sum3A_2349 : vector<16xf32>, vector<16xi1> -> vector<16xf32>
      %reduce_sum3A_2351 = vector.extract %reduce_sum3A_2350[15] : f32 from vector<16xf32>
      %eq3A_2352 = arith.constant 7 : i32
      %eq3A_2353 = vector.broadcast %eq3A_2352 : i32 to vector<16xi32>
      %eq3A_2354 = arith.cmpi eq, %get3A_14, %eq3A_2353 : vector<16xi32>
      %and3A_2355 = arith.andi %and3A_2153, %eq3A_2354 : vector<16xi1>
      %select_n3A_2356 = arith.select %and3A_2355, %broadcast_in_dim3A_21, %broadcast_in_dim3A_23 : vector<16xi1>, vector<16xf32>
      %reduce_sum3A_2357 = arith.constant true
      %reduce_sum3A_2358 = vector.broadcast %reduce_sum3A_2357 : i1 to vector<16xi1>
      %reduce_sum3A_2359 = tpu.scan <sum>, %select_n3A_2356 masked %reduce_sum3A_2358 : vector<16xf32>, vector<16xi1> -> vector<16xf32>
      %reduce_sum3A_2360 = vector.extract %reduce_sum3A_2359[15] : f32 from vector<16xf32>
      %eq3A_2361 = arith.constant 7 : i32
      %eq3A_2362 = vector.broadcast %eq3A_2361 : i32 to vector<16xi32>
      %eq3A_2363 = arith.cmpi eq, %iota3A, %eq3A_2362 : vector<16xi32>
      %add3A_2364 = arith.addf %reduce_sum3A_2351, %reduce_sum3A_2360 : f32
      %jit3A_2365 = arith.constant 0.000000e+00 : f32
      %broadcast_in_dim3A_2366 = vector.broadcast %add3A_2364 : f32 to vector<16xf32>
      %broadcast_in_dim3A_2367 = vector.broadcast %jit3A_2365 : f32 to vector<16xf32>
      %select_n3A_2368 = arith.select %eq3A_2363, %broadcast_in_dim3A_2366, %broadcast_in_dim3A_2367 : vector<16xi1>, vector<16xf32>
      %add3A_2369 = arith.addf %add3A_2342, %select_n3A_2368 : vector<16xf32>
      %eq3A_2370 = arith.constant 8 : i32
      %eq3A_2371 = vector.broadcast %eq3A_2370 : i32 to vector<16xi32>
      %eq3A_2372 = arith.cmpi eq, %get3A_6, %eq3A_2371 : vector<16xi32>
      %and3A_2373 = arith.andi %eq3A_2149, %eq3A_2372 : vector<16xi1>
      %select_n3A_2374 = arith.select %and3A_2373, %broadcast_in_dim3A_21, %broadcast_in_dim3A_23 : vector<16xi1>, vector<16xf32>
      %reduce_sum3A_2375 = arith.constant true
      %reduce_sum3A_2376 = vector.broadcast %reduce_sum3A_2375 : i1 to vector<16xi1>
      %reduce_sum3A_2377 = tpu.scan <sum>, %select_n3A_2374 masked %reduce_sum3A_2376 : vector<16xf32>, vector<16xi1> -> vector<16xf32>
      %reduce_sum3A_2378 = vector.extract %reduce_sum3A_2377[15] : f32 from vector<16xf32>
      %eq3A_2379 = arith.constant 8 : i32
      %eq3A_2380 = vector.broadcast %eq3A_2379 : i32 to vector<16xi32>
      %eq3A_2381 = arith.cmpi eq, %get3A_14, %eq3A_2380 : vector<16xi32>
      %and3A_2382 = arith.andi %and3A_2153, %eq3A_2381 : vector<16xi1>
      %select_n3A_2383 = arith.select %and3A_2382, %broadcast_in_dim3A_21, %broadcast_in_dim3A_23 : vector<16xi1>, vector<16xf32>
      %reduce_sum3A_2384 = arith.constant true
      %reduce_sum3A_2385 = vector.broadcast %reduce_sum3A_2384 : i1 to vector<16xi1>
      %reduce_sum3A_2386 = tpu.scan <sum>, %select_n3A_2383 masked %reduce_sum3A_2385 : vector<16xf32>, vector<16xi1> -> vector<16xf32>
      %reduce_sum3A_2387 = vector.extract %reduce_sum3A_2386[15] : f32 from vector<16xf32>
      %eq3A_2388 = arith.constant 8 : i32
      %eq3A_2389 = vector.broadcast %eq3A_2388 : i32 to vector<16xi32>
      %eq3A_2390 = arith.cmpi eq, %iota3A, %eq3A_2389 : vector<16xi32>
      %add3A_2391 = arith.addf %reduce_sum3A_2378, %reduce_sum3A_2387 : f32
      %jit3A_2392 = arith.constant 0.000000e+00 : f32
      %broadcast_in_dim3A_2393 = vector.broadcast %add3A_2391 : f32 to vector<16xf32>
      %broadcast_in_dim3A_2394 = vector.broadcast %jit3A_2392 : f32 to vector<16xf32>
      %select_n3A_2395 = arith.select %eq3A_2390, %broadcast_in_dim3A_2393, %broadcast_in_dim3A_2394 : vector<16xi1>, vector<16xf32>
      %add3A_2396 = arith.addf %add3A_2369, %select_n3A_2395 : vector<16xf32>
      %eq3A_2397 = arith.constant 9 : i32
      %eq3A_2398 = vector.broadcast %eq3A_2397 : i32 to vector<16xi32>
      %eq3A_2399 = arith.cmpi eq, %get3A_6, %eq3A_2398 : vector<16xi32>
      %and3A_2400 = arith.andi %eq3A_2149, %eq3A_2399 : vector<16xi1>
      %select_n3A_2401 = arith.select %and3A_2400, %broadcast_in_dim3A_21, %broadcast_in_dim3A_23 : vector<16xi1>, vector<16xf32>
      %reduce_sum3A_2402 = arith.constant true
      %reduce_sum3A_2403 = vector.broadcast %reduce_sum3A_2402 : i1 to vector<16xi1>
      %reduce_sum3A_2404 = tpu.scan <sum>, %select_n3A_2401 masked %reduce_sum3A_2403 : vector<16xf32>, vector<16xi1> -> vector<16xf32>
      %reduce_sum3A_2405 = vector.extract %reduce_sum3A_2404[15] : f32 from vector<16xf32>
      %eq3A_2406 = arith.constant 9 : i32
      %eq3A_2407 = vector.broadcast %eq3A_2406 : i32 to vector<16xi32>
      %eq3A_2408 = arith.cmpi eq, %get3A_14, %eq3A_2407 : vector<16xi32>
      %and3A_2409 = arith.andi %and3A_2153, %eq3A_2408 : vector<16xi1>
      %select_n3A_2410 = arith.select %and3A_2409, %broadcast_in_dim3A_21, %broadcast_in_dim3A_23 : vector<16xi1>, vector<16xf32>
      %reduce_sum3A_2411 = arith.constant true
      %reduce_sum3A_2412 = vector.broadcast %reduce_sum3A_2411 : i1 to vector<16xi1>
      %reduce_sum3A_2413 = tpu.scan <sum>, %select_n3A_2410 masked %reduce_sum3A_2412 : vector<16xf32>, vector<16xi1> -> vector<16xf32>
      %reduce_sum3A_2414 = vector.extract %reduce_sum3A_2413[15] : f32 from vector<16xf32>
      %eq3A_2415 = arith.constant 9 : i32
      %eq3A_2416 = vector.broadcast %eq3A_2415 : i32 to vector<16xi32>
      %eq3A_2417 = arith.cmpi eq, %iota3A, %eq3A_2416 : vector<16xi32>
      %add3A_2418 = arith.addf %reduce_sum3A_2405, %reduce_sum3A_2414 : f32
      %jit3A_2419 = arith.constant 0.000000e+00 : f32
      %broadcast_in_dim3A_2420 = vector.broadcast %add3A_2418 : f32 to vector<16xf32>
      %broadcast_in_dim3A_2421 = vector.broadcast %jit3A_2419 : f32 to vector<16xf32>
      %select_n3A_2422 = arith.select %eq3A_2417, %broadcast_in_dim3A_2420, %broadcast_in_dim3A_2421 : vector<16xi1>, vector<16xf32>
      %add3A_2423 = arith.addf %add3A_2396, %select_n3A_2422 : vector<16xf32>
      %mul3A_2424 = arith.mulf %add3A_2423, %mul3A_315 : vector<16xf32>
      %mul3A_2425 = vector.broadcast %reduce_sum3A_2138 : f32 to vector<16xf32>
      %mul3A_2426 = arith.mulf %mul3A_2424, %mul3A_2425 : vector<16xf32>
      %swap3A_2427 = arith.constant 6 : i32
      %swap3A_2428 = arith.index_cast %swap3A_2427 : i32 to index
      %swap3A_2429 = arith.constant 0 : index
      %swap3A_2430 = tpu.vector_load %arg6[%swap3A_2428, %swap3A_2429] {strides = array<i32>} : memref<16x16xf32, #tpu.memory_space<vmem>>, vector<16xf32>,
      tpu.vector_store %arg6[%swap3A_2428, %swap3A_2429], %mul3A_2426 {strides = array<i32>} : memref<16x16xf32, #tpu.memory_space<vmem>>, vector<16xf32>,
      %eq3A_2431 = arith.constant 7 : i32
      %eq3A_2432 = vector.broadcast %eq3A_2431 : i32 to vector<16xi32>
      %eq3A_2433 = arith.cmpi eq, %iota3A, %eq3A_2432 : vector<16xi32>
      %jit3A_2434 = arith.constant 0.000000e+00 : f32
      %broadcast_in_dim3A_2435 = vector.broadcast %jit3A_2434 : f32 to vector<16xf32>
      %select_n3A_2436 = arith.select %eq3A_2433, %mul3A_315, %broadcast_in_dim3A_2435 : vector<16xi1>, vector<16xf32>
      %reduce_sum3A_2437 = arith.constant true
      %reduce_sum3A_2438 = vector.broadcast %reduce_sum3A_2437 : i1 to vector<16xi1>
      %reduce_sum3A_2439 = tpu.scan <sum>, %select_n3A_2436 masked %reduce_sum3A_2438 : vector<16xf32>, vector<16xi1> -> vector<16xf32>
      %reduce_sum3A_2440 = vector.extract %reduce_sum3A_2439[15] : f32 from vector<16xf32>
      %eq3A_2441 = arith.constant 7 : i32
      %eq3A_2442 = vector.broadcast %eq3A_2441 : i32 to vector<16xi32>
      %eq3A_2443 = arith.cmpi eq, %iota3A, %eq3A_2442 : vector<16xi32>
      %jit3A_2444 = arith.constant 1.000000e+00 : f32
      %jit3A_2445 = arith.constant 0.000000e+00 : f32
      %broadcast_in_dim3A_2446 = vector.broadcast %jit3A_2444 : f32 to vector<16xf32>
      %broadcast_in_dim3A_2447 = vector.broadcast %jit3A_2445 : f32 to vector<16xf32>
      %select_n3A_2448 = arith.select %eq3A_2443, %broadcast_in_dim3A_2446, %broadcast_in_dim3A_2447 : vector<16xi1>, vector<16xf32>
      %eq3A_2449 = arith.constant 7 : i32
      %eq3A_2450 = vector.broadcast %eq3A_2449 : i32 to vector<16xi32>
      %eq3A_2451 = arith.cmpi eq, %get3A_10, %eq3A_2450 : vector<16xi32>
      %eq3A_2452 = arith.constant 7 : i32
      %eq3A_2453 = vector.broadcast %eq3A_2452 : i32 to vector<16xi32>
      %eq3A_2454 = arith.cmpi eq, %get3A_18, %eq3A_2453 : vector<16xi32>
      %and3A_2455 = arith.andi %eq3A_2454, %ge3A_20 : vector<16xi1>
      %eq3A_2456 = arith.constant 0 : i32
      %eq3A_2457 = vector.broadcast %eq3A_2456 : i32 to vector<16xi32>
      %eq3A_2458 = arith.cmpi eq, %get3A_6, %eq3A_2457 : vector<16xi32>
      %and3A_2459 = arith.andi %eq3A_2451, %eq3A_2458 : vector<16xi1>
      %select_n3A_2460 = arith.select %and3A_2459, %broadcast_in_dim3A_21, %broadcast_in_dim3A_23 : vector<16xi1>, vector<16xf32>
      %reduce_sum3A_2461 = arith.constant true
      %reduce_sum3A_2462 = vector.broadcast %reduce_sum3A_2461 : i1 to vector<16xi1>
      %reduce_sum3A_2463 = tpu.scan <sum>, %select_n3A_2460 masked %reduce_sum3A_2462 : vector<16xf32>, vector<16xi1> -> vector<16xf32>
      %reduce_sum3A_2464 = vector.extract %reduce_sum3A_2463[15] : f32 from vector<16xf32>
      %eq3A_2465 = arith.constant 0 : i32
      %eq3A_2466 = vector.broadcast %eq3A_2465 : i32 to vector<16xi32>
      %eq3A_2467 = arith.cmpi eq, %get3A_14, %eq3A_2466 : vector<16xi32>
      %and3A_2468 = arith.andi %and3A_2455, %eq3A_2467 : vector<16xi1>
      %select_n3A_2469 = arith.select %and3A_2468, %broadcast_in_dim3A_21, %broadcast_in_dim3A_23 : vector<16xi1>, vector<16xf32>
      %reduce_sum3A_2470 = arith.constant true
      %reduce_sum3A_2471 = vector.broadcast %reduce_sum3A_2470 : i1 to vector<16xi1>
      %reduce_sum3A_2472 = tpu.scan <sum>, %select_n3A_2469 masked %reduce_sum3A_2471 : vector<16xf32>, vector<16xi1> -> vector<16xf32>
      %reduce_sum3A_2473 = vector.extract %reduce_sum3A_2472[15] : f32 from vector<16xf32>
      %eq3A_2474 = arith.constant 0 : i32
      %eq3A_2475 = vector.broadcast %eq3A_2474 : i32 to vector<16xi32>
      %eq3A_2476 = arith.cmpi eq, %iota3A, %eq3A_2475 : vector<16xi32>
      %add3A_2477 = arith.addf %reduce_sum3A_2464, %reduce_sum3A_2473 : f32
      %jit3A_2478 = arith.constant 0.000000e+00 : f32
      %broadcast_in_dim3A_2479 = vector.broadcast %add3A_2477 : f32 to vector<16xf32>
      %broadcast_in_dim3A_2480 = vector.broadcast %jit3A_2478 : f32 to vector<16xf32>
      %select_n3A_2481 = arith.select %eq3A_2476, %broadcast_in_dim3A_2479, %broadcast_in_dim3A_2480 : vector<16xi1>, vector<16xf32>
      %add3A_2482 = arith.addf %select_n3A_2448, %select_n3A_2481 : vector<16xf32>
      %eq3A_2483 = arith.constant 1 : i32
      %eq3A_2484 = vector.broadcast %eq3A_2483 : i32 to vector<16xi32>
      %eq3A_2485 = arith.cmpi eq, %get3A_6, %eq3A_2484 : vector<16xi32>
      %and3A_2486 = arith.andi %eq3A_2451, %eq3A_2485 : vector<16xi1>
      %select_n3A_2487 = arith.select %and3A_2486, %broadcast_in_dim3A_21, %broadcast_in_dim3A_23 : vector<16xi1>, vector<16xf32>
      %reduce_sum3A_2488 = arith.constant true
      %reduce_sum3A_2489 = vector.broadcast %reduce_sum3A_2488 : i1 to vector<16xi1>
      %reduce_sum3A_2490 = tpu.scan <sum>, %select_n3A_2487 masked %reduce_sum3A_2489 : vector<16xf32>, vector<16xi1> -> vector<16xf32>
      %reduce_sum3A_2491 = vector.extract %reduce_sum3A_2490[15] : f32 from vector<16xf32>
      %eq3A_2492 = arith.constant 1 : i32
      %eq3A_2493 = vector.broadcast %eq3A_2492 : i32 to vector<16xi32>
      %eq3A_2494 = arith.cmpi eq, %get3A_14, %eq3A_2493 : vector<16xi32>
      %and3A_2495 = arith.andi %and3A_2455, %eq3A_2494 : vector<16xi1>
      %select_n3A_2496 = arith.select %and3A_2495, %broadcast_in_dim3A_21, %broadcast_in_dim3A_23 : vector<16xi1>, vector<16xf32>
      %reduce_sum3A_2497 = arith.constant true
      %reduce_sum3A_2498 = vector.broadcast %reduce_sum3A_2497 : i1 to vector<16xi1>
      %reduce_sum3A_2499 = tpu.scan <sum>, %select_n3A_2496 masked %reduce_sum3A_2498 : vector<16xf32>, vector<16xi1> -> vector<16xf32>
      %reduce_sum3A_2500 = vector.extract %reduce_sum3A_2499[15] : f32 from vector<16xf32>
      %eq3A_2501 = arith.constant 1 : i32
      %eq3A_2502 = vector.broadcast %eq3A_2501 : i32 to vector<16xi32>
      %eq3A_2503 = arith.cmpi eq, %iota3A, %eq3A_2502 : vector<16xi32>
      %add3A_2504 = arith.addf %reduce_sum3A_2491, %reduce_sum3A_2500 : f32
      %jit3A_2505 = arith.constant 0.000000e+00 : f32
      %broadcast_in_dim3A_2506 = vector.broadcast %add3A_2504 : f32 to vector<16xf32>
      %broadcast_in_dim3A_2507 = vector.broadcast %jit3A_2505 : f32 to vector<16xf32>
      %select_n3A_2508 = arith.select %eq3A_2503, %broadcast_in_dim3A_2506, %broadcast_in_dim3A_2507 : vector<16xi1>, vector<16xf32>
      %add3A_2509 = arith.addf %add3A_2482, %select_n3A_2508 : vector<16xf32>
      %eq3A_2510 = arith.constant 2 : i32
      %eq3A_2511 = vector.broadcast %eq3A_2510 : i32 to vector<16xi32>
      %eq3A_2512 = arith.cmpi eq, %get3A_6, %eq3A_2511 : vector<16xi32>
      %and3A_2513 = arith.andi %eq3A_2451, %eq3A_2512 : vector<16xi1>
      %select_n3A_2514 = arith.select %and3A_2513, %broadcast_in_dim3A_21, %broadcast_in_dim3A_23 : vector<16xi1>, vector<16xf32>
      %reduce_sum3A_2515 = arith.constant true
      %reduce_sum3A_2516 = vector.broadcast %reduce_sum3A_2515 : i1 to vector<16xi1>
      %reduce_sum3A_2517 = tpu.scan <sum>, %select_n3A_2514 masked %reduce_sum3A_2516 : vector<16xf32>, vector<16xi1> -> vector<16xf32>
      %reduce_sum3A_2518 = vector.extract %reduce_sum3A_2517[15] : f32 from vector<16xf32>
      %eq3A_2519 = arith.constant 2 : i32
      %eq3A_2520 = vector.broadcast %eq3A_2519 : i32 to vector<16xi32>
      %eq3A_2521 = arith.cmpi eq, %get3A_14, %eq3A_2520 : vector<16xi32>
      %and3A_2522 = arith.andi %and3A_2455, %eq3A_2521 : vector<16xi1>
      %select_n3A_2523 = arith.select %and3A_2522, %broadcast_in_dim3A_21, %broadcast_in_dim3A_23 : vector<16xi1>, vector<16xf32>
      %reduce_sum3A_2524 = arith.constant true
      %reduce_sum3A_2525 = vector.broadcast %reduce_sum3A_2524 : i1 to vector<16xi1>
      %reduce_sum3A_2526 = tpu.scan <sum>, %select_n3A_2523 masked %reduce_sum3A_2525 : vector<16xf32>, vector<16xi1> -> vector<16xf32>
      %reduce_sum3A_2527 = vector.extract %reduce_sum3A_2526[15] : f32 from vector<16xf32>
      %eq3A_2528 = arith.constant 2 : i32
      %eq3A_2529 = vector.broadcast %eq3A_2528 : i32 to vector<16xi32>
      %eq3A_2530 = arith.cmpi eq, %iota3A, %eq3A_2529 : vector<16xi32>
      %add3A_2531 = arith.addf %reduce_sum3A_2518, %reduce_sum3A_2527 : f32
      %jit3A_2532 = arith.constant 0.000000e+00 : f32
      %broadcast_in_dim3A_2533 = vector.broadcast %add3A_2531 : f32 to vector<16xf32>
      %broadcast_in_dim3A_2534 = vector.broadcast %jit3A_2532 : f32 to vector<16xf32>
      %select_n3A_2535 = arith.select %eq3A_2530, %broadcast_in_dim3A_2533, %broadcast_in_dim3A_2534 : vector<16xi1>, vector<16xf32>
      %add3A_2536 = arith.addf %add3A_2509, %select_n3A_2535 : vector<16xf32>
      %eq3A_2537 = arith.constant 3 : i32
      %eq3A_2538 = vector.broadcast %eq3A_2537 : i32 to vector<16xi32>
      %eq3A_2539 = arith.cmpi eq, %get3A_6, %eq3A_2538 : vector<16xi32>
      %and3A_2540 = arith.andi %eq3A_2451, %eq3A_2539 : vector<16xi1>
      %select_n3A_2541 = arith.select %and3A_2540, %broadcast_in_dim3A_21, %broadcast_in_dim3A_23 : vector<16xi1>, vector<16xf32>
      %reduce_sum3A_2542 = arith.constant true
      %reduce_sum3A_2543 = vector.broadcast %reduce_sum3A_2542 : i1 to vector<16xi1>
      %reduce_sum3A_2544 = tpu.scan <sum>, %select_n3A_2541 masked %reduce_sum3A_2543 : vector<16xf32>, vector<16xi1> -> vector<16xf32>
      %reduce_sum3A_2545 = vector.extract %reduce_sum3A_2544[15] : f32 from vector<16xf32>
      %eq3A_2546 = arith.constant 3 : i32
      %eq3A_2547 = vector.broadcast %eq3A_2546 : i32 to vector<16xi32>
      %eq3A_2548 = arith.cmpi eq, %get3A_14, %eq3A_2547 : vector<16xi32>
      %and3A_2549 = arith.andi %and3A_2455, %eq3A_2548 : vector<16xi1>
      %select_n3A_2550 = arith.select %and3A_2549, %broadcast_in_dim3A_21, %broadcast_in_dim3A_23 : vector<16xi1>, vector<16xf32>
      %reduce_sum3A_2551 = arith.constant true
      %reduce_sum3A_2552 = vector.broadcast %reduce_sum3A_2551 : i1 to vector<16xi1>
      %reduce_sum3A_2553 = tpu.scan <sum>, %select_n3A_2550 masked %reduce_sum3A_2552 : vector<16xf32>, vector<16xi1> -> vector<16xf32>
      %reduce_sum3A_2554 = vector.extract %reduce_sum3A_2553[15] : f32 from vector<16xf32>
      %eq3A_2555 = arith.constant 3 : i32
      %eq3A_2556 = vector.broadcast %eq3A_2555 : i32 to vector<16xi32>
      %eq3A_2557 = arith.cmpi eq, %iota3A, %eq3A_2556 : vector<16xi32>
      %add3A_2558 = arith.addf %reduce_sum3A_2545, %reduce_sum3A_2554 : f32
      %jit3A_2559 = arith.constant 0.000000e+00 : f32
      %broadcast_in_dim3A_2560 = vector.broadcast %add3A_2558 : f32 to vector<16xf32>
      %broadcast_in_dim3A_2561 = vector.broadcast %jit3A_2559 : f32 to vector<16xf32>
      %select_n3A_2562 = arith.select %eq3A_2557, %broadcast_in_dim3A_2560, %broadcast_in_dim3A_2561 : vector<16xi1>, vector<16xf32>
      %add3A_2563 = arith.addf %add3A_2536, %select_n3A_2562 : vector<16xf32>
      %eq3A_2564 = arith.constant 4 : i32
      %eq3A_2565 = vector.broadcast %eq3A_2564 : i32 to vector<16xi32>
      %eq3A_2566 = arith.cmpi eq, %get3A_6, %eq3A_2565 : vector<16xi32>
      %and3A_2567 = arith.andi %eq3A_2451, %eq3A_2566 : vector<16xi1>
      %select_n3A_2568 = arith.select %and3A_2567, %broadcast_in_dim3A_21, %broadcast_in_dim3A_23 : vector<16xi1>, vector<16xf32>
      %reduce_sum3A_2569 = arith.constant true
      %reduce_sum3A_2570 = vector.broadcast %reduce_sum3A_2569 : i1 to vector<16xi1>
      %reduce_sum3A_2571 = tpu.scan <sum>, %select_n3A_2568 masked %reduce_sum3A_2570 : vector<16xf32>, vector<16xi1> -> vector<16xf32>
      %reduce_sum3A_2572 = vector.extract %reduce_sum3A_2571[15] : f32 from vector<16xf32>
      %eq3A_2573 = arith.constant 4 : i32
      %eq3A_2574 = vector.broadcast %eq3A_2573 : i32 to vector<16xi32>
      %eq3A_2575 = arith.cmpi eq, %get3A_14, %eq3A_2574 : vector<16xi32>
      %and3A_2576 = arith.andi %and3A_2455, %eq3A_2575 : vector<16xi1>
      %select_n3A_2577 = arith.select %and3A_2576, %broadcast_in_dim3A_21, %broadcast_in_dim3A_23 : vector<16xi1>, vector<16xf32>
      %reduce_sum3A_2578 = arith.constant true
      %reduce_sum3A_2579 = vector.broadcast %reduce_sum3A_2578 : i1 to vector<16xi1>
      %reduce_sum3A_2580 = tpu.scan <sum>, %select_n3A_2577 masked %reduce_sum3A_2579 : vector<16xf32>, vector<16xi1> -> vector<16xf32>
      %reduce_sum3A_2581 = vector.extract %reduce_sum3A_2580[15] : f32 from vector<16xf32>
      %eq3A_2582 = arith.constant 4 : i32
      %eq3A_2583 = vector.broadcast %eq3A_2582 : i32 to vector<16xi32>
      %eq3A_2584 = arith.cmpi eq, %iota3A, %eq3A_2583 : vector<16xi32>
      %add3A_2585 = arith.addf %reduce_sum3A_2572, %reduce_sum3A_2581 : f32
      %jit3A_2586 = arith.constant 0.000000e+00 : f32
      %broadcast_in_dim3A_2587 = vector.broadcast %add3A_2585 : f32 to vector<16xf32>
      %broadcast_in_dim3A_2588 = vector.broadcast %jit3A_2586 : f32 to vector<16xf32>
      %select_n3A_2589 = arith.select %eq3A_2584, %broadcast_in_dim3A_2587, %broadcast_in_dim3A_2588 : vector<16xi1>, vector<16xf32>
      %add3A_2590 = arith.addf %add3A_2563, %select_n3A_2589 : vector<16xf32>
      %eq3A_2591 = arith.constant 5 : i32
      %eq3A_2592 = vector.broadcast %eq3A_2591 : i32 to vector<16xi32>
      %eq3A_2593 = arith.cmpi eq, %get3A_6, %eq3A_2592 : vector<16xi32>
      %and3A_2594 = arith.andi %eq3A_2451, %eq3A_2593 : vector<16xi1>
      %select_n3A_2595 = arith.select %and3A_2594, %broadcast_in_dim3A_21, %broadcast_in_dim3A_23 : vector<16xi1>, vector<16xf32>
      %reduce_sum3A_2596 = arith.constant true
      %reduce_sum3A_2597 = vector.broadcast %reduce_sum3A_2596 : i1 to vector<16xi1>
      %reduce_sum3A_2598 = tpu.scan <sum>, %select_n3A_2595 masked %reduce_sum3A_2597 : vector<16xf32>, vector<16xi1> -> vector<16xf32>
      %reduce_sum3A_2599 = vector.extract %reduce_sum3A_2598[15] : f32 from vector<16xf32>
      %eq3A_2600 = arith.constant 5 : i32
      %eq3A_2601 = vector.broadcast %eq3A_2600 : i32 to vector<16xi32>
      %eq3A_2602 = arith.cmpi eq, %get3A_14, %eq3A_2601 : vector<16xi32>
      %and3A_2603 = arith.andi %and3A_2455, %eq3A_2602 : vector<16xi1>
      %select_n3A_2604 = arith.select %and3A_2603, %broadcast_in_dim3A_21, %broadcast_in_dim3A_23 : vector<16xi1>, vector<16xf32>
      %reduce_sum3A_2605 = arith.constant true
      %reduce_sum3A_2606 = vector.broadcast %reduce_sum3A_2605 : i1 to vector<16xi1>
      %reduce_sum3A_2607 = tpu.scan <sum>, %select_n3A_2604 masked %reduce_sum3A_2606 : vector<16xf32>, vector<16xi1> -> vector<16xf32>
      %reduce_sum3A_2608 = vector.extract %reduce_sum3A_2607[15] : f32 from vector<16xf32>
      %eq3A_2609 = arith.constant 5 : i32
      %eq3A_2610 = vector.broadcast %eq3A_2609 : i32 to vector<16xi32>
      %eq3A_2611 = arith.cmpi eq, %iota3A, %eq3A_2610 : vector<16xi32>
      %add3A_2612 = arith.addf %reduce_sum3A_2599, %reduce_sum3A_2608 : f32
      %jit3A_2613 = arith.constant 0.000000e+00 : f32
      %broadcast_in_dim3A_2614 = vector.broadcast %add3A_2612 : f32 to vector<16xf32>
      %broadcast_in_dim3A_2615 = vector.broadcast %jit3A_2613 : f32 to vector<16xf32>
      %select_n3A_2616 = arith.select %eq3A_2611, %broadcast_in_dim3A_2614, %broadcast_in_dim3A_2615 : vector<16xi1>, vector<16xf32>
      %add3A_2617 = arith.addf %add3A_2590, %select_n3A_2616 : vector<16xf32>
      %eq3A_2618 = arith.constant 6 : i32
      %eq3A_2619 = vector.broadcast %eq3A_2618 : i32 to vector<16xi32>
      %eq3A_2620 = arith.cmpi eq, %get3A_6, %eq3A_2619 : vector<16xi32>
      %and3A_2621 = arith.andi %eq3A_2451, %eq3A_2620 : vector<16xi1>
      %select_n3A_2622 = arith.select %and3A_2621, %broadcast_in_dim3A_21, %broadcast_in_dim3A_23 : vector<16xi1>, vector<16xf32>
      %reduce_sum3A_2623 = arith.constant true
      %reduce_sum3A_2624 = vector.broadcast %reduce_sum3A_2623 : i1 to vector<16xi1>
      %reduce_sum3A_2625 = tpu.scan <sum>, %select_n3A_2622 masked %reduce_sum3A_2624 : vector<16xf32>, vector<16xi1> -> vector<16xf32>
      %reduce_sum3A_2626 = vector.extract %reduce_sum3A_2625[15] : f32 from vector<16xf32>
      %eq3A_2627 = arith.constant 6 : i32
      %eq3A_2628 = vector.broadcast %eq3A_2627 : i32 to vector<16xi32>
      %eq3A_2629 = arith.cmpi eq, %get3A_14, %eq3A_2628 : vector<16xi32>
      %and3A_2630 = arith.andi %and3A_2455, %eq3A_2629 : vector<16xi1>
      %select_n3A_2631 = arith.select %and3A_2630, %broadcast_in_dim3A_21, %broadcast_in_dim3A_23 : vector<16xi1>, vector<16xf32>
      %reduce_sum3A_2632 = arith.constant true
      %reduce_sum3A_2633 = vector.broadcast %reduce_sum3A_2632 : i1 to vector<16xi1>
      %reduce_sum3A_2634 = tpu.scan <sum>, %select_n3A_2631 masked %reduce_sum3A_2633 : vector<16xf32>, vector<16xi1> -> vector<16xf32>
      %reduce_sum3A_2635 = vector.extract %reduce_sum3A_2634[15] : f32 from vector<16xf32>
      %eq3A_2636 = arith.constant 6 : i32
      %eq3A_2637 = vector.broadcast %eq3A_2636 : i32 to vector<16xi32>
      %eq3A_2638 = arith.cmpi eq, %iota3A, %eq3A_2637 : vector<16xi32>
      %add3A_2639 = arith.addf %reduce_sum3A_2626, %reduce_sum3A_2635 : f32
      %jit3A_2640 = arith.constant 0.000000e+00 : f32
      %broadcast_in_dim3A_2641 = vector.broadcast %add3A_2639 : f32 to vector<16xf32>
      %broadcast_in_dim3A_2642 = vector.broadcast %jit3A_2640 : f32 to vector<16xf32>
      %select_n3A_2643 = arith.select %eq3A_2638, %broadcast_in_dim3A_2641, %broadcast_in_dim3A_2642 : vector<16xi1>, vector<16xf32>
      %add3A_2644 = arith.addf %add3A_2617, %select_n3A_2643 : vector<16xf32>
      %eq3A_2645 = arith.constant 7 : i32
      %eq3A_2646 = vector.broadcast %eq3A_2645 : i32 to vector<16xi32>
      %eq3A_2647 = arith.cmpi eq, %get3A_6, %eq3A_2646 : vector<16xi32>
      %and3A_2648 = arith.andi %eq3A_2451, %eq3A_2647 : vector<16xi1>
      %select_n3A_2649 = arith.select %and3A_2648, %broadcast_in_dim3A_21, %broadcast_in_dim3A_23 : vector<16xi1>, vector<16xf32>
      %reduce_sum3A_2650 = arith.constant true
      %reduce_sum3A_2651 = vector.broadcast %reduce_sum3A_2650 : i1 to vector<16xi1>
      %reduce_sum3A_2652 = tpu.scan <sum>, %select_n3A_2649 masked %reduce_sum3A_2651 : vector<16xf32>, vector<16xi1> -> vector<16xf32>
      %reduce_sum3A_2653 = vector.extract %reduce_sum3A_2652[15] : f32 from vector<16xf32>
      %eq3A_2654 = arith.constant 7 : i32
      %eq3A_2655 = vector.broadcast %eq3A_2654 : i32 to vector<16xi32>
      %eq3A_2656 = arith.cmpi eq, %get3A_14, %eq3A_2655 : vector<16xi32>
      %and3A_2657 = arith.andi %and3A_2455, %eq3A_2656 : vector<16xi1>
      %select_n3A_2658 = arith.select %and3A_2657, %broadcast_in_dim3A_21, %broadcast_in_dim3A_23 : vector<16xi1>, vector<16xf32>
      %reduce_sum3A_2659 = arith.constant true
      %reduce_sum3A_2660 = vector.broadcast %reduce_sum3A_2659 : i1 to vector<16xi1>
      %reduce_sum3A_2661 = tpu.scan <sum>, %select_n3A_2658 masked %reduce_sum3A_2660 : vector<16xf32>, vector<16xi1> -> vector<16xf32>
      %reduce_sum3A_2662 = vector.extract %reduce_sum3A_2661[15] : f32 from vector<16xf32>
      %eq3A_2663 = arith.constant 7 : i32
      %eq3A_2664 = vector.broadcast %eq3A_2663 : i32 to vector<16xi32>
      %eq3A_2665 = arith.cmpi eq, %iota3A, %eq3A_2664 : vector<16xi32>
      %add3A_2666 = arith.addf %reduce_sum3A_2653, %reduce_sum3A_2662 : f32
      %jit3A_2667 = arith.constant 0.000000e+00 : f32
      %broadcast_in_dim3A_2668 = vector.broadcast %add3A_2666 : f32 to vector<16xf32>
      %broadcast_in_dim3A_2669 = vector.broadcast %jit3A_2667 : f32 to vector<16xf32>
      %select_n3A_2670 = arith.select %eq3A_2665, %broadcast_in_dim3A_2668, %broadcast_in_dim3A_2669 : vector<16xi1>, vector<16xf32>
      %add3A_2671 = arith.addf %add3A_2644, %select_n3A_2670 : vector<16xf32>
      %eq3A_2672 = arith.constant 8 : i32
      %eq3A_2673 = vector.broadcast %eq3A_2672 : i32 to vector<16xi32>
      %eq3A_2674 = arith.cmpi eq, %get3A_6, %eq3A_2673 : vector<16xi32>
      %and3A_2675 = arith.andi %eq3A_2451, %eq3A_2674 : vector<16xi1>
      %select_n3A_2676 = arith.select %and3A_2675, %broadcast_in_dim3A_21, %broadcast_in_dim3A_23 : vector<16xi1>, vector<16xf32>
      %reduce_sum3A_2677 = arith.constant true
      %reduce_sum3A_2678 = vector.broadcast %reduce_sum3A_2677 : i1 to vector<16xi1>
      %reduce_sum3A_2679 = tpu.scan <sum>, %select_n3A_2676 masked %reduce_sum3A_2678 : vector<16xf32>, vector<16xi1> -> vector<16xf32>
      %reduce_sum3A_2680 = vector.extract %reduce_sum3A_2679[15] : f32 from vector<16xf32>
      %eq3A_2681 = arith.constant 8 : i32
      %eq3A_2682 = vector.broadcast %eq3A_2681 : i32 to vector<16xi32>
      %eq3A_2683 = arith.cmpi eq, %get3A_14, %eq3A_2682 : vector<16xi32>
      %and3A_2684 = arith.andi %and3A_2455, %eq3A_2683 : vector<16xi1>
      %select_n3A_2685 = arith.select %and3A_2684, %broadcast_in_dim3A_21, %broadcast_in_dim3A_23 : vector<16xi1>, vector<16xf32>
      %reduce_sum3A_2686 = arith.constant true
      %reduce_sum3A_2687 = vector.broadcast %reduce_sum3A_2686 : i1 to vector<16xi1>
      %reduce_sum3A_2688 = tpu.scan <sum>, %select_n3A_2685 masked %reduce_sum3A_2687 : vector<16xf32>, vector<16xi1> -> vector<16xf32>
      %reduce_sum3A_2689 = vector.extract %reduce_sum3A_2688[15] : f32 from vector<16xf32>
      %eq3A_2690 = arith.constant 8 : i32
      %eq3A_2691 = vector.broadcast %eq3A_2690 : i32 to vector<16xi32>
      %eq3A_2692 = arith.cmpi eq, %iota3A, %eq3A_2691 : vector<16xi32>
      %add3A_2693 = arith.addf %reduce_sum3A_2680, %reduce_sum3A_2689 : f32
      %jit3A_2694 = arith.constant 0.000000e+00 : f32
      %broadcast_in_dim3A_2695 = vector.broadcast %add3A_2693 : f32 to vector<16xf32>
      %broadcast_in_dim3A_2696 = vector.broadcast %jit3A_2694 : f32 to vector<16xf32>
      %select_n3A_2697 = arith.select %eq3A_2692, %broadcast_in_dim3A_2695, %broadcast_in_dim3A_2696 : vector<16xi1>, vector<16xf32>
      %add3A_2698 = arith.addf %add3A_2671, %select_n3A_2697 : vector<16xf32>
      %eq3A_2699 = arith.constant 9 : i32
      %eq3A_2700 = vector.broadcast %eq3A_2699 : i32 to vector<16xi32>
      %eq3A_2701 = arith.cmpi eq, %get3A_6, %eq3A_2700 : vector<16xi32>
      %and3A_2702 = arith.andi %eq3A_2451, %eq3A_2701 : vector<16xi1>
      %select_n3A_2703 = arith.select %and3A_2702, %broadcast_in_dim3A_21, %broadcast_in_dim3A_23 : vector<16xi1>, vector<16xf32>
      %reduce_sum3A_2704 = arith.constant true
      %reduce_sum3A_2705 = vector.broadcast %reduce_sum3A_2704 : i1 to vector<16xi1>
      %reduce_sum3A_2706 = tpu.scan <sum>, %select_n3A_2703 masked %reduce_sum3A_2705 : vector<16xf32>, vector<16xi1> -> vector<16xf32>
      %reduce_sum3A_2707 = vector.extract %reduce_sum3A_2706[15] : f32 from vector<16xf32>
      %eq3A_2708 = arith.constant 9 : i32
      %eq3A_2709 = vector.broadcast %eq3A_2708 : i32 to vector<16xi32>
      %eq3A_2710 = arith.cmpi eq, %get3A_14, %eq3A_2709 : vector<16xi32>
      %and3A_2711 = arith.andi %and3A_2455, %eq3A_2710 : vector<16xi1>
      %select_n3A_2712 = arith.select %and3A_2711, %broadcast_in_dim3A_21, %broadcast_in_dim3A_23 : vector<16xi1>, vector<16xf32>
      %reduce_sum3A_2713 = arith.constant true
      %reduce_sum3A_2714 = vector.broadcast %reduce_sum3A_2713 : i1 to vector<16xi1>
      %reduce_sum3A_2715 = tpu.scan <sum>, %select_n3A_2712 masked %reduce_sum3A_2714 : vector<16xf32>, vector<16xi1> -> vector<16xf32>
      %reduce_sum3A_2716 = vector.extract %reduce_sum3A_2715[15] : f32 from vector<16xf32>
      %eq3A_2717 = arith.constant 9 : i32
      %eq3A_2718 = vector.broadcast %eq3A_2717 : i32 to vector<16xi32>
      %eq3A_2719 = arith.cmpi eq, %iota3A, %eq3A_2718 : vector<16xi32>
      %add3A_2720 = arith.addf %reduce_sum3A_2707, %reduce_sum3A_2716 : f32
      %jit3A_2721 = arith.constant 0.000000e+00 : f32
      %broadcast_in_dim3A_2722 = vector.broadcast %add3A_2720 : f32 to vector<16xf32>
      %broadcast_in_dim3A_2723 = vector.broadcast %jit3A_2721 : f32 to vector<16xf32>
      %select_n3A_2724 = arith.select %eq3A_2719, %broadcast_in_dim3A_2722, %broadcast_in_dim3A_2723 : vector<16xi1>, vector<16xf32>
      %add3A_2725 = arith.addf %add3A_2698, %select_n3A_2724 : vector<16xf32>
      %mul3A_2726 = arith.mulf %add3A_2725, %mul3A_315 : vector<16xf32>
      %mul3A_2727 = vector.broadcast %reduce_sum3A_2440 : f32 to vector<16xf32>
      %mul3A_2728 = arith.mulf %mul3A_2726, %mul3A_2727 : vector<16xf32>
      %swap3A_2729 = arith.constant 7 : i32
      %swap3A_2730 = arith.index_cast %swap3A_2729 : i32 to index
      %swap3A_2731 = arith.constant 0 : index
      %swap3A_2732 = tpu.vector_load %arg6[%swap3A_2730, %swap3A_2731] {strides = array<i32>} : memref<16x16xf32, #tpu.memory_space<vmem>>, vector<16xf32>,
      tpu.vector_store %arg6[%swap3A_2730, %swap3A_2731], %mul3A_2728 {strides = array<i32>} : memref<16x16xf32, #tpu.memory_space<vmem>>, vector<16xf32>,
      %eq3A_2733 = arith.constant 8 : i32
      %eq3A_2734 = vector.broadcast %eq3A_2733 : i32 to vector<16xi32>
      %eq3A_2735 = arith.cmpi eq, %iota3A, %eq3A_2734 : vector<16xi32>
      %jit3A_2736 = arith.constant 0.000000e+00 : f32
      %broadcast_in_dim3A_2737 = vector.broadcast %jit3A_2736 : f32 to vector<16xf32>
      %select_n3A_2738 = arith.select %eq3A_2735, %mul3A_315, %broadcast_in_dim3A_2737 : vector<16xi1>, vector<16xf32>
      %reduce_sum3A_2739 = arith.constant true
      %reduce_sum3A_2740 = vector.broadcast %reduce_sum3A_2739 : i1 to vector<16xi1>
      %reduce_sum3A_2741 = tpu.scan <sum>, %select_n3A_2738 masked %reduce_sum3A_2740 : vector<16xf32>, vector<16xi1> -> vector<16xf32>
      %reduce_sum3A_2742 = vector.extract %reduce_sum3A_2741[15] : f32 from vector<16xf32>
      %eq3A_2743 = arith.constant 8 : i32
      %eq3A_2744 = vector.broadcast %eq3A_2743 : i32 to vector<16xi32>
      %eq3A_2745 = arith.cmpi eq, %iota3A, %eq3A_2744 : vector<16xi32>
      %jit3A_2746 = arith.constant 1.000000e+00 : f32
      %jit3A_2747 = arith.constant 0.000000e+00 : f32
      %broadcast_in_dim3A_2748 = vector.broadcast %jit3A_2746 : f32 to vector<16xf32>
      %broadcast_in_dim3A_2749 = vector.broadcast %jit3A_2747 : f32 to vector<16xf32>
      %select_n3A_2750 = arith.select %eq3A_2745, %broadcast_in_dim3A_2748, %broadcast_in_dim3A_2749 : vector<16xi1>, vector<16xf32>
      %eq3A_2751 = arith.constant 8 : i32
      %eq3A_2752 = vector.broadcast %eq3A_2751 : i32 to vector<16xi32>
      %eq3A_2753 = arith.cmpi eq, %get3A_10, %eq3A_2752 : vector<16xi32>
      %eq3A_2754 = arith.constant 8 : i32
      %eq3A_2755 = vector.broadcast %eq3A_2754 : i32 to vector<16xi32>
      %eq3A_2756 = arith.cmpi eq, %get3A_18, %eq3A_2755 : vector<16xi32>
      %and3A_2757 = arith.andi %eq3A_2756, %ge3A_20 : vector<16xi1>
      %eq3A_2758 = arith.constant 0 : i32
      %eq3A_2759 = vector.broadcast %eq3A_2758 : i32 to vector<16xi32>
      %eq3A_2760 = arith.cmpi eq, %get3A_6, %eq3A_2759 : vector<16xi32>
      %and3A_2761 = arith.andi %eq3A_2753, %eq3A_2760 : vector<16xi1>
      %select_n3A_2762 = arith.select %and3A_2761, %broadcast_in_dim3A_21, %broadcast_in_dim3A_23 : vector<16xi1>, vector<16xf32>
      %reduce_sum3A_2763 = arith.constant true
      %reduce_sum3A_2764 = vector.broadcast %reduce_sum3A_2763 : i1 to vector<16xi1>
      %reduce_sum3A_2765 = tpu.scan <sum>, %select_n3A_2762 masked %reduce_sum3A_2764 : vector<16xf32>, vector<16xi1> -> vector<16xf32>
      %reduce_sum3A_2766 = vector.extract %reduce_sum3A_2765[15] : f32 from vector<16xf32>
      %eq3A_2767 = arith.constant 0 : i32
      %eq3A_2768 = vector.broadcast %eq3A_2767 : i32 to vector<16xi32>
      %eq3A_2769 = arith.cmpi eq, %get3A_14, %eq3A_2768 : vector<16xi32>
      %and3A_2770 = arith.andi %and3A_2757, %eq3A_2769 : vector<16xi1>
      %select_n3A_2771 = arith.select %and3A_2770, %broadcast_in_dim3A_21, %broadcast_in_dim3A_23 : vector<16xi1>, vector<16xf32>
      %reduce_sum3A_2772 = arith.constant true
      %reduce_sum3A_2773 = vector.broadcast %reduce_sum3A_2772 : i1 to vector<16xi1>
      %reduce_sum3A_2774 = tpu.scan <sum>, %select_n3A_2771 masked %reduce_sum3A_2773 : vector<16xf32>, vector<16xi1> -> vector<16xf32>
      %reduce_sum3A_2775 = vector.extract %reduce_sum3A_2774[15] : f32 from vector<16xf32>
      %eq3A_2776 = arith.constant 0 : i32
      %eq3A_2777 = vector.broadcast %eq3A_2776 : i32 to vector<16xi32>
      %eq3A_2778 = arith.cmpi eq, %iota3A, %eq3A_2777 : vector<16xi32>
      %add3A_2779 = arith.addf %reduce_sum3A_2766, %reduce_sum3A_2775 : f32
      %jit3A_2780 = arith.constant 0.000000e+00 : f32
      %broadcast_in_dim3A_2781 = vector.broadcast %add3A_2779 : f32 to vector<16xf32>
      %broadcast_in_dim3A_2782 = vector.broadcast %jit3A_2780 : f32 to vector<16xf32>
      %select_n3A_2783 = arith.select %eq3A_2778, %broadcast_in_dim3A_2781, %broadcast_in_dim3A_2782 : vector<16xi1>, vector<16xf32>
      %add3A_2784 = arith.addf %select_n3A_2750, %select_n3A_2783 : vector<16xf32>
      %eq3A_2785 = arith.constant 1 : i32
      %eq3A_2786 = vector.broadcast %eq3A_2785 : i32 to vector<16xi32>
      %eq3A_2787 = arith.cmpi eq, %get3A_6, %eq3A_2786 : vector<16xi32>
      %and3A_2788 = arith.andi %eq3A_2753, %eq3A_2787 : vector<16xi1>
      %select_n3A_2789 = arith.select %and3A_2788, %broadcast_in_dim3A_21, %broadcast_in_dim3A_23 : vector<16xi1>, vector<16xf32>
      %reduce_sum3A_2790 = arith.constant true
      %reduce_sum3A_2791 = vector.broadcast %reduce_sum3A_2790 : i1 to vector<16xi1>
      %reduce_sum3A_2792 = tpu.scan <sum>, %select_n3A_2789 masked %reduce_sum3A_2791 : vector<16xf32>, vector<16xi1> -> vector<16xf32>
      %reduce_sum3A_2793 = vector.extract %reduce_sum3A_2792[15] : f32 from vector<16xf32>
      %eq3A_2794 = arith.constant 1 : i32
      %eq3A_2795 = vector.broadcast %eq3A_2794 : i32 to vector<16xi32>
      %eq3A_2796 = arith.cmpi eq, %get3A_14, %eq3A_2795 : vector<16xi32>
      %and3A_2797 = arith.andi %and3A_2757, %eq3A_2796 : vector<16xi1>
      %select_n3A_2798 = arith.select %and3A_2797, %broadcast_in_dim3A_21, %broadcast_in_dim3A_23 : vector<16xi1>, vector<16xf32>
      %reduce_sum3A_2799 = arith.constant true
      %reduce_sum3A_2800 = vector.broadcast %reduce_sum3A_2799 : i1 to vector<16xi1>
      %reduce_sum3A_2801 = tpu.scan <sum>, %select_n3A_2798 masked %reduce_sum3A_2800 : vector<16xf32>, vector<16xi1> -> vector<16xf32>
      %reduce_sum3A_2802 = vector.extract %reduce_sum3A_2801[15] : f32 from vector<16xf32>
      %eq3A_2803 = arith.constant 1 : i32
      %eq3A_2804 = vector.broadcast %eq3A_2803 : i32 to vector<16xi32>
      %eq3A_2805 = arith.cmpi eq, %iota3A, %eq3A_2804 : vector<16xi32>
      %add3A_2806 = arith.addf %reduce_sum3A_2793, %reduce_sum3A_2802 : f32
      %jit3A_2807 = arith.constant 0.000000e+00 : f32
      %broadcast_in_dim3A_2808 = vector.broadcast %add3A_2806 : f32 to vector<16xf32>
      %broadcast_in_dim3A_2809 = vector.broadcast %jit3A_2807 : f32 to vector<16xf32>
      %select_n3A_2810 = arith.select %eq3A_2805, %broadcast_in_dim3A_2808, %broadcast_in_dim3A_2809 : vector<16xi1>, vector<16xf32>
      %add3A_2811 = arith.addf %add3A_2784, %select_n3A_2810 : vector<16xf32>
      %eq3A_2812 = arith.constant 2 : i32
      %eq3A_2813 = vector.broadcast %eq3A_2812 : i32 to vector<16xi32>
      %eq3A_2814 = arith.cmpi eq, %get3A_6, %eq3A_2813 : vector<16xi32>
      %and3A_2815 = arith.andi %eq3A_2753, %eq3A_2814 : vector<16xi1>
      %select_n3A_2816 = arith.select %and3A_2815, %broadcast_in_dim3A_21, %broadcast_in_dim3A_23 : vector<16xi1>, vector<16xf32>
      %reduce_sum3A_2817 = arith.constant true
      %reduce_sum3A_2818 = vector.broadcast %reduce_sum3A_2817 : i1 to vector<16xi1>
      %reduce_sum3A_2819 = tpu.scan <sum>, %select_n3A_2816 masked %reduce_sum3A_2818 : vector<16xf32>, vector<16xi1> -> vector<16xf32>
      %reduce_sum3A_2820 = vector.extract %reduce_sum3A_2819[15] : f32 from vector<16xf32>
      %eq3A_2821 = arith.constant 2 : i32
      %eq3A_2822 = vector.broadcast %eq3A_2821 : i32 to vector<16xi32>
      %eq3A_2823 = arith.cmpi eq, %get3A_14, %eq3A_2822 : vector<16xi32>
      %and3A_2824 = arith.andi %and3A_2757, %eq3A_2823 : vector<16xi1>
      %select_n3A_2825 = arith.select %and3A_2824, %broadcast_in_dim3A_21, %broadcast_in_dim3A_23 : vector<16xi1>, vector<16xf32>
      %reduce_sum3A_2826 = arith.constant true
      %reduce_sum3A_2827 = vector.broadcast %reduce_sum3A_2826 : i1 to vector<16xi1>
      %reduce_sum3A_2828 = tpu.scan <sum>, %select_n3A_2825 masked %reduce_sum3A_2827 : vector<16xf32>, vector<16xi1> -> vector<16xf32>
      %reduce_sum3A_2829 = vector.extract %reduce_sum3A_2828[15] : f32 from vector<16xf32>
      %eq3A_2830 = arith.constant 2 : i32
      %eq3A_2831 = vector.broadcast %eq3A_2830 : i32 to vector<16xi32>
      %eq3A_2832 = arith.cmpi eq, %iota3A, %eq3A_2831 : vector<16xi32>
      %add3A_2833 = arith.addf %reduce_sum3A_2820, %reduce_sum3A_2829 : f32
      %jit3A_2834 = arith.constant 0.000000e+00 : f32
      %broadcast_in_dim3A_2835 = vector.broadcast %add3A_2833 : f32 to vector<16xf32>
      %broadcast_in_dim3A_2836 = vector.broadcast %jit3A_2834 : f32 to vector<16xf32>
      %select_n3A_2837 = arith.select %eq3A_2832, %broadcast_in_dim3A_2835, %broadcast_in_dim3A_2836 : vector<16xi1>, vector<16xf32>
      %add3A_2838 = arith.addf %add3A_2811, %select_n3A_2837 : vector<16xf32>
      %eq3A_2839 = arith.constant 3 : i32
      %eq3A_2840 = vector.broadcast %eq3A_2839 : i32 to vector<16xi32>
      %eq3A_2841 = arith.cmpi eq, %get3A_6, %eq3A_2840 : vector<16xi32>
      %and3A_2842 = arith.andi %eq3A_2753, %eq3A_2841 : vector<16xi1>
      %select_n3A_2843 = arith.select %and3A_2842, %broadcast_in_dim3A_21, %broadcast_in_dim3A_23 : vector<16xi1>, vector<16xf32>
      %reduce_sum3A_2844 = arith.constant true
      %reduce_sum3A_2845 = vector.broadcast %reduce_sum3A_2844 : i1 to vector<16xi1>
      %reduce_sum3A_2846 = tpu.scan <sum>, %select_n3A_2843 masked %reduce_sum3A_2845 : vector<16xf32>, vector<16xi1> -> vector<16xf32>
      %reduce_sum3A_2847 = vector.extract %reduce_sum3A_2846[15] : f32 from vector<16xf32>
      %eq3A_2848 = arith.constant 3 : i32
      %eq3A_2849 = vector.broadcast %eq3A_2848 : i32 to vector<16xi32>
      %eq3A_2850 = arith.cmpi eq, %get3A_14, %eq3A_2849 : vector<16xi32>
      %and3A_2851 = arith.andi %and3A_2757, %eq3A_2850 : vector<16xi1>
      %select_n3A_2852 = arith.select %and3A_2851, %broadcast_in_dim3A_21, %broadcast_in_dim3A_23 : vector<16xi1>, vector<16xf32>
      %reduce_sum3A_2853 = arith.constant true
      %reduce_sum3A_2854 = vector.broadcast %reduce_sum3A_2853 : i1 to vector<16xi1>
      %reduce_sum3A_2855 = tpu.scan <sum>, %select_n3A_2852 masked %reduce_sum3A_2854 : vector<16xf32>, vector<16xi1> -> vector<16xf32>
      %reduce_sum3A_2856 = vector.extract %reduce_sum3A_2855[15] : f32 from vector<16xf32>
      %eq3A_2857 = arith.constant 3 : i32
      %eq3A_2858 = vector.broadcast %eq3A_2857 : i32 to vector<16xi32>
      %eq3A_2859 = arith.cmpi eq, %iota3A, %eq3A_2858 : vector<16xi32>
      %add3A_2860 = arith.addf %reduce_sum3A_2847, %reduce_sum3A_2856 : f32
      %jit3A_2861 = arith.constant 0.000000e+00 : f32
      %broadcast_in_dim3A_2862 = vector.broadcast %add3A_2860 : f32 to vector<16xf32>
      %broadcast_in_dim3A_2863 = vector.broadcast %jit3A_2861 : f32 to vector<16xf32>
      %select_n3A_2864 = arith.select %eq3A_2859, %broadcast_in_dim3A_2862, %broadcast_in_dim3A_2863 : vector<16xi1>, vector<16xf32>
      %add3A_2865 = arith.addf %add3A_2838, %select_n3A_2864 : vector<16xf32>
      %eq3A_2866 = arith.constant 4 : i32
      %eq3A_2867 = vector.broadcast %eq3A_2866 : i32 to vector<16xi32>
      %eq3A_2868 = arith.cmpi eq, %get3A_6, %eq3A_2867 : vector<16xi32>
      %and3A_2869 = arith.andi %eq3A_2753, %eq3A_2868 : vector<16xi1>
      %select_n3A_2870 = arith.select %and3A_2869, %broadcast_in_dim3A_21, %broadcast_in_dim3A_23 : vector<16xi1>, vector<16xf32>
      %reduce_sum3A_2871 = arith.constant true
      %reduce_sum3A_2872 = vector.broadcast %reduce_sum3A_2871 : i1 to vector<16xi1>
      %reduce_sum3A_2873 = tpu.scan <sum>, %select_n3A_2870 masked %reduce_sum3A_2872 : vector<16xf32>, vector<16xi1> -> vector<16xf32>
      %reduce_sum3A_2874 = vector.extract %reduce_sum3A_2873[15] : f32 from vector<16xf32>
      %eq3A_2875 = arith.constant 4 : i32
      %eq3A_2876 = vector.broadcast %eq3A_2875 : i32 to vector<16xi32>
      %eq3A_2877 = arith.cmpi eq, %get3A_14, %eq3A_2876 : vector<16xi32>
      %and3A_2878 = arith.andi %and3A_2757, %eq3A_2877 : vector<16xi1>
      %select_n3A_2879 = arith.select %and3A_2878, %broadcast_in_dim3A_21, %broadcast_in_dim3A_23 : vector<16xi1>, vector<16xf32>
      %reduce_sum3A_2880 = arith.constant true
      %reduce_sum3A_2881 = vector.broadcast %reduce_sum3A_2880 : i1 to vector<16xi1>
      %reduce_sum3A_2882 = tpu.scan <sum>, %select_n3A_2879 masked %reduce_sum3A_2881 : vector<16xf32>, vector<16xi1> -> vector<16xf32>
      %reduce_sum3A_2883 = vector.extract %reduce_sum3A_2882[15] : f32 from vector<16xf32>
      %eq3A_2884 = arith.constant 4 : i32
      %eq3A_2885 = vector.broadcast %eq3A_2884 : i32 to vector<16xi32>
      %eq3A_2886 = arith.cmpi eq, %iota3A, %eq3A_2885 : vector<16xi32>
      %add3A_2887 = arith.addf %reduce_sum3A_2874, %reduce_sum3A_2883 : f32
      %jit3A_2888 = arith.constant 0.000000e+00 : f32
      %broadcast_in_dim3A_2889 = vector.broadcast %add3A_2887 : f32 to vector<16xf32>
      %broadcast_in_dim3A_2890 = vector.broadcast %jit3A_2888 : f32 to vector<16xf32>
      %select_n3A_2891 = arith.select %eq3A_2886, %broadcast_in_dim3A_2889, %broadcast_in_dim3A_2890 : vector<16xi1>, vector<16xf32>
      %add3A_2892 = arith.addf %add3A_2865, %select_n3A_2891 : vector<16xf32>
      %eq3A_2893 = arith.constant 5 : i32
      %eq3A_2894 = vector.broadcast %eq3A_2893 : i32 to vector<16xi32>
      %eq3A_2895 = arith.cmpi eq, %get3A_6, %eq3A_2894 : vector<16xi32>
      %and3A_2896 = arith.andi %eq3A_2753, %eq3A_2895 : vector<16xi1>
      %select_n3A_2897 = arith.select %and3A_2896, %broadcast_in_dim3A_21, %broadcast_in_dim3A_23 : vector<16xi1>, vector<16xf32>
      %reduce_sum3A_2898 = arith.constant true
      %reduce_sum3A_2899 = vector.broadcast %reduce_sum3A_2898 : i1 to vector<16xi1>
      %reduce_sum3A_2900 = tpu.scan <sum>, %select_n3A_2897 masked %reduce_sum3A_2899 : vector<16xf32>, vector<16xi1> -> vector<16xf32>
      %reduce_sum3A_2901 = vector.extract %reduce_sum3A_2900[15] : f32 from vector<16xf32>
      %eq3A_2902 = arith.constant 5 : i32
      %eq3A_2903 = vector.broadcast %eq3A_2902 : i32 to vector<16xi32>
      %eq3A_2904 = arith.cmpi eq, %get3A_14, %eq3A_2903 : vector<16xi32>
      %and3A_2905 = arith.andi %and3A_2757, %eq3A_2904 : vector<16xi1>
      %select_n3A_2906 = arith.select %and3A_2905, %broadcast_in_dim3A_21, %broadcast_in_dim3A_23 : vector<16xi1>, vector<16xf32>
      %reduce_sum3A_2907 = arith.constant true
      %reduce_sum3A_2908 = vector.broadcast %reduce_sum3A_2907 : i1 to vector<16xi1>
      %reduce_sum3A_2909 = tpu.scan <sum>, %select_n3A_2906 masked %reduce_sum3A_2908 : vector<16xf32>, vector<16xi1> -> vector<16xf32>
      %reduce_sum3A_2910 = vector.extract %reduce_sum3A_2909[15] : f32 from vector<16xf32>
      %eq3A_2911 = arith.constant 5 : i32
      %eq3A_2912 = vector.broadcast %eq3A_2911 : i32 to vector<16xi32>
      %eq3A_2913 = arith.cmpi eq, %iota3A, %eq3A_2912 : vector<16xi32>
      %add3A_2914 = arith.addf %reduce_sum3A_2901, %reduce_sum3A_2910 : f32
      %jit3A_2915 = arith.constant 0.000000e+00 : f32
      %broadcast_in_dim3A_2916 = vector.broadcast %add3A_2914 : f32 to vector<16xf32>
      %broadcast_in_dim3A_2917 = vector.broadcast %jit3A_2915 : f32 to vector<16xf32>
      %select_n3A_2918 = arith.select %eq3A_2913, %broadcast_in_dim3A_2916, %broadcast_in_dim3A_2917 : vector<16xi1>, vector<16xf32>
      %add3A_2919 = arith.addf %add3A_2892, %select_n3A_2918 : vector<16xf32>
      %eq3A_2920 = arith.constant 6 : i32
      %eq3A_2921 = vector.broadcast %eq3A_2920 : i32 to vector<16xi32>
      %eq3A_2922 = arith.cmpi eq, %get3A_6, %eq3A_2921 : vector<16xi32>
      %and3A_2923 = arith.andi %eq3A_2753, %eq3A_2922 : vector<16xi1>
      %select_n3A_2924 = arith.select %and3A_2923, %broadcast_in_dim3A_21, %broadcast_in_dim3A_23 : vector<16xi1>, vector<16xf32>
      %reduce_sum3A_2925 = arith.constant true
      %reduce_sum3A_2926 = vector.broadcast %reduce_sum3A_2925 : i1 to vector<16xi1>
      %reduce_sum3A_2927 = tpu.scan <sum>, %select_n3A_2924 masked %reduce_sum3A_2926 : vector<16xf32>, vector<16xi1> -> vector<16xf32>
      %reduce_sum3A_2928 = vector.extract %reduce_sum3A_2927[15] : f32 from vector<16xf32>
      %eq3A_2929 = arith.constant 6 : i32
      %eq3A_2930 = vector.broadcast %eq3A_2929 : i32 to vector<16xi32>
      %eq3A_2931 = arith.cmpi eq, %get3A_14, %eq3A_2930 : vector<16xi32>
      %and3A_2932 = arith.andi %and3A_2757, %eq3A_2931 : vector<16xi1>
      %select_n3A_2933 = arith.select %and3A_2932, %broadcast_in_dim3A_21, %broadcast_in_dim3A_23 : vector<16xi1>, vector<16xf32>
      %reduce_sum3A_2934 = arith.constant true
      %reduce_sum3A_2935 = vector.broadcast %reduce_sum3A_2934 : i1 to vector<16xi1>
      %reduce_sum3A_2936 = tpu.scan <sum>, %select_n3A_2933 masked %reduce_sum3A_2935 : vector<16xf32>, vector<16xi1> -> vector<16xf32>
      %reduce_sum3A_2937 = vector.extract %reduce_sum3A_2936[15] : f32 from vector<16xf32>
      %eq3A_2938 = arith.constant 6 : i32
      %eq3A_2939 = vector.broadcast %eq3A_2938 : i32 to vector<16xi32>
      %eq3A_2940 = arith.cmpi eq, %iota3A, %eq3A_2939 : vector<16xi32>
      %add3A_2941 = arith.addf %reduce_sum3A_2928, %reduce_sum3A_2937 : f32
      %jit3A_2942 = arith.constant 0.000000e+00 : f32
      %broadcast_in_dim3A_2943 = vector.broadcast %add3A_2941 : f32 to vector<16xf32>
      %broadcast_in_dim3A_2944 = vector.broadcast %jit3A_2942 : f32 to vector<16xf32>
      %select_n3A_2945 = arith.select %eq3A_2940, %broadcast_in_dim3A_2943, %broadcast_in_dim3A_2944 : vector<16xi1>, vector<16xf32>
      %add3A_2946 = arith.addf %add3A_2919, %select_n3A_2945 : vector<16xf32>
      %eq3A_2947 = arith.constant 7 : i32
      %eq3A_2948 = vector.broadcast %eq3A_2947 : i32 to vector<16xi32>
      %eq3A_2949 = arith.cmpi eq, %get3A_6, %eq3A_2948 : vector<16xi32>
      %and3A_2950 = arith.andi %eq3A_2753, %eq3A_2949 : vector<16xi1>
      %select_n3A_2951 = arith.select %and3A_2950, %broadcast_in_dim3A_21, %broadcast_in_dim3A_23 : vector<16xi1>, vector<16xf32>
      %reduce_sum3A_2952 = arith.constant true
      %reduce_sum3A_2953 = vector.broadcast %reduce_sum3A_2952 : i1 to vector<16xi1>
      %reduce_sum3A_2954 = tpu.scan <sum>, %select_n3A_2951 masked %reduce_sum3A_2953 : vector<16xf32>, vector<16xi1> -> vector<16xf32>
      %reduce_sum3A_2955 = vector.extract %reduce_sum3A_2954[15] : f32 from vector<16xf32>
      %eq3A_2956 = arith.constant 7 : i32
      %eq3A_2957 = vector.broadcast %eq3A_2956 : i32 to vector<16xi32>
      %eq3A_2958 = arith.cmpi eq, %get3A_14, %eq3A_2957 : vector<16xi32>
      %and3A_2959 = arith.andi %and3A_2757, %eq3A_2958 : vector<16xi1>
      %select_n3A_2960 = arith.select %and3A_2959, %broadcast_in_dim3A_21, %broadcast_in_dim3A_23 : vector<16xi1>, vector<16xf32>
      %reduce_sum3A_2961 = arith.constant true
      %reduce_sum3A_2962 = vector.broadcast %reduce_sum3A_2961 : i1 to vector<16xi1>
      %reduce_sum3A_2963 = tpu.scan <sum>, %select_n3A_2960 masked %reduce_sum3A_2962 : vector<16xf32>, vector<16xi1> -> vector<16xf32>
      %reduce_sum3A_2964 = vector.extract %reduce_sum3A_2963[15] : f32 from vector<16xf32>
      %eq3A_2965 = arith.constant 7 : i32
      %eq3A_2966 = vector.broadcast %eq3A_2965 : i32 to vector<16xi32>
      %eq3A_2967 = arith.cmpi eq, %iota3A, %eq3A_2966 : vector<16xi32>
      %add3A_2968 = arith.addf %reduce_sum3A_2955, %reduce_sum3A_2964 : f32
      %jit3A_2969 = arith.constant 0.000000e+00 : f32
      %broadcast_in_dim3A_2970 = vector.broadcast %add3A_2968 : f32 to vector<16xf32>
      %broadcast_in_dim3A_2971 = vector.broadcast %jit3A_2969 : f32 to vector<16xf32>
      %select_n3A_2972 = arith.select %eq3A_2967, %broadcast_in_dim3A_2970, %broadcast_in_dim3A_2971 : vector<16xi1>, vector<16xf32>
      %add3A_2973 = arith.addf %add3A_2946, %select_n3A_2972 : vector<16xf32>
      %eq3A_2974 = arith.constant 8 : i32
      %eq3A_2975 = vector.broadcast %eq3A_2974 : i32 to vector<16xi32>
      %eq3A_2976 = arith.cmpi eq, %get3A_6, %eq3A_2975 : vector<16xi32>
      %and3A_2977 = arith.andi %eq3A_2753, %eq3A_2976 : vector<16xi1>
      %select_n3A_2978 = arith.select %and3A_2977, %broadcast_in_dim3A_21, %broadcast_in_dim3A_23 : vector<16xi1>, vector<16xf32>
      %reduce_sum3A_2979 = arith.constant true
      %reduce_sum3A_2980 = vector.broadcast %reduce_sum3A_2979 : i1 to vector<16xi1>
      %reduce_sum3A_2981 = tpu.scan <sum>, %select_n3A_2978 masked %reduce_sum3A_2980 : vector<16xf32>, vector<16xi1> -> vector<16xf32>
      %reduce_sum3A_2982 = vector.extract %reduce_sum3A_2981[15] : f32 from vector<16xf32>
      %eq3A_2983 = arith.constant 8 : i32
      %eq3A_2984 = vector.broadcast %eq3A_2983 : i32 to vector<16xi32>
      %eq3A_2985 = arith.cmpi eq, %get3A_14, %eq3A_2984 : vector<16xi32>
      %and3A_2986 = arith.andi %and3A_2757, %eq3A_2985 : vector<16xi1>
      %select_n3A_2987 = arith.select %and3A_2986, %broadcast_in_dim3A_21, %broadcast_in_dim3A_23 : vector<16xi1>, vector<16xf32>
      %reduce_sum3A_2988 = arith.constant true
      %reduce_sum3A_2989 = vector.broadcast %reduce_sum3A_2988 : i1 to vector<16xi1>
      %reduce_sum3A_2990 = tpu.scan <sum>, %select_n3A_2987 masked %reduce_sum3A_2989 : vector<16xf32>, vector<16xi1> -> vector<16xf32>
      %reduce_sum3A_2991 = vector.extract %reduce_sum3A_2990[15] : f32 from vector<16xf32>
      %eq3A_2992 = arith.constant 8 : i32
      %eq3A_2993 = vector.broadcast %eq3A_2992 : i32 to vector<16xi32>
      %eq3A_2994 = arith.cmpi eq, %iota3A, %eq3A_2993 : vector<16xi32>
      %add3A_2995 = arith.addf %reduce_sum3A_2982, %reduce_sum3A_2991 : f32
      %jit3A_2996 = arith.constant 0.000000e+00 : f32
      %broadcast_in_dim3A_2997 = vector.broadcast %add3A_2995 : f32 to vector<16xf32>
      %broadcast_in_dim3A_2998 = vector.broadcast %jit3A_2996 : f32 to vector<16xf32>
      %select_n3A_2999 = arith.select %eq3A_2994, %broadcast_in_dim3A_2997, %broadcast_in_dim3A_2998 : vector<16xi1>, vector<16xf32>
      %add3A_3000 = arith.addf %add3A_2973, %select_n3A_2999 : vector<16xf32>
      %eq3A_3001 = arith.constant 9 : i32
      %eq3A_3002 = vector.broadcast %eq3A_3001 : i32 to vector<16xi32>
      %eq3A_3003 = arith.cmpi eq, %get3A_6, %eq3A_3002 : vector<16xi32>
      %and3A_3004 = arith.andi %eq3A_2753, %eq3A_3003 : vector<16xi1>
      %select_n3A_3005 = arith.select %and3A_3004, %broadcast_in_dim3A_21, %broadcast_in_dim3A_23 : vector<16xi1>, vector<16xf32>
      %reduce_sum3A_3006 = arith.constant true
      %reduce_sum3A_3007 = vector.broadcast %reduce_sum3A_3006 : i1 to vector<16xi1>
      %reduce_sum3A_3008 = tpu.scan <sum>, %select_n3A_3005 masked %reduce_sum3A_3007 : vector<16xf32>, vector<16xi1> -> vector<16xf32>
      %reduce_sum3A_3009 = vector.extract %reduce_sum3A_3008[15] : f32 from vector<16xf32>
      %eq3A_3010 = arith.constant 9 : i32
      %eq3A_3011 = vector.broadcast %eq3A_3010 : i32 to vector<16xi32>
      %eq3A_3012 = arith.cmpi eq, %get3A_14, %eq3A_3011 : vector<16xi32>
      %and3A_3013 = arith.andi %and3A_2757, %eq3A_3012 : vector<16xi1>
      %select_n3A_3014 = arith.select %and3A_3013, %broadcast_in_dim3A_21, %broadcast_in_dim3A_23 : vector<16xi1>, vector<16xf32>
      %reduce_sum3A_3015 = arith.constant true
      %reduce_sum3A_3016 = vector.broadcast %reduce_sum3A_3015 : i1 to vector<16xi1>
      %reduce_sum3A_3017 = tpu.scan <sum>, %select_n3A_3014 masked %reduce_sum3A_3016 : vector<16xf32>, vector<16xi1> -> vector<16xf32>
      %reduce_sum3A_3018 = vector.extract %reduce_sum3A_3017[15] : f32 from vector<16xf32>
      %eq3A_3019 = arith.constant 9 : i32
      %eq3A_3020 = vector.broadcast %eq3A_3019 : i32 to vector<16xi32>
      %eq3A_3021 = arith.cmpi eq, %iota3A, %eq3A_3020 : vector<16xi32>
      %add3A_3022 = arith.addf %reduce_sum3A_3009, %reduce_sum3A_3018 : f32
      %jit3A_3023 = arith.constant 0.000000e+00 : f32
      %broadcast_in_dim3A_3024 = vector.broadcast %add3A_3022 : f32 to vector<16xf32>
      %broadcast_in_dim3A_3025 = vector.broadcast %jit3A_3023 : f32 to vector<16xf32>
      %select_n3A_3026 = arith.select %eq3A_3021, %broadcast_in_dim3A_3024, %broadcast_in_dim3A_3025 : vector<16xi1>, vector<16xf32>
      %add3A_3027 = arith.addf %add3A_3000, %select_n3A_3026 : vector<16xf32>
      %mul3A_3028 = arith.mulf %add3A_3027, %mul3A_315 : vector<16xf32>
      %mul3A_3029 = vector.broadcast %reduce_sum3A_2742 : f32 to vector<16xf32>
      %mul3A_3030 = arith.mulf %mul3A_3028, %mul3A_3029 : vector<16xf32>
      %swap3A_3031 = arith.constant 8 : i32
      %swap3A_3032 = arith.index_cast %swap3A_3031 : i32 to index
      %swap3A_3033 = arith.constant 0 : index
      %swap3A_3034 = tpu.vector_load %arg6[%swap3A_3032, %swap3A_3033] {strides = array<i32>} : memref<16x16xf32, #tpu.memory_space<vmem>>, vector<16xf32>,
      tpu.vector_store %arg6[%swap3A_3032, %swap3A_3033], %mul3A_3030 {strides = array<i32>} : memref<16x16xf32, #tpu.memory_space<vmem>>, vector<16xf32>,
      %eq3A_3035 = arith.constant 9 : i32
      %eq3A_3036 = vector.broadcast %eq3A_3035 : i32 to vector<16xi32>
      %eq3A_3037 = arith.cmpi eq, %iota3A, %eq3A_3036 : vector<16xi32>
      %jit3A_3038 = arith.constant 0.000000e+00 : f32
      %broadcast_in_dim3A_3039 = vector.broadcast %jit3A_3038 : f32 to vector<16xf32>
      %select_n3A_3040 = arith.select %eq3A_3037, %mul3A_315, %broadcast_in_dim3A_3039 : vector<16xi1>, vector<16xf32>
      %reduce_sum3A_3041 = arith.constant true
      %reduce_sum3A_3042 = vector.broadcast %reduce_sum3A_3041 : i1 to vector<16xi1>
      %reduce_sum3A_3043 = tpu.scan <sum>, %select_n3A_3040 masked %reduce_sum3A_3042 : vector<16xf32>, vector<16xi1> -> vector<16xf32>
      %reduce_sum3A_3044 = vector.extract %reduce_sum3A_3043[15] : f32 from vector<16xf32>
      %eq3A_3045 = arith.constant 9 : i32
      %eq3A_3046 = vector.broadcast %eq3A_3045 : i32 to vector<16xi32>
      %eq3A_3047 = arith.cmpi eq, %iota3A, %eq3A_3046 : vector<16xi32>
      %jit3A_3048 = arith.constant 1.000000e+00 : f32
      %jit3A_3049 = arith.constant 0.000000e+00 : f32
      %broadcast_in_dim3A_3050 = vector.broadcast %jit3A_3048 : f32 to vector<16xf32>
      %broadcast_in_dim3A_3051 = vector.broadcast %jit3A_3049 : f32 to vector<16xf32>
      %select_n3A_3052 = arith.select %eq3A_3047, %broadcast_in_dim3A_3050, %broadcast_in_dim3A_3051 : vector<16xi1>, vector<16xf32>
      %eq3A_3053 = arith.constant 9 : i32
      %eq3A_3054 = vector.broadcast %eq3A_3053 : i32 to vector<16xi32>
      %eq3A_3055 = arith.cmpi eq, %get3A_10, %eq3A_3054 : vector<16xi32>
      %eq3A_3056 = arith.constant 9 : i32
      %eq3A_3057 = vector.broadcast %eq3A_3056 : i32 to vector<16xi32>
      %eq3A_3058 = arith.cmpi eq, %get3A_18, %eq3A_3057 : vector<16xi32>
      %and3A_3059 = arith.andi %eq3A_3058, %ge3A_20 : vector<16xi1>
      %eq3A_3060 = arith.constant 0 : i32
      %eq3A_3061 = vector.broadcast %eq3A_3060 : i32 to vector<16xi32>
      %eq3A_3062 = arith.cmpi eq, %get3A_6, %eq3A_3061 : vector<16xi32>
      %and3A_3063 = arith.andi %eq3A_3055, %eq3A_3062 : vector<16xi1>
      %select_n3A_3064 = arith.select %and3A_3063, %broadcast_in_dim3A_21, %broadcast_in_dim3A_23 : vector<16xi1>, vector<16xf32>
      %reduce_sum3A_3065 = arith.constant true
      %reduce_sum3A_3066 = vector.broadcast %reduce_sum3A_3065 : i1 to vector<16xi1>
      %reduce_sum3A_3067 = tpu.scan <sum>, %select_n3A_3064 masked %reduce_sum3A_3066 : vector<16xf32>, vector<16xi1> -> vector<16xf32>
      %reduce_sum3A_3068 = vector.extract %reduce_sum3A_3067[15] : f32 from vector<16xf32>
      %eq3A_3069 = arith.constant 0 : i32
      %eq3A_3070 = vector.broadcast %eq3A_3069 : i32 to vector<16xi32>
      %eq3A_3071 = arith.cmpi eq, %get3A_14, %eq3A_3070 : vector<16xi32>
      %and3A_3072 = arith.andi %and3A_3059, %eq3A_3071 : vector<16xi1>
      %select_n3A_3073 = arith.select %and3A_3072, %broadcast_in_dim3A_21, %broadcast_in_dim3A_23 : vector<16xi1>, vector<16xf32>
      %reduce_sum3A_3074 = arith.constant true
      %reduce_sum3A_3075 = vector.broadcast %reduce_sum3A_3074 : i1 to vector<16xi1>
      %reduce_sum3A_3076 = tpu.scan <sum>, %select_n3A_3073 masked %reduce_sum3A_3075 : vector<16xf32>, vector<16xi1> -> vector<16xf32>
      %reduce_sum3A_3077 = vector.extract %reduce_sum3A_3076[15] : f32 from vector<16xf32>
      %eq3A_3078 = arith.constant 0 : i32
      %eq3A_3079 = vector.broadcast %eq3A_3078 : i32 to vector<16xi32>
      %eq3A_3080 = arith.cmpi eq, %iota3A, %eq3A_3079 : vector<16xi32>
      %add3A_3081 = arith.addf %reduce_sum3A_3068, %reduce_sum3A_3077 : f32
      %jit3A_3082 = arith.constant 0.000000e+00 : f32
      %broadcast_in_dim3A_3083 = vector.broadcast %add3A_3081 : f32 to vector<16xf32>
      %broadcast_in_dim3A_3084 = vector.broadcast %jit3A_3082 : f32 to vector<16xf32>
      %select_n3A_3085 = arith.select %eq3A_3080, %broadcast_in_dim3A_3083, %broadcast_in_dim3A_3084 : vector<16xi1>, vector<16xf32>
      %add3A_3086 = arith.addf %select_n3A_3052, %select_n3A_3085 : vector<16xf32>
      %eq3A_3087 = arith.constant 1 : i32
      %eq3A_3088 = vector.broadcast %eq3A_3087 : i32 to vector<16xi32>
      %eq3A_3089 = arith.cmpi eq, %get3A_6, %eq3A_3088 : vector<16xi32>
      %and3A_3090 = arith.andi %eq3A_3055, %eq3A_3089 : vector<16xi1>
      %select_n3A_3091 = arith.select %and3A_3090, %broadcast_in_dim3A_21, %broadcast_in_dim3A_23 : vector<16xi1>, vector<16xf32>
      %reduce_sum3A_3092 = arith.constant true
      %reduce_sum3A_3093 = vector.broadcast %reduce_sum3A_3092 : i1 to vector<16xi1>
      %reduce_sum3A_3094 = tpu.scan <sum>, %select_n3A_3091 masked %reduce_sum3A_3093 : vector<16xf32>, vector<16xi1> -> vector<16xf32>
      %reduce_sum3A_3095 = vector.extract %reduce_sum3A_3094[15] : f32 from vector<16xf32>
      %eq3A_3096 = arith.constant 1 : i32
      %eq3A_3097 = vector.broadcast %eq3A_3096 : i32 to vector<16xi32>
      %eq3A_3098 = arith.cmpi eq, %get3A_14, %eq3A_3097 : vector<16xi32>
      %and3A_3099 = arith.andi %and3A_3059, %eq3A_3098 : vector<16xi1>
      %select_n3A_3100 = arith.select %and3A_3099, %broadcast_in_dim3A_21, %broadcast_in_dim3A_23 : vector<16xi1>, vector<16xf32>
      %reduce_sum3A_3101 = arith.constant true
      %reduce_sum3A_3102 = vector.broadcast %reduce_sum3A_3101 : i1 to vector<16xi1>
      %reduce_sum3A_3103 = tpu.scan <sum>, %select_n3A_3100 masked %reduce_sum3A_3102 : vector<16xf32>, vector<16xi1> -> vector<16xf32>
      %reduce_sum3A_3104 = vector.extract %reduce_sum3A_3103[15] : f32 from vector<16xf32>
      %eq3A_3105 = arith.constant 1 : i32
      %eq3A_3106 = vector.broadcast %eq3A_3105 : i32 to vector<16xi32>
      %eq3A_3107 = arith.cmpi eq, %iota3A, %eq3A_3106 : vector<16xi32>
      %add3A_3108 = arith.addf %reduce_sum3A_3095, %reduce_sum3A_3104 : f32
      %jit3A_3109 = arith.constant 0.000000e+00 : f32
      %broadcast_in_dim3A_3110 = vector.broadcast %add3A_3108 : f32 to vector<16xf32>
      %broadcast_in_dim3A_3111 = vector.broadcast %jit3A_3109 : f32 to vector<16xf32>
      %select_n3A_3112 = arith.select %eq3A_3107, %broadcast_in_dim3A_3110, %broadcast_in_dim3A_3111 : vector<16xi1>, vector<16xf32>
      %add3A_3113 = arith.addf %add3A_3086, %select_n3A_3112 : vector<16xf32>
      %eq3A_3114 = arith.constant 2 : i32
      %eq3A_3115 = vector.broadcast %eq3A_3114 : i32 to vector<16xi32>
      %eq3A_3116 = arith.cmpi eq, %get3A_6, %eq3A_3115 : vector<16xi32>
      %and3A_3117 = arith.andi %eq3A_3055, %eq3A_3116 : vector<16xi1>
      %select_n3A_3118 = arith.select %and3A_3117, %broadcast_in_dim3A_21, %broadcast_in_dim3A_23 : vector<16xi1>, vector<16xf32>
      %reduce_sum3A_3119 = arith.constant true
      %reduce_sum3A_3120 = vector.broadcast %reduce_sum3A_3119 : i1 to vector<16xi1>
      %reduce_sum3A_3121 = tpu.scan <sum>, %select_n3A_3118 masked %reduce_sum3A_3120 : vector<16xf32>, vector<16xi1> -> vector<16xf32>
      %reduce_sum3A_3122 = vector.extract %reduce_sum3A_3121[15] : f32 from vector<16xf32>
      %eq3A_3123 = arith.constant 2 : i32
      %eq3A_3124 = vector.broadcast %eq3A_3123 : i32 to vector<16xi32>
      %eq3A_3125 = arith.cmpi eq, %get3A_14, %eq3A_3124 : vector<16xi32>
      %and3A_3126 = arith.andi %and3A_3059, %eq3A_3125 : vector<16xi1>
      %select_n3A_3127 = arith.select %and3A_3126, %broadcast_in_dim3A_21, %broadcast_in_dim3A_23 : vector<16xi1>, vector<16xf32>
      %reduce_sum3A_3128 = arith.constant true
      %reduce_sum3A_3129 = vector.broadcast %reduce_sum3A_3128 : i1 to vector<16xi1>
      %reduce_sum3A_3130 = tpu.scan <sum>, %select_n3A_3127 masked %reduce_sum3A_3129 : vector<16xf32>, vector<16xi1> -> vector<16xf32>
      %reduce_sum3A_3131 = vector.extract %reduce_sum3A_3130[15] : f32 from vector<16xf32>
      %eq3A_3132 = arith.constant 2 : i32
      %eq3A_3133 = vector.broadcast %eq3A_3132 : i32 to vector<16xi32>
      %eq3A_3134 = arith.cmpi eq, %iota3A, %eq3A_3133 : vector<16xi32>
      %add3A_3135 = arith.addf %reduce_sum3A_3122, %reduce_sum3A_3131 : f32
      %jit3A_3136 = arith.constant 0.000000e+00 : f32
      %broadcast_in_dim3A_3137 = vector.broadcast %add3A_3135 : f32 to vector<16xf32>
      %broadcast_in_dim3A_3138 = vector.broadcast %jit3A_3136 : f32 to vector<16xf32>
      %select_n3A_3139 = arith.select %eq3A_3134, %broadcast_in_dim3A_3137, %broadcast_in_dim3A_3138 : vector<16xi1>, vector<16xf32>
      %add3A_3140 = arith.addf %add3A_3113, %select_n3A_3139 : vector<16xf32>
      %eq3A_3141 = arith.constant 3 : i32
      %eq3A_3142 = vector.broadcast %eq3A_3141 : i32 to vector<16xi32>
      %eq3A_3143 = arith.cmpi eq, %get3A_6, %eq3A_3142 : vector<16xi32>
      %and3A_3144 = arith.andi %eq3A_3055, %eq3A_3143 : vector<16xi1>
      %select_n3A_3145 = arith.select %and3A_3144, %broadcast_in_dim3A_21, %broadcast_in_dim3A_23 : vector<16xi1>, vector<16xf32>
      %reduce_sum3A_3146 = arith.constant true
      %reduce_sum3A_3147 = vector.broadcast %reduce_sum3A_3146 : i1 to vector<16xi1>
      %reduce_sum3A_3148 = tpu.scan <sum>, %select_n3A_3145 masked %reduce_sum3A_3147 : vector<16xf32>, vector<16xi1> -> vector<16xf32>
      %reduce_sum3A_3149 = vector.extract %reduce_sum3A_3148[15] : f32 from vector<16xf32>
      %eq3A_3150 = arith.constant 3 : i32
      %eq3A_3151 = vector.broadcast %eq3A_3150 : i32 to vector<16xi32>
      %eq3A_3152 = arith.cmpi eq, %get3A_14, %eq3A_3151 : vector<16xi32>
      %and3A_3153 = arith.andi %and3A_3059, %eq3A_3152 : vector<16xi1>
      %select_n3A_3154 = arith.select %and3A_3153, %broadcast_in_dim3A_21, %broadcast_in_dim3A_23 : vector<16xi1>, vector<16xf32>
      %reduce_sum3A_3155 = arith.constant true
      %reduce_sum3A_3156 = vector.broadcast %reduce_sum3A_3155 : i1 to vector<16xi1>
      %reduce_sum3A_3157 = tpu.scan <sum>, %select_n3A_3154 masked %reduce_sum3A_3156 : vector<16xf32>, vector<16xi1> -> vector<16xf32>
      %reduce_sum3A_3158 = vector.extract %reduce_sum3A_3157[15] : f32 from vector<16xf32>
      %eq3A_3159 = arith.constant 3 : i32
      %eq3A_3160 = vector.broadcast %eq3A_3159 : i32 to vector<16xi32>
      %eq3A_3161 = arith.cmpi eq, %iota3A, %eq3A_3160 : vector<16xi32>
      %add3A_3162 = arith.addf %reduce_sum3A_3149, %reduce_sum3A_3158 : f32
      %jit3A_3163 = arith.constant 0.000000e+00 : f32
      %broadcast_in_dim3A_3164 = vector.broadcast %add3A_3162 : f32 to vector<16xf32>
      %broadcast_in_dim3A_3165 = vector.broadcast %jit3A_3163 : f32 to vector<16xf32>
      %select_n3A_3166 = arith.select %eq3A_3161, %broadcast_in_dim3A_3164, %broadcast_in_dim3A_3165 : vector<16xi1>, vector<16xf32>
      %add3A_3167 = arith.addf %add3A_3140, %select_n3A_3166 : vector<16xf32>
      %eq3A_3168 = arith.constant 4 : i32
      %eq3A_3169 = vector.broadcast %eq3A_3168 : i32 to vector<16xi32>
      %eq3A_3170 = arith.cmpi eq, %get3A_6, %eq3A_3169 : vector<16xi32>
      %and3A_3171 = arith.andi %eq3A_3055, %eq3A_3170 : vector<16xi1>
      %select_n3A_3172 = arith.select %and3A_3171, %broadcast_in_dim3A_21, %broadcast_in_dim3A_23 : vector<16xi1>, vector<16xf32>
      %reduce_sum3A_3173 = arith.constant true
      %reduce_sum3A_3174 = vector.broadcast %reduce_sum3A_3173 : i1 to vector<16xi1>
      %reduce_sum3A_3175 = tpu.scan <sum>, %select_n3A_3172 masked %reduce_sum3A_3174 : vector<16xf32>, vector<16xi1> -> vector<16xf32>
      %reduce_sum3A_3176 = vector.extract %reduce_sum3A_3175[15] : f32 from vector<16xf32>
      %eq3A_3177 = arith.constant 4 : i32
      %eq3A_3178 = vector.broadcast %eq3A_3177 : i32 to vector<16xi32>
      %eq3A_3179 = arith.cmpi eq, %get3A_14, %eq3A_3178 : vector<16xi32>
      %and3A_3180 = arith.andi %and3A_3059, %eq3A_3179 : vector<16xi1>
      %select_n3A_3181 = arith.select %and3A_3180, %broadcast_in_dim3A_21, %broadcast_in_dim3A_23 : vector<16xi1>, vector<16xf32>
      %reduce_sum3A_3182 = arith.constant true
      %reduce_sum3A_3183 = vector.broadcast %reduce_sum3A_3182 : i1 to vector<16xi1>
      %reduce_sum3A_3184 = tpu.scan <sum>, %select_n3A_3181 masked %reduce_sum3A_3183 : vector<16xf32>, vector<16xi1> -> vector<16xf32>
      %reduce_sum3A_3185 = vector.extract %reduce_sum3A_3184[15] : f32 from vector<16xf32>
      %eq3A_3186 = arith.constant 4 : i32
      %eq3A_3187 = vector.broadcast %eq3A_3186 : i32 to vector<16xi32>
      %eq3A_3188 = arith.cmpi eq, %iota3A, %eq3A_3187 : vector<16xi32>
      %add3A_3189 = arith.addf %reduce_sum3A_3176, %reduce_sum3A_3185 : f32
      %jit3A_3190 = arith.constant 0.000000e+00 : f32
      %broadcast_in_dim3A_3191 = vector.broadcast %add3A_3189 : f32 to vector<16xf32>
      %broadcast_in_dim3A_3192 = vector.broadcast %jit3A_3190 : f32 to vector<16xf32>
      %select_n3A_3193 = arith.select %eq3A_3188, %broadcast_in_dim3A_3191, %broadcast_in_dim3A_3192 : vector<16xi1>, vector<16xf32>
      %add3A_3194 = arith.addf %add3A_3167, %select_n3A_3193 : vector<16xf32>
      %eq3A_3195 = arith.constant 5 : i32
      %eq3A_3196 = vector.broadcast %eq3A_3195 : i32 to vector<16xi32>
      %eq3A_3197 = arith.cmpi eq, %get3A_6, %eq3A_3196 : vector<16xi32>
      %and3A_3198 = arith.andi %eq3A_3055, %eq3A_3197 : vector<16xi1>
      %select_n3A_3199 = arith.select %and3A_3198, %broadcast_in_dim3A_21, %broadcast_in_dim3A_23 : vector<16xi1>, vector<16xf32>
      %reduce_sum3A_3200 = arith.constant true
      %reduce_sum3A_3201 = vector.broadcast %reduce_sum3A_3200 : i1 to vector<16xi1>
      %reduce_sum3A_3202 = tpu.scan <sum>, %select_n3A_3199 masked %reduce_sum3A_3201 : vector<16xf32>, vector<16xi1> -> vector<16xf32>
      %reduce_sum3A_3203 = vector.extract %reduce_sum3A_3202[15] : f32 from vector<16xf32>
      %eq3A_3204 = arith.constant 5 : i32
      %eq3A_3205 = vector.broadcast %eq3A_3204 : i32 to vector<16xi32>
      %eq3A_3206 = arith.cmpi eq, %get3A_14, %eq3A_3205 : vector<16xi32>
      %and3A_3207 = arith.andi %and3A_3059, %eq3A_3206 : vector<16xi1>
      %select_n3A_3208 = arith.select %and3A_3207, %broadcast_in_dim3A_21, %broadcast_in_dim3A_23 : vector<16xi1>, vector<16xf32>
      %reduce_sum3A_3209 = arith.constant true
      %reduce_sum3A_3210 = vector.broadcast %reduce_sum3A_3209 : i1 to vector<16xi1>
      %reduce_sum3A_3211 = tpu.scan <sum>, %select_n3A_3208 masked %reduce_sum3A_3210 : vector<16xf32>, vector<16xi1> -> vector<16xf32>
      %reduce_sum3A_3212 = vector.extract %reduce_sum3A_3211[15] : f32 from vector<16xf32>
      %eq3A_3213 = arith.constant 5 : i32
      %eq3A_3214 = vector.broadcast %eq3A_3213 : i32 to vector<16xi32>
      %eq3A_3215 = arith.cmpi eq, %iota3A, %eq3A_3214 : vector<16xi32>
      %add3A_3216 = arith.addf %reduce_sum3A_3203, %reduce_sum3A_3212 : f32
      %jit3A_3217 = arith.constant 0.000000e+00 : f32
      %broadcast_in_dim3A_3218 = vector.broadcast %add3A_3216 : f32 to vector<16xf32>
      %broadcast_in_dim3A_3219 = vector.broadcast %jit3A_3217 : f32 to vector<16xf32>
      %select_n3A_3220 = arith.select %eq3A_3215, %broadcast_in_dim3A_3218, %broadcast_in_dim3A_3219 : vector<16xi1>, vector<16xf32>
      %add3A_3221 = arith.addf %add3A_3194, %select_n3A_3220 : vector<16xf32>
      %eq3A_3222 = arith.constant 6 : i32
      %eq3A_3223 = vector.broadcast %eq3A_3222 : i32 to vector<16xi32>
      %eq3A_3224 = arith.cmpi eq, %get3A_6, %eq3A_3223 : vector<16xi32>
      %and3A_3225 = arith.andi %eq3A_3055, %eq3A_3224 : vector<16xi1>
      %select_n3A_3226 = arith.select %and3A_3225, %broadcast_in_dim3A_21, %broadcast_in_dim3A_23 : vector<16xi1>, vector<16xf32>
      %reduce_sum3A_3227 = arith.constant true
      %reduce_sum3A_3228 = vector.broadcast %reduce_sum3A_3227 : i1 to vector<16xi1>
      %reduce_sum3A_3229 = tpu.scan <sum>, %select_n3A_3226 masked %reduce_sum3A_3228 : vector<16xf32>, vector<16xi1> -> vector<16xf32>
      %reduce_sum3A_3230 = vector.extract %reduce_sum3A_3229[15] : f32 from vector<16xf32>
      %eq3A_3231 = arith.constant 6 : i32
      %eq3A_3232 = vector.broadcast %eq3A_3231 : i32 to vector<16xi32>
      %eq3A_3233 = arith.cmpi eq, %get3A_14, %eq3A_3232 : vector<16xi32>
      %and3A_3234 = arith.andi %and3A_3059, %eq3A_3233 : vector<16xi1>
      %select_n3A_3235 = arith.select %and3A_3234, %broadcast_in_dim3A_21, %broadcast_in_dim3A_23 : vector<16xi1>, vector<16xf32>
      %reduce_sum3A_3236 = arith.constant true
      %reduce_sum3A_3237 = vector.broadcast %reduce_sum3A_3236 : i1 to vector<16xi1>
      %reduce_sum3A_3238 = tpu.scan <sum>, %select_n3A_3235 masked %reduce_sum3A_3237 : vector<16xf32>, vector<16xi1> -> vector<16xf32>
      %reduce_sum3A_3239 = vector.extract %reduce_sum3A_3238[15] : f32 from vector<16xf32>
      %eq3A_3240 = arith.constant 6 : i32
      %eq3A_3241 = vector.broadcast %eq3A_3240 : i32 to vector<16xi32>
      %eq3A_3242 = arith.cmpi eq, %iota3A, %eq3A_3241 : vector<16xi32>
      %add3A_3243 = arith.addf %reduce_sum3A_3230, %reduce_sum3A_3239 : f32
      %jit3A_3244 = arith.constant 0.000000e+00 : f32
      %broadcast_in_dim3A_3245 = vector.broadcast %add3A_3243 : f32 to vector<16xf32>
      %broadcast_in_dim3A_3246 = vector.broadcast %jit3A_3244 : f32 to vector<16xf32>
      %select_n3A_3247 = arith.select %eq3A_3242, %broadcast_in_dim3A_3245, %broadcast_in_dim3A_3246 : vector<16xi1>, vector<16xf32>
      %add3A_3248 = arith.addf %add3A_3221, %select_n3A_3247 : vector<16xf32>
      %eq3A_3249 = arith.constant 7 : i32
      %eq3A_3250 = vector.broadcast %eq3A_3249 : i32 to vector<16xi32>
      %eq3A_3251 = arith.cmpi eq, %get3A_6, %eq3A_3250 : vector<16xi32>
      %and3A_3252 = arith.andi %eq3A_3055, %eq3A_3251 : vector<16xi1>
      %select_n3A_3253 = arith.select %and3A_3252, %broadcast_in_dim3A_21, %broadcast_in_dim3A_23 : vector<16xi1>, vector<16xf32>
      %reduce_sum3A_3254 = arith.constant true
      %reduce_sum3A_3255 = vector.broadcast %reduce_sum3A_3254 : i1 to vector<16xi1>
      %reduce_sum3A_3256 = tpu.scan <sum>, %select_n3A_3253 masked %reduce_sum3A_3255 : vector<16xf32>, vector<16xi1> -> vector<16xf32>
      %reduce_sum3A_3257 = vector.extract %reduce_sum3A_3256[15] : f32 from vector<16xf32>
      %eq3A_3258 = arith.constant 7 : i32
      %eq3A_3259 = vector.broadcast %eq3A_3258 : i32 to vector<16xi32>
      %eq3A_3260 = arith.cmpi eq, %get3A_14, %eq3A_3259 : vector<16xi32>
      %and3A_3261 = arith.andi %and3A_3059, %eq3A_3260 : vector<16xi1>
      %select_n3A_3262 = arith.select %and3A_3261, %broadcast_in_dim3A_21, %broadcast_in_dim3A_23 : vector<16xi1>, vector<16xf32>
      %reduce_sum3A_3263 = arith.constant true
      %reduce_sum3A_3264 = vector.broadcast %reduce_sum3A_3263 : i1 to vector<16xi1>
      %reduce_sum3A_3265 = tpu.scan <sum>, %select_n3A_3262 masked %reduce_sum3A_3264 : vector<16xf32>, vector<16xi1> -> vector<16xf32>
      %reduce_sum3A_3266 = vector.extract %reduce_sum3A_3265[15] : f32 from vector<16xf32>
      %eq3A_3267 = arith.constant 7 : i32
      %eq3A_3268 = vector.broadcast %eq3A_3267 : i32 to vector<16xi32>
      %eq3A_3269 = arith.cmpi eq, %iota3A, %eq3A_3268 : vector<16xi32>
      %add3A_3270 = arith.addf %reduce_sum3A_3257, %reduce_sum3A_3266 : f32
      %jit3A_3271 = arith.constant 0.000000e+00 : f32
      %broadcast_in_dim3A_3272 = vector.broadcast %add3A_3270 : f32 to vector<16xf32>
      %broadcast_in_dim3A_3273 = vector.broadcast %jit3A_3271 : f32 to vector<16xf32>
      %select_n3A_3274 = arith.select %eq3A_3269, %broadcast_in_dim3A_3272, %broadcast_in_dim3A_3273 : vector<16xi1>, vector<16xf32>
      %add3A_3275 = arith.addf %add3A_3248, %select_n3A_3274 : vector<16xf32>
      %eq3A_3276 = arith.constant 8 : i32
      %eq3A_3277 = vector.broadcast %eq3A_3276 : i32 to vector<16xi32>
      %eq3A_3278 = arith.cmpi eq, %get3A_6, %eq3A_3277 : vector<16xi32>
      %and3A_3279 = arith.andi %eq3A_3055, %eq3A_3278 : vector<16xi1>
      %select_n3A_3280 = arith.select %and3A_3279, %broadcast_in_dim3A_21, %broadcast_in_dim3A_23 : vector<16xi1>, vector<16xf32>
      %reduce_sum3A_3281 = arith.constant true
      %reduce_sum3A_3282 = vector.broadcast %reduce_sum3A_3281 : i1 to vector<16xi1>
      %reduce_sum3A_3283 = tpu.scan <sum>, %select_n3A_3280 masked %reduce_sum3A_3282 : vector<16xf32>, vector<16xi1> -> vector<16xf32>
      %reduce_sum3A_3284 = vector.extract %reduce_sum3A_3283[15] : f32 from vector<16xf32>
      %eq3A_3285 = arith.constant 8 : i32
      %eq3A_3286 = vector.broadcast %eq3A_3285 : i32 to vector<16xi32>
      %eq3A_3287 = arith.cmpi eq, %get3A_14, %eq3A_3286 : vector<16xi32>
      %and3A_3288 = arith.andi %and3A_3059, %eq3A_3287 : vector<16xi1>
      %select_n3A_3289 = arith.select %and3A_3288, %broadcast_in_dim3A_21, %broadcast_in_dim3A_23 : vector<16xi1>, vector<16xf32>
      %reduce_sum3A_3290 = arith.constant true
      %reduce_sum3A_3291 = vector.broadcast %reduce_sum3A_3290 : i1 to vector<16xi1>
      %reduce_sum3A_3292 = tpu.scan <sum>, %select_n3A_3289 masked %reduce_sum3A_3291 : vector<16xf32>, vector<16xi1> -> vector<16xf32>
      %reduce_sum3A_3293 = vector.extract %reduce_sum3A_3292[15] : f32 from vector<16xf32>
      %eq3A_3294 = arith.constant 8 : i32
      %eq3A_3295 = vector.broadcast %eq3A_3294 : i32 to vector<16xi32>
      %eq3A_3296 = arith.cmpi eq, %iota3A, %eq3A_3295 : vector<16xi32>
      %add3A_3297 = arith.addf %reduce_sum3A_3284, %reduce_sum3A_3293 : f32
      %jit3A_3298 = arith.constant 0.000000e+00 : f32
      %broadcast_in_dim3A_3299 = vector.broadcast %add3A_3297 : f32 to vector<16xf32>
      %broadcast_in_dim3A_3300 = vector.broadcast %jit3A_3298 : f32 to vector<16xf32>
      %select_n3A_3301 = arith.select %eq3A_3296, %broadcast_in_dim3A_3299, %broadcast_in_dim3A_3300 : vector<16xi1>, vector<16xf32>
      %add3A_3302 = arith.addf %add3A_3275, %select_n3A_3301 : vector<16xf32>
      %eq3A_3303 = arith.constant 9 : i32
      %eq3A_3304 = vector.broadcast %eq3A_3303 : i32 to vector<16xi32>
      %eq3A_3305 = arith.cmpi eq, %get3A_6, %eq3A_3304 : vector<16xi32>
      %and3A_3306 = arith.andi %eq3A_3055, %eq3A_3305 : vector<16xi1>
      %select_n3A_3307 = arith.select %and3A_3306, %broadcast_in_dim3A_21, %broadcast_in_dim3A_23 : vector<16xi1>, vector<16xf32>
      %reduce_sum3A_3308 = arith.constant true
      %reduce_sum3A_3309 = vector.broadcast %reduce_sum3A_3308 : i1 to vector<16xi1>
      %reduce_sum3A_3310 = tpu.scan <sum>, %select_n3A_3307 masked %reduce_sum3A_3309 : vector<16xf32>, vector<16xi1> -> vector<16xf32>
      %reduce_sum3A_3311 = vector.extract %reduce_sum3A_3310[15] : f32 from vector<16xf32>
      %eq3A_3312 = arith.constant 9 : i32
      %eq3A_3313 = vector.broadcast %eq3A_3312 : i32 to vector<16xi32>
      %eq3A_3314 = arith.cmpi eq, %get3A_14, %eq3A_3313 : vector<16xi32>
      %and3A_3315 = arith.andi %and3A_3059, %eq3A_3314 : vector<16xi1>
      %select_n3A_3316 = arith.select %and3A_3315, %broadcast_in_dim3A_21, %broadcast_in_dim3A_23 : vector<16xi1>, vector<16xf32>
      %reduce_sum3A_3317 = arith.constant true
      %reduce_sum3A_3318 = vector.broadcast %reduce_sum3A_3317 : i1 to vector<16xi1>
      %reduce_sum3A_3319 = tpu.scan <sum>, %select_n3A_3316 masked %reduce_sum3A_3318 : vector<16xf32>, vector<16xi1> -> vector<16xf32>
      %reduce_sum3A_3320 = vector.extract %reduce_sum3A_3319[15] : f32 from vector<16xf32>
      %eq3A_3321 = arith.constant 9 : i32
      %eq3A_3322 = vector.broadcast %eq3A_3321 : i32 to vector<16xi32>
      %eq3A_3323 = arith.cmpi eq, %iota3A, %eq3A_3322 : vector<16xi32>
      %add3A_3324 = arith.addf %reduce_sum3A_3311, %reduce_sum3A_3320 : f32
      %jit3A_3325 = arith.constant 0.000000e+00 : f32
      %broadcast_in_dim3A_3326 = vector.broadcast %add3A_3324 : f32 to vector<16xf32>
      %broadcast_in_dim3A_3327 = vector.broadcast %jit3A_3325 : f32 to vector<16xf32>
      %select_n3A_3328 = arith.select %eq3A_3323, %broadcast_in_dim3A_3326, %broadcast_in_dim3A_3327 : vector<16xi1>, vector<16xf32>
      %add3A_3329 = arith.addf %add3A_3302, %select_n3A_3328 : vector<16xf32>
      %mul3A_3330 = arith.mulf %add3A_3329, %mul3A_315 : vector<16xf32>
      %mul3A_3331 = vector.broadcast %reduce_sum3A_3044 : f32 to vector<16xf32>
      %mul3A_3332 = arith.mulf %mul3A_3330, %mul3A_3331 : vector<16xf32>
      %swap3A_3333 = arith.constant 9 : i32
      %swap3A_3334 = arith.index_cast %swap3A_3333 : i32 to index
      %swap3A_3335 = arith.constant 0 : index
      %swap3A_3336 = tpu.vector_load %arg6[%swap3A_3334, %swap3A_3335] {strides = array<i32>} : memref<16x16xf32, #tpu.memory_space<vmem>>, vector<16xf32>,
      tpu.vector_store %arg6[%swap3A_3334, %swap3A_3335], %mul3A_3332 {strides = array<i32>} : memref<16x16xf32, #tpu.memory_space<vmem>>, vector<16xf32>,
      %broadcast_in_dim3A_3337 = arith.constant 0.000000e+00 : f32
      %broadcast_in_dim3A_3338 = vector.broadcast %broadcast_in_dim3A_3337 : f32 to vector<16xf32>
      %swap3A_3339 = arith.constant 10 : i32
      %swap3A_3340 = arith.index_cast %swap3A_3339 : i32 to index
      %swap3A_3341 = arith.constant 0 : index
      %swap3A_3342 = tpu.vector_load %arg6[%swap3A_3340, %swap3A_3341] {strides = array<i32>} : memref<16x16xf32, #tpu.memory_space<vmem>>, vector<16xf32>,
      tpu.vector_store %arg6[%swap3A_3340, %swap3A_3341], %broadcast_in_dim3A_3338 {strides = array<i32>} : memref<16x16xf32, #tpu.memory_space<vmem>>, vector<16xf32>,
      %broadcast_in_dim3A_3343 = arith.constant 0.000000e+00 : f32
      %broadcast_in_dim3A_3344 = vector.broadcast %broadcast_in_dim3A_3343 : f32 to vector<16xf32>
      %swap3A_3345 = arith.constant 11 : i32
      %swap3A_3346 = arith.index_cast %swap3A_3345 : i32 to index
      %swap3A_3347 = arith.constant 0 : index
      %swap3A_3348 = tpu.vector_load %arg6[%swap3A_3346, %swap3A_3347] {strides = array<i32>} : memref<16x16xf32, #tpu.memory_space<vmem>>, vector<16xf32>,
      tpu.vector_store %arg6[%swap3A_3346, %swap3A_3347], %broadcast_in_dim3A_3344 {strides = array<i32>} : memref<16x16xf32, #tpu.memory_space<vmem>>, vector<16xf32>,
      %broadcast_in_dim3A_3349 = arith.constant 0.000000e+00 : f32
      %broadcast_in_dim3A_3350 = vector.broadcast %broadcast_in_dim3A_3349 : f32 to vector<16xf32>
      %swap3A_3351 = arith.constant 12 : i32
      %swap3A_3352 = arith.index_cast %swap3A_3351 : i32 to index
      %swap3A_3353 = arith.constant 0 : index
      %swap3A_3354 = tpu.vector_load %arg6[%swap3A_3352, %swap3A_3353] {strides = array<i32>} : memref<16x16xf32, #tpu.memory_space<vmem>>, vector<16xf32>,
      tpu.vector_store %arg6[%swap3A_3352, %swap3A_3353], %broadcast_in_dim3A_3350 {strides = array<i32>} : memref<16x16xf32, #tpu.memory_space<vmem>>, vector<16xf32>,
      %broadcast_in_dim3A_3355 = arith.constant 0.000000e+00 : f32
      %broadcast_in_dim3A_3356 = vector.broadcast %broadcast_in_dim3A_3355 : f32 to vector<16xf32>
      %swap3A_3357 = arith.constant 13 : i32
      %swap3A_3358 = arith.index_cast %swap3A_3357 : i32 to index
      %swap3A_3359 = arith.constant 0 : index
      %swap3A_3360 = tpu.vector_load %arg6[%swap3A_3358, %swap3A_3359] {strides = array<i32>} : memref<16x16xf32, #tpu.memory_space<vmem>>, vector<16xf32>,
      tpu.vector_store %arg6[%swap3A_3358, %swap3A_3359], %broadcast_in_dim3A_3356 {strides = array<i32>} : memref<16x16xf32, #tpu.memory_space<vmem>>, vector<16xf32>,
      %broadcast_in_dim3A_3361 = arith.constant 0.000000e+00 : f32
      %broadcast_in_dim3A_3362 = vector.broadcast %broadcast_in_dim3A_3361 : f32 to vector<16xf32>
      %swap3A_3363 = arith.constant 14 : i32
      %swap3A_3364 = arith.index_cast %swap3A_3363 : i32 to index
      %swap3A_3365 = arith.constant 0 : index
      %swap3A_3366 = tpu.vector_load %arg6[%swap3A_3364, %swap3A_3365] {strides = array<i32>} : memref<16x16xf32, #tpu.memory_space<vmem>>, vector<16xf32>,
      tpu.vector_store %arg6[%swap3A_3364, %swap3A_3365], %broadcast_in_dim3A_3362 {strides = array<i32>} : memref<16x16xf32, #tpu.memory_space<vmem>>, vector<16xf32>,
      %broadcast_in_dim3A_3367 = arith.constant 0.000000e+00 : f32
      %broadcast_in_dim3A_3368 = vector.broadcast %broadcast_in_dim3A_3367 : f32 to vector<16xf32>
      %swap3A_3369 = arith.constant 15 : i32
      %swap3A_3370 = arith.index_cast %swap3A_3369 : i32 to index
      %swap3A_3371 = arith.constant 0 : index
      %swap3A_3372 = tpu.vector_load %arg6[%swap3A_3370, %swap3A_3371] {strides = array<i32>} : memref<16x16xf32, #tpu.memory_space<vmem>>, vector<16xf32>,
      tpu.vector_store %arg6[%swap3A_3370, %swap3A_3371], %broadcast_in_dim3A_3368 {strides = array<i32>} : memref<16x16xf32, #tpu.memory_space<vmem>>, vector<16xf32>,
      "tpu.region"() ({
        %run_scoped3A = tpu.sem_alloc : memref<!tpu.dma_semaphore, #tpu.memory_space<semaphore_mem>>
        tpu.enqueue_dma source(%arg6 : memref<16x16xf32, #tpu.memory_space<vmem>>) target(%arg3 : memref<16x16xf32, #tpu.memory_space<hbm>>) target_semaphore(%run_scoped3A : memref<!tpu.dma_semaphore, #tpu.memory_space<semaphore_mem>>)
        tpu.wait_dma2 semaphore(%run_scoped3A : memref<!tpu.dma_semaphore, #tpu.memory_space<semaphore_mem>>) src(%arg6 : memref<16x16xf32, #tpu.memory_space<vmem>>) dst(%arg3 : memref<16x16xf32, #tpu.memory_space<hbm>>)
        tpu.yield
      }) : () -> ()
    } else {
    }
    return
  }
}

module attributes {stable_mosaic.version = 14 : i64} {
  func.func @_fused_kernel(%arg0: i32, %arg1: memref<16x16xf32, #tpu.memory_space<vmem>>, %arg2: memref<1x4xf32, #tpu.memory_space<vmem>>, %arg3: memref<4x4xf32, #tpu.memory_space<vmem>>, %arg4: memref<4x4xf32, #tpu.memory_space<vmem>>, %arg5: memref<1x4xf32, #tpu.memory_space<vmem>>, %arg6: memref<1x4xf32, #tpu.memory_space<vmem>>, %arg7: memref<1x4xf32, #tpu.memory_space<vmem>>, %arg8: memref<40x24xf32, #tpu.memory_space<vmem>>, %arg9: memref<1x24xf32, #tpu.memory_space<vmem>>, %arg10: memref<24x1xf32, #tpu.memory_space<vmem>>, %arg11: memref<1x1xf32, #tpu.memory_space<vmem>>, %arg12: memref<10x1x16384xf32, #tpu.memory_space<vmem>>, %arg13: memref<1x16384xf32, #tpu.memory_space<vmem>>, %arg14: memref<40x10xf32, #tpu.memory_space<vmem>>, %arg15: memref<40x40xf32, #tpu.memory_space<vmem>>, %arg16: memref<40x40xf32, #tpu.memory_space<vmem>>, %arg17: memref<40x3xf32, #tpu.memory_space<vmem>>, %arg18: memref<24x40xf32, #tpu.memory_space<vmem>>, %arg19: memref<24x1xf32, #tpu.memory_space<vmem>>, %arg20: memref<1x24xf32, #tpu.memory_space<vmem>>) attributes {dimension_semantics = [#tpu.dimension_semantics<arbitrary>], iteration_bounds = array<i64: 4>, scalar_prefetch = 0 : i64, scratch_operands = 7 : i64, tpu.core_type = #tpu.core_type<tc>, window_params = [{pipeline_mode = #tpu.pipeline_mode<synchronous>, transform_indices = @transform_0, window_bounds = array<i64: 16, 16>}, {pipeline_mode = #tpu.pipeline_mode<synchronous>, transform_indices = @transform_1, window_bounds = array<i64: 1, 4>}, {pipeline_mode = #tpu.pipeline_mode<synchronous>, transform_indices = @transform_2, window_bounds = array<i64: 4, 4>}, {pipeline_mode = #tpu.pipeline_mode<synchronous>, transform_indices = @transform_3, window_bounds = array<i64: 4, 4>}, {pipeline_mode = #tpu.pipeline_mode<synchronous>, transform_indices = @transform_4, window_bounds = array<i64: 1, 4>}, {pipeline_mode = #tpu.pipeline_mode<synchronous>, transform_indices = @transform_5, window_bounds = array<i64: 1, 4>}, {pipeline_mode = #tpu.pipeline_mode<synchronous>, transform_indices = @transform_6, window_bounds = array<i64: 1, 4>}, {pipeline_mode = #tpu.pipeline_mode<synchronous>, transform_indices = @transform_7, window_bounds = array<i64: 40, 24>}, {pipeline_mode = #tpu.pipeline_mode<synchronous>, transform_indices = @transform_8, window_bounds = array<i64: 1, 24>}, {pipeline_mode = #tpu.pipeline_mode<synchronous>, transform_indices = @transform_9, window_bounds = array<i64: 24, 1>}, {pipeline_mode = #tpu.pipeline_mode<synchronous>, transform_indices = @transform_10, window_bounds = array<i64: 1, 1>}, {transform_indices = @transform_11, window_bounds = array<i64: 10, 1, 16384>}, {transform_indices = @transform_12, window_bounds = array<i64: 1, 16384>}]} {
    %eq3A = arith.constant 0 : i32
    %eq3A_0 = arith.cmpi eq, %arg0, %eq3A : i32
    %convert_element_type3A = arith.extui %eq3A_0 : i1 to i32
    %cond3A = arith.constant 0 : i32
    %cond3A_1 = arith.cmpi ne, %convert_element_type3A, %cond3A : i32
    scf.if %cond3A_1 {
      %get3A_68 = arith.constant 0 : index
      %get3A_69 = arith.constant 0 : index
      %get3A_70 = vector.load %arg1[%get3A_68, %get3A_69] : memref<16x16xf32, #tpu.memory_space<vmem>>, vector<16x16xf32>
      %iota3A = tpu.iota {dimensions = array<i32: 0>} : vector<16x40xi32>
      %iota3A_71 = tpu.iota {dimensions = array<i32: 1>} : vector<16x40xi32>
      %jit3A = arith.constant 4 : i32
      %div3A = vector.broadcast %jit3A : i32 to vector<16x40xi32>
      %div3A_72 = arith.divsi %iota3A_71, %div3A : vector<16x40xi32>
      %sign3A = arith.constant 0 : i32
      %sign3A_73 = vector.broadcast %sign3A : i32 to vector<16x40xi32>
      %sign3A_74 = arith.cmpi sgt, %iota3A_71, %sign3A_73 : vector<16x40xi32>
      %sign3A_75 = arith.extui %sign3A_74 : vector<16x40xi1> to vector<16x40xi32>
      %sign3A_76 = arith.constant 0 : i32
      %sign3A_77 = vector.broadcast %sign3A_76 : i32 to vector<16x40xi32>
      %sign3A_78 = arith.cmpi slt, %iota3A_71, %sign3A_77 : vector<16x40xi32>
      %sign3A_79 = arith.extui %sign3A_78 : vector<16x40xi1> to vector<16x40xi32>
      %sign3A_80 = arith.subi %sign3A_75, %sign3A_79 : vector<16x40xi32>
      %sign3A_81 = arith.constant 0 : i32
      %sign3A_82 = arith.cmpi sgt, %jit3A, %sign3A_81 : i32
      %sign3A_83 = arith.extui %sign3A_82 : i1 to i32
      %sign3A_84 = arith.constant 0 : i32
      %sign3A_85 = arith.cmpi slt, %jit3A, %sign3A_84 : i32
      %sign3A_86 = arith.extui %sign3A_85 : i1 to i32
      %sign3A_87 = arith.subi %sign3A_83, %sign3A_86 : i32
      %ne3A = vector.broadcast %sign3A_87 : i32 to vector<16x40xi32>
      %ne3A_88 = arith.cmpi ne, %sign3A_80, %ne3A : vector<16x40xi32>
      %rem3A = vector.broadcast %jit3A : i32 to vector<16x40xi32>
      %rem3A_89 = arith.remsi %iota3A_71, %rem3A : vector<16x40xi32>
      %ne3A_90 = arith.constant 0 : i32
      %ne3A_91 = vector.broadcast %ne3A_90 : i32 to vector<16x40xi32>
      %ne3A_92 = arith.cmpi ne, %rem3A_89, %ne3A_91 : vector<16x40xi32>
      %and3A = arith.andi %ne3A_88, %ne3A_92 : vector<16x40xi1>
      %sub3A = arith.constant 1 : i32
      %sub3A_93 = vector.broadcast %sub3A : i32 to vector<16x40xi32>
      %sub3A_94 = arith.subi %div3A_72, %sub3A_93 : vector<16x40xi32>
      %select_n3A = arith.select %and3A, %sub3A_94, %div3A_72 : vector<16x40xi1>, vector<16x40xi32>
      %eq3A_95 = arith.cmpi eq, %select_n3A, %iota3A : vector<16x40xi32>
      %convert_element_type3A_96 = arith.extui %eq3A_95 : vector<16x40xi1> to vector<16x40xi32>
      %convert_element_type3A_97 = arith.sitofp %convert_element_type3A_96 : vector<16x40xi32> to vector<16x40xf32>
      %iota3A_98 = tpu.iota {dimensions = array<i32: 0>} : vector<4x40xi32>
      %iota3A_99 = tpu.iota {dimensions = array<i32: 1>} : vector<4x40xi32>
      %jit3A_100 = arith.constant 4 : i32
      %eq3A_101 = arith.constant 0 : i32
      %eq3A_102 = arith.cmpi eq, %jit3A_100, %eq3A_101 : i32
      %jit3A_103 = arith.constant 1 : i32
      %select_n3A_104 = arith.select %eq3A_102, %jit3A_103, %jit3A_100 : i32
      %rem3A_105 = vector.broadcast %select_n3A_104 : i32 to vector<4x40xi32>
      %rem3A_106 = arith.remsi %iota3A_99, %rem3A_105 : vector<4x40xi32>
      %ne3A_107 = arith.constant 0 : i32
      %ne3A_108 = vector.broadcast %ne3A_107 : i32 to vector<4x40xi32>
      %ne3A_109 = arith.cmpi ne, %rem3A_106, %ne3A_108 : vector<4x40xi32>
      %lt3A = arith.constant 0 : i32
      %lt3A_110 = vector.broadcast %lt3A : i32 to vector<4x40xi32>
      %lt3A_111 = arith.cmpi slt, %rem3A_106, %lt3A_110 : vector<4x40xi32>
      %lt3A_112 = arith.constant 0 : i32
      %lt3A_113 = arith.cmpi slt, %select_n3A_104, %lt3A_112 : i32
      %ne3A_114 = vector.broadcast %lt3A_113 : i1 to vector<4x40xi1>
      %ne3A_115 = vector.broadcast %ne3A_114 : vector<4x40xi1> to vector<4x40xi1>
      %ne3A_116 = arith.xori %lt3A_111, %ne3A_115 : vector<4x40xi1>
      %and3A_117 = arith.andi %ne3A_116, %ne3A_109 : vector<4x40xi1>
      %add3A_118 = vector.broadcast %select_n3A_104 : i32 to vector<4x40xi32>
      %add3A_119 = arith.addi %rem3A_106, %add3A_118 : vector<4x40xi32>
      %select_n3A_120 = arith.select %and3A_117, %add3A_119, %rem3A_106 : vector<4x40xi1>, vector<4x40xi32>
      %eq3A_121 = arith.cmpi eq, %select_n3A_120, %iota3A_98 : vector<4x40xi32>
      %convert_element_type3A_122 = arith.extui %eq3A_121 : vector<4x40xi1> to vector<4x40xi32>
      %convert_element_type3A_123 = arith.sitofp %convert_element_type3A_122 : vector<4x40xi32> to vector<4x40xf32>
      %dot_general3A_124 = arith.constant dense<0.000000e+00> : vector<40x16xf32>
      %dot_general3A_125 = tpu.matmul %convert_element_type3A_97, %get3A_70, %dot_general3A_124 {dimension_numbers = #tpu.dot_dimension_numbers<[0], [0], [1], [1], [0, 1, 1, 1], [], []>, transpose_lhs_hint = false} : vector<16x40xf32>, vector<16x16xf32>, vector<40x16xf32> -> vector<40x16xf32>
      %get3A_126 = arith.constant 0 : index
      %get3A_127 = arith.constant 0 : index
      %get3A_128 = vector.load %arg2[%get3A_126, %get3A_127] : memref<1x4xf32, #tpu.memory_space<vmem>>, vector<1x4xf32>
      %dot_general3A_129 = arith.constant dense<0.000000e+00> : vector<40x1xf32>
      %dot_general3A_130 = tpu.matmul %convert_element_type3A_123, %get3A_128, %dot_general3A_129 {dimension_numbers = #tpu.dot_dimension_numbers<[0], [1], [1], [0], [0, 1, 1, 0], [], []>, transpose_lhs_hint = false} : vector<4x40xf32>, vector<1x4xf32>, vector<40x1xf32> -> vector<40x1xf32>
      %slice3A = vector.extract_strided_slice %dot_general3A_125 {offsets = [0, 0], sizes = [40, 10], strides = [1, 1]} : vector<40x16xf32> to vector<40x10xf32>
      %mul3A = vector.broadcast %dot_general3A_130 : vector<40x1xf32> to vector<40x10xf32>
      %mul3A_131 = arith.mulf %slice3A, %mul3A : vector<40x10xf32>
      %swap3A_132 = arith.constant 0 : index
      %swap3A_133 = arith.constant 0 : index
      %swap3A_134 = vector.load %arg14[%swap3A_132, %swap3A_133] : memref<40x10xf32, #tpu.memory_space<vmem>>, vector<40x10xf32>
      tpu.vector_store %arg14[%swap3A_132, %swap3A_133], %mul3A_131 {strides = array<i32>} : memref<40x10xf32, #tpu.memory_space<vmem>>, vector<40x10xf32>,
      %dot_general3A_135 = arith.constant dense<0.000000e+00> : vector<40x40xf32>
      %dot_general3A_136 = tpu.matmul %dot_general3A_125, %convert_element_type3A_97, %dot_general3A_135 {dimension_numbers = #tpu.dot_dimension_numbers<[1], [0], [0], [1], [0, 0, 1, 1], [], []>, transpose_lhs_hint = false} : vector<40x16xf32>, vector<16x40xf32>, vector<40x40xf32> -> vector<40x40xf32>
      %get3A_137 = arith.constant 0 : index
      %get3A_138 = arith.constant 0 : index
      %get3A_139 = vector.load %arg3[%get3A_137, %get3A_138] : memref<4x4xf32, #tpu.memory_space<vmem>>, vector<4x4xf32>
      %dot_general3A_140 = arith.constant dense<0.000000e+00> : vector<40x4xf32>
      %dot_general3A_141 = tpu.matmul %convert_element_type3A_123, %get3A_139, %dot_general3A_140 {dimension_numbers = #tpu.dot_dimension_numbers<[0], [1], [1], [0], [0, 1, 1, 0], [], []>, transpose_lhs_hint = false} : vector<4x40xf32>, vector<4x4xf32>, vector<40x4xf32> -> vector<40x4xf32>
      %dot_general3A_142 = arith.constant dense<0.000000e+00> : vector<40x40xf32>
      %dot_general3A_143 = tpu.matmul %dot_general3A_141, %convert_element_type3A_123, %dot_general3A_142 {dimension_numbers = #tpu.dot_dimension_numbers<[1], [0], [0], [1], [0, 0, 1, 1], [], []>, transpose_lhs_hint = false} : vector<40x4xf32>, vector<4x40xf32>, vector<40x40xf32> -> vector<40x40xf32>
      %mul3A_144 = arith.mulf %dot_general3A_136, %dot_general3A_143 : vector<40x40xf32>
      %swap3A_145 = arith.constant 0 : index
      %swap3A_146 = arith.constant 0 : index
      %swap3A_147 = vector.load %arg15[%swap3A_145, %swap3A_146] : memref<40x40xf32, #tpu.memory_space<vmem>>, vector<40x40xf32>
      tpu.vector_store %arg15[%swap3A_145, %swap3A_146], %mul3A_144 {strides = array<i32>} : memref<40x40xf32, #tpu.memory_space<vmem>>, vector<40x40xf32>,
      %get3A_148 = arith.constant 0 : index
      %get3A_149 = arith.constant 0 : index
      %get3A_150 = vector.load %arg4[%get3A_148, %get3A_149] : memref<4x4xf32, #tpu.memory_space<vmem>>, vector<4x4xf32>
      %dot_general3A_151 = arith.constant dense<0.000000e+00> : vector<40x4xf32>
      %dot_general3A_152 = tpu.matmul %convert_element_type3A_123, %get3A_150, %dot_general3A_151 {dimension_numbers = #tpu.dot_dimension_numbers<[0], [1], [1], [0], [0, 1, 1, 0], [], []>, transpose_lhs_hint = false} : vector<4x40xf32>, vector<4x4xf32>, vector<40x4xf32> -> vector<40x4xf32>
      %dot_general3A_153 = arith.constant dense<0.000000e+00> : vector<40x40xf32>
      %dot_general3A_154 = tpu.matmul %dot_general3A_152, %convert_element_type3A_123, %dot_general3A_153 {dimension_numbers = #tpu.dot_dimension_numbers<[1], [0], [0], [1], [0, 0, 1, 1], [], []>, transpose_lhs_hint = false} : vector<40x4xf32>, vector<4x40xf32>, vector<40x40xf32> -> vector<40x40xf32>
      %mul3A_155 = arith.mulf %dot_general3A_136, %dot_general3A_154 : vector<40x40xf32>
      %swap3A_156 = arith.constant 0 : index
      %swap3A_157 = arith.constant 0 : index
      %swap3A_158 = vector.load %arg16[%swap3A_156, %swap3A_157] : memref<40x40xf32, #tpu.memory_space<vmem>>, vector<40x40xf32>
      tpu.vector_store %arg16[%swap3A_156, %swap3A_157], %mul3A_155 {strides = array<i32>} : memref<40x40xf32, #tpu.memory_space<vmem>>, vector<40x40xf32>,
      %get3A_159 = arith.constant 0 : index
      %get3A_160 = arith.constant 0 : index
      %get3A_161 = vector.load %arg5[%get3A_159, %get3A_160] : memref<1x4xf32, #tpu.memory_space<vmem>>, vector<1x4xf32>
      %dot_general3A_162 = arith.constant dense<0.000000e+00> : vector<40x1xf32>
      %dot_general3A_163 = tpu.matmul %convert_element_type3A_123, %get3A_161, %dot_general3A_162 {dimension_numbers = #tpu.dot_dimension_numbers<[0], [1], [1], [0], [0, 1, 1, 0], [], []>, transpose_lhs_hint = false} : vector<4x40xf32>, vector<1x4xf32>, vector<40x1xf32> -> vector<40x1xf32>
      %swap3A_164 = arith.constant 0 : index
      %swap3A_165 = arith.constant 0 : index
      %swap3A_166 = vector.load %arg17[%swap3A_164, %swap3A_165] : memref<40x3xf32, #tpu.memory_space<vmem>>, vector<40x1xf32>
      tpu.vector_store %arg17[%swap3A_164, %swap3A_165], %dot_general3A_163 {strides = array<i32>} : memref<40x3xf32, #tpu.memory_space<vmem>>, vector<40x1xf32>,
      %get3A_167 = arith.constant 0 : index
      %get3A_168 = arith.constant 0 : index
      %get3A_169 = vector.load %arg6[%get3A_167, %get3A_168] : memref<1x4xf32, #tpu.memory_space<vmem>>, vector<1x4xf32>
      %dot_general3A_170 = arith.constant dense<0.000000e+00> : vector<40x1xf32>
      %dot_general3A_171 = tpu.matmul %convert_element_type3A_123, %get3A_169, %dot_general3A_170 {dimension_numbers = #tpu.dot_dimension_numbers<[0], [1], [1], [0], [0, 1, 1, 0], [], []>, transpose_lhs_hint = false} : vector<4x40xf32>, vector<1x4xf32>, vector<40x1xf32> -> vector<40x1xf32>
      %swap3A_172 = arith.constant 0 : index
      %swap3A_173 = arith.constant 1 : index
      %swap3A_174 = vector.load %arg17[%swap3A_172, %swap3A_173] : memref<40x3xf32, #tpu.memory_space<vmem>>, vector<40x1xf32>
      tpu.vector_store %arg17[%swap3A_172, %swap3A_173], %dot_general3A_171 {strides = array<i32>} : memref<40x3xf32, #tpu.memory_space<vmem>>, vector<40x1xf32>,
      %get3A_175 = arith.constant 0 : index
      %get3A_176 = arith.constant 0 : index
      %get3A_177 = vector.load %arg7[%get3A_175, %get3A_176] : memref<1x4xf32, #tpu.memory_space<vmem>>, vector<1x4xf32>
      %dot_general3A_178 = arith.constant dense<0.000000e+00> : vector<40x1xf32>
      %dot_general3A_179 = tpu.matmul %convert_element_type3A_123, %get3A_177, %dot_general3A_178 {dimension_numbers = #tpu.dot_dimension_numbers<[0], [1], [1], [0], [0, 1, 1, 0], [], []>, transpose_lhs_hint = false} : vector<4x40xf32>, vector<1x4xf32>, vector<40x1xf32> -> vector<40x1xf32>
      %swap3A_180 = arith.constant 0 : index
      %swap3A_181 = arith.constant 2 : index
      %swap3A_182 = vector.load %arg17[%swap3A_180, %swap3A_181] : memref<40x3xf32, #tpu.memory_space<vmem>>, vector<40x1xf32>
      tpu.vector_store %arg17[%swap3A_180, %swap3A_181], %dot_general3A_179 {strides = array<i32>} : memref<40x3xf32, #tpu.memory_space<vmem>>, vector<40x1xf32>,
      %iota3A_183 = tpu.iota {dimensions = array<i32: 0>} : vector<40x40xi32>
      %iota3A_184 = tpu.iota {dimensions = array<i32: 1>} : vector<40x40xi32>
      %eq3A_185 = arith.cmpi eq, %iota3A_183, %iota3A_184 : vector<40x40xi32>
      %convert_element_type3A_186 = arith.extui %eq3A_185 : vector<40x40xi1> to vector<40x40xi32>
      %convert_element_type3A_187 = arith.sitofp %convert_element_type3A_186 : vector<40x40xi32> to vector<40x40xf32>
      %get3A_188 = arith.constant 0 : index
      %get3A_189 = arith.constant 0 : index
      %get3A_190 = vector.load %arg8[%get3A_188, %get3A_189] : memref<40x24xf32, #tpu.memory_space<vmem>>, vector<40x24xf32>
      %dot_general3A_191 = arith.constant dense<0.000000e+00> : vector<24x40xf32>
      %dot_general3A_192 = tpu.matmul %get3A_190, %convert_element_type3A_187, %dot_general3A_191 {dimension_numbers = #tpu.dot_dimension_numbers<[0], [0], [1], [1], [0, 1, 1, 1], [], []>, transpose_lhs_hint = false} : vector<40x24xf32>, vector<40x40xf32>, vector<24x40xf32> -> vector<24x40xf32>
      %swap3A_193 = arith.constant 0 : index
      %swap3A_194 = arith.constant 0 : index
      %swap3A_195 = vector.load %arg18[%swap3A_193, %swap3A_194] : memref<24x40xf32, #tpu.memory_space<vmem>>, vector<24x40xf32>
      tpu.vector_store %arg18[%swap3A_193, %swap3A_194], %dot_general3A_192 {strides = array<i32>} : memref<24x40xf32, #tpu.memory_space<vmem>>, vector<24x40xf32>,
      %iota3A_196 = tpu.iota {dimensions = array<i32: 0>} : vector<24x24xi32>
      %iota3A_197 = tpu.iota {dimensions = array<i32: 1>} : vector<24x24xi32>
      %eq3A_198 = arith.cmpi eq, %iota3A_196, %iota3A_197 : vector<24x24xi32>
      %convert_element_type3A_199 = arith.extui %eq3A_198 : vector<24x24xi1> to vector<24x24xi32>
      %convert_element_type3A_200 = arith.sitofp %convert_element_type3A_199 : vector<24x24xi32> to vector<24x24xf32>
      %get3A_201 = arith.constant 0 : index
      %get3A_202 = arith.constant 0 : index
      %get3A_203 = vector.load %arg9[%get3A_201, %get3A_202] : memref<1x24xf32, #tpu.memory_space<vmem>>, vector<1x24xf32>
      %dot_general3A_204 = arith.constant dense<0.000000e+00> : vector<24x1xf32>
      %dot_general3A_205 = tpu.matmul %convert_element_type3A_200, %get3A_203, %dot_general3A_204 {dimension_numbers = #tpu.dot_dimension_numbers<[0], [1], [1], [0], [0, 1, 1, 0], [], []>, transpose_lhs_hint = false} : vector<24x24xf32>, vector<1x24xf32>, vector<24x1xf32> -> vector<24x1xf32>
      %swap3A_206 = arith.constant 0 : index
      %swap3A_207 = arith.constant 0 : index
      %swap3A_208 = vector.load %arg19[%swap3A_206, %swap3A_207] : memref<24x1xf32, #tpu.memory_space<vmem>>, vector<24x1xf32>
      tpu.vector_store %arg19[%swap3A_206, %swap3A_207], %dot_general3A_205 {strides = array<i32>} : memref<24x1xf32, #tpu.memory_space<vmem>>, vector<24x1xf32>,
      %get3A_209 = arith.constant 0 : index
      %get3A_210 = arith.constant 0 : index
      %get3A_211 = vector.load %arg10[%get3A_209, %get3A_210] : memref<24x1xf32, #tpu.memory_space<vmem>>, vector<24x1xf32>
      %dot_general3A_212 = arith.constant dense<0.000000e+00> : vector<1x24xf32>
      %dot_general3A_213 = tpu.matmul %get3A_211, %convert_element_type3A_200, %dot_general3A_212 {dimension_numbers = #tpu.dot_dimension_numbers<[0], [0], [1], [1], [0, 1, 1, 1], [], []>, transpose_lhs_hint = false} : vector<24x1xf32>, vector<24x24xf32>, vector<1x24xf32> -> vector<1x24xf32>
      %swap3A_214 = arith.constant 0 : index
      %swap3A_215 = arith.constant 0 : index
      %swap3A_216 = vector.load %arg20[%swap3A_214, %swap3A_215] : memref<1x24xf32, #tpu.memory_space<vmem>>, vector<1x24xf32>
      tpu.vector_store %arg20[%swap3A_214, %swap3A_215], %dot_general3A_213 {strides = array<i32>} : memref<1x24xf32, #tpu.memory_space<vmem>>, vector<1x24xf32>,
    } else {
    }
    %get3A = arith.constant 0 : index
    %get3A_2 = arith.constant 0 : index
    %get3A_3 = arith.constant 0 : index
    %get3A_4 = vector.load %arg12[%get3A, %get3A_2, %get3A_3] : memref<10x1x16384xf32, #tpu.memory_space<vmem>>, vector<10x1x16384xf32>
    %get3A_5 = vector.shape_cast %get3A_4 : vector<10x1x16384xf32> to vector<10x16384xf32>
    %get3A_6 = arith.constant 0 : index
    %get3A_7 = arith.constant 0 : index
    %get3A_8 = vector.load %arg14[%get3A_6, %get3A_7] : memref<40x10xf32, #tpu.memory_space<vmem>>, vector<40x10xf32>
    %dot_general3A = arith.constant dense<0.000000e+00> : vector<40x16384xf32>
    %dot_general3A_9 = tpu.matmul %get3A_8, %get3A_5, %dot_general3A {dimension_numbers = #tpu.dot_dimension_numbers<[1], [0], [0], [1], [0, 0, 1, 1], [], []>, transpose_lhs_hint = false} : vector<40x10xf32>, vector<10x16384xf32>, vector<40x16384xf32> -> vector<40x16384xf32>
    %get3A_10 = arith.constant 0 : index
    %get3A_11 = arith.constant 0 : index
    %get3A_12 = vector.load %arg17[%get3A_10, %get3A_11] : memref<40x3xf32, #tpu.memory_space<vmem>>, vector<40x1xf32>
    %add3A = vector.broadcast %get3A_12 : vector<40x1xf32> to vector<40x16384xf32>
    %add3A_13 = arith.addf %dot_general3A_9, %add3A : vector<40x16384xf32>
    %max3A = arith.constant 0.000000e+00 : f32
    %max3A_14 = vector.broadcast %max3A : f32 to vector<40x16384xf32>
    %max3A_15 = arith.maximumf %add3A_13, %max3A_14 : vector<40x16384xf32>
    %get3A_16 = arith.constant 0 : index
    %get3A_17 = arith.constant 0 : index
    %get3A_18 = vector.load %arg15[%get3A_16, %get3A_17] : memref<40x40xf32, #tpu.memory_space<vmem>>, vector<40x40xf32>
    %dot_general3A_19 = arith.constant dense<0.000000e+00> : vector<40x16384xf32>
    %dot_general3A_20 = tpu.matmul %get3A_18, %max3A_15, %dot_general3A_19 {dimension_numbers = #tpu.dot_dimension_numbers<[1], [0], [0], [1], [0, 0, 1, 1], [], []>, transpose_lhs_hint = false} : vector<40x40xf32>, vector<40x16384xf32>, vector<40x16384xf32> -> vector<40x16384xf32>
    %get3A_21 = arith.constant 0 : index
    %get3A_22 = arith.constant 1 : index
    %get3A_23 = vector.load %arg17[%get3A_21, %get3A_22] : memref<40x3xf32, #tpu.memory_space<vmem>>, vector<40x1xf32>
    %add3A_24 = vector.broadcast %get3A_23 : vector<40x1xf32> to vector<40x16384xf32>
    %add3A_25 = arith.addf %dot_general3A_20, %add3A_24 : vector<40x16384xf32>
    %max3A_26 = arith.constant 0.000000e+00 : f32
    %max3A_27 = vector.broadcast %max3A_26 : f32 to vector<40x16384xf32>
    %max3A_28 = arith.maximumf %add3A_25, %max3A_27 : vector<40x16384xf32>
    %get3A_29 = arith.constant 0 : index
    %get3A_30 = arith.constant 0 : index
    %get3A_31 = vector.load %arg16[%get3A_29, %get3A_30] : memref<40x40xf32, #tpu.memory_space<vmem>>, vector<40x40xf32>
    %dot_general3A_32 = arith.constant dense<0.000000e+00> : vector<40x16384xf32>
    %dot_general3A_33 = tpu.matmul %get3A_31, %max3A_28, %dot_general3A_32 {dimension_numbers = #tpu.dot_dimension_numbers<[1], [0], [0], [1], [0, 0, 1, 1], [], []>, transpose_lhs_hint = false} : vector<40x40xf32>, vector<40x16384xf32>, vector<40x16384xf32> -> vector<40x16384xf32>
    %get3A_34 = arith.constant 0 : index
    %get3A_35 = arith.constant 2 : index
    %get3A_36 = vector.load %arg17[%get3A_34, %get3A_35] : memref<40x3xf32, #tpu.memory_space<vmem>>, vector<40x1xf32>
    %add3A_37 = vector.broadcast %get3A_36 : vector<40x1xf32> to vector<40x16384xf32>
    %add3A_38 = arith.addf %dot_general3A_33, %add3A_37 : vector<40x16384xf32>
    %add3A_39 = arith.addf %add3A_38, %max3A_15 : vector<40x16384xf32>
    %max3A_40 = arith.constant 0.000000e+00 : f32
    %max3A_41 = vector.broadcast %max3A_40 : f32 to vector<40x16384xf32>
    %max3A_42 = arith.maximumf %add3A_39, %max3A_41 : vector<40x16384xf32>
    %get3A_43 = arith.constant 0 : index
    %get3A_44 = arith.constant 0 : index
    %get3A_45 = vector.load %arg18[%get3A_43, %get3A_44] : memref<24x40xf32, #tpu.memory_space<vmem>>, vector<24x40xf32>
    %dot_general3A_46 = arith.constant dense<0.000000e+00> : vector<24x16384xf32>
    %dot_general3A_47 = tpu.matmul %get3A_45, %max3A_42, %dot_general3A_46 {dimension_numbers = #tpu.dot_dimension_numbers<[1], [0], [0], [1], [0, 0, 1, 1], [], []>, transpose_lhs_hint = false} : vector<24x40xf32>, vector<40x16384xf32>, vector<24x16384xf32> -> vector<24x16384xf32>
    %get3A_48 = arith.constant 0 : index
    %get3A_49 = arith.constant 0 : index
    %get3A_50 = vector.load %arg19[%get3A_48, %get3A_49] : memref<24x1xf32, #tpu.memory_space<vmem>>, vector<24x1xf32>
    %add3A_51 = vector.broadcast %get3A_50 : vector<24x1xf32> to vector<24x16384xf32>
    %add3A_52 = arith.addf %dot_general3A_47, %add3A_51 : vector<24x16384xf32>
    %max3A_53 = arith.constant 0.000000e+00 : f32
    %max3A_54 = vector.broadcast %max3A_53 : f32 to vector<24x16384xf32>
    %max3A_55 = arith.maximumf %add3A_52, %max3A_54 : vector<24x16384xf32>
    %get3A_56 = arith.constant 0 : index
    %get3A_57 = arith.constant 0 : index
    %get3A_58 = vector.load %arg20[%get3A_56, %get3A_57] : memref<1x24xf32, #tpu.memory_space<vmem>>, vector<1x24xf32>
    %dot_general3A_59 = arith.constant dense<0.000000e+00> : vector<1x16384xf32>
    %dot_general3A_60 = tpu.matmul %get3A_58, %max3A_55, %dot_general3A_59 {dimension_numbers = #tpu.dot_dimension_numbers<[1], [0], [0], [1], [0, 0, 1, 1], [], []>, transpose_lhs_hint = false} : vector<1x24xf32>, vector<24x16384xf32>, vector<1x16384xf32> -> vector<1x16384xf32>
    %get3A_61 = arith.constant 0 : index
    %get3A_62 = arith.constant 0 : index
    %get3A_63 = vector.load %arg11[%get3A_61, %get3A_62] : memref<1x1xf32, #tpu.memory_space<vmem>>, vector<1x1xf32>
    %add3A_64 = vector.broadcast %get3A_63 : vector<1x1xf32> to vector<1x16384xf32>
    %add3A_65 = arith.addf %dot_general3A_60, %add3A_64 : vector<1x16384xf32>
    %swap3A = arith.constant 0 : index
    %swap3A_66 = arith.constant 0 : index
    %swap3A_67 = vector.load %arg13[%swap3A, %swap3A_66] : memref<1x16384xf32, #tpu.memory_space<vmem>>, vector<1x16384xf32>
    tpu.vector_store %arg13[%swap3A, %swap3A_66], %add3A_65 {strides = array<i32>} : memref<1x16384xf32, #tpu.memory_space<vmem>>, vector<1x16384xf32>,
    return
  }
  func.func @transform_0(%arg0: i32) -> (i32, i32) {
    %c0_i32 = arith.constant 0 : i32
    %c0_i32_0 = arith.constant 0 : i32
    %c0_i32_1 = arith.constant 0 : i32
    return %c0_i32, %c0_i32_0 : i32, i32
  }
  func.func @transform_1(%arg0: i32) -> (i32, i32) {
    %c0_i32 = arith.constant 0 : i32
    %c0_i32_0 = arith.constant 0 : i32
    %c0_i32_1 = arith.constant 0 : i32
    return %c0_i32, %c0_i32_0 : i32, i32
  }
  func.func @transform_2(%arg0: i32) -> (i32, i32) {
    %c0_i32 = arith.constant 0 : i32
    %c0_i32_0 = arith.constant 0 : i32
    %c0_i32_1 = arith.constant 0 : i32
    return %c0_i32, %c0_i32_0 : i32, i32
  }
  func.func @transform_3(%arg0: i32) -> (i32, i32) {
    %c0_i32 = arith.constant 0 : i32
    %c0_i32_0 = arith.constant 0 : i32
    %c0_i32_1 = arith.constant 0 : i32
    return %c0_i32, %c0_i32_0 : i32, i32
  }
  func.func @transform_4(%arg0: i32) -> (i32, i32) {
    %c0_i32 = arith.constant 0 : i32
    %c0_i32_0 = arith.constant 0 : i32
    %c0_i32_1 = arith.constant 0 : i32
    return %c0_i32, %c0_i32_0 : i32, i32
  }
  func.func @transform_5(%arg0: i32) -> (i32, i32) {
    %c0_i32 = arith.constant 0 : i32
    %c0_i32_0 = arith.constant 0 : i32
    %c0_i32_1 = arith.constant 0 : i32
    return %c0_i32, %c0_i32_0 : i32, i32
  }
  func.func @transform_6(%arg0: i32) -> (i32, i32) {
    %c0_i32 = arith.constant 0 : i32
    %c0_i32_0 = arith.constant 0 : i32
    %c0_i32_1 = arith.constant 0 : i32
    return %c0_i32, %c0_i32_0 : i32, i32
  }
  func.func @transform_7(%arg0: i32) -> (i32, i32) {
    %c0_i32 = arith.constant 0 : i32
    %c0_i32_0 = arith.constant 0 : i32
    %c0_i32_1 = arith.constant 0 : i32
    return %c0_i32, %c0_i32_0 : i32, i32
  }
  func.func @transform_8(%arg0: i32) -> (i32, i32) {
    %c0_i32 = arith.constant 0 : i32
    %c0_i32_0 = arith.constant 0 : i32
    %c0_i32_1 = arith.constant 0 : i32
    return %c0_i32, %c0_i32_0 : i32, i32
  }
  func.func @transform_9(%arg0: i32) -> (i32, i32) {
    %c0_i32 = arith.constant 0 : i32
    %c0_i32_0 = arith.constant 0 : i32
    %c0_i32_1 = arith.constant 0 : i32
    return %c0_i32, %c0_i32_0 : i32, i32
  }
  func.func @transform_10(%arg0: i32) -> (i32, i32) {
    %c0_i32 = arith.constant 0 : i32
    %c0_i32_0 = arith.constant 0 : i32
    %c0_i32_1 = arith.constant 0 : i32
    return %c0_i32, %c0_i32_0 : i32, i32
  }
  func.func @transform_11(%arg0: i32) -> (i32, i32, i32) {
    %c0_i32 = arith.constant 0 : i32
    %c0_i32_0 = arith.constant 0 : i32
    %c0_i32_1 = arith.constant 0 : i32
    return %c0_i32, %c0_i32_0, %arg0 : i32, i32, i32
  }
  func.func @transform_12(%arg0: i32) -> (i32, i32) {
    %c0_i32 = arith.constant 0 : i32
    %c0_i32_0 = arith.constant 0 : i32
    return %c0_i32, %arg0 : i32, i32
  }
}

</mosaic_0001>

<sc_bundles>
// kernel: kernel.4.cloned.1.call-start
scs
__scs_entry_jumppad:
0x0: {  	(pc) =	sbr.rel $0x88, $3  }
0x1: {  	(tag) =	ssettag $0x0;
	lr =	simm.s32 $0x1  }
0x2: {  	[smem:$0x3F95] =	sst lr;
	_ =	strace $0xD0000000  }
0x3: {  	_ = 	snop  }
0x4: {  	_ = 	snop  }
0x5: {  	_ = 	snop  }
0x6: {  	_ = 	snop  }
0x7: {  	_ = 	snop  }
__scs_overlays_trampoline_lowered:
0x8: {  	[smem:$0x3FA4] =	sst s0  }
0x9: {  	[smem:$0x3FA5] =	sst s1  }
0xa: {  	[smem:$0x3FA6] =	sst s2  }
0xb: {  	[smem:$0x3FA7] =	sst s3  }
0xc: {  	[smem:$0x3FA8] =	sst s4  }
0xd: {  	[smem:$0x3FA9] =	sst s5  }
0xe: {  	[smem:$0x3FAA] =	sst s6  }
0xf: {  	[smem:$0x3FAB] =	sst s7  }
0x10: {  	[smem:$0x3FAC] =	sst s8  }
0x11: {  	[smem:$0x3FAD] =	sst s9;
	s0 =	simm.s32 @!p0 $0x0  }
0x12: {  	s1 =	sld [smem:$0x3F93];
	s0 =	simm.s32 @p0 $0x1  }
0x13: {  	[smem:$0x3FAE] =	sst s0;
	s0 =	simm.s32 @!p1 $0x0  }
0x14: {  	s2 =	sld [smem:$0x3F92];
	s0 =	simm.s32 @p1 $0x1  }
0x15: {  	[smem:$0x3FAF] =	sst s0;
	s0 =	simm.s32 @!p2 $0x0  }
0x16: {  	s3 =	sld [smem:$0x3FDB];
	s0 =	simm.s32 @p2 $0x1  }
0x17: {  	s4 =	simm.s32 $0x1BF5;
	[smem:$0x3FB1] =	sst s0  }
0x18: {  	s0 =	sld [smem:$0x3F94];
	_ =	swait.ge [sflag:s4], $0x0  }
0x19: {  	s7 =	sld [smem:$0x3F95]  }
0x1a: {  	s8 =	sadd.s32 $0xFFFFE003, lr  }
0x1b: {  	s9 =	sadd.s32 $0xFFFFFEF7, lr;
	s5 =	simm.s32 $0xFFFFFFFF;
	p2 =	slt.u32 s8, $0xFFFFF086  }
0x1c: {  	p1 =	slt.u32 s9, $0xF7A;
	s5 =	simm.s32 @!p2 $0x0  }
0x1d: {  	s5 =	simm.s32 @p1 $0x1;
	p0 =	seq.s32 s7, s2  }
0x1e: {  	s7 =	smul.u32 @!p0 $0xF7A, s2;
	p2 =	seq.s32 @!p0 s5, $0x0  }
0x1f: {  	s9 =	smul.u32 $0xF7A, s1;
	s8 =	simm.s32 @!p0 $0x1BF5;
	p2 =	por !p2, p0  }
0x20: {  	[sflag:s8] =	ssyncset.s32 @!p0 $0xFFFFF086;
	s6 =	sadd.s32 @!p0 s3, s7;
	s7 =	simm.s32 @!p0 $0x108  }
0x21: {  	s3 =	sadd.s32 s3, s9;
	s6 =	sadd.s32 @!p0 $0x88, s6;
	s7 =	simm.s32 @p2 $0x1082  }
0x22: {  	[simem:s7], [sflag:s8] =	dma.local @!p0 [hbm:s6], $0xF7A  }
0x23: {  	s9 =	sor.u32 $0xD0000000, s2;
	s6 =	simm.s32 $0x108;
	_ =	swait.ge @!p0 [sflag:s8], $0x0  }
0x24: {  	s3 =	sadd.s32 $0x88, s3;
	s6 =	simm.s32 @!p1 $0x1082;
	[sflag:s4] =	ssyncset.s32 $0xFFFFF086  }
0x25: {  	[simem:s6], [sflag:s4] =	dma.local [hbm:s3], $0xF7A  }
0x26: {  	[smem:$0x3F95] =	sst s1;
	(tag) =	ssettag s2;
	_ =	strace s9  }
0x27: {  	s1 =	sld [smem:$0x3FA5]  }
0x28: {  	s2 =	sld [smem:$0x3FA6]  }
0x29: {  	s4 =	sld [smem:$0x3FA8]  }
0x2a: {  	p0 =	seq.s32 s5, $0x0;
	s5 =	sld [smem:$0x3FA9]  }
0x2b: {  	s6 =	sld [smem:$0x3FAA]  }
0x2c: {  	s7 =	sld [smem:$0x3FAB]  }
0x2d: {  	s3 =	simm.s32 $0x108;
	s8 =	sld [smem:$0x3FAC]  }
0x2e: {  	s3 =	simm.s32 @!p0 $0x1082;
	s9 =	sld [smem:$0x3FAD]  }
0x2f: {  	lr =	sadd.s32 s0, s3;
	s0 =	sld [smem:$0x3FA4]  }
0x30: {  	s3 =	sld [smem:$0x3FA7]  }
0x31: {  	[smem:$0x3FB0] =	sst s10  }
0x32: {  	s10 =	sld [smem:$0x3FAE];
	_ =	sdelay $0x3  }
0x33: {  	p0 =	seq.s32 s10, $0x1;
	s10 =	sld [smem:$0x3FB0];
	_ =	sdelay $0x3  }
0x34: {  	[smem:$0x3FB0] =	sst s10  }
0x35: {  	s10 =	sld [smem:$0x3FAF];
	_ =	sdelay $0x3  }
0x36: {  	p1 =	seq.s32 s10, $0x1;
	s10 =	sld [smem:$0x3FB0];
	_ =	sdelay $0x3  }
0x37: {  	[smem:$0x3FB0] =	sst s10  }
0x38: {  	s10 =	sld [smem:$0x3FB1]  }
0x39: {  	_ = 	snop;
	(pc) =	sbr.ind lr, $3  }
0x3a: {  	_ = 	snop  }
0x3b: {  	_ = 	snop  }
0x3c: {  	p2 =	seq.s32 s10, $0x1;
	s10 =	sld [smem:$0x3FB0]  }
0x3d: {  	_ =	shalt  }
0x3e: {  	_ =	shalt  }
0x3f: {  	_ =	shalt  }
0x40: {  	_ =	shalt  }
0x41: {  	_ =	shalt  }
0x42: {  	_ =	shalt  }
0x43: {  	_ =	shalt  }
0x44: {  	_ =	shalt  }
0x45: {  	_ =	shalt  }
0x46: {  	_ =	shalt  }
0x47: {  	_ =	shalt  }
0x48: {  	_ =	shalt  }
0x49: {  	_ =	shalt  }
0x4a: {  	_ =	shalt  }
0x4b: {  	_ =	shalt  }
0x4c: {  	_ =	shalt  }
0x4d: {  	_ =	shalt  }
0x4e: {  	_ =	shalt  }
0x4f: {  	_ =	shalt  }
0x50: {  	_ =	shalt  }
0x51: {  	_ =	shalt  }
0x52: {  	_ =	shalt  }
0x53: {  	_ =	shalt  }
0x54: {  	_ =	shalt  }
0x55: {  	_ =	shalt  }
0x56: {  	_ =	shalt  }
0x57: {  	_ =	shalt  }
0x58: {  	_ =	shalt  }
0x59: {  	_ =	shalt  }
0x5a: {  	_ =	shalt  }
0x5b: {  	_ =	shalt  }
0x5c: {  	_ =	shalt  }
0x5d: {  	_ =	shalt  }
0x5e: {  	_ =	shalt  }
0x5f: {  	_ =	shalt  }
0x60: {  	_ =	shalt  }
0x61: {  	_ =	shalt  }
0x62: {  	_ =	shalt  }
0x63: {  	_ =	shalt  }
0x64: {  	_ =	shalt  }
0x65: {  	_ =	shalt  }
0x66: {  	_ =	shalt  }
0x67: {  	_ =	shalt  }
0x68: {  	_ =	shalt  }
0x69: {  	_ =	shalt  }
0x6a: {  	_ =	shalt  }
0x6b: {  	_ =	shalt  }
0x6c: {  	_ =	shalt  }
0x6d: {  	_ =	shalt  }
0x6e: {  	_ =	shalt  }
0x6f: {  	_ =	shalt  }
0x70: {  	_ =	shalt  }
0x71: {  	_ =	shalt  }
0x72: {  	_ =	shalt  }
0x73: {  	_ =	shalt  }
0x74: {  	_ =	shalt  }
0x75: {  	_ =	shalt  }
0x76: {  	_ =	shalt  }
0x77: {  	_ =	shalt  }
0x78: {  	_ =	shalt  }
0x79: {  	_ =	shalt  }
0x7a: {  	_ =	shalt  }
0x7b: {  	_ =	shalt  }
0x7c: {  	_ =	shalt  }
0x7d: {  	_ =	shalt  }
0x7e: {  	_ =	shalt  }
0x7f: {  	_ =	shalt  }
0x80: {  	_ =	shalt  }
0x81: {  	_ =	shalt  }
0x82: {  	_ =	shalt  }
0x83: {  	_ =	shalt  }
0x84: {  	_ =	shalt  }
0x85: {  	_ =	shalt  }
0x86: {  	_ =	shalt  }
0x87: {  	_ =	shalt  }
.Lfunc_end0:
.L_simem_size_0:
called_computation_lowered:
.L_overlay_start_0:
0x88: {  	s2 =	sld [smem:$0x3FD9]  }
0x89: {  	s3 =	sld [smem:$0x3FFE];
	_ =	sdelay $0x1  }
0x8a: {  	s1 =	srdreg.scid  }
0x8b: {  	s0 =	sand.u32 $0x1, s1  }
0x8c: {  	s18 =	sshll.u32 s0, $0xA;
	s2 =	sadd.s32 s3, s2  }
0x8d: {  	s2 =	sadd.s32 s2, s18  }
0x8e: {  	[smem:$0x3FBC] =	sst s2  }
0x8f: {  	_ = 	snop  }
0x90: {  	s2 =	sld [smem:$0x3FC8]  }
0x91: {  	s19 =	sld [smem:$0x3FD0];
	(tm) =	ssettm $0x1  }
0x92: {  	s4 =	sld [smem:$0x3FFB];
	_ =	sdelay $0x3  }
0x93: {  	_ =	strace s4  }
0x94: {  	s4 =	sld [smem:$0x3FFC];
	_ =	sdelay $0x3  }
0x95: {  	_ =	strace s4  }
0x96: {  	s4 =	sld [smem:$0x3FFD];
	_ =	sdelay $0x3  }
0x97: {  	_ =	strace s4  }
0x98: {  	_ =	strace $0x8FFFFFFF  }
0x99: {  	s20 =	sld [smem:$0x3FDB];
	_ =	sdelay $0x1  }
0x9a: {  	s5 =	simm.s32 $_scs_section_size  }
0x9b: {  	s6 =	simm.s32 $_size__tile_overlayer_lowered;
	s7 =	simm.s32 $_tile_overlayer_lowered  }
0x9c: {  	s23 =	simm.s32 $0x1BFF;
	s22 =	sshll.u32 s7, $0x1;
	s4 =	sadd.s32 s5, s20  }
0x9d: {  	s8 =	simm.s32 $0x0;
	s21 =	sshll.u32 s6, $0x1;
	s6 =	sadd.s32 s22, s4  }
0x9e: {  	[timem:s8], [sflag:s23] =	dma.local [hbm:s6], s21  }
0x9f: {  	_ =	swait.ge [sflag:s23], s21  }
0xa0: {  	s5 =	ssub.s32 $0x0, s21;
	[sflag:s23] =	ssyncset.done $0x0  }
0xa1: {  	[sflag:s23] =	ssyncadd.s32 s5;
	_ =	sdelay $0x1  }
0xa2: {  	s24 =	simm.s32 $0x1B8B  }
0xa3: {  	_ =	swait.ge [sflag:s24], $0x1  }
0xa4: {  	[sflag:s24] =	ssyncset.done $0x0  }
0xa5: {  	s25 =	simm.s32 $0x1B8E;
	[sflag:s24] =	ssyncadd.s32 $0xFFFFFFFF  }
0xa6: {  	s26 =	simm.s32 $execute0_lowered;
	[smem:$0x3FD2] =	sst s25  }
0xa7: {  	s5 =	sshll.u32 s26, $0x1;
	_ =	strace $0x80000046;
	[dreg:$0x1] =	wrdreg $0xFFFFFFFF  }
0xa8: {  	s28 =	simm.s32 $_size_execute0_lowered;
	s4 =	sadd.s32 s4, s5;
	[dreg:$0x0] =	wrdreg $0x0  }
0xa9: {  	s5 =	sshll.u32 s28, $0x1;
	[dreg:$0x2] =	wrdreg s4  }
0xaa: {  	[dreg:$0x3] =	wrdreg s5  }
0xab: {  	[dreg:$0x4] =	wrdreg $0xC0  }
0xac: {  	_ =	task [dreg:s8], $0x5FFFF  }
0xad: {  	[dreg:$0x1] =	wrdreg $0xFFFFFFFF  }
0xae: {  	[dreg:$0x0] =	wrdreg $0x60  }
0xaf: {  	[dreg:$0x2] =	wrdreg s2  }
0xb0: {  	[dreg:$0x3] =	wrdreg s19  }
0xb1: {  	[dreg:$0x4] =	wrdreg $0x9  }
0xb2: {  	_ =	task.clear_ibuf [dreg:s8], $0x5FFFF;
	_ =	strace $0x90000046  }
0xb3: {  	s29 =	simm.s32 $0x9;
	_ =	strace $0x80000048  }
0xb4: {  	_ =	swait.ge [sflag:s29], $0x1  }
0xb5: {  	[sflag:s29] =	ssyncadd.s32 $0xFFFFFFFF  }
0xb6: {  	_ =	strace $0x90000048  }
0xb7: {  	_ =	sfence  }
0xb8: {  	s30 =	sld [smem:$0x0];
	_ =	sdelay $0x2  }
0xb9: {  	s31 =	sshll.u32 s1, $0xD;
	s1 =	sshrl.u32 s1, $0x2  }
0xba: {  	s3 =	sand.u32 $0x4000, s31;
	s1 =	sadd.s32 s1, s30  }
0xbb: {  	s0 =	sor.u32 s3, s0;
	s1 =	sshll.u32 s1, $0x11  }
0xbc: {  	s0 =	sor.u32 s1, s0  }
0xbd: {  	s0 =	sadd.s32 $0x8F2B, s0  }
0xbe: {  	[sflag:s0] =	ssyncadd.remote.s32 $0x1  }
0xbf: {  	_ =	sfence.sel $0xFFFF  }
0xc0: {  	[dreg:$0x0] =	wrdreg $0xFFFFFFFF;
	(pc) =	sbr.abs _section_cstart, $3  }
0xc1: {  	[dreg:$0x1] =	wrdreg $0xFFFFFFFF  }
0xc2: {  	_ =	task.clear_ibuf [dreg:s8], $0x2FFFF;
	_ =	strace $0x9FFFFFFF  }
0xc3: {  	(tm) =	ssettm $0x7FFFFFFF  }
tec
execute0_lowered:
.L_overlay_start_1:
0x0: {  	(tag) =	ssettag $0x1  }
0x1: {  	s30 =	srdreg.scid  }
0x2: {  	s31 =	stileid.u32;
	s2 =	sand.u32 $0x1, s30  }
0x3: {  	s3 =	sor.u32 s31, s2  }
0x4: {  	p0 =	sne.s32 s3, $0x0  }
.Ltmp0:
0x5: {  	s0 =	rddreg [dreg:$0x0];
	(pc) =	sbr.rel @p0 .LBB2_3-.Ltmp0, $4  }
0x6: {  	s1 =	rddreg [dreg:$0x1]  }
0x7: {  	[dreg:$0x3] =	wrdreg s0  }
0x8: {  	[dreg:$0x4] =	wrdreg s1  }
0x9: {  	_ =	strace $0x80000047  }
0xa: {  	vm0 =	vcmask $0x700;
	v1 =	vimm.f32 $1.000000000e+00  }
0xb: {  	v0 =	vimm.f32 $0.0e+00;
	vm7 =	vcmask $0x300;
	v1 =	vsel vm0, $0x0, v1  }
0xc: {  	vm12 =	vcmask $0x704;
	[tilespmem:$0x1FF30] =	vst v1;
	v1 =	vsel vm7, $0x3F800000, v0  }
0xd: {  	vm1 =	vcmask $0xB08;
	[tilespmem:$0x1FF40] =	vst v1;
	v1 =	vsel vm12, $0x3F800000, v0  }
0xe: {  	vm2 =	vcmask $0xF0C;
	[tilespmem:$0x1FF50] =	vst v1;
	v1 =	vsel vm1, $0x3F800000, v0  }
0xf: {  	vm3 =	vcmask $0x1310;
	[tilespmem:$0x1FF60] =	vst v1;
	v1 =	vsel vm2, $0x3F800000, v0  }
0x10: {  	vm4 =	vcmask $0x1714;
	[tilespmem:$0x1FF70] =	vst v1;
	v1 =	vsel vm3, $0x3F800000, v0  }
0x11: {  	vm5 =	vcmask $0x1B18;
	[tilespmem:$0x1FF80] =	vst v1;
	v1 =	vsel vm4, $0x3F800000, v0  }
0x12: {  	vm6 =	vcmask $0x1F1C;
	[tilespmem:$0x1FF90] =	vst v1;
	v1 =	vsel vm5, $0x3F800000, v0  }
0x13: {  	vm13 =	vcmask $0x2320;
	[tilespmem:$0x1FFA0] =	vst v1;
	v1 =	vsel vm6, $0x3F800000, v0  }
0x14: {  	vm8 =	vcmask $0x2724;
	[tilespmem:$0x1FFB0] =	vst v1;
	v1 =	vsel vm13, $0x3F800000, v0  }
0x15: {  	[tilespmem:$0x1FFC0] =	vst v1;
	v1 =	vsel vm8, $0x3F800000, v0  }
0x16: {  	vm14 =	vmmov $0x3ff;
	[tilespmem:$0x1FFD0] =	vst v1;
	v1 =	vimm.s32 $0x0  }
0x17: {  	v1 =	vsel vm14, $0xFFFFFFFF, v1  }
0x18: {  	s2 =	ssub.s32 $0x2, s2;
	vm15 =	vmmov $0x1;
	[tilespmem:$0x1FFE0] =	vst v1;
	v1 =	vimm.s32 $0x0  }
0x19: {  	s5 =	simm.s32 $0x180;
	s4 =	simm.s32 $0x1;
	s3 =	sshrl.u32 s2, $0x1;
	v1 =	vsel vm15, $0xFFFFFFFF, v1  }
0x1a: {  	[dreg:$0x5] =	wrdreg s5;
	s2 =	ssub.s32 s2, s3;
	s3 =	simm.s32 $0x0;
	[tilespmem:$0x1FFF0] =	vst v1  }
.LBB2_2:
0x1b: {  	s5 =	rddreg [dreg:$0x3]  }
0x1c: {  	[tilespmem:s3], [sflag:$0x1] =	stream.linear.gather [hbm4b:s5+s3], $0x100, $0x38;
	[tilespmem:$0x980] =	vst v63  }
0x1d: {  	_ =	swait.ge [sflag:s4], $0x100  }
0x1e: {  	[sflag:s4] =	ssyncset.done $0x0  }
0x1f: {  	[sflag:s4] =	ssyncadd.s32 $0xFFFFFF00  }
0x20: {  	v4 =	vimm.s32 $0x0;
	v2 =	vld [tilespmem:$0x80]  }
0x21: {  	v18 =	vimm.s32 $0x0;
	v19 =	vimm.s32 $0x0;
	v20 =	vimm.s32 $0x0;
	v1 =	vld [tilespmem:$0x8E]  }
0x22: {  	v21 =	vimm.s32 $0x0;
	v22 =	vimm.s32 $0x0;
	v23 =	vimm.s32 $0x0;
	v5 =	vld [tilespmem:$0x1FF30]  }
0x23: {  	v24 =	vimm.s32 $0x0;
	v6 =	vimm.s32 $0x0;
	v27 =	vimm.s32 $0x0  }
0x24: {  	v29 =	vimm.s32 $0x0;
	v31 =	vimm.s32 $0x0;
	v35 =	vimm.s32 $0x0  }
0x25: {  	v37 =	vimm.s32 $0x0;
	vm3 =	vcmask $0x3F04;
	vm13 =	veq.s32 v2, $0x0  }
0x26: {  	v50 =	vimm.s32 $0x0;
	vm6 =	veq.s32 v1, $0x0;
	v3 =	vsel vm13, $0x3F800000, v0  }
0x27: {  	v51 =	vimm.s32 $0x0;
	vm9 =	veq.s32 v2, $0x1;
	(xrf2) =	vadd.scan.msk.f32 $0xffff, v3;
	v3 =	vnsel vm6, $0x0, v5  }
0x28: {  	v52 =	vimm.s32 $0x0;
	vm5 =	veq.s32 v1, $0x1;
	(xrf2) =	vadd.scan.msk.f32 $0xffff, v3;
	v3 =	vsel vm9, $0x3F800000, v0  }
0x29: {  	v53 =	vimm.s32 $0x0;
	vm0 =	veq.s32 v2, $0x2;
	(xrf2) =	vadd.scan.msk.f32 $0xffff, v3;
	v3 =	vnsel vm5, $0x0, v5  }
0x2a: {  	v55 =	vimm.s32 $0x0;
	vm12 =	veq.s32 v1, $0x2;
	(xrf2) =	vadd.scan.msk.f32 $0xffff, v3;
	v3 =	vsel vm0, $0x3F800000, v0  }
0x2b: {  	vm14 =	veq.s32 v2, $0x3;
	vm15 =	veq.s32 v1, $0x3;
	(xrf2) =	vadd.scan.msk.f32 $0xffff, v3;
	v3 =	vnsel vm12, $0x0, v5  }
0x2c: {  	vm4 =	veq.s32 v2, $0x4;
	vm7 =	veq.s32 v1, $0x4;
	(xrf2) =	vadd.scan.msk.f32 $0xffff, v3;
	v3 =	vsel vm14, $0x3F800000, v0  }
0x2d: {  	vm8 =	veq.s32 v2, $0x5;
	vm10 =	veq.s32 v1, $0x5;
	(xrf2) =	vadd.scan.msk.f32 $0xffff, v3;
	v3 =	vnsel vm15, $0x0, v5  }
0x2e: {  	vm11 =	veq.s32 v2, $0x6;
	v4 =	vsel vm0, $0xFFFFFFFF, v4;
	(xrf2) =	vadd.scan.msk.f32 $0xffff, v3;
	v3 =	vsel vm4, $0x3F800000, v0  }
0x2f: {  	[tilespmem:$0x1FB20] =	vst v4;
	v4 =	vsel vm12, $0xFFFFFFFF, v18;
	(xrf2) =	vadd.scan.msk.f32 $0xffff, v3;
	v3 =	vnsel vm7, $0x0, v5  }
0x30: {  	[tilespmem:$0x1FB10] =	vst v4;
	v4 =	vsel vm14, $0xFFFFFFFF, v19;
	(xrf2) =	vadd.scan.msk.f32 $0xffff, v3;
	v3 =	vsel vm8, $0x3F800000, v0  }
0x31: {  	[tilespmem:$0x1FB40] =	vst v4;
	v4 =	vsel vm15, $0xFFFFFFFF, v20;
	v25, _, _ =	vpop (xrf2);
	(xrf2) =	vadd.scan.msk.f32 $0xffff, v3;
	v3 =	vnsel vm10, $0x0, v5  }
0x32: {  	[tilespmem:$0x1FB30] =	vst v4;
	vm12 =	veq.s32 v1, $0x6;
	v26, _, _ =	vpop (xrf2);
	(xrf2) =	vadd.scan.msk.f32 $0xffff, v3;
	v3 =	vsel vm11, $0x3F800000, v0  }
0x33: {  	v4 =	vsel vm4, $0xFFFFFFFF, v21;
	vm14 =	veq.s32 v2, $0x7;
	(xrf2) =	vadd.scan.msk.f32 $0xffff, v3;
	v3 =	vnsel vm12, $0x0, v5  }
0x34: {  	[tilespmem:$0x1FB60] =	vst v4;
	vm15 =	veq.s32 v1, $0x7;
	(xrf2) =	vadd.scan.msk.f32 $0xffff, v3;
	v3 =	vsel vm14, $0x3F800000, v0  }
0x35: {  	v4 =	vsel vm7, $0xFFFFFFFF, v22;
	(v2sf) =	vpush v25, $0xF;
	v28, _, _ =	vpop (xrf2);
	(xrf2) =	vadd.scan.msk.f32 $0xffff, v3;
	v3 =	vnsel vm15, $0x0, v5  }
0x36: {  	vm7 =	veq.s32 v2, $0x8;
	(v2sf) =	vpush v26, $0xF;
	v30, _, _ =	vpop (xrf2);
	(xrf2) =	vadd.scan.msk.f32 $0xffff, v3;
	v3 =	vimm.s32 $0x0  }
0x37: {  	v57 =	vimm.s32 $0x0;
	(v2sf) =	vpush v28, $0xF;
	v3 =	vsel vm7, $0xFFFFFFFF, v3  }
0x38: {  	v59 =	vimm.s32 $0x0;
	v8 =	vimm.s32 $0x0;
	(v2sf) =	vpush v30, $0xF;
	v32, _, _ =	vpop (xrf2)  }
0x39: {  	v61 =	vimm.s32 $0x0;
	v62 =	vimm.s32 $0x0;
	(v2sf) =	vpush v32, $0xF;
	v33, _, _ =	vpop (xrf2)  }
0x3a: {  	v63 =	vimm.s32 $0x0;
	v9 =	vimm.s32 $0x0;
	(v2sf) =	vpush v33, $0xF;
	[tilespmem:$0x1FC50] =	vst v3;
	v3, _, _ =	vpop (xrf2)  }
0x3b: {  	vm0 =	veq.s32 v1, $0x8;
	v34 =	vsel vm7, $0x3F800000, v0;
	(v2sf) =	vpush v3, $0xF;
	v3, _, _ =	vpop (xrf2)  }
0x3c: {  	v14 =	vimm.s32 $0x0;
	v36 =	vnsel vm0, $0x0, v5;
	(xrf2) =	vadd.scan.msk.f32 $0xffff, v34;
	(v2sf) =	vpush v3, $0xF;
	v3, _, _ =	vpop (xrf2)  }
0x3d: {  	v16 =	vimm.s32 $0x0;
	vm2 =	veq.s32 v1, $0x9;
	(xrf2) =	vadd.scan.msk.f32 $0xffff, v36;
	(v2sf) =	vpush v3, $0xF;
	v3, _, _ =	vpop (xrf2)  }
0x3e: {  	v6 =	vsel vm11, $0xFFFFFFFF, v6;
	v1 =	vimm.s32 $0x0;
	(v2sf) =	vpush v3, $0xF;
	v3, _, _ =	vpop (xrf2)  }
0x3f: {  	v17 =	vimm.s32 $0x0;
	[tilespmem:$0x1FBA0] =	vst v6;
	v1 =	vsel vm2, $0xFFFFFFFF, v1;
	(v2sf) =	vpush v3, $0xF;
	v3, _, _ =	vpop (xrf2)  }
0x40: {  	vm1 =	veq.s32 v2, $0x9;
	[tilespmem:$0x1FB50] =	vst v4;
	v4 =	vsel vm8, $0xFFFFFFFF, v23;
	(v2sf) =	vpush v3, $0xF;
	v3, _, _ =	vpop (xrf2)  }
0x41: {  	v38 =	vsel vm1, $0x3F800000, v0;
	v21 =	vimm.s32 $0x0;
	[tilespmem:$0x1FB70] =	vst v4;
	(v2sf) =	vpush v3, $0xF;
	v3, _, _ =	vpop (xrf2)  }
0x42: {  	v6 =	vsel vm12, $0xFFFFFFFF, v27;
	v23 =	vimm.s32 $0x0;
	[tilespmem:$0x1FCA0] =	vst v1;
	(v2sf) =	vpush v3, $0xF;
	v1, _, _ =	vpop (xrf2)  }
0x43: {  	v4 =	vsel vm10, $0xFFFFFFFF, v24;
	[tilespmem:$0x1FB90] =	vst v6;
	v6 =	vsel vm14, $0xFFFFFFFF, v29;
	(v2sf) =	vpush v1, $0xF;
	v1, _, _ =	vpop (xrf2)  }
0x44: {  	[tilespmem:$0x1FB80] =	vst v4;
	(xrf2) =	vadd.scan.msk.f32 $0xffff, v38;
	s11 =	spop (v2sf);
	v3 =	vnsel vm2, $0x0, v5;
	(v2sf) =	vpush v1, $0xF  }
0x45: {  	v24 =	vimm.s32 $0x0;
	[tilespmem:$0x1FBD0] =	vst v6;
	v6 =	vsel vm15, $0xFFFFFFFF, v31;
	s6 =	spop (v2sf);
	(xrf2) =	vadd.scan.msk.f32 $0xffff, v3  }
0x46: {  	v4 =	vsel vm1, $0xFFFFFFFF, v37;
	vm1 =	vcmask $0x3F08;
	[tilespmem:$0x1FBE0] =	vst v6;
	v6 =	vsel vm0, $0xFFFFFFFF, v35;
	s7 =	spop (v2sf);
	v1, _, _ =	vpop (xrf2)  }
0x47: {  	vm0 =	vcmask $0x704;
	vm6 =	vmand vm6, vm1;
	s5 =	sadd.f32 s6, s11;
	s8 =	spop (v2sf);
	(v2sf) =	vpush v1, $0xF;
	v1, _, _ =	vpop (xrf2)  }
0x48: {  	vm10 =	vcmask $0xB08;
	vm11 =	vcmask $0x3F0C;
	s12 =	spop (v2sf);
	s7 =	sadd.f32 s8, s7;
	(v2sf) =	vpush v1, $0xF  }
0x49: {  	vm12 =	vcmask $0xF0C;
	vm14 =	vcmask $0x3F10;
	s13 =	spop (v2sf);
	v1 =	vmov s5  }
0x4a: {  	vm15 =	vcmask $0x1310;
	v1 =	vsel vm3, $0x0, v1;
	v3 =	vmov s7;
	s6 =	sadd.f32 s13, s12;
	s14 =	spop (v2sf)  }
0x4b: {  	vm2 =	vcmask $0x3F14;
	v1 =	vadd.f32 $1.000000000e+00, v1;
	v3 =	vnsel vm0, $0x0, v3;
	s15 =	spop (v2sf)  }
0x4c: {  	vm3 =	vcmask $0x1714;
	v3 =	vsel vm1, $0x0, v3;
	v39 =	vmov s6;
	s16 =	spop (v2sf);
	s5 =	sadd.f32 s15, s14  }
0x4d: {  	v1 =	vadd.f32 v1, v3;
	v3 =	vnsel vm10, $0x0, v39;
	vm10 =	vcmask $0x3F18;
	s17 =	spop (v2sf)  }
0x4e: {  	v7 =	vld [tilespmem:$0xE];
	[tilespmem:$0x1FC80] =	vst v4;
	v4, _, _ =	vpop (xrf2);
	v3 =	vsel vm11, $0x0, v3;
	vm11 =	vcmask $0x1B18;
	s18 =	spop (v2sf);
	v41 =	vmov s5;
	s19 =	sadd.f32 s17, s16  }
0x4f: {  	v1 =	vadd.f32 v1, v3;
	(v2sf) =	vpush v4, $0xF;
	v40, _, _ =	vpop (xrf2);
	s20 =	spop (v2sf);
	v3 =	vnsel vm12, $0x0, v41  }
0x50: {  	v43 =	vld [tilespmem:$0x0];
	(v2sf) =	vpush v40, $0xF;
	s21 =	spop (v2sf);
	v3 =	vsel vm14, $0x0, v3;
	v42 =	vmov s19;
	s22 =	sadd.f32 s20, s18  }
0x51: {  	vm12 =	vcmask $0x3F1C;
	s23 =	spop (v2sf);
	v1 =	vadd.f32 v1, v3;
	v3 =	vnsel vm15, $0x0, v42  }
0x52: {  	vm14 =	vcmask $0x1F1C;
	s24 =	spop (v2sf);
	v3 =	vsel vm2, $0x0, v3;
	v45 =	vmov s22;
	s25 =	sadd.f32 s23, s21  }
0x53: {  	vm2 =	veq.s32 v7, $0x0;
	s26 =	spop (v2sf);
	v1 =	vadd.f32 v1, v3;
	v3 =	vnsel vm3, $0x0, v45  }
0x54: {  	s6 =	sadd.f32 s26, s24;
	v3 =	vsel vm10, $0x0, v3;
	v46 =	vmov s25;
	vm10 =	vmand vm2, vm6  }
0x55: {  	v1 =	vadd.f32 v1, v3;
	v3 =	vnsel vm11, $0x0, v46;
	vm11 =	veq.s32 v43, $0x1  }
0x56: {  	[tilespmem:$0x1FC90] =	vst v6;
	s28 =	spop (v2sf);
	v47 =	vmov s6;
	v3 =	vsel vm12, $0x0, v3;
	v6 =	vsel vm11, $0xFFFFFFFF, v50  }
0x57: {  	s29 =	spop (v2sf);
	vm3 =	vmand vm11, vm13;
	vm12 =	veq.s32 v43, $0x3;
	vm11 =	vcmask $0x2724  }
0x58: {  	s5 =	sadd.f32 s29, s28;
	v5 =	vnsel vm14, $0x0, v47;
	v3 =	vadd.f32 v1, v3;
	v1 =	vor.u32 v43, v2  }
0x59: {  	vm14 =	veq.s32 v43, $0x2;
	v25 =	vsel vm3, $0x3F800000, v0;
	vm4 =	vmand vm12, vm13  }
0x5a: {  	v5 =	vcombine.low v5, v0;
	v2 =	vmov s5;
	vm15 =	veq.s32 v1, $0x0  }
0x5b: {  	v56 =	vld [tilespmem:$0x1FFE0];
	[tilespmem:$0x1FBF0] =	vst v6;
	v1 =	vimm.s32 $0x0;
	v6 =	vsel vm14, $0xFFFFFFFF, v51;
	v32 =	vsel vm4, $0x3F800000, v0  }
0x5c: {  	v1 =	vsel vm2, $0xFFFFFFFF, v1;
	v48 =	vsel vm0, $0x0, v2;
	v2 =	vsel vm10, $0x3F800000, v0  }
0x5d: {  	vm10 =	vmand vm14, vm13;
	vm14 =	veq.s32 v7, $0x2;
	vm2 =	veq.s32 v7, $0x4  }
0x5e: {  	[tilespmem:$0x1FCB0] =	vst v1;
	v1 =	vsel vm15, $0x3F800000, v0;
	v3 =	vadd.f32 v3, v5;
	v49 =	vcombine.low v0, v48  }
0x5f: {  	vm15 =	veq.s32 v7, $0x1;
	v13 =	vsel vm10, $0x3F800000, v0;
	v5 =	vsel vm12, $0xFFFFFFFF, v53  }
0x60: {  	vm3 =	vmand vm14, vm6;
	vm1 =	vmand vm2, vm6;
	vm10 =	vnez.u8 v56;
	s30 =	spop (v2sf)  }
0x61: {  	[tilespmem:$0x1FC00] =	vst v6;
	vm8 =	vmand vm15, vm6;
	v6 =	vsel vm15, $0xFFFFFFFF, v52;
	v30 =	vsel vm3, $0x3F800000, v0;
	s31 =	spop (v2sf)  }
0x62: {  	vm3 =	veq.s32 v43, $0x4;
	v33 =	vsel vm1, $0x3F800000, v0;
	v27 =	vsel vm8, $0x3F800000, v0;
	s5 =	sadd.f32 s31, s30  }
0x63: {  	v3 =	vadd.f32 v3, v49;
	vm12 =	vmand vm3, vm13;
	vm8 =	veq.s32 v7, $0x5  }
0x64: {  	[tilespmem:$0x1FC10] =	vst v5;
	v46 =	vsel vm12, $0x3F800000, v0;
	vm12 =	veq.s32 v43, $0x5;
	v54 =	vmov s5  }
0x65: {  	[tilespmem:$0x1FCC0] =	vst v6;
	v6 =	vsel vm8, $0xFFFFFFFF, v59;
	v5 =	vnsel vm11, $0x0, v54;
	vm11 =	veq.s32 v7, $0x3  }
0x66: {  	vm1 =	vmand vm12, vm13;
	v3 =	vadd.f32 v3, v5;
	vm7 =	vmand vm11, vm6  }
0x67: {  	v34 =	vsel vm1, $0x3F800000, v0;
	v5 =	vsel vm3, $0xFFFFFFFF, v55;
	v48 =	vsel vm7, $0x3F800000, v0  }
0x68: {  	[tilespmem:$0x1FC20] =	vst v5;
	v5 =	vsel vm12, $0xFFFFFFFF, v57;
	vm12 =	veq.s32 v43, $0x6;
	v3 =	vnsel vm10, $0x3F800000, v3  }
0x69: {  	vm10 =	vmand vm8, vm6;
	v8 =	vsel vm12, $0xFFFFFFFF, v8;
	vm8 =	veq.s32 v43, $0x8  }
0x6a: {  	v58 =	vshra.s32 v3, $0x1;
	v3 =	vmul.f32 $5.000000000e-01, v3;
	v47 =	vsel vm10, $0x3F800000, v0  }
0x6b: {  	[tilespmem:$0x1FC70] =	vst v5;
	vm10 =	vmand vm12, vm13;
	vm12 =	veq.s32 v7, $0x6;
	v5 =	vsub.s32 $0x5F3759DF, v58  }
0x6c: {  	[tilespmem:$0x1FC30] =	vst v8;
	v8 =	vsel vm12, $0xFFFFFFFF, v61;
	v35 =	vsel vm10, $0x3F800000, v0;
	vm1 =	vmand vm12, vm6  }
0x6d: {  	vm10 =	veq.s32 v43, $0x7;
	vm12 =	veq.s32 v7, $0x7;
	v60 =	vmul.f32 v5, v3  }
0x6e: {  	[tilespmem:$0x1FD10] =	vst v8;
	v36 =	vsel vm1, $0x3F800000, v0;
	v8 =	vsel vm10, $0xFFFFFFFF, v62;
	vm1 =	vmand vm10, vm13  }
0x6f: {  	[tilespmem:$0x1FD00] =	vst v6;
	vm4 =	vmand vm12, vm6;
	vm10 =	vmand vm8, vm13;
	v6 =	vmul.f32 v5, v60  }
0x70: {  	[tilespmem:$0x1FC40] =	vst v8;
	v8 =	vsel vm12, $0xFFFFFFFF, v63;
	v11 =	vsel vm1, $0x3F800000, v0;
	v10 =	vsel vm4, $0x3F800000, v0  }
0x71: {  	vm4 =	veq.s32 v7, $0x8;
	vm1 =	veq.s32 v43, $0x9;
	v6 =	vsub.f32 $1.500000000e+00, v6  }
0x72: {  	[tilespmem:$0x1FD20] =	vst v8;
	v8 =	vsel vm10, $0x3F800000, v0;
	vm7 =	vmand vm4, vm6;
	vm0 =	vmand vm1, vm13  }
0x73: {  	v20 =	vld [tilespmem:$0x1FC00];
	v12 =	vmul.f32 v5, v6;
	v5 =	vsel vm8, $0xFFFFFFFF, v9;
	v9 =	vsel vm7, $0x3F800000, v0  }
0x74: {  	v6 =	vsel vm1, $0xFFFFFFFF, v16;
	[tilespmem:$0x1FBB0] =	vst v5;
	v5 =	vsel vm4, $0xFFFFFFFF, v14;
	vm4 =	veq.s32 v43, $0x0;
	v14 =	vld [tilespmem:$0x1FCB0]  }
0x75: {  	v19 =	vld [tilespmem:$0x1FBF0];
	v15 =	vmul.f32 v12, v3;
	v4 =	vsel vm4, $0xFFFFFFFF, v17;
	vm4 =	vmand vm4, vm9  }
0x76: {  	v22 =	vld [tilespmem:$0x1FC10];
	vm7 =	veq.s32 v7, $0x9;
	[tilespmem:$0x1FD30] =	vst v5;
	v5 =	vsel vm4, $0x3F800000, v0;
	vm4 =	vcmask $0x3F08  }
0x77: {  	vm6 =	vmand vm7, vm6;
	v18 =	vmul.f32 v15, v12;
	vm5 =	vmand vm5, vm4  }
0x78: {  	[tilespmem:$0x1FBC0] =	vst v6;
	v6 =	vsel vm0, $0x3F800000, v0;
	v7 =	vsel vm6, $0x3F800000, v0;
	vm10 =	vmand vm15, vm5  }
0x79: {  	[tilespmem:$0x1FC60] =	vst v4;
	vm15 =	vnez.u8 v20;
	v4 =	vsub.f32 $1.500000000e+00, v18;
	vm13 =	vnez.u8 v14  }
0x7a: {  	v29 =	vld [tilespmem:$0x1FC30];
	v43 =	vsel vm10, $0x3F800000, v0;
	vm6 =	vmand vm13, vm5;
	vm13 =	vnez.u8 v19  }
0x7b: {  	vm10 =	vnez.u8 v22;
	vm0 =	vmand vm13, vm9;
	v45 =	vsel vm6, $0x3F800000, v0  }
0x7c: {  	v4 =	vmul.f32 v4, v12;
	vm6 =	vmand vm14, vm5;
	v12 =	vsel vm14, $0xFFFFFFFF, v21  }
0x7d: {  	v26 =	vld [tilespmem:$0x1FC70];
	v44 =	vsel vm0, $0x3F800000, v0;
	vm0 =	vmand vm15, vm9;
	vm15 =	vmmov vm14  }
0x7e: {  	v50 =	vld [tilespmem:$0x1FC40];
	vm14 =	vmand vm10, vm9;
	v41 =	vsel vm6, $0x3F800000, v0;
	v3 =	vmul.f32 v4, v3  }
0x7f: {  	[tilespmem:$0x1FCD0] =	vst v12;
	vm6 =	vmand vm11, vm5;
	v12 =	vsel vm11, $0xFFFFFFFF, v23;
	vm10 =	vnez.u8 v29  }
0x80: {  	v28 =	vld [tilespmem:$0x1FD00];
	v42 =	vsel vm0, $0x3F800000, v0;
	v39 =	vsel vm14, $0x3F800000, v0;
	v3 =	vmul.f32 v3, v4  }
0x81: {  	v49 =	vld [tilespmem:$0x1FD10];
	vm14 =	vmmov vm11;
	vm0 =	vmand vm3, vm9;
	vm3 =	vmand vm2, vm5  }
0x82: {  	[tilespmem:$0x1FCE0] =	vst v12;
	v12 =	vsel vm2, $0xFFFFFFFF, v24;
	v40 =	vsel vm6, $0x3F800000, v0;
	v3 =	vsub.f32 $1.500000000e+00, v3  }
0x83: {  	vm2 =	vnez.u8 v26;
	vm11 =	vmand vm10, vm9;
	vm10 =	vnez.u8 v50  }
0x84: {  	[tilespmem:$0x1FCF0] =	vst v12;
	v31 =	vsel vm0, $0x3F800000, v0;
	v38 =	vsel vm3, $0x3F800000, v0;
	v12 =	vmul.f32 v3, v4;
	v3 =	vld [tilespmem:$0x1FD30]  }
0x85: {  	vm6 =	vmand vm2, vm9;
	vm3 =	vnez.u8 v28;
	v21 =	vsel vm11, $0x3F800000, v0  }
0x86: {  	vm11 =	vnez.u8 v49;
	vm0 =	vmand vm3, vm5;
	v37 =	vsel vm6, $0x3F800000, v0  }
0x87: {  	vm6 =	vmand vm10, vm9;
	v26 =	vsel vm0, $0x3F800000, v0;
	vm0 =	vmand vm11, vm5  }
0x88: {  	v15 =	vsel vm6, $0x3F800000, v0;
	vm6 =	vmand vm8, vm9;
	v20 =	vsel vm0, $0x3F800000, v0  }
0x89: {  	vm0 =	vmand vm12, vm5;
	vm12 =	vmand vm1, vm9;
	vm9 =	vnez.u8 v3;
	v3 =	vld [tilespmem:$0x1FB10];
	_ =	sdelay $0x4  }
0x8a: {  	vm8 =	vnez.u8 v3;
	v3 =	vld [tilespmem:$0x1FFF0];
	_ =	sdelay $0x4  }
0x8b: {  	vm10 =	vnez.u8 v3  }
0x8c: {  	v3 =	vnsel vm10, $0x0, v12  }
0x8d: {  	(xrf2) =	vadd.scan.msk.f32 $0xffff, v3;
	v3 =	vld [tilespmem:$0x1FC60];
	_ =	sdelay $0x4  }
0x8e: {  	v14 =	vsel vm0, $0x3F800000, v0;
	vm0 =	vmand vm8, vm4;
	vm8 =	vnez.u8 v3;
	v3 =	vld [tilespmem:$0x1FB20];
	_ =	sdelay $0x3  }
0x8f: {  	vm1 =	vmand vm9, vm5  }
0x90: {  	v16 =	vsel vm1, $0x3F800000, v0;
	vm1 =	vnez.u8 v3;
	v3 =	vld [tilespmem:$0x1FCB0];
	_ =	sdelay $0x1  }
0x91: {  	(xrf2) =	vadd.scan.msk.f32 $0xffff, v1;
	v1 =	vld [tilespmem:$0x1FCC0];
	_ =	sdelay $0x2  }
0x92: {  	vm4 =	vnez.u8 v3  }
0x93: {  	vm10 =	vmand vm4, vm0  }
0x94: {  	v23 =	vsel vm10, $0x3F800000, v0;
	vm10 =	vnez.u8 v1;
	v1 =	vld [tilespmem:$0x1FC00]  }
0x95: {  	v51 =	vimm.s32 $0x0  }
0x96: {  	v4 =	vsel vm7, $0xFFFFFFFF, v51  }
0x97: {  	v18 =	vsel vm12, $0x3F800000, v0;
	[tilespmem:$0x1FD40] =	vst v4;
	(xrf2) =	vadd.scan.msk.f32 $0xffff, v2;
	vm12 =	vmand vm8, vm1  }
0x98: {  	v4 =	vsel vm12, $0x3F800000, v0;
	vm12 =	vmand vm13, vm1;
	(xrf2) =	vadd.scan.msk.f32 $0xffff, v25  }
0x99: {  	v22 =	vsel vm12, $0x3F800000, v0;
	vm12 =	vnez.u8 v1;
	v1 =	vld [tilespmem:$0x1FC10];
	_ =	sdelay $0x2  }
0x9a: {  	vm13 =	vmand vm12, vm1  }
0x9b: {  	v24 =	vsel vm13, $0x3F800000, v0;
	vm13 =	vmand vm15, vm0  }
0x9c: {  	v25 =	vsel vm13, $0x3F800000, v0;
	vm13 =	vnez.u8 v1;
	v1 =	vld [tilespmem:$0x1FC20];
	_ =	sdelay $0x3  }
0x9d: {  	vm14 =	vmand vm14, vm0  }
0x9e: {  	v29 =	vsel vm14, $0x3F800000, v0;
	vm14 =	vnez.u8 v1;
	v1 =	vld [tilespmem:$0x1FCF0];
	_ =	sdelay $0x2  }
0x9f: {  	vm15 =	vmand vm13, vm1  }
0xa0: {  	(xrf2) =	vadd.scan.msk.f32 $0xffff, v27;
	v27 =	vsel vm15, $0x3F800000, v0;
	vm15 =	vmand vm14, vm1  }
0xa1: {  	(xrf2) =	vadd.scan.msk.f32 $0xffff, v13;
	v28 =	vsel vm15, $0x3F800000, v0;
	vm15 =	vnez.u8 v1;
	v1 =	vld [tilespmem:$0x1FC30]  }
0xa2: {  	(xrf2) =	vadd.scan.msk.f32 $0xffff, v30  }
0xa3: {  	vm5 =	vmand vm7, vm5;
	v52 =	vld [tilespmem:$0x1FD20];
	(xrf2) =	vadd.scan.msk.f32 $0xffff, v32  }
0xa4: {  	v19 =	vsel vm5, $0x3F800000, v0;
	vm5 =	vmand vm10, vm0;
	(xrf2) =	vadd.scan.msk.f32 $0xffff, v48;
	v48 =	vld [tilespmem:$0x1FBC0]  }
0xa5: {  	v3 =	vsel vm5, $0x3F800000, v0;
	vm5 =	vmand vm15, vm0;
	vm15 =	vmand vm2, vm1  }
0xa6: {  	v30 =	vsel vm15, $0x3F800000, v0;
	vm15 =	vnez.u8 v1;
	v1 =	vld [tilespmem:$0x1FC40]  }
0xa7: {  	v49 =	vld [tilespmem:$0x1FB30]  }
0xa8: {  	v17 =	vsel vm6, $0x3F800000, v0;
	vm11 =	vmand vm11, vm0;
	v53 =	vld [tilespmem:$0x1FBB0]  }
0xa9: {  	v32 =	vsel vm11, $0x3F800000, v0;
	vm11 =	vnez.u8 v52;
	vm6 =	vnez.u8 v48  }
0xaa: {  	(xrf2) =	vadd.scan.msk.f32 $0xffff, v46;
	vm2 =	vmand vm3, vm0;
	v2 =	vsel vm5, $0x3F800000, v0;
	vm5 =	vmand vm11, vm0  }
0xab: {  	(xrf2) =	vadd.scan.msk.f32 $0xffff, v33;
	v63 =	vsel vm2, $0x3F800000, v0;
	v33 =	vsel vm5, $0x3F800000, v0;
	vm3 =	vnez.u8 v1  }
0xac: {  	vm5 =	vnez.u8 v49;
	vm2 =	vmand vm15, vm1;
	v1, _, _ =	vpop (xrf2);
	vm15 =	vmand vm3, vm1  }
0xad: {  	v52 =	vld [tilespmem:$0x1FB40];
	v62 =	vsel vm2, $0x3F800000, v0;
	v54, _, _ =	vpop (xrf2);
	v61 =	vsel vm15, $0x3F800000, v0;
	vm15 =	vnez.u8 v53  }
0xae: {  	v13 =	vld [tilespmem:$0x1FCD0];
	v55, _, _ =	vpop (xrf2);
	(v2sf) =	vpush v54, $0xF;
	vm2 =	vmand vm15, vm1;
	vm1 =	vmand vm6, vm1  }
0xaf: {  	(v2sf) =	vpush v55, $0xF;
	v60 =	vsel vm2, $0x3F800000, v0;
	vm2 =	vmand vm9, vm0  }
0xb0: {  	(xrf2) =	vadd.scan.msk.f32 $0xffff, v34;
	v50, _, _ =	vpop (xrf2);
	vm0 =	vmand vm7, vm0;
	v58 =	vsel vm1, $0x3F800000, v0;
	vm7 =	vcmask $0x3F08  }
0xb1: {  	v48 =	vld [tilespmem:$0x1FBF0];
	(xrf2) =	vadd.scan.msk.f32 $0xffff, v47;
	v51, _, _ =	vpop (xrf2);
	(v2sf) =	vpush v50, $0xF;
	v59 =	vsel vm2, $0x3F800000, v0;
	v34 =	vsel vm0, $0x3F800000, v0  }
0xb2: {  	(xrf2) =	vadd.scan.msk.f32 $0xffff, v35;
	vm0 =	vmand vm5, vm7;
	vm2 =	vnez.u8 v52;
	(v2sf) =	vpush v51, $0xF  }
0xb3: {  	(xrf2) =	vadd.scan.msk.f32 $0xffff, v36;
	v53, _, _ =	vpop (xrf2);
	vm7 =	vnez.u8 v13;
	vm9 =	vmand vm8, vm2;
	vm8 =	vmand vm4, vm0  }
0xb4: {  	(xrf2) =	vadd.scan.msk.f32 $0xffff, v11;
	vm10 =	vmand vm10, vm0;
	(v2sf) =	vpush v53, $0xF;
	vm12 =	vmand vm12, vm2  }
0xb5: {  	v13 =	vld [tilespmem:$0x1FCE0];
	v47, _, _ =	vpop (xrf2);
	(xrf2) =	vadd.scan.msk.f32 $0xffff, v10;
	vm14 =	vmand vm14, vm2;
	vm6 =	vmand vm6, vm2;
	v57 =	vsel vm9, $0x3F800000, v0  }
0xb6: {  	v35 =	vsel vm8, $0x3F800000, v0;
	vm9 =	vnez.u8 v48;
	v36 =	vsel vm10, $0x3F800000, v0;
	v49, _, _ =	vpop (xrf2);
	(xrf2) =	vadd.scan.msk.f32 $0xffff, v8  }
0xb7: {  	v55 =	vsel vm12, $0x3F800000, v0;
	(v2sf) =	vpush v47, $0xF;
	vm10 =	vcmask $0x308;
	v50, _, _ =	vpop (xrf2);
	(xrf2) =	vadd.scan.msk.f32 $0xffff, v9  }
0xb8: {  	vm12 =	vmand vm13, vm2;
	v48 =	vld [tilespmem:$0x1FCF0];
	vm1 =	vmand vm9, vm2;
	(v2sf) =	vpush v49, $0xF;
	v46, _, _ =	vpop (xrf2);
	(xrf2) =	vadd.scan.msk.f32 $0xffff, v6  }
0xb9: {  	vm9 =	vmand vm7, vm0;
	v51 =	vsel vm10, $0x0, v12;
	v49 =	vld [tilespmem:$0x1FC70];
	(v2sf) =	vpush v50, $0xF;
	v47, _, _ =	vpop (xrf2);
	(xrf2) =	vadd.scan.msk.f32 $0xffff, v7  }
0xba: {  	v54 =	vsel vm12, $0x3F800000, v0;
	vm12 =	vnez.u8 v13;
	(v2sf) =	vpush v46, $0xF;
	v13 =	vld [tilespmem:$0x1FD00];
	v8, _, _ =	vpop (xrf2);
	(xrf2) =	vadd.scan.msk.f32 $0xffff, v51  }
0xbb: {  	v56 =	vsel vm1, $0x3F800000, v0;
	v52 =	vsel vm9, $0x3F800000, v0;
	(v2sf) =	vpush v47, $0xF;
	v46, _, _ =	vpop (xrf2);
	(xrf2) =	vadd.scan.msk.f32 $0xffff, v5  }
0xbc: {  	vm13 =	vmand vm12, vm0;
	v51 =	vsel vm14, $0x3F800000, v0;
	(v2sf) =	vpush v8, $0xF;
	v47, _, _ =	vpop (xrf2);
	(xrf2) =	vadd.scan.msk.f32 $0xffff, v45;
	v45 =	vld [tilespmem:$0x1FC30]  }
0xbd: {  	v53 =	vsel vm13, $0x3F800000, v0;
	vm5 =	vnez.u8 v48;
	(v2sf) =	vpush v46, $0xF;
	v46 =	vld [tilespmem:$0x1FD10]  }
0xbe: {  	vm4 =	vmand vm5, vm0;
	vm10 =	vnez.u8 v49;
	v6, _, _ =	vpop (xrf2);
	(v2sf) =	vpush v47, $0xF  }
0xbf: {  	v50 =	vsel vm4, $0x3F800000, v0;
	(xrf2) =	vadd.scan.msk.f32 $0xffff, v44;
	v7, _, _ =	vpop (xrf2);
	vm13 =	vnez.u8 v13;
	(v2sf) =	vpush v6, $0xF  }
0xc0: {  	vm8 =	vmand vm10, vm2;
	(xrf2) =	vadd.scan.msk.f32 $0xffff, v43;
	vm9 =	vmand vm13, vm0;
	v43, _, _ =	vpop (xrf2);
	(v2sf) =	vpush v7, $0xF  }
0xc1: {  	v49 =	vsel vm8, $0x3F800000, v0;
	(xrf2) =	vadd.scan.msk.f32 $0xffff, v42;
	v48 =	vsel vm9, $0x3F800000, v0;
	v6, _, _ =	vpop (xrf2);
	(v2sf) =	vpush v43, $0xF  }
0xc2: {  	v11 =	vld [tilespmem:$0x1FD30];
	(xrf2) =	vadd.scan.msk.f32 $0xffff, v41;
	vm9 =	vnez.u8 v45;
	vm8 =	vnez.u8 v46;
	v13, _, _ =	vpop (xrf2);
	(v2sf) =	vpush v6, $0xF  }
0xc3: {  	s22 =	spop (v2sf);
	(xrf2) =	vadd.scan.msk.f32 $0xffff, v39;
	vm14 =	vmand vm9, vm2;
	vm4 =	vmand vm8, vm0;
	(v2sf) =	vpush v13, $0xF  }
0xc4: {  	v41 =	vld [tilespmem:$0x1FD40];
	v9, _, _ =	vpop (xrf2);
	(xrf2) =	vadd.scan.msk.f32 $0xffff, v40;
	v40 =	vsel vm6, $0x3F800000, v0;
	v47 =	vsel vm14, $0x3F800000, v0;
	v46 =	vsel vm4, $0x3F800000, v0  }
0xc5: {  	s24 =	spop (v2sf);
	vm14 =	vmand vm3, vm2;
	vm4 =	vmand vm11, vm0;
	v10, _, _ =	vpop (xrf2);
	(xrf2) =	vadd.scan.msk.f32 $0xffff, v31;
	(v2sf) =	vpush v9, $0xF;
	v9 =	vld [tilespmem:$0x1FB50]  }
0xc6: {  	vm11 =	vmand vm15, vm2;
	v45 =	vsel vm14, $0x3F800000, v0;
	v44 =	vsel vm4, $0x3F800000, v0;
	v31, _, _ =	vpop (xrf2);
	(xrf2) =	vadd.scan.msk.f32 $0xffff, v38  }
0xc7: {  	s20 =	spop (v2sf);
	vm14 =	vmmov vm15;
	vm15 =	vnez.u8 v11;
	(v2sf) =	vpush v10, $0xF;
	v13, _, _ =	vpop (xrf2);
	(xrf2) =	vadd.scan.msk.f32 $0xffff, v37  }
0xc8: {  	s23 =	spop (v2sf);
	v43 =	vsel vm11, $0x3F800000, v0;
	vm4 =	vmand vm15, vm0;
	v38, _, _ =	vpop (xrf2);
	(xrf2) =	vadd.scan.msk.f32 $0xffff, v26;
	(v2sf) =	vpush v13, $0xF;
	v13 =	vld [tilespmem:$0x1FC60]  }
0xc9: {  	s17 =	spop (v2sf);
	vm6 =	vnez.u8 v41;
	v42 =	vsel vm4, $0x3F800000, v0;
	v10, _, _ =	vpop (xrf2);
	(xrf2) =	vadd.scan.msk.f32 $0xffff, v21;
	(v2sf) =	vpush v38, $0xF;
	v21 =	vld [tilespmem:$0x1FCB0]  }
0xca: {  	s19 =	spop (v2sf);
	vm4 =	vcmask $0x3F08;
	vm11 =	vnez.u8 v9;
	v11, _, _ =	vpop (xrf2);
	(xrf2) =	vadd.scan.msk.f32 $0xffff, v20;
	v20 =	vld [tilespmem:$0x1FB60];
	(v2sf) =	vpush v10, $0xF  }
0xcb: {  	vm0 =	vmand vm6, vm0;
	s18 =	spop (v2sf);
	vm4 =	vmand vm11, vm4;
	v26, _, _ =	vpop (xrf2);
	(xrf2) =	vadd.scan.msk.f32 $0xffff, v15;
	(v2sf) =	vpush v11, $0xF  }
0xcc: {  	v41 =	vsel vm0, $0x3F800000, v0;
	s21 =	spop (v2sf);
	v39, _, _ =	vpop (xrf2);
	(xrf2) =	vadd.scan.msk.f32 $0xffff, v14;
	(v2sf) =	vpush v26, $0xF;
	vm7 =	vmand vm7, vm4  }
0xcd: {  	v9 =	vld [tilespmem:$0x1FBF0];
	s13 =	spop (v2sf);
	vm8 =	vmand vm8, vm4;
	vm15 =	vmand vm15, vm4;
	vm11 =	vnez.u8 v13;
	v11, _, _ =	vpop (xrf2);
	(xrf2) =	vadd.scan.msk.f32 $0xffff, v17  }
0xce: {  	v10 =	vld [tilespmem:$0x1FCC0];
	s15 =	spop (v2sf);
	(v2sf) =	vpush v39, $0xF;
	vm3 =	vnez.u8 v21;
	v13, _, _ =	vpop (xrf2);
	(xrf2) =	vadd.scan.msk.f32 $0xffff, v16;
	v16 =	vsel vm7, $0x3F800000, v0  }
0xcf: {  	s14 =	spop (v2sf);
	v39 =	vld [tilespmem:$0x1FC10];
	(v2sf) =	vpush v11, $0xF;
	vm7 =	vcmask $0x70C;
	vm0 =	vnez.u8 v20  }
0xd0: {  	s16 =	spop (v2sf);
	vm2 =	vmand vm3, vm4;
	v20 =	vld [tilespmem:$0x1FC00];
	v26 =	vsel vm7, $0x0, v12;
	(v2sf) =	vpush v13, $0xF  }
0xd1: {  	s11 =	spop (v2sf);
	v21, _, _ =	vpop (xrf2);
	(xrf2) =	vadd.scan.msk.f32 $0xffff, v18;
	vm1 =	vmand vm11, vm0;
	v37 =	vsel vm2, $0x3F800000, v0;
	vm3 =	vmmov vm0  }
0xd2: {  	s12 =	spop (v2sf);
	v7, _, _ =	vpop (xrf2);
	(xrf2) =	vadd.scan.msk.f32 $0xffff, v19;
	(v2sf) =	vpush v21, $0xF;
	v38 =	vsel vm1, $0x3F800000, v0;
	vm1 =	vnez.u8 v9  }
0xd3: {  	s9 =	spop (v2sf);
	v11, _, _ =	vpop (xrf2);
	(xrf2) =	vadd.scan.msk.f32 $0xffff, v26;
	v26 =	vld [tilespmem:$0x1FC20];
	(v2sf) =	vpush v7, $0xF;
	vm14 =	vmand vm14, vm3;
	vm1 =	vmand vm1, vm0  }
0xd4: {  	s10 =	spop (v2sf);
	vm0 =	vnez.u8 v10;
	vm7 =	vnez.u8 v39;
	v13, _, _ =	vpop (xrf2);
	(xrf2) =	vadd.scan.msk.f32 $0xffff, v4;
	(v2sf) =	vpush v11, $0xF  }
0xd5: {  	s7 =	spop (v2sf);
	v15 =	vsel vm1, $0x3F800000, v0;
	v39, _, _ =	vpop (xrf2);
	(xrf2) =	vadd.scan.msk.f32 $0xffff, v23;
	(v2sf) =	vpush v13, $0xF;
	vm1 =	vnez.u8 v20  }
0xd6: {  	vm2 =	vmand vm0, vm4;
	s8 =	spop (v2sf);
	v9, _, _ =	vpop (xrf2);
	(xrf2) =	vadd.scan.msk.f32 $0xffff, v22;
	(v2sf) =	vpush v39, $0xF;
	vm1 =	vmand vm1, vm3  }
0xd7: {  	s5 =	spop (v2sf);
	v10, _, _ =	vpop (xrf2);
	(xrf2) =	vadd.scan.msk.f32 $0xffff, v3;
	(v2sf) =	vpush v9, $0xF;
	v17 =	vsel vm1, $0x3F800000, v0;
	vm1 =	vmand vm7, vm3  }
0xd8: {  	vm7 =	vmand vm12, vm4;
	vm12 =	vnez.u8 v26;
	(xrf2) =	vadd.scan.msk.f32 $0xffff, v24;
	v24 =	vsel vm8, $0x3F800000, v0  }
0xd9: {  	v39 =	vld [tilespmem:$0x1FD20];
	s6 =	spop (v2sf);
	(v2sf) =	vpush v10, $0xF;
	v19 =	vsel vm1, $0x3F800000, v0;
	v18 =	vsel vm7, $0x3F800000, v0  }
0xda: {  	v3, _, _ =	vpop (xrf2);
	vm1 =	vmand vm12, vm3;
	vm7 =	vmand vm5, vm4;
	vm12 =	vmand vm10, vm3  }
0xdb: {  	vm5 =	vmand vm13, vm4;
	(v2sf) =	vpush v3, $0xF;
	v21 =	vsel vm1, $0x3F800000, v0  }
0xdc: {  	v10 =	vld [tilespmem:$0x1FBC0];
	v11, _, _ =	vpop (xrf2);
	(xrf2) =	vadd.scan.msk.f32 $0xffff, v25;
	v20 =	vsel vm7, $0x3F800000, v0;
	v23 =	vsel vm12, $0x3F800000, v0;
	vm7 =	vmand vm9, vm3  }
0xdd: {  	v22 =	vsel vm5, $0x3F800000, v0;
	v13, _, _ =	vpop (xrf2);
	(xrf2) =	vadd.scan.msk.f32 $0xffff, v27;
	(v2sf) =	vpush v11, $0xF;
	v26 =	vsel vm7, $0x3F800000, v0  }
0xde: {  	s24 =	sadd.f32 s24, s22;
	s25 =	spop (v2sf);
	v27 =	vld [tilespmem:$0x1FC40];
	vm10 =	vnez.u8 v39;
	(xrf2) =	vadd.scan.msk.f32 $0xffff, v29;
	v29 =	vsel vm14, $0x3F800000, v0;
	(v2sf) =	vpush v13, $0xF  }
0xdf: {  	s28 =	spop (v2sf);
	v3, _, _ =	vpop (xrf2);
	vm7 =	vmand vm6, vm4;
	vm14 =	vcmask $0x3F08;
	vm12 =	vmand vm10, vm4  }
0xe0: {  	s22 =	spop (v2sf);
	(xrf2) =	vadd.scan.msk.f32 $0xffff, v28;
	v28 =	vsel vm15, $0x3F800000, v0;
	(v2sf) =	vpush v3, $0xF;
	v3 =	vmov s24  }
0xe1: {  	s17 =	sadd.f32 s19, s17;
	v9, _, _ =	vpop (xrf2);
	vm15 =	vcmask $0xB10;
	v25 =	vsel vm12, $0x3F800000, v0;
	vm10 =	vnez.u8 v10  }
0xe2: {  	s23 =	sadd.f32 s23, s20;
	v13 =	vld [tilespmem:$0x1FF40];
	v39, _, _ =	vpop (xrf2);
	(xrf2) =	vadd.scan.msk.f32 $0xffff, v2;
	(v2sf) =	vpush v9, $0xF;
	vm12 =	vcmask $0x704;
	vm5 =	vmand vm10, vm3  }
0xe3: {  	s30 =	spop (v2sf);
	v9 =	vmov s17;
	v2, _, _ =	vpop (xrf2);
	(xrf2) =	vadd.scan.msk.f32 $0xffff, v30;
	vm9 =	vnez.u8 v27;
	v30 =	vsel vm5, $0x3F800000, v0  }
0xe4: {  	s20 =	spop (v2sf);
	v11, _, _ =	vpop (xrf2);
	(xrf2) =	vadd.scan.msk.f32 $0xffff, v63;
	(v2sf) =	vpush v2, $0xF;
	v63 =	vmov s23;
	vm5 =	vcmask $0xB08  }
0xe5: {  	s31 =	spop (v2sf);
	vm1 =	vmand vm9, vm3;
	vm9 =	vcmask $0x300;
	(v2sf) =	vpush v11, $0xF  }
0xe6: {  	v2, _, _ =	vpop (xrf2);
	(xrf2) =	vadd.scan.msk.f32 $0xffff, v62;
	v5 =	vnsel vm12, $0x0, v63;
	v11 =	vld [tilespmem:$0x1FB70];
	v63 =	vsel vm15, $0x0, v12;
	v3 =	vnsel vm9, $0x0, v3  }
0xe7: {  	s19 =	spop (v2sf);
	vm15 =	vcmask $0x1310;
	v8, _, _ =	vpop (xrf2);
	(xrf2) =	vadd.scan.msk.f32 $0xffff, v32;
	(v2sf) =	vpush v2, $0xF;
	v3 =	vadd.f32 v13, v3  }
0xe8: {  	s18 =	sadd.f32 s21, s18;
	s26 =	spop (v2sf);
	vm3 =	vcmask $0x2320;
	v27 =	vsel vm1, $0x3F800000, v0;
	v2, _, _ =	vpop (xrf2);
	(xrf2) =	vadd.scan.msk.f32 $0xffff, v61;
	(v2sf) =	vpush v8, $0xF;
	v61 =	vld [tilespmem:$0x1FB80]  }
0xe9: {  	s15 =	sadd.f32 s15, s13;
	v32 =	vsel vm7, $0x3F800000, v0;
	s17 =	spop (v2sf);
	v10, _, _ =	vpop (xrf2);
	(xrf2) =	vadd.scan.msk.f32 $0xffff, v33;
	(v2sf) =	vpush v2, $0xF;
	v3 =	vadd.f32 v3, v5  }
0xea: {  	s29 =	spop (v2sf);
	v2, _, _ =	vpop (xrf2);
	(xrf2) =	vadd.scan.msk.f32 $0xffff, v60;
	v5 =	vnsel vm5, $0x0, v9;
	(v2sf) =	vpush v10, $0xF;
	v60 =	vmov s18  }
0xeb: {  	s18 =	spop (v2sf);
	v9 =	vmov s15;
	v10 =	vld [tilespmem:$0x1FCB0];
	vm6 =	vnez.u8 v11;
	(v2sf) =	vpush v2, $0xF  }
0xec: {  	s0 =	sadd.f32 s16, s14;
	v13, _, _ =	vpop (xrf2);
	(xrf2) =	vadd.scan.msk.f32 $0xffff, v59;
	s24 =	spop (v2sf);
	v11 =	vnsel vm15, $0x0, v9;
	vm8 =	vmand vm11, vm6;
	v3 =	vadd.f32 v3, v5  }
0xed: {  	s1 =	sadd.f32 s28, s25;
	v2, _, _ =	vpop (xrf2);
	(xrf2) =	vadd.scan.msk.f32 $0xffff, v58;
	s13 =	spop (v2sf);
	(v2sf) =	vpush v13, $0xF;
	v33 =	vsel vm8, $0x3F800000, v0;
	vm11 =	vnez.u8 v61  }
0xee: {  	s12 =	sadd.f32 s12, s11;
	v59 =	vld [tilespmem:$0x1FBF0];
	v62, _, _ =	vpop (xrf2);
	(xrf2) =	vadd.scan.msk.f32 $0xffff, v34;
	s23 =	spop (v2sf);
	(v2sf) =	vpush v2, $0xF;
	vm0 =	vmand vm11, vm14;
	vm14 =	vcmask $0xF0C  }
0xef: {  	s9 =	sadd.f32 s10, s9;
	(xrf2) =	vadd.scan.msk.f32 $0xffff, v63;
	s14 =	spop (v2sf);
	(v2sf) =	vpush v62, $0xF;
	vm11 =	vcmask $0x1714;
	v63 =	vmov s1  }
0xf0: {  	v2, _, _ =	vpop (xrf2);
	v5 =	vnsel vm14, $0x0, v60;
	vm4 =	vnez.u8 v10;
	(xrf2) =	vadd.scan.msk.f32 $0xffff, v57;
	v57 =	vmov s0  }
0xf1: {  	s15 =	sadd.f32 s30, s22;
	v13, _, _ =	vpop (xrf2);
	(v2sf) =	vpush v2, $0xF;
	v60 =	vmov s12;
	v10 =	vmov s9  }
0xf2: {  	s26 =	sadd.f32 s26, s19;
	s16 =	spop (v2sf);
	v3 =	vadd.f32 v3, v5;
	vm1 =	vmand vm4, vm0;
	v2, _, _ =	vpop (xrf2);
	(xrf2) =	vadd.scan.msk.f32 $0xffff, v35;
	v5 =	vnsel vm11, $0x0, v57  }
0xf3: {  	s8 =	sadd.f32 s8, s7;
	v62 =	vld [tilespmem:$0x1FCC0];
	s11 =	spop (v2sf);
	(v2sf) =	vpush v13, $0xF;
	vm7 =	vnez.u8 v59;
	v13 =	vmov s15;
	v58, _, _ =	vpop (xrf2);
	(xrf2) =	vadd.scan.msk.f32 $0xffff, v56  }
0xf4: {  	vm4 =	vcmask $0x1F1C;
	v57 =	vmov s26;
	s21 =	spop (v2sf);
	(v2sf) =	vpush v2, $0xF;
	v2, _, _ =	vpop (xrf2);
	(xrf2) =	vadd.scan.msk.f32 $0xffff, v36  }
0xf5: {  	v59 =	vmov s8;
	v34 =	vsel vm1, $0x3F800000, v0;
	s12 =	spop (v2sf);
	(v2sf) =	vpush v58, $0xF;
	v61, _, _ =	vpop (xrf2);
	(xrf2) =	vadd.scan.msk.f32 $0xffff, v55  }
0xf6: {  	vm1 =	vmand vm7, vm6;
	v3 =	vadd.f32 v3, v11;
	s25 =	spop (v2sf);
	(v2sf) =	vpush v2, $0xF;
	v2, _, _ =	vpop (xrf2);
	(xrf2) =	vadd.scan.msk.f32 $0xffff, v52  }
0xf7: {  	v6 =	vnsel vm4, $0x0, v10;
	v35 =	vsel vm1, $0x3F800000, v0;
	v11 =	vld [tilespmem:$0x1FF50];
	s22 =	spop (v2sf);
	(v2sf) =	vpush v61, $0xF;
	v9, _, _ =	vpop (xrf2);
	(xrf2) =	vadd.scan.msk.f32 $0xffff, v54  }
0xf8: {  	vm8 =	vnez.u8 v62;
	v3 =	vadd.f32 v3, v5;
	s30 =	spop (v2sf);
	(v2sf) =	vpush v2, $0xF;
	v2, _, _ =	vpop (xrf2);
	(xrf2) =	vadd.scan.msk.f32 $0xffff, v53  }
0xf9: {  	s31 =	sadd.f32 s31, s20;
	vm1 =	vmand vm8, vm0;
	vm8 =	vcmask $0x1B18;
	s9 =	spop (v2sf);
	(v2sf) =	vpush v9, $0xF;
	v52, _, _ =	vpop (xrf2);
	(xrf2) =	vadd.scan.msk.f32 $0xffff, v51  }
0xfa: {  	s1 =	sadd.f32 s23, s13;
	v7 =	vnsel vm12, $0x0, v13;
	v5 =	vnsel vm8, $0x0, v60;
	s20 =	spop (v2sf);
	(v2sf) =	vpush v2, $0xF;
	v2, _, _ =	vpop (xrf2);
	(xrf2) =	vadd.scan.msk.f32 $0xffff, v50  }
0xfb: {  	s0 =	sadd.f32 s29, s17;
	v3 =	vadd.f32 v3, v5;
	v5 =	vnsel vm9, $0x0, v63;
	s10 =	spop (v2sf);
	(v2sf) =	vpush v52, $0xF;
	v54, _, _ =	vpop (xrf2);
	(xrf2) =	vadd.scan.msk.f32 $0xffff, v49  }
0xfc: {  	v13 =	vmov s1;
	v5 =	vadd.f32 v11, v5;
	s19 =	spop (v2sf);
	(v2sf) =	vpush v54, $0xF;
	v56, _, _ =	vpop (xrf2);
	(xrf2) =	vadd.scan.msk.f32 $0xffff, v48  }
0xfd: {  	vm7 =	vcmask $0x2724;
	v61 =	vmov s0;
	s7 =	spop (v2sf);
	(v2sf) =	vpush v56, $0xF;
	v58, _, _ =	vpop (xrf2);
	(xrf2) =	vadd.scan.msk.f32 $0xffff, v47  }
0xfe: {  	v53 =	vmov s31;
	v5 =	vadd.f32 v5, v7;
	s17 =	spop (v2sf);
	(v2sf) =	vpush v58, $0xF;
	v60, _, _ =	vpop (xrf2);
	(xrf2) =	vadd.scan.msk.f32 $0xffff, v46  }
0xff: {  	v36 =	vsel vm1, $0x3F800000, v0;
	v55 =	vnsel vm5, $0x0, v53;
	s8 =	spop (v2sf);
	(v2sf) =	vpush v60, $0xF;
	v62, _, _ =	vpop (xrf2);
	(xrf2) =	vadd.scan.msk.f32 $0xffff, v45  }
0x100: {  	s24 =	sadd.f32 s24, s18;
	vm1 =	vcmask $0xF14;
	v5 =	vadd.f32 v5, v55;
	s18 =	spop (v2sf);
	(v2sf) =	vpush v62, $0xF;
	v63, _, _ =	vpop (xrf2);
	(xrf2) =	vadd.scan.msk.f32 $0xffff, v44  }
0x101: {  	v3 =	vadd.f32 v3, v6;
	v6 =	vnsel vm14, $0x0, v57;
	s13 =	spop (v2sf);
	(v2sf) =	vpush v63, $0xF;
	v10, _, _ =	vpop (xrf2);
	(xrf2) =	vadd.scan.msk.f32 $0xffff, v43  }
0x102: {  	s5 =	sadd.f32 s6, s5;
	v7 =	vnsel vm3, $0x0, v59;
	v5 =	vadd.f32 v5, v6;
	s23 =	spop (v2sf);
	(v2sf) =	vpush v10, $0xF;
	v11, _, _ =	vpop (xrf2);
	(xrf2) =	vadd.scan.msk.f32 $0xffff, v42  }
0x103: {  	s26 =	sadd.f32 s16, s14;
	v3 =	vadd.f32 v3, v7;
	v6 =	vnsel vm15, $0x0, v61;
	s16 =	spop (v2sf);
	(v2sf) =	vpush v11, $0xF;
	v42, _, _ =	vpop (xrf2);
	(xrf2) =	vadd.scan.msk.f32 $0xffff, v40  }
0x104: {  	s29 =	sadd.f32 s25, s12;
	v9 =	vmov s24;
	v5 =	vadd.f32 v5, v6;
	s24 =	spop (v2sf);
	(v2sf) =	vpush v42, $0xF;
	v44, _, _ =	vpop (xrf2);
	(xrf2) =	vadd.scan.msk.f32 $0xffff, v41  }
0x105: {  	s28 =	sadd.f32 s21, s11;
	v6 =	vnsel vm11, $0x0, v9;
	v43 =	vmov s5;
	s5 =	spop (v2sf);
	(v2sf) =	vpush v44, $0xF;
	v46, _, _ =	vpop (xrf2)  }
0x106: {  	v51 =	vmov s29;
	v5 =	vadd.f32 v5, v6;
	s14 =	spop (v2sf);
	(v2sf) =	vpush v46, $0xF;
	v47, _, _ =	vpop (xrf2)  }
0x107: {  	s30 =	sadd.f32 s30, s22;
	v48 =	vmov s28;
	v6 =	vnsel vm8, $0x0, v13;
	s6 =	spop (v2sf);
	(v2sf) =	vpush v47, $0xF;
	v49, _, _ =	vpop (xrf2)  }
0x108: {  	v45 =	vmov s26;
	v5 =	vadd.f32 v5, v6;
	s12 =	spop (v2sf);
	(v2sf) =	vpush v49, $0xF;
	v50, _, _ =	vpop (xrf2)  }
0x109: {  	s9 =	sadd.f32 s20, s9;
	v54 =	vmov s30;
	v6 =	vnsel vm4, $0x0, v45;
	s11 =	spop (v2sf);
	(v2sf) =	vpush v50, $0xF;
	v52, _, _ =	vpop (xrf2)  }
0x10a: {  	v57 =	vld [tilespmem:$0x1FF60];
	v61 =	vsel vm1, $0x0, v12;
	v5 =	vadd.f32 v5, v6;
	s15 =	spop (v2sf);
	(v2sf) =	vpush v52, $0xF;
	v53, _, _ =	vpop (xrf2)  }
0x10b: {  	v59 =	vmov s9;
	v6 =	vnsel vm3, $0x0, v48;
	s31 =	spop (v2sf);
	(v2sf) =	vpush v53, $0xF;
	v55, _, _ =	vpop (xrf2);
	(xrf2) =	vadd.scan.msk.f32 $0xffff, v61  }
0x10c: {  	v7 =	vnsel vm7, $0x0, v43;
	v5 =	vadd.f32 v5, v6;
	s0 =	spop (v2sf);
	(v2sf) =	vpush v55, $0xF;
	v56, _, _ =	vpop (xrf2);
	(xrf2) =	vadd.scan.msk.f32 $0xffff, v38;
	v38 =	vld [tilespmem:$0x1FF70]  }
0x10d: {  	v3 =	vadd.f32 v3, v7;
	v6 =	vnsel vm7, $0x0, v51;
	s20 =	sadd.f32 s0, s31;
	s1 =	spop (v2sf);
	(v2sf) =	vpush v56, $0xF;
	v58, _, _ =	vpop (xrf2)  }
0x10e: {  	s19 =	sadd.f32 s19, s10;
	v5 =	vadd.f32 v5, v6;
	v6 =	vnsel vm9, $0x0, v54;
	s22 =	spop (v2sf);
	(v2sf) =	vpush v58, $0xF;
	v60, _, _ =	vpop (xrf2)  }
0x10f: {  	v6 =	vadd.f32 v57, v6;
	v62 =	vmov s20;
	s10 =	sadd.f32 s22, s1;
	s25 =	spop (v2sf);
	(v2sf) =	vpush v60, $0xF  }
0x110: {  	s7 =	sadd.f32 s17, s7;
	v7 =	vnsel vm12, $0x0, v59;
	v11 =	vmov s19;
	v13 =	vnsel vm9, $0x0, v62;
	s26 =	spop (v2sf)  }
0x111: {  	v63 =	vadd.f32 v6, v7;
	v7 =	vadd.f32 v38, v13;
	v40 =	vmov s10;
	s9 =	sadd.f32 s26, s25;
	s28 =	spop (v2sf)  }
0x112: {  	s29 =	sadd.f32 s18, s8;
	v41 =	vmov s7;
	v6 =	vnsel vm5, $0x0, v11;
	v8 =	vnsel vm12, $0x0, v40;
	s30 =	spop (v2sf)  }
0x113: {  	v4 =	vadd.f32 v63, v6;
	v7 =	vadd.f32 v7, v8;
	v42 =	vmov s9;
	s8 =	sadd.f32 s30, s28;
	s31 =	spop (v2sf)  }
0x114: {  	v43 =	vmov s29;
	s0 =	sadd.f32 s23, s13;
	v6 =	vnsel vm14, $0x0, v41;
	v8 =	vnsel vm5, $0x0, v42;
	s1 =	spop (v2sf)  }
0x115: {  	v4 =	vadd.f32 v4, v6;
	v7 =	vadd.f32 v7, v8;
	v44 =	vmov s8;
	s13 =	sadd.f32 s1, s31;
	s17 =	spop (v2sf)  }
0x116: {  	s18 =	sadd.f32 s24, s16;
	v45 =	vmov s0;
	v6 =	vnsel vm15, $0x0, v43;
	v8 =	vnsel vm14, $0x0, v44;
	s19 =	spop (v2sf)  }
0x117: {  	v4 =	vadd.f32 v4, v6;
	v7 =	vadd.f32 v7, v8;
	v46 =	vmov s13;
	s20 =	sadd.f32 s19, s17;
	s21 =	spop (v2sf)  }
0x118: {  	v47 =	vmov s18;
	v6 =	vnsel vm11, $0x0, v45;
	v8 =	vnsel vm15, $0x0, v46;
	s22 =	spop (v2sf)  }
0x119: {  	v4 =	vadd.f32 v4, v6;
	v7 =	vadd.f32 v7, v8;
	v48 =	vmov s20;
	s7 =	sadd.f32 s22, s21;
	s23 =	spop (v2sf)  }
0x11a: {  	s5 =	sadd.f32 s14, s5;
	v6 =	vnsel vm8, $0x0, v47;
	v51 =	vnsel vm11, $0x0, v48;
	s24 =	spop (v2sf)  }
0x11b: {  	v4 =	vadd.f32 v4, v6;
	v6 =	vadd.f32 v7, v51;
	v53 =	vmov s7;
	s25 =	sadd.f32 s24, s23;
	s26 =	spop (v2sf)  }
0x11c: {  	v1 =	vbroadcast v1, $0xF;
	v3 =	vmul.f32 v12, v3;
	s28 =	sadd.f32 s12, s6;
	v7 =	vnsel vm8, $0x0, v53;
	s29 =	spop (v2sf)  }
0x11d: {  	v55 =	vmov s5;
	v6 =	vadd.f32 v6, v7;
	v57 =	vmov s25;
	s6 =	sadd.f32 s29, s26;
	s30 =	spop (v2sf)  }
0x11e: {  	v56 =	vnsel vm4, $0x0, v55;
	v58 =	vmov s28;
	s31 =	sadd.f32 s15, s11;
	v7 =	vnsel vm4, $0x0, v57;
	s0 =	spop (v2sf)  }
0x11f: {  	v4 =	vadd.f32 v4, v56;
	v6 =	vadd.f32 v6, v7;
	v59 =	vmov s6;
	s1 =	sadd.f32 s0, s30  }
0x120: {  	v60 =	vmov s31;
	v8 =	vnsel vm3, $0x0, v58;
	v7 =	vnsel vm3, $0x0, v59  }
0x121: {  	v4 =	vadd.f32 v4, v8;
	v6 =	vadd.f32 v6, v7;
	v61 =	vmov s1  }
0x122: {  	v8 =	vnsel vm7, $0x0, v60;
	v7 =	vnsel vm7, $0x0, v61  }
0x123: {  	v1 =	vmul.f32 v1, v3;
	v4 =	vadd.f32 v4, v8;
	v3 =	vadd.f32 v6, v7  }
0x124: {  	v2 =	vbroadcast v2, $0xF;
	v10 =	vbroadcast v39, $0xF  }
0x125: {  	v13 =	vld [tilespmem:$0x1FCE0];
	v4 =	vmul.f32 v12, v4;
	v3 =	vmul.f32 v12, v3;
	_ =	sdelay $0x1  }
0x126: {  	[tilespmem:$0x180] =	vst v1;
	v1 =	vmul.f32 v10, v4;
	v2 =	vmul.f32 v2, v3;
	v3 =	vld [tilespmem:$0x1FC20];
	_ =	sdelay $0x1  }
0x127: {  	[tilespmem:$0x280] =	vst v1;
	v1 =	vld [tilespmem:$0x1FC70]  }
0x128: {  	vm4 =	vnez.u8 v13  }
0x129: {  	vm8 =	vmand vm4, vm0  }
0x12a: {  	v7 =	vsel vm8, $0x3F800000, v0;
	vm8 =	vnez.u8 v3;
	v3 =	vld [tilespmem:$0x1FCF0]  }
0x12b: {  	v62 =	vld [tilespmem:$0x1FC00];
	vm9 =	vmand vm8, vm6  }
0x12c: {  	v10 =	vsel vm9, $0x3F800000, v0;
	vm9 =	vnez.u8 v1;
	v1 =	vld [tilespmem:$0x1FC30];
	_ =	sdelay $0x1  }
0x12d: {  	v11 =	vld [tilespmem:$0x1FC10]  }
0x12e: {  	vm5 =	vnez.u8 v3  }
0x12f: {  	vm11 =	vmand vm5, vm0  }
0x130: {  	vm7 =	vnez.u8 v62;
	v6 =	vsel vm11, $0x3F800000, v0;
	vm11 =	vnez.u8 v1;
	v1 =	vld [tilespmem:$0x1FD10]  }
0x131: {  	v63 =	vld [tilespmem:$0x1FCD0];
	vm12 =	vmand vm7, vm6  }
0x132: {  	v9 =	vsel vm12, $0x3F800000, v0;
	vm12 =	vnez.u8 v11  }
0x133: {  	vm15 =	vmand vm12, vm6  }
0x134: {  	v43 =	vsel vm15, $0x3F800000, v0;
	vm15 =	vmand vm13, vm0  }
0x135: {  	v41 =	vsel vm15, $0x3F800000, v0;
	vm15 =	vnez.u8 v1;
	v1 =	vld [tilespmem:$0x1FC40]  }
0x136: {  	v50 =	vbroadcast v31, $0xF;
	v5 =	vmul.f32 v12, v5;
	vm3 =	vnez.u8 v63  }
0x137: {  	vm14 =	vmand vm3, vm0  }
0x138: {  	v5 =	vmul.f32 v50, v5;
	v8 =	vsel vm14, $0x3F800000, v0;
	vm14 =	vmand vm9, vm6  }
0x139: {  	v42 =	vsel vm14, $0x3F800000, v0;
	vm14 =	vmand vm11, vm6  }
0x13a: {  	[tilespmem:$0x200] =	vst v5;
	v5 =	vsel vm14, $0x3F800000, v0;
	vm14 =	vnez.u8 v1;
	v1 =	vld [tilespmem:$0x1FD20];
	_ =	sdelay $0x4  }
0x13b: {  	vm1 =	vmand vm15, vm0;
	vm15 =	vnez.u8 v1;
	v1 =	vld [tilespmem:$0x1FBB0];
	_ =	sdelay $0x3  }
0x13c: {  	v38 =	vsel vm1, $0x3F800000, v0;
	vm1 =	vmand vm14, vm6  }
0x13d: {  	v39 =	vsel vm1, $0x3F800000, v0;
	vm1 =	vnez.u8 v1;
	v1 =	vld [tilespmem:$0x1FD30];
	_ =	sdelay $0x4  }
0x13e: {  	vm1 =	vmand vm1, vm6;
	vm6 =	vmand vm10, vm6;
	vm10 =	vnez.u8 v1;
	v1 =	vld [tilespmem:$0x1FD40];
	_ =	sdelay $0x4  }
0x13f: {  	v58 =	vsel vm6, $0x3F800000, v0;
	vm6 =	vnez.u8 v1;
	v1 =	vld [tilespmem:$0x1FB90];
	_ =	sdelay $0x3  }
0x140: {  	v14 =	vsel vm2, $0x3F800000, v0;
	vm2 =	vmand vm15, vm0  }
0x141: {  	v59 =	vsel vm2, $0x3F800000, v0;
	vm2 =	vmand vm10, vm0;
	vm10 =	vnez.u8 v1;
	v1 =	vld [tilespmem:$0x1FBA0];
	_ =	sdelay $0x3  }
0x142: {  	vm0 =	vmand vm6, vm0;
	vm6 =	vcmask $0x3F08  }
0x143: {  	v57 =	vsel vm0, $0x3F800000, v0;
	vm0 =	vmand vm10, vm6;
	vm6 =	vnez.u8 v1;
	v1 =	vld [tilespmem:$0x1FC60];
	_ =	sdelay $0x4  }
0x144: {  	(xrf2) =	vadd.scan.msk.f32 $0xffff, v37;
	vm10 =	vnez.u8 v1;
	v1 =	vld [tilespmem:$0x1FCB0];
	_ =	sdelay $0x3  }
0x145: {  	v60 =	vsel vm1, $0x3F800000, v0;
	vm1 =	vmand vm10, vm6  }
0x146: {  	(xrf2) =	vadd.scan.msk.f32 $0xffff, v15;
	v49, _, _ =	vpop (xrf2);
	v56 =	vsel vm1, $0x3F800000, v0;
	vm1 =	vnez.u8 v1;
	v1 =	vld [tilespmem:$0x1FBF0]  }
0x147: {  	v52, _, _ =	vpop (xrf2)  }
0x148: {  	(xrf2) =	vadd.scan.msk.f32 $0xffff, v14;
	(v2sf) =	vpush v52, $0xF  }
0x149: {  	(xrf2) =	vadd.scan.msk.f32 $0xffff, v17  }
0x14a: {  	v17 =	vld [tilespmem:$0x1FD10];
	(xrf2) =	vadd.scan.msk.f32 $0xffff, v16  }
0x14b: {  	(xrf2) =	vadd.scan.msk.f32 $0xffff, v19;
	v54, _, _ =	vpop (xrf2);
	v61 =	vsel vm2, $0x3F800000, v0;
	vm4 =	vmand vm4, vm0;
	vm2 =	vnez.u8 v1;
	v1 =	vld [tilespmem:$0x1FCC0]  }
0x14c: {  	(xrf2) =	vadd.scan.msk.f32 $0xffff, v18;
	(v2sf) =	vpush v54, $0xF;
	v3 =	vsel vm4, $0x3F800000, v0  }
0x14d: {  	(xrf2) =	vadd.scan.msk.f32 $0xffff, v21;
	vm4 =	vmmov vm13;
	vm12 =	vmand vm12, vm6;
	vm11 =	vmand vm11, vm6  }
0x14e: {  	[tilespmem:$0x1FF00] =	vst v49;
	v49 =	vsel vm12, $0x3F800000, v0;
	vm12 =	vmand vm9, vm6;
	v45 =	vsel vm11, $0x3F800000, v0  }
0x14f: {  	(xrf2) =	vadd.scan.msk.f32 $0xffff, v20;
	v46 =	vsel vm12, $0x3F800000, v0;
	vm12 =	vnez.u8 v17;
	vm1 =	vmand vm1, vm0  }
0x150: {  	(xrf2) =	vadd.scan.msk.f32 $0xffff, v23;
	v55 =	vsel vm1, $0x3F800000, v0;
	vm2 =	vmand vm2, vm6;
	vm1 =	vnez.u8 v1;
	v1, _, _ =	vpop (xrf2)  }
0x151: {  	(xrf2) =	vadd.scan.msk.f32 $0xffff, v22;
	v4 =	vsel vm2, $0x3F800000, v0;
	vm1 =	vmand vm1, vm0;
	(v2sf) =	vpush v1, $0xF  }
0x152: {  	[tilespmem:$0x300] =	vst v2;
	v2, _, _ =	vpop (xrf2);
	v54 =	vsel vm1, $0x3F800000, v0;
	vm1 =	vmand vm7, vm6;
	vm7 =	vmand vm3, vm0  }
0x153: {  	(xrf2) =	vadd.scan.msk.f32 $0xffff, v26;
	v1, _, _ =	vpop (xrf2);
	(v2sf) =	vpush v2, $0xF;
	v53 =	vsel vm1, $0x3F800000, v0;
	v52 =	vsel vm7, $0x3F800000, v0  }
0x154: {  	(xrf2) =	vadd.scan.msk.f32 $0xffff, v24;
	vm7 =	vmand vm8, vm6;
	vm8 =	vmand vm5, vm0;
	(v2sf) =	vpush v1, $0xF  }
0x155: {  	v20 =	vld [tilespmem:$0x1FD30];
	(xrf2) =	vadd.scan.msk.f32 $0xffff, v27;
	v2, _, _ =	vpop (xrf2);
	vm5 =	vmand vm14, vm6;
	vm14 =	vmmov vm15;
	v15 =	vsel vm7, $0x3F800000, v0  }
0x156: {  	v19 =	vld [tilespmem:$0x1FBB0];
	(xrf2) =	vadd.scan.msk.f32 $0xffff, v25;
	v47 =	vsel vm8, $0x3F800000, v0;
	vm7 =	vmmov vm9;
	v1, _, _ =	vpop (xrf2);
	(v2sf) =	vpush v2, $0xF  }
0x157: {  	s6 =	spop (v2sf);
	v27 =	vld [tilespmem:$0x1FBD0];
	(xrf2) =	vadd.scan.msk.f32 $0xffff, v29;
	vm9 =	vmand vm13, vm0;
	vm13 =	vmand vm12, vm0;
	v2, _, _ =	vpop (xrf2);
	(v2sf) =	vpush v1, $0xF  }
0x158: {  	(xrf2) =	vadd.scan.msk.f32 $0xffff, v28;
	vm8 =	vmand vm15, vm0;
	v40 =	vsel vm5, $0x3F800000, v0;
	v1, _, _ =	vpop (xrf2);
	(v2sf) =	vpush v2, $0xF  }
0x159: {  	(xrf2) =	vadd.scan.msk.f32 $0xffff, v30;
	v37 =	vsel vm9, $0x3F800000, v0;
	vm9 =	vcmask $0x1318;
	v2, _, _ =	vpop (xrf2);
	(v2sf) =	vpush v1, $0xF  }
0x15a: {  	vm15 =	vnez.u8 v20;
	(xrf2) =	vadd.scan.msk.f32 $0xffff, v32;
	v18 =	vsel vm9, $0x0, v12;
	(v2sf) =	vpush v2, $0xF;
	v2 =	vld [tilespmem:$0x1FBC0]  }
0x15b: {  	v31 =	vsel vm13, $0x3F800000, v0;
	v29 =	vsel vm8, $0x3F800000, v0;
	vm13 =	vmand vm15, vm0;
	v1, _, _ =	vpop (xrf2);
	(xrf2) =	vadd.scan.msk.f32 $0xffff, v18  }
0x15c: {  	vm3 =	vnez.u8 v27;
	vm9 =	vnez.u8 v19;
	v21, _, _ =	vpop (xrf2);
	(xrf2) =	vadd.scan.msk.f32 $0xffff, v33;
	(v2sf) =	vpush v1, $0xF;
	v33 =	vld [tilespmem:$0x1FBE0]  }
0x15d: {  	v30 =	vsel vm13, $0x3F800000, v0;
	vm11 =	vmand vm9, vm6;
	v1, _, _ =	vpop (xrf2);
	(v2sf) =	vpush v21, $0xF  }
0x15e: {  	v22 =	vld [tilespmem:$0x1FD40];
	vm7 =	vmand vm7, vm3;
	v32 =	vsel vm11, $0x3F800000, v0;
	(xrf2) =	vadd.scan.msk.f32 $0xffff, v34;
	v23, _, _ =	vpop (xrf2);
	(v2sf) =	vpush v1, $0xF  }
0x15f: {  	v18 =	vsel vm7, $0x3F800000, v0;
	(xrf2) =	vadd.scan.msk.f32 $0xffff, v35;
	v35 =	vld [tilespmem:$0x1FCB0];
	v1, _, _ =	vpop (xrf2);
	(v2sf) =	vpush v23, $0xF;
	vm13 =	vnez.u8 v2  }
0x160: {  	(xrf2) =	vadd.scan.msk.f32 $0xffff, v36;
	v34, _, _ =	vpop (xrf2);
	(v2sf) =	vpush v1, $0xF;
	vm5 =	vmand vm13, vm6;
	vm6 =	vmand vm10, vm3  }
0x161: {  	v36 =	vld [tilespmem:$0x1FBF0];
	(xrf2) =	vadd.scan.msk.f32 $0xffff, v9;
	vm8 =	vnez.u8 v33;
	vm10 =	vcmask $0x3F08;
	(v2sf) =	vpush v34, $0xF  }
0x162: {  	v48 =	vld [tilespmem:$0x1FCC0];
	v1, _, _ =	vpop (xrf2);
	(xrf2) =	vadd.scan.msk.f32 $0xffff, v8;
	v34 =	vimm.s32 $0x0;
	v8 =	vimm.s32 $0x0;
	v2 =	vsel vm5, $0x3F800000, v0  }
0x163: {  	v50 =	vld [tilespmem:$0x1FC00];
	vm5 =	vnez.u8 v22;
	v25 =	vsel vm6, $0x3F800000, v0;
	v44, _, _ =	vpop (xrf2);
	(v2sf) =	vpush v1, $0xF  }
0x164: {  	vm0 =	vmand vm5, vm0;
	vm11 =	vnez.u8 v35;
	(v2sf) =	vpush v44, $0xF  }
0x165: {  	v62 =	vld [tilespmem:$0x1FCD0];
	v1, _, _ =	vpop (xrf2);
	v35 =	vimm.s32 $0x0;
	v28 =	vsel vm0, $0x3F800000, v0;
	vm0 =	vmand vm8, vm10  }
0x166: {  	(xrf2) =	vadd.scan.msk.f32 $0xffff, v43;
	v51, _, _ =	vpop (xrf2);
	(v2sf) =	vpush v1, $0xF;
	vm1 =	vmand vm11, vm0;
	vm11 =	vnez.u8 v36  }
0x167: {  	v63 =	vld [tilespmem:$0x1FC10];
	(xrf2) =	vadd.scan.msk.f32 $0xffff, v7;
	vm8 =	vnez.u8 v48;
	(v2sf) =	vpush v51, $0xF;
	vm6 =	vmand vm11, vm3  }
0x168: {  	(xrf2) =	vadd.scan.msk.f32 $0xffff, v10;
	v1, _, _ =	vpop (xrf2);
	v27 =	vsel vm1, $0x3F800000, v0;
	vm1 =	vmand vm8, vm0;
	vm8 =	vnez.u8 v50  }
0x169: {  	v9 =	vld [tilespmem:$0x1FCE0];
	v36 =	vimm.s32 $0x0;
	[tilespmem:$0x1FF10] =	vst v1;
	v1, _, _ =	vpop (xrf2);
	v24 =	vsel vm6, $0x3F800000, v0;
	vm10 =	vmand vm8, vm3  }
0x16a: {  	[tilespmem:$0x100] =	vst v12;
	v10 =	vld [tilespmem:$0x1FC20];
	v26 =	vsel vm1, $0x3F800000, v0;
	vm6 =	vnez.u8 v62;
	(v2sf) =	vpush v1, $0xF  }
0x16b: {  	s12 =	spop (v2sf);
	(xrf2) =	vadd.scan.msk.f32 $0xffff, v6;
	v1, _, _ =	vpop (xrf2);
	v62 =	vimm.s32 $0x0;
	v21 =	vsel vm10, $0x3F800000, v0;
	vm1 =	vmand vm6, vm0  }
0x16c: {  	v11 =	vld [tilespmem:$0x1FCF0];
	s16 =	spop (v2sf);
	(xrf2) =	vadd.scan.msk.f32 $0xffff, v42;
	vm6 =	vnez.u8 v63;
	(v2sf) =	vpush v1, $0xF;
	v1, _, _ =	vpop (xrf2);
	v63 =	vimm.s32 $0x0  }
0x16d: {  	s15 =	spop (v2sf);
	(xrf2) =	vadd.scan.msk.f32 $0xffff, v41;
	vm10 =	vmand vm6, vm3;
	v23 =	vsel vm1, $0x3F800000, v0;
	(v2sf) =	vpush v1, $0xF;
	v1, _, _ =	vpop (xrf2)  }
0x16e: {  	s18 =	spop (v2sf);
	(xrf2) =	vadd.scan.msk.f32 $0xffff, v5;
	v19 =	vsel vm10, $0x3F800000, v0;
	vm10 =	vnez.u8 v9;
	(v2sf) =	vpush v1, $0xF;
	v1, _, _ =	vpop (xrf2)  }
0x16f: {  	v9 =	vimm.s32 $0x0;
	vm1 =	vmand vm10, vm0;
	vm10 =	vnez.u8 v10;
	v13 =	vld [tilespmem:$0x1FC30]  }
0x170: {  	(v2sf) =	vpush v1, $0xF;
	v1, _, _ =	vpop (xrf2);
	v14 =	vld [tilespmem:$0x1FC40];
	(xrf2) =	vadd.scan.msk.f32 $0xffff, v38;
	vm2 =	vmand vm10, vm3;
	v22 =	vsel vm1, $0x3F800000, v0  }
0x171: {  	s9 =	spop (v2sf);
	vm1 =	vnez.u8 v11;
	(v2sf) =	vpush v1, $0xF;
	v1, _, _ =	vpop (xrf2);
	(xrf2) =	vadd.scan.msk.f32 $0xffff, v39;
	v16 =	vsel vm2, $0x3F800000, v0  }
0x172: {  	s13 =	spop (v2sf);
	vm1 =	vmand vm1, vm0;
	(v2sf) =	vpush v1, $0xF;
	v1, _, _ =	vpop (xrf2);
	(xrf2) =	vadd.scan.msk.f32 $0xffff, v59;
	v59 =	vimm.s32 $0x0  }
0x173: {  	s0 =	spop (v2sf);
	v20 =	vsel vm1, $0x3F800000, v0;
	vm1 =	vmand vm4, vm0;
	(v2sf) =	vpush v1, $0xF;
	v1, _, _ =	vpop (xrf2)  }
0x174: {  	s10 =	spop (v2sf);
	(xrf2) =	vadd.scan.msk.f32 $0xffff, v60;
	v51 =	vsel vm1, $0x3F800000, v0;
	vm1 =	vmand vm12, vm0;
	(v2sf) =	vpush v1, $0xF  }
0x175: {  	v17 =	vld [tilespmem:$0x1FC50];
	v1, _, _ =	vpop (xrf2);
	(xrf2) =	vadd.scan.msk.f32 $0xffff, v61;
	v61 =	vimm.s32 $0x0;
	vm7 =	vnez.u8 v13;
	vm12 =	vnez.u8 v14  }
0x176: {  	v33 =	vld [tilespmem:$0x1FC60];
	s14 =	spop (v2sf);
	v50 =	vsel vm1, $0x3F800000, v0;
	(v2sf) =	vpush v1, $0xF;
	v1, _, _ =	vpop (xrf2);
	vm4 =	vmand vm7, vm3  }
0x177: {  	s7 =	spop (v2sf);
	(v2sf) =	vpush v1, $0xF;
	v1, _, _ =	vpop (xrf2);
	v43 =	vsel vm4, $0x3F800000, v0;
	vm4 =	vmand vm12, vm3  }
0x178: {  	s11 =	spop (v2sf);
	(v2sf) =	vpush v1, $0xF;
	v1, _, _ =	vpop (xrf2);
	v44 =	vsel vm4, $0x3F800000, v0;
	vm4 =	vmand vm14, vm0  }
0x179: {  	s8 =	spop (v2sf);
	vm14 =	vmand vm9, vm3;
	(v2sf) =	vpush v1, $0xF;
	v48 =	vsel vm4, $0x3F800000, v0  }
0x17a: {  	v41 =	vsel vm14, $0x3F800000, v0;
	vm4 =	vmand vm13, vm3;
	vm14 =	vmand vm15, vm0  }
0x17b: {  	v60 =	vld [tilespmem:$0x1FC70];
	vm0 =	vmand vm5, vm0;
	vm15 =	vnez.u8 v17;
	vm5 =	vnez.u8 v33  }
0x17c: {  	vm3 =	vmmov vm6;
	v42 =	vsel vm14, $0x3F800000, v0;
	v38 =	vsel vm4, $0x3F800000, v0  }
0x17d: {  	v39 =	vsel vm0, $0x3F800000, v0;
	vm0 =	vmmov vm15;
	vm2 =	vmand vm11, vm15  }
0x17e: {  	vm4 =	vmand vm5, vm15;
	v5 =	vsel vm2, $0xFFFFFFFF, v34;
	vm15 =	vmand vm8, vm0  }
0x17f: {  	vm14 =	vcmask $0x171C;
	vm6 =	vmand vm6, vm0;
	[tilespmem:$0x1FD50] =	vst v5;
	v5 =	vsel vm15, $0xFFFFFFFF, v35  }
0x180: {  	vm1 =	vmand vm10, vm0;
	[tilespmem:$0x1FD60] =	vst v5;
	v5 =	vsel vm6, $0xFFFFFFFF, v36;
	vm6 =	vnez.u8 v60  }
0x181: {  	v10 =	vld [tilespmem:$0x1FC80];
	v1 =	vsel vm14, $0x0, v12;
	[tilespmem:$0x1FD70] =	vst v5;
	v5 =	vsel vm1, $0xFFFFFFFF, v59;
	vm14 =	vmand vm6, vm0  }
0x182: {  	v11 =	vimm.s32 $0x0;
	vm15 =	vmand vm7, vm0;
	[tilespmem:$0x1FD80] =	vst v5;
	v5 =	vsel vm14, $0xFFFFFFFF, v61  }
0x183: {  	(xrf2) =	vadd.scan.msk.f32 $0xffff, v58;
	vm1 =	vmand vm12, vm0;
	[tilespmem:$0x1FDA0] =	vst v5;
	v5 =	vsel vm15, $0xFFFFFFFF, v62  }
0x184: {  	v17 =	vsel vm4, $0x3F800000, v0;
	vm4 =	vmand vm9, vm0;
	[tilespmem:$0x1FDC0] =	vst v5;
	v5 =	vsel vm1, $0xFFFFFFFF, v63  }
0x185: {  	(xrf2) =	vadd.scan.msk.f32 $0xffff, v57;
	vm0 =	vmand vm13, vm0;
	[tilespmem:$0x1FDE0] =	vst v5;
	v5 =	vsel vm4, $0xFFFFFFFF, v8  }
0x186: {  	vm2 =	vmmov vm8;
	[tilespmem:$0x1FE00] =	vst v5;
	v5 =	vsel vm0, $0xFFFFFFFF, v9;
	vm0 =	vnez.u8 v10  }
0x187: {  	(xrf2) =	vadd.scan.msk.f32 $0xffff, v1;
	v1 =	vimm.s32 $0x0;
	vm5 =	vmand vm5, vm0;
	vm8 =	vmand vm2, vm0  }
0x188: {  	[tilespmem:$0x1FE20] =	vst v5;
	v5 =	vsel vm5, $0xFFFFFFFF, v11;
	v1 =	vsel vm8, $0xFFFFFFFF, v1  }
0x189: {  	vm5 =	vmand vm11, vm0;
	vm11 =	vmand vm3, vm0;
	[tilespmem:$0x1FE70] =	vst v1;
	v1 =	vimm.s32 $0x0  }
0x18a: {  	v1 =	vsel vm11, $0xFFFFFFFF, v1  }
0x18b: {  	vm14 =	vmand vm10, vm0;
	[tilespmem:$0x1FE90] =	vst v1;
	v1 =	vimm.s32 $0x0  }
0x18c: {  	v1 =	vsel vm14, $0xFFFFFFFF, v1;
	_ =	sdelay $0x2  }
0x18d: {  	[tilespmem:$0x1FEA0] =	vst v1;
	v1, _, _ =	vpop (xrf2)  }
0x18e: {  	s19 =	spop (v2sf);
	(v2sf) =	vpush v1, $0xF;
	v1, _, _ =	vpop (xrf2)  }
0x18f: {  	s17 =	spop (v2sf);
	(v2sf) =	vpush v1, $0xF;
	v1 =	vld [tilespmem:$0x1FCB0];
	_ =	sdelay $0x1  }
0x190: {  	v13 =	vimm.s32 $0x0  }
0x191: {  	v14 =	vimm.s32 $0x0;
	vm15 =	vmand vm6, vm0;
	[tilespmem:$0x1FE30] =	vst v5;
	v5 =	vsel vm5, $0xFFFFFFFF, v13  }
0x192: {  	v33 =	vimm.s32 $0x0;
	vm4 =	vmand vm7, vm0;
	[tilespmem:$0x1FE50] =	vst v5;
	v5 =	vsel vm15, $0xFFFFFFFF, v14  }
0x193: {  	[tilespmem:$0x1FEB0] =	vst v5;
	v5 =	vsel vm4, $0xFFFFFFFF, v33;
	vm4 =	vnez.u8 v1;
	v1 =	vld [tilespmem:$0x1FCC0];
	_ =	sdelay $0x2  }
0x194: {  	(xrf2) =	vadd.scan.msk.f32 $0xffff, v56;
	v56 =	vld [tilespmem:$0x1FC90]  }
0x195: {  	v57 =	vld [tilespmem:$0x1FCA0];
	v34 =	vimm.s32 $0x0;
	vm5 =	vmand vm12, vm0  }
0x196: {  	[tilespmem:$0x1FEC0] =	vst v5;
	v5 =	vsel vm5, $0xFFFFFFFF, v34;
	vm5 =	vnez.u8 v1;
	v1 =	vld [tilespmem:$0x1FCD0]  }
0x197: {  	(xrf2) =	vadd.scan.msk.f32 $0xffff, v55;
	v59 =	vld [tilespmem:$0x1FCF0]  }
0x198: {  	v35 =	vimm.s32 $0x0;
	v36 =	vimm.s32 $0x0;
	(xrf2) =	vadd.scan.msk.f32 $0xffff, v4;
	vm6 =	vmand vm9, vm0  }
0x199: {  	(xrf2) =	vadd.scan.msk.f32 $0xffff, v54;
	vm7 =	vnez.u8 v56;
	[tilespmem:$0x1FED0] =	vst v5;
	v5 =	vsel vm6, $0xFFFFFFFF, v35  }
0x19a: {  	v61 =	vld [tilespmem:$0x1FD00];
	vm9 =	vnez.u8 v57;
	vm8 =	vcmask $0x3F08;
	vm0 =	vmand vm13, vm0;
	[tilespmem:$0x1FEE0] =	vst v5  }
0x19b: {  	v11 =	vld [tilespmem:$0x1FD10];
	v5 =	vsel vm0, $0xFFFFFFFF, v36;
	vm0 =	vmand vm9, vm8;
	(xrf2) =	vadd.scan.msk.f32 $0xffff, v53;
	vm9 =	vnez.u8 v1;
	v1, _, _ =	vpop (xrf2)  }
0x19c: {  	v58 =	vld [tilespmem:$0x1FCE0];
	vm14 =	vmand vm7, vm8;
	vm7 =	vnez.u8 v59;
	v63, _, _ =	vpop (xrf2);
	(xrf2) =	vadd.scan.msk.f32 $0xffff, v52  }
0x19d: {  	v60 =	vimm.s32 $0x0;
	v62 =	vimm.s32 $0x0;
	v14 =	vld [tilespmem:$0x1FD20];
	vm10 =	vmand vm7, vm14;
	(xrf2) =	vadd.scan.msk.f32 $0xffff, v49  }
0x19e: {  	v34 =	vld [tilespmem:$0x1FD30];
	vm13 =	vmand vm9, vm14;
	vm9 =	vmand vm9, vm0;
	(xrf2) =	vadd.scan.msk.f32 $0xffff, v3;
	v3 =	vimm.s32 $0x0  }
0x19f: {  	v4 =	vsel vm10, $0xFFFFFFFF, v60;
	vm10 =	vnez.u8 v61;
	v3 =	vsel vm9, $0xFFFFFFFF, v3  }
0x1a0: {  	v13 =	vimm.s32 $0x0;
	vm3 =	vnez.u8 v11;
	vm8 =	vmand vm10, vm14;
	[tilespmem:$0x1FE80] =	vst v3;
	v3 =	vld [tilespmem:$0x1FD60]  }
0x1a1: {  	v33 =	vimm.s32 $0x0;
	[tilespmem:$0x1FD90] =	vst v4;
	v4 =	vsel vm8, $0xFFFFFFFF, v62;
	vm8 =	vmand vm3, vm14  }
0x1a2: {  	vm6 =	vnez.u8 v58;
	[tilespmem:$0x1FDB0] =	vst v4;
	v4 =	vsel vm8, $0xFFFFFFFF, v13;
	vm8 =	vnez.u8 v14  }
0x1a3: {  	v35 =	vimm.s32 $0x0;
	vm2 =	vnez.u8 v34;
	vm1 =	vmand vm8, vm14  }
0x1a4: {  	vm15 =	vmand vm6, vm14;
	[tilespmem:$0x1FDD0] =	vst v4;
	v4 =	vsel vm1, $0xFFFFFFFF, v33;
	vm1 =	vmand vm2, vm14  }
0x1a5: {  	vm9 =	vmand vm6, vm0;
	vm6 =	vmand vm7, vm0;
	vm7 =	vnez.u8 v3;
	v3 =	vld [tilespmem:$0x1FD70]  }
0x1a6: {  	[tilespmem:$0x1FDF0] =	vst v4;
	v4 =	vsel vm1, $0xFFFFFFFF, v35  }
0x1a7: {  	vm11 =	vmand vm4, vm14;
	vm4 =	vmand vm4, vm0;
	v52 =	vimm.s32 $0x0  }
0x1a8: {  	v53 =	vimm.s32 $0x0;
	[tilespmem:$0x1FE10] =	vst v4;
	v4 =	vsel vm4, $0xFFFFFFFF, v52;
	vm4 =	vmand vm5, vm0  }
0x1a9: {  	[tilespmem:$0x1FE40] =	vst v4;
	v4 =	vsel vm4, $0xFFFFFFFF, v53  }
0x1aa: {  	v36, _, _ =	vpop (xrf2);
	vm4 =	vmand vm3, vm0;
	vm3 =	vmand vm8, vm0;
	vm8 =	vnez.u8 v3;
	v3 =	vld [tilespmem:$0x1FD80]  }
0x1ab: {  	v54, _, _ =	vpop (xrf2)  }
0x1ac: {  	v55, _, _ =	vpop (xrf2)  }
0x1ad: {  	s21 =	spop (v2sf);
	(v2sf) =	vpush v1, $0xF;
	v1, _, _ =	vpop (xrf2)  }
0x1ae: {  	[tilespmem:$0x1FF20] =	vst v1;
	v1 =	vld [tilespmem:$0x1FD50]  }
0x1af: {  	vm12 =	vmand vm5, vm14;
	vm5 =	vmand vm10, vm0;
	vm10 =	vnez.u8 v3;
	v3 =	vld [tilespmem:$0x1FD90];
	_ =	sdelay $0x3  }
0x1b0: {  	v14 =	vsel vm11, $0x3F800000, v0;
	vm11 =	vnez.u8 v1  }
0x1b1: {  	(xrf2) =	vadd.scan.msk.f32 $0xffff, v15;
	v15 =	vsel vm11, $0x3F800000, v0;
	vm11 =	vnez.u8 v3;
	v3 =	vld [tilespmem:$0x1FDA0];
	_ =	sdelay $0x4  }
0x1b2: {  	s20 =	spop (v2sf);
	(v2sf) =	vpush v63, $0xF;
	v63 =	vsel vm12, $0x3F800000, v0;
	vm12 =	vnez.u8 v3;
	v3 =	vld [tilespmem:$0x1FDB0];
	_ =	sdelay $0x4  }
0x1b3: {  	v61 =	vsel vm13, $0x3F800000, v0;
	vm13 =	vnez.u8 v3;
	v3 =	vld [tilespmem:$0x1FDC0];
	_ =	sdelay $0x4  }
0x1b4: {  	v60 =	vsel vm15, $0x3F800000, v0;
	vm15 =	vnez.u8 v3;
	v3 =	vld [tilespmem:$0x1FDD0];
	_ =	sdelay $0x4  }
0x1b5: {  	v62 =	vsel vm7, $0x3F800000, v0;
	vm7 =	vnez.u8 v3;
	v3 =	vld [tilespmem:$0x1FDE0];
	_ =	sdelay $0x4  }
0x1b6: {  	v59 =	vsel vm8, $0x3F800000, v0;
	vm8 =	vnez.u8 v3;
	v3 =	vld [tilespmem:$0x1FDF0];
	_ =	sdelay $0x4  }
0x1b7: {  	v58 =	vsel vm10, $0x3F800000, v0;
	vm10 =	vnez.u8 v3;
	v3 =	vld [tilespmem:$0x1FE00];
	_ =	sdelay $0x4  }
0x1b8: {  	v57 =	vsel vm11, $0x3F800000, v0;
	vm11 =	vnez.u8 v3;
	v3 =	vld [tilespmem:$0x1FE10];
	_ =	sdelay $0x4  }
0x1b9: {  	v56 =	vsel vm12, $0x3F800000, v0;
	vm12 =	vnez.u8 v3;
	v3 =	vld [tilespmem:$0x1FE20];
	_ =	sdelay $0x2  }
0x1ba: {  	s23 =	spop (v2sf)  }
0x1bb: {  	s22 =	spop (v2sf);
	(v2sf) =	vpush v36, $0xF  }
0x1bc: {  	(v2sf) =	vpush v54, $0xF;
	v54 =	vsel vm15, $0x3F800000, v0;
	vm15 =	vnez.u8 v3;
	v3 =	vld [tilespmem:$0x1FE30];
	_ =	sdelay $0x4  }
0x1bd: {  	s24 =	spop (v2sf);
	v52 =	vsel vm7, $0x3F800000, v0;
	vm7 =	vnez.u8 v3;
	v3 =	vld [tilespmem:$0x1FE40]  }
0x1be: {  	s25 =	spop (v2sf)  }
0x1bf: {  	s28 =	spop (v2sf)  }
0x1c0: {  	s26 =	spop (v2sf)  }
0x1c1: {  	s30 =	spop (v2sf);
	(xrf2) =	vadd.scan.msk.f32 $0xffff, v47  }
0x1c2: {  	s29 =	spop (v2sf);
	(v2sf) =	vpush v55, $0xF;
	(xrf2) =	vadd.scan.msk.f32 $0xffff, v46;
	v1, _, _ =	vpop (xrf2);
	v53 =	vsel vm8, $0x3F800000, v0;
	vm8 =	vnez.u8 v3;
	v3 =	vld [tilespmem:$0x1FE50]  }
0x1c3: {  	s1 =	sadd.f32 s12, s6;
	s6 =	spop (v2sf);
	(xrf2) =	vadd.scan.msk.f32 $0xffff, v37;
	v33, _, _ =	vpop (xrf2);
	(v2sf) =	vpush v1, $0xF  }
0x1c4: {  	s5 =	spop (v2sf);
	(xrf2) =	vadd.scan.msk.f32 $0xffff, v45;
	v34, _, _ =	vpop (xrf2);
	(v2sf) =	vpush v33, $0xF  }
0x1c5: {  	s31 =	spop (v2sf);
	(xrf2) =	vadd.scan.msk.f32 $0xffff, v31;
	v35, _, _ =	vpop (xrf2);
	(v2sf) =	vpush v34, $0xF  }
0x1c6: {  	v8 =	vmov s1;
	s12 =	spop (v2sf);
	[tilespmem:$0x1FE60] =	vst v4;
	v1, _, _ =	vpop (xrf2);
	(v2sf) =	vpush v35, $0xF  }
0x1c7: {  	s1 =	sadd.f32 s15, s16;
	s16 =	spop (v2sf);
	(xrf2) =	vadd.scan.msk.f32 $0xffff, v40;
	v36, _, _ =	vpop (xrf2);
	(v2sf) =	vpush v1, $0xF;
	v47 =	vsel vm10, $0x3F800000, v0;
	vm10 =	vnez.u8 v3;
	v3 =	vld [tilespmem:$0x1FE60]  }
0x1c8: {  	s18 =	sadd.f32 s9, s18;
	(xrf2) =	vadd.scan.msk.f32 $0xffff, v29;
	v37, _, _ =	vpop (xrf2);
	(v2sf) =	vpush v36, $0xF  }
0x1c9: {  	s15 =	spop (v2sf);
	(xrf2) =	vadd.scan.msk.f32 $0xffff, v32;
	v13, _, _ =	vpop (xrf2);
	(v2sf) =	vpush v37, $0xF  }
0x1ca: {  	v9 =	vmov s18;
	s18 =	spop (v2sf);
	(xrf2) =	vadd.scan.msk.f32 $0xffff, v30;
	v1, _, _ =	vpop (xrf2);
	(v2sf) =	vpush v13, $0xF  }
0x1cb: {  	s0 =	sadd.f32 s0, s13;
	s9 =	spop (v2sf);
	(xrf2) =	vadd.scan.msk.f32 $0xffff, v2;
	v2, _, _ =	vpop (xrf2);
	(v2sf) =	vpush v1, $0xF  }
0x1cc: {  	s14 =	sadd.f32 s14, s10;
	s13 =	spop (v2sf);
	v29, _, _ =	vpop (xrf2);
	(v2sf) =	vpush v2, $0xF;
	v45 =	vsel vm11, $0x3F800000, v0;
	vm11 =	vnez.u8 v3;
	v3 =	vld [tilespmem:$0x1FE70]  }
0x1cd: {  	s10 =	spop (v2sf);
	v13, _, _ =	vpop (xrf2);
	(v2sf) =	vpush v29, $0xF  }
0x1ce: {  	v10 =	vmov s14;
	s14 =	spop (v2sf);
	v1, _, _ =	vpop (xrf2);
	(v2sf) =	vpush v13, $0xF  }
0x1cf: {  	v7 =	vmov s0;
	v2, _, _ =	vpop (xrf2);
	(v2sf) =	vpush v1, $0xF  }
0x1d0: {  	s0 =	sadd.f32 s11, s7;
	v49 =	vld [tilespmem:$0x1FD40];
	s7 =	spop (v2sf);
	(v2sf) =	vpush v2, $0xF;
	v55 =	vsel vm13, $0x3F800000, v0;
	vm13 =	vcmask $0x1B20  }
0x1d1: {  	s19 =	sadd.f32 s19, s8;
	s11 =	spop (v2sf);
	(xrf2) =	vadd.scan.msk.f32 $0xffff, v28;
	v6, _, _ =	vpop (xrf2);
	v28 =	vsel vm13, $0x0, v12;
	v40 =	vsel vm12, $0x3F800000, v0;
	vm12 =	vnez.u8 v3;
	v3 =	vld [tilespmem:$0x1FE80]  }
0x1d2: {  	[tilespmem:$0x1FEF0] =	vst v5;
	s8 =	spop (v2sf);
	v5, _, _ =	vpop (xrf2);
	(v2sf) =	vpush v6, $0xF;
	(xrf2) =	vadd.scan.msk.f32 $0xffff, v28  }
0x1d3: {  	v1 =	vld [tilespmem:$0x1FEB0];
	v6 =	vmov s19;
	s19 =	spop (v2sf);
	v13, _, _ =	vpop (xrf2);
	(v2sf) =	vpush v5, $0xF;
	(xrf2) =	vadd.scan.msk.f32 $0xffff, v25  }
0x1d4: {  	v11 =	vmov s1;
	s1 =	sadd.f32 s21, s17;
	s17 =	spop (v2sf);
	(v2sf) =	vpush v13, $0xF;
	v13 =	vld [tilespmem:$0x1FEE0];
	(xrf2) =	vadd.scan.msk.f32 $0xffff, v27  }
0x1d5: {  	s24 =	sadd.f32 s24, s22;
	(xrf2) =	vadd.scan.msk.f32 $0xffff, v24  }
0x1d6: {  	vm2 =	vmand vm2, vm0;
	vm1 =	vnez.u8 v49;
	(xrf2) =	vadd.scan.msk.f32 $0xffff, v26;
	vm13 =	vnez.u8 v3;
	v3 =	vld [tilespmem:$0x1FE90]  }
0x1d7: {  	v4 =	vmov s24;
	vm14 =	vmand vm1, vm14;
	vm1 =	vmand vm1, vm0;
	(xrf2) =	vadd.scan.msk.f32 $0xffff, v21  }
0x1d8: {  	v46 =	vsel vm14, $0x3F800000, v0;
	v30 =	vsel vm9, $0x3F800000, v0;
	v29 =	vsel vm6, $0x3F800000, v0;
	(xrf2) =	vadd.scan.msk.f32 $0xffff, v23  }
0x1d9: {  	vm6 =	vnez.u8 v1;
	vm9 =	vnez.u8 v13;
	v13 =	vmov s1;
	(xrf2) =	vadd.scan.msk.f32 $0xffff, v19  }
0x1da: {  	v2, _, _ =	vpop (xrf2);
	v25 =	vsel vm4, $0x3F800000, v0;
	vm4 =	vcmask $0x1310;
	v27 =	vsel vm6, $0x3F800000, v0;
	(xrf2) =	vadd.scan.msk.f32 $0xffff, v22;
	v22 =	vld [tilespmem:$0x1FEC0]  }
0x1db: {  	v1, _, _ =	vpop (xrf2);
	v10 =	vnsel vm4, $0x0, v10;
	v26 =	vsel vm5, $0x3F800000, v0;
	(xrf2) =	vadd.scan.msk.f32 $0xffff, v16;
	vm14 =	vnez.u8 v3;
	v3 =	vld [tilespmem:$0x1FEA0]  }
0x1dc: {  	v5, _, _ =	vpop (xrf2);
	vm5 =	vcmask $0x1714;
	v21 =	vsel vm2, $0x3F800000, v0;
	vm2 =	vcmask $0xF0C;
	(xrf2) =	vadd.scan.msk.f32 $0xffff, v20  }
0x1dd: {  	v23 =	vld [tilespmem:$0x1FED0];
	v7 =	vnsel vm2, $0x0, v7;
	v16, _, _ =	vpop (xrf2);
	(xrf2) =	vadd.scan.msk.f32 $0xffff, v18;
	v18 =	vsel vm1, $0x3F800000, v0;
	vm1 =	vcmask $0x704  }
0x1de: {  	v20 =	vsel vm9, $0x3F800000, v0;
	v11 =	vnsel vm1, $0x0, v11;
	v49 =	vsel vm15, $0x3F800000, v0  }
0x1df: {  	v36 =	vsel vm7, $0x3F800000, v0;
	vm7 =	vnez.u8 v22;
	v22 =	vsel vm3, $0x3F800000, v0  }
0x1e0: {  	v19 =	vld [tilespmem:$0x1FEF0];
	vm3 =	vcmask $0xB08;
	vm15 =	vnez.u8 v3;
	v3 =	vmov s0;
	s0 =	sadd.f32 s23, s20;
	s20 =	spop (v2sf)  }
0x1e1: {  	v24 =	vsel vm7, $0x3F800000, v0;
	v9 =	vnsel vm3, $0x0, v9;
	(v2sf) =	vpush v2, $0xF;
	s21 =	spop (v2sf)  }
0x1e2: {  	s25 =	sadd.f32 s28, s25;
	v37 =	vsel vm8, $0x3F800000, v0;
	vm8 =	vnez.u8 v23;
	(v2sf) =	vpush v1, $0xF;
	s22 =	spop (v2sf)  }
0x1e3: {  	s30 =	sadd.f32 s30, s26;
	v23 =	vsel vm8, $0x3F800000, v0;
	vm8 =	vcmask $0x1B18;
	v2, _, _ =	vpop (xrf2);
	(xrf2) =	vadd.scan.msk.f32 $0xffff, v51;
	(v2sf) =	vpush v5, $0xF;
	s23 =	spop (v2sf)  }
0x1e4: {  	s24 =	sadd.f32 s6, s29;
	v6 =	vnsel vm8, $0x0, v6;
	v35 =	vsel vm10, $0x3F800000, v0;
	v1, _, _ =	vpop (xrf2);
	(xrf2) =	vadd.scan.msk.f32 $0xffff, v43;
	(v2sf) =	vpush v2, $0xF;
	s6 =	spop (v2sf)  }
0x1e5: {  	vm10 =	vnez.u8 v19;
	v51, _, _ =	vpop (xrf2);
	(xrf2) =	vadd.scan.msk.f32 $0xffff, v50;
	v2 =	vmov s25;
	s25 =	sadd.f32 s31, s5;
	(v2sf) =	vpush v1, $0xF;
	s5 =	spop (v2sf)  }
0x1e6: {  	v19 =	vsel vm10, $0x3F800000, v0;
	vm10 =	vcmask $0x300;
	v50 =	vld [tilespmem:$0x1FF80];
	v43, _, _ =	vpop (xrf2);
	(xrf2) =	vadd.scan.msk.f32 $0xffff, v44;
	(v2sf) =	vpush v51, $0xF;
	s28 =	spop (v2sf)  }
0x1e7: {  	v8 =	vnsel vm10, $0x0, v8;
	v1, _, _ =	vpop (xrf2);
	(xrf2) =	vadd.scan.msk.f32 $0xffff, v48;
	v48 =	vmov s30;
	(v2sf) =	vpush v43, $0xF;
	s30 =	spop (v2sf)  }
0x1e8: {  	s26 =	sadd.f32 s16, s12;
	v32 =	vsel vm11, $0x3F800000, v0;
	vm11 =	vcmask $0x1F24;
	v44, _, _ =	vpop (xrf2);
	(v2sf) =	vpush v1, $0xF;
	s31 =	spop (v2sf)  }
0x1e9: {  	s10 =	sadd.f32 s14, s10;
	v33 =	vsel vm12, $0x3F800000, v0;
	vm12 =	vcmask $0x1F1C;
	(xrf2) =	vadd.scan.msk.f32 $0xffff, v41;
	v43, _, _ =	vpop (xrf2);
	(v2sf) =	vpush v44, $0xF;
	s14 =	spop (v2sf)  }
0x1ea: {  	s29 =	sadd.f32 s18, s15;
	v13 =	vnsel vm12, $0x0, v13;
	v34 =	vsel vm13, $0x3F800000, v0;
	v1, _, _ =	vpop (xrf2);
	(xrf2) =	vadd.scan.msk.f32 $0xffff, v42;
	(v2sf) =	vpush v43, $0xF;
	s16 =	spop (v2sf)  }
0x1eb: {  	s8 =	sadd.f32 s19, s8;
	vm13 =	vcmask $0x2320;
	v8 =	vadd.f32 v50, v8;
	v44, _, _ =	vpop (xrf2);
	(xrf2) =	vadd.scan.msk.f32 $0xffff, v38;
	s18 =	spop (v2sf);
	(v2sf) =	vpush v1, $0xF  }
0x1ec: {  	v31 =	vsel vm14, $0x3F800000, v0;
	s19 =	sadd.f32 s20, s17;
	v50 =	vmov s24;
	v43, _, _ =	vpop (xrf2);
	(v2sf) =	vpush v44, $0xF;
	s20 =	spop (v2sf)  }
0x1ed: {  	v42 =	vsel vm11, $0x0, v12;
	v51 =	vadd.f32 v8, v11;
	(xrf2) =	vadd.scan.msk.f32 $0xffff, v39;
	v1, _, _ =	vpop (xrf2);
	(v2sf) =	vpush v43, $0xF;
	s24 =	spop (v2sf)  }
0x1ee: {  	vm14 =	vcmask $0x2328;
	v11 =	vmov s26;
	(xrf2) =	vadd.scan.msk.f32 $0xffff, v42;
	v39, _, _ =	vpop (xrf2);
	s26 =	spop (v2sf);
	(v2sf) =	vpush v1, $0xF  }
0x1ef: {  	v28 =	vsel vm15, $0x3F800000, v0;
	s5 =	sadd.f32 s28, s5;
	v9 =	vadd.f32 v51, v9;
	(xrf2) =	vadd.scan.msk.f32 $0xffff, v17;
	v17, _, _ =	vpop (xrf2);
	s28 =	spop (v2sf);
	(v2sf) =	vpush v39, $0xF  }
0x1f0: {  	s9 =	sadd.f32 s13, s9;
	v3 =	vnsel vm5, $0x0, v3;
	vm15 =	vcmask $0x2724;
	(xrf2) =	vadd.scan.msk.f32 $0xffff, v14;
	v1, _, _ =	vpop (xrf2);
	(v2sf) =	vpush v17, $0xF  }
0x1f1: {  	v8 =	vmov s29;
	s29 =	sadd.f32 s31, s30;
	v43 =	vadd.f32 v9, v7;
	(xrf2) =	vadd.scan.msk.f32 $0xffff, v15;
	v39, _, _ =	vpop (xrf2);
	s30 =	spop (v2sf);
	(v2sf) =	vpush v1, $0xF  }
0x1f2: {  	v5 =	vmov s0;
	v4 =	vnsel vm15, $0x0, v4;
	(xrf2) =	vadd.scan.msk.f32 $0xffff, v63;
	v17, _, _ =	vpop (xrf2);
	s31 =	spop (v2sf);
	(v2sf) =	vpush v39, $0xF  }
0x1f3: {  	v51 =	vmov s9;
	v43 =	vadd.f32 v43, v10;
	(xrf2) =	vadd.scan.msk.f32 $0xffff, v62;
	v1, _, _ =	vpop (xrf2);
	s9 =	spop (v2sf);
	(v2sf) =	vpush v17, $0xF  }
0x1f4: {  	s7 =	sadd.f32 s11, s7;
	v5 =	vnsel vm13, $0x0, v5;
	v2 =	vnsel vm10, $0x0, v2;
	(xrf2) =	vadd.scan.msk.f32 $0xffff, v61;
	v61, _, _ =	vpop (xrf2);
	s11 =	spop (v2sf);
	(v2sf) =	vpush v1, $0xF  }
0x1f5: {  	v41 =	vmov s25;
	v3 =	vadd.f32 v43, v3;
	v62, _, _ =	vpop (xrf2);
	s13 =	spop (v2sf);
	(v2sf) =	vpush v61, $0xF  }
0x1f6: {  	s22 =	sadd.f32 s22, s21;
	v38 =	vmov s7;
	v42 =	vmov s10;
	(xrf2) =	vadd.scan.msk.f32 $0xffff, v59;
	(v2sf) =	vpush v62, $0xF;
	v62 =	vld [tilespmem:$0x1FF90]  }
0x1f7: {  	v11 =	vnsel vm4, $0x0, v11;
	v8 =	vnsel vm5, $0x0, v8;
	s1 =	sadd.f32 s16, s14;
	(xrf2) =	vadd.scan.msk.f32 $0xffff, v60;
	v3 =	vadd.f32 v3, v6  }
0x1f8: {  	s25 =	sadd.f32 s6, s23;
	v14 =	vmov s8;
	v9 =	vmov s19;
	v7 =	vmov s22;
	v60, _, _ =	vpop (xrf2);
	(xrf2) =	vadd.scan.msk.f32 $0xffff, v58  }
0x1f9: {  	s7 =	sadd.f32 s20, s18;
	v44 =	vmov s1;
	v15 =	vmov s5;
	v7 =	vnsel vm1, $0x0, v7;
	v17, _, _ =	vpop (xrf2);
	(xrf2) =	vadd.scan.msk.f32 $0xffff, v57;
	s14 =	spop (v2sf)  }
0x1fa: {  	v63 =	vmov s25;
	v10 =	vmov s29;
	s8 =	sadd.f32 s30, s28;
	v13 =	vadd.f32 v3, v13;
	v61, _, _ =	vpop (xrf2);
	(xrf2) =	vadd.scan.msk.f32 $0xffff, v56;
	s15 =	spop (v2sf)  }
0x1fb: {  	s10 =	sadd.f32 s26, s24;
	v43 =	vmov s7;
	(v2sf) =	vpush v60, $0xF;
	v3, _, _ =	vpop (xrf2);
	(xrf2) =	vadd.scan.msk.f32 $0xffff, v55;
	s16 =	spop (v2sf);
	v2 =	vadd.f32 v62, v2  }
0x1fc: {  	v59 =	vnsel vm1, $0x0, v48;
	v39 =	vmov s8;
	(v2sf) =	vpush v61, $0xF;
	v60, _, _ =	vpop (xrf2);
	(xrf2) =	vadd.scan.msk.f32 $0xffff, v54;
	s17 =	spop (v2sf)  }
0x1fd: {  	v1 =	vmov s10;
	(v2sf) =	vpush v3, $0xF;
	(xrf2) =	vadd.scan.msk.f32 $0xffff, v52;
	s18 =	spop (v2sf);
	v62, _, _ =	vpop (xrf2);
	v2 =	vadd.f32 v2, v59  }
0x1fe: {  	s0 =	sadd.f32 s13, s11;
	v5 =	vadd.f32 v13, v5;
	v61 =	vnsel vm3, $0x0, v50;
	(v2sf) =	vpush v60, $0xF;
	(xrf2) =	vadd.scan.msk.f32 $0xffff, v53;
	s19 =	spop (v2sf);
	v54, _, _ =	vpop (xrf2)  }
0x1ff: {  	s5 =	sadd.f32 s9, s31;
	v1 =	vnsel vm12, $0x0, v1;
	s20 =	spop (v2sf);
	(v2sf) =	vpush v62, $0xF;
	v56, _, _ =	vpop (xrf2);
	(xrf2) =	vadd.scan.msk.f32 $0xffff, v47;
	v2 =	vadd.f32 v2, v61  }
0x200: {  	v55 =	vnsel vm2, $0x0, v41;
	v6 =	vmov s0;
	s22 =	spop (v2sf);
	(v2sf) =	vpush v54, $0xF;
	v57, _, _ =	vpop (xrf2);
	(xrf2) =	vadd.scan.msk.f32 $0xffff, v45  }
0x201: {  	s1 =	sadd.f32 s15, s14;
	v3 =	vmov s5;
	s23 =	spop (v2sf);
	(v2sf) =	vpush v56, $0xF;
	v58, _, _ =	vpop (xrf2);
	(xrf2) =	vadd.scan.msk.f32 $0xffff, v40;
	v2 =	vadd.f32 v2, v55  }
0x202: {  	v6 =	vnsel vm10, $0x0, v6;
	v3 =	vnsel vm15, $0x0, v3;
	s24 =	sadd.f32 s19, s18;
	s25 =	spop (v2sf);
	(v2sf) =	vpush v57, $0xF;
	v59, _, _ =	vpop (xrf2);
	(xrf2) =	vadd.scan.msk.f32 $0xffff, v49  }
0x203: {  	v52 =	vld [tilespmem:$0x1FFA0];
	s28 =	spop (v2sf);
	v61 =	vsel vm14, $0x0, v12;
	(v2sf) =	vpush v58, $0xF;
	v60, _, _ =	vpop (xrf2);
	(xrf2) =	vadd.scan.msk.f32 $0xffff, v46;
	v2 =	vadd.f32 v2, v11  }
0x204: {  	s21 =	sadd.f32 s17, s16;
	v47 =	vmov s1;
	v45 =	vmov s24;
	s29 =	spop (v2sf);
	(v2sf) =	vpush v59, $0xF;
	v62, _, _ =	vpop (xrf2);
	(xrf2) =	vadd.scan.msk.f32 $0xffff, v61  }
0x205: {  	v56 =	vnsel vm12, $0x0, v42;
	s30 =	spop (v2sf);
	(v2sf) =	vpush v60, $0xF;
	v41, _, _ =	vpop (xrf2);
	(xrf2) =	vadd.scan.msk.f32 $0xffff, v36;
	v2 =	vadd.f32 v2, v8  }
0x206: {  	v40 =	vmov s21;
	v49 =	vnsel vm8, $0x0, v51;
	s31 =	spop (v2sf);
	(v2sf) =	vpush v62, $0xF;
	v48, _, _ =	vpop (xrf2);
	(xrf2) =	vadd.scan.msk.f32 $0xffff, v37  }
0x207: {  	v51 =	vnsel vm10, $0x0, v9;
	s8 =	spop (v2sf);
	(v2sf) =	vpush v41, $0xF;
	v50, _, _ =	vpop (xrf2);
	(xrf2) =	vadd.scan.msk.f32 $0xffff, v35;
	v2 =	vadd.f32 v2, v49  }
0x208: {  	v57 =	vnsel vm3, $0x0, v63;
	s9 =	spop (v2sf);
	v8 =	vadd.f32 v52, v51;
	(v2sf) =	vpush v48, $0xF;
	v53, _, _ =	vpop (xrf2);
	(xrf2) =	vadd.scan.msk.f32 $0xffff, v32  }
0x209: {  	s26 =	sadd.f32 s22, s20;
	v63 =	vnsel vm4, $0x0, v10;
	v46 =	vadd.f32 v5, v4;
	s10 =	spop (v2sf);
	(v2sf) =	vpush v50, $0xF;
	v54, _, _ =	vpop (xrf2);
	(xrf2) =	vadd.scan.msk.f32 $0xffff, v33  }
0x20a: {  	s0 =	sadd.f32 s29, s28;
	v59 =	vnsel vm2, $0x0, v15;
	s11 =	spop (v2sf);
	v7 =	vadd.f32 v8, v7;
	(v2sf) =	vpush v53, $0xF;
	v55, _, _ =	vpop (xrf2);
	(xrf2) =	vadd.scan.msk.f32 $0xffff, v34  }
0x20b: {  	v61 =	vnsel vm13, $0x0, v38;
	v48 =	vld [tilespmem:$0x1FFB0];
	s12 =	spop (v2sf);
	(v2sf) =	vpush v54, $0xF;
	v8 =	vadd.f32 v2, v56;
	(xrf2) =	vadd.scan.msk.f32 $0xffff, v31;
	v2, _, _ =	vpop (xrf2)  }
0x20c: {  	s1 =	sadd.f32 s25, s23;
	v36 =	vmov s26;
	v5 =	vmov s0;
	s13 =	spop (v2sf);
	(v2sf) =	vpush v55, $0xF;
	(xrf2) =	vadd.scan.msk.f32 $0xffff, v30;
	v58, _, _ =	vpop (xrf2)  }
0x20d: {  	v46 =	vmul.f32 v12, v46;
	v37 =	vnsel vm8, $0x0, v43;
	s14 =	spop (v2sf);
	(xrf2) =	vadd.scan.msk.f32 $0xffff, v28;
	(v2sf) =	vpush v2, $0xF;
	v60, _, _ =	vpop (xrf2)  }
0x20e: {  	v32 =	vmov s1;
	v49 =	vnsel vm1, $0x0, v47;
	s15 =	spop (v2sf);
	(xrf2) =	vadd.scan.msk.f32 $0xffff, v29;
	(v2sf) =	vpush v58, $0xF;
	v2, _, _ =	vpop (xrf2)  }
0x20f: {  	s5 =	sadd.f32 s31, s30;
	v34 =	vnsel vm15, $0x0, v14;
	v7 =	vadd.f32 v7, v57;
	s16 =	spop (v2sf);
	(v2sf) =	vpush v60, $0xF;
	v62, _, _ =	vpop (xrf2);
	(xrf2) =	vadd.scan.msk.f32 $0xffff, v27  }
0x210: {  	s1 =	sadd.f32 s9, s8;
	v56 =	vnsel vm3, $0x0, v40;
	v6 =	vadd.f32 v48, v6;
	s17 =	spop (v2sf);
	(v2sf) =	vpush v62, $0xF;
	v15, _, _ =	vpop (xrf2)  }
0x211: {  	v30 =	vmov s5;
	v7 =	vadd.f32 v7, v59;
	s18 =	spop (v2sf);
	(xrf2) =	vadd.scan.msk.f32 $0xffff, v26;
	(v2sf) =	vpush v15, $0xF;
	v31, _, _ =	vpop (xrf2)  }
0x212: {  	v28 =	vmov s1;
	v4 =	vadd.f32 v8, v61;
	s19 =	spop (v2sf);
	(xrf2) =	vadd.scan.msk.f32 $0xffff, v24;
	(v2sf) =	vpush v31, $0xF;
	v33, _, _ =	vpop (xrf2)  }
0x213: {  	s5 =	sadd.f32 s13, s12;
	v40 =	vnsel vm12, $0x0, v30;
	v6 =	vadd.f32 v6, v49;
	s20 =	spop (v2sf);
	(xrf2) =	vadd.scan.msk.f32 $0xffff, v25;
	(v2sf) =	vpush v33, $0xF;
	v35, _, _ =	vpop (xrf2)  }
0x214: {  	v29 =	vnsel vm5, $0x0, v44;
	s1 =	sadd.f32 s15, s14;
	v7 =	vadd.f32 v7, v63;
	s21 =	spop (v2sf);
	(xrf2) =	vadd.scan.msk.f32 $0xffff, v23;
	(v2sf) =	vpush v35, $0xF;
	v38, _, _ =	vpop (xrf2)  }
0x215: {  	v10 =	vmov s5;
	v4 =	vadd.f32 v4, v34;
	s22 =	spop (v2sf);
	(xrf2) =	vadd.scan.msk.f32 $0xffff, v22;
	v41, _, _ =	vpop (xrf2);
	(v2sf) =	vpush v38, $0xF  }
0x216: {  	v58 =	vnsel vm13, $0x0, v39;
	v9 =	vmov s1;
	v6 =	vadd.f32 v6, v56;
	s23 =	spop (v2sf);
	(xrf2) =	vadd.scan.msk.f32 $0xffff, v20;
	v43, _, _ =	vpop (xrf2)  }
0x217: {  	s0 =	sadd.f32 s11, s10;
	v60 =	vnsel vm2, $0x0, v45;
	v45 =	vnsel vm13, $0x0, v28;
	s24 =	spop (v2sf);
	(v2sf) =	vpush v41, $0xF;
	(xrf2) =	vadd.scan.msk.f32 $0xffff, v21;
	v44, _, _ =	vpop (xrf2)  }
0x218: {  	v7 =	vadd.f32 v7, v29;
	v29 =	vnsel vm5, $0x0, v32;
	s25 =	spop (v2sf);
	(v2sf) =	vpush v43, $0xF;
	v50, _, _ =	vpop (xrf2);
	(xrf2) =	vadd.scan.msk.f32 $0xffff, v19  }
0x219: {  	v9 =	vnsel vm1, $0x0, v9;
	v26 =	vmov s0;
	s0 =	sadd.f32 s17, s16;
	s26 =	spop (v2sf);
	(v2sf) =	vpush v44, $0xF;
	v53, _, _ =	vpop (xrf2);
	(xrf2) =	vadd.scan.msk.f32 $0xffff, v18  }
0x21a: {  	v4 =	vmul.f32 v12, v4;
	s5 =	sadd.f32 s19, s18;
	v6 =	vadd.f32 v6, v60;
	s28 =	spop (v2sf);
	(v2sf) =	vpush v50, $0xF  }
0x21b: {  	v2 =	vbroadcast v2, $0xF;
	v7 =	vadd.f32 v7, v37;
	s29 =	spop (v2sf);
	v54, _, _ =	vpop (xrf2);
	(v2sf) =	vpush v53, $0xF  }
0x21c: {  	v42 =	vmov s0;
	v51 =	vmov s5;
	v57, _, _ =	vpop (xrf2);
	(v2sf) =	vpush v54, $0xF;
	s30 =	spop (v2sf)  }
0x21d: {  	s1 =	sadd.f32 s21, s20;
	v25 =	vnsel vm4, $0x0, v36;
	v1 =	vadd.f32 v7, v1;
	v59, _, _ =	vpop (xrf2);
	(v2sf) =	vpush v57, $0xF;
	s31 =	spop (v2sf)  }
0x21e: {  	v37 =	vld [tilespmem:$0x1FFC0];
	v6 =	vadd.f32 v6, v25;
	v8 =	vnsel vm3, $0x0, v42;
	v62, _, _ =	vpop (xrf2);
	(v2sf) =	vpush v59, $0xF;
	s8 =	spop (v2sf)  }
0x21f: {  	v52 =	vmov s1;
	s0 =	sadd.f32 s23, s22;
	v1 =	vadd.f32 v1, v58;
	v24, _, _ =	vpop (xrf2);
	(v2sf) =	vpush v62, $0xF;
	s9 =	spop (v2sf)  }
0x220: {  	v35 =	vnsel vm10, $0x0, v10;
	v6 =	vadd.f32 v6, v29;
	s1 =	sadd.f32 s28, s26;
	(v2sf) =	vpush v24, $0xF;
	v27, _, _ =	vpop (xrf2);
	s10 =	spop (v2sf)  }
0x221: {  	v58 =	vbroadcast v16, $0xF;
	v61 =	vmov s0;
	v41 =	vld [tilespmem:$0x1FFD0];
	s0 =	sadd.f32 s30, s29;
	v32, _, _ =	vpop (xrf2);
	s11 =	spop (v2sf);
	(v2sf) =	vpush v27, $0xF  }
0x222: {  	v1 =	vadd.f32 v1, v3;
	v31 =	vmov s1;
	s1 =	sadd.f32 s10, s9;
	v34, _, _ =	vpop (xrf2);
	(v2sf) =	vpush v32, $0xF;
	s12 =	spop (v2sf)  }
0x223: {  	s5 =	sadd.f32 s25, s24;
	v3 =	vnsel vm8, $0x0, v5;
	v5 =	vadd.f32 v37, v35;
	s13 =	spop (v2sf);
	(v2sf) =	vpush v34, $0xF;
	v36, _, _ =	vpop (xrf2)  }
0x224: {  	v55 =	vld [tilespmem:$0x1FF00];
	v33 =	vmov s0;
	s0 =	sadd.f32 s12, s11;
	v38 =	vmov s1;
	s14 =	spop (v2sf);
	(v2sf) =	vpush v36, $0xF  }
0x225: {  	v49 =	vnsel vm5, $0x0, v61;
	v63 =	vmov s5;
	v7 =	vnsel vm10, $0x0, v38  }
0x226: {  	v5 =	vadd.f32 v5, v9;
	v39 =	vmov s0;
	s15 =	spop (v2sf);
	s1 =	sadd.f32 s14, s13;
	v7 =	vadd.f32 v41, v7  }
0x227: {  	v3 =	vadd.f32 v6, v3;
	v44 =	vnsel vm2, $0x0, v51;
	s16 =	spop (v2sf);
	v6 =	vnsel vm1, $0x0, v39  }
0x228: {  	v5 =	vadd.f32 v5, v8;
	s0 =	sadd.f32 s16, s15;
	s17 =	spop (v2sf);
	v42 =	vmov s1;
	v6 =	vadd.f32 v7, v6  }
0x229: {  	v18 =	vbroadcast v55, $0xF;
	v50 =	vnsel vm15, $0x0, v26;
	s18 =	spop (v2sf);
	v8 =	vnsel vm3, $0x0, v42  }
0x22a: {  	v56 =	vld [tilespmem:$0x1FF20];
	v5 =	vadd.f32 v5, v44;
	v43 =	vmov s0;
	s19 =	spop (v2sf);
	v6 =	vadd.f32 v6, v8;
	s1 =	sadd.f32 s18, s17  }
0x22b: {  	v11 =	vmul.f32 v18, v46;
	v46 =	vnsel vm4, $0x0, v52;
	s20 =	spop (v2sf);
	v7 =	vnsel vm2, $0x0, v43  }
0x22c: {  	v5 =	vadd.f32 v5, v46;
	s0 =	sadd.f32 s20, s19;
	s21 =	spop (v2sf);
	v47 =	vmov s1;
	v6 =	vadd.f32 v6, v7  }
0x22d: {  	v51 =	vnsel vm8, $0x0, v63;
	v1 =	vmul.f32 v12, v1;
	s22 =	spop (v2sf);
	v8 =	vnsel vm4, $0x0, v47  }
0x22e: {  	v5 =	vadd.f32 v5, v49;
	v48 =	vmov s0;
	s23 =	spop (v2sf);
	v6 =	vadd.f32 v6, v8;
	s1 =	sadd.f32 s22, s21  }
0x22f: {  	v9 =	vbroadcast v56, $0xF;
	v3 =	vadd.f32 v3, v40;
	s24 =	spop (v2sf);
	v7 =	vnsel vm5, $0x0, v48  }
0x230: {  	v5 =	vadd.f32 v5, v51;
	s0 =	sadd.f32 s24, s23;
	v52 =	vmov s1;
	v6 =	vadd.f32 v6, v7;
	s25 =	spop (v2sf)  }
0x231: {  	v54 =	vnsel vm12, $0x0, v31;
	v3 =	vadd.f32 v3, v45;
	s5 =	sadd.f32 s8, s31;
	v8 =	vnsel vm8, $0x0, v52;
	s26 =	spop (v2sf)  }
0x232: {  	v5 =	vadd.f32 v5, v54;
	v53 =	vmov s0;
	v6 =	vadd.f32 v6, v8;
	s0 =	sadd.f32 s26, s25;
	s28 =	spop (v2sf)  }
0x233: {  	[tilespmem:$0x680] =	vst v0;
	v59 =	vnsel vm13, $0x0, v33;
	v60 =	vmov s5;
	v7 =	vnsel vm12, $0x0, v53;
	s29 =	spop (v2sf)  }
0x234: {  	[tilespmem:$0x700] =	vst v0;
	v55 =	vld [tilespmem:$0x1FF10];
	v5 =	vadd.f32 v5, v59;
	v6 =	vadd.f32 v6, v7;
	v57 =	vmov s0;
	s0 =	sadd.f32 s29, s28  }
0x235: {  	[tilespmem:$0x780] =	vst v0;
	v3 =	vadd.f32 v3, v50;
	v13 =	vnsel vm15, $0x0, v60;
	v7 =	vnsel vm13, $0x0, v57  }
0x236: {  	[tilespmem:$0x800] =	vst v0;
	v5 =	vadd.f32 v5, v13;
	v6 =	vadd.f32 v6, v7;
	v61 =	vmov s0  }
0x237: {  	[tilespmem:$0x880] =	vst v0;
	v1 =	vmul.f32 v9, v1;
	v3 =	vmul.f32 v12, v3;
	v7 =	vnsel vm15, $0x0, v61  }
0x238: {  	[tilespmem:$0x900] =	vst v0;
	v62 =	vbroadcast v17, $0xF;
	v5 =	vmul.f32 v12, v5;
	v6 =	vadd.f32 v6, v7  }
0x239: {  	[tilespmem:$0x380] =	vst v11;
	v3 =	vmul.f32 v58, v3;
	v8 =	vbroadcast v55, $0xF  }
0x23a: {  	[tilespmem:$0x480] =	vst v1;
	v1 =	vmul.f32 v62, v5;
	v63 =	vmul.f32 v12, v6  }
0x23b: {  	[tilespmem:$0x500] =	vst v3;
	v4 =	vmul.f32 v8, v4  }
0x23c: {  	[tilespmem:$0x580] =	vst v1;
	v2 =	vmul.f32 v2, v63  }
0x23d: {  	p0 =	sne.s32 s2, $0x1;
	s30 =	rddreg [dreg:$0x4];
	[tilespmem:$0x400] =	vst v4  }
.Ltmp1:
0x23e: {  	s31 =	rddreg [dreg:$0x5];
	[tilespmem:$0x600] =	vst v2;
	(pc) =	sbr.rel @p0 .LBB2_2-.Ltmp1, $4  }
0x23f: {  	[hbm4b:s30+s3] =	stream.linear.scatter [tilespmem:s31], [sflag:$0x1], $0x800, $0x38;
	[tilespmem:$0x980] =	vst v63  }
0x240: {  	_ =	swait.ge [sflag:s4], $0x800  }
0x241: {  	[sflag:s4] =	ssyncset.done $0x0  }
0x242: {  	s2 =	sadd.s32 $0xFFFFFFFF, s2;
	[sflag:s4] =	ssyncadd.s32 $0xFFFFF800  }
.LBB2_3:
0x243: {  	_ =	sfence.sel $0x180000  }
0x244: {  	[bflag:$0x0] =	sbarrier.arrive $0xFFFF  }
0x245: {  	_ =	strace $0x90000047  }
0x246: {  	s0 =	stileid.u32;
	[bflag:$0x2] =	sbarrier.arrive $0xFFFF  }
0x247: {  	p0 =	sne.s32 s0, $0x0;
	s0 =	rddreg [dreg:$0x2]  }
0x248: {  	s0 =	sadd.s32 @!p0 $0x100000, s0  }
0x249: {  	[sflag:s0] =	ssyncadd.tile.s32 @!p0 $0x1;
	_ =	shalt  }
.Lfunc_end2:
_tile_overlayer_lowered:
.L_overlay_start_2:
0x24a: {  	(tag) =	ssettag $0x2  }
0x24b: {  	s0 =	rddreg [dreg:$0x0];
	s2 =	stileid.u32  }
0x24c: {  	s1 =	rddreg [dreg:$0x1];
	p0 =	sne.s32 s2, $0x0  }
0x24d: {  	s3 =	rddreg [dreg:$0x2];
	[bflag:$0x3] =	sbarrier.arrive $0xFFFF;
	s2 =	simm.s32 @!p0 $0x1C01  }
0x24e: {  	[timem:s3], [sflag:s2] =	dma.local @!p0 [hbm:s0], s1  }
0x24f: {  	s0 =	simm.s32 @!p0 $0x1  }
0x250: {  	_ =	swait.ge @!p0 [sflag:s0], s1  }
0x251: {  	s1 =	ssub.s32 @!p0 $0x0, s1;
	[sflag:s0] =	ssyncset.done @!p0 $0x0  }
0x252: {  	[sflag:s0] =	ssyncadd.s32 @!p0 s1  }
0x253: {  	[bflag:$0x3] =	sbarrier.arrive $0xFFFF  }
0x254: {  	_ =	shalt  }

</sc_bundles>
